<compile_context>
chip_gen: v7x
topology: tpu7x:2x2x1
jax: 0.10.2.dev20260603
libtpu: 0.0.44.dev20260713+nightly
codegen_flags: <defaults>
</compile_context>

<pallas_src>
import functools

import jax
import jax.numpy as jnp
from jax import lax
from jax.experimental import pallas as pl
from jax.experimental.pallas import tpu as pltpu
from jax.experimental.pallas import tpu_sc as plsc

_N = 10000
_E = 320000
_D = 128
_H = 256
_HH = 128
_L = 3
_P = 100000
_HID = 128

_NC = 2
_NS = 16
_NW = _NC * _NS

_ECH = 128
_ECN = 160
_SCL = 32
_SCN = _ECN // _SCL
_EPT = _ECH * _ECN
_EPAD = _NS * _EPT

_APAD = 10240
_RPT = _APAD // _NS

_PCH = 128
_PCN = 8
_PPT = _PCH * _PCN
_PPADH = _NW * _PPT
_PSL = 4
_PPAD = _PSL * _PPADH

_mesh = plsc.VectorSubcoreMesh(
    core_axis_name="c", subcore_axis_name="s",
    num_cores=_NC, num_subcores=_NS)


@functools.partial(
    pl.kernel,
    out_type=jax.ShapeDtypeStruct((_APAD,), jnp.float32),
    mesh=_mesh,
    scratch_types=[
        pltpu.VMEM((_SCL, _ECH), jnp.int32),
        pltpu.VMEM((_ECH,), jnp.float32),
        pltpu.VMEM((_RPT,), jnp.float32),
        pltpu.VMEM_SHARED((_APAD,), jnp.float32),
    ],
)
def _deg_kernel(dst_hbm, invdeg_hbm, dst_v, ones_v, work_v, dacc):
    c = lax.axis_index("c")
    t = lax.axis_index("s")

    @pl.when(c == 0)
    def _():
        def fz(i, carry):
            work_v[pl.ds(i * 16, 16)] = jnp.zeros((16,), jnp.float32)
            return carry
        lax.fori_loop(0, _RPT // 16, fz, 0)

        def fo(i, carry):
            ones_v[pl.ds(i * 16, 16)] = jnp.full((16,), 1.0, jnp.float32)
            return carry
        lax.fori_loop(0, _ECH // 16, fo, 0)

        pltpu.sync_copy(work_v, dacc.at[pl.ds(t * _RPT, _RPT)])
        plsc.subcore_barrier()

        def superchunk(s, carry):
            pltpu.sync_copy(
                dst_hbm.at[pl.ds(t * _ECN + s * _SCL, _SCL)], dst_v)

            def body(j, carry2):
                pltpu.sync_copy(ones_v, dacc.at[dst_v.at[j]], add=True)
                return carry2
            lax.fori_loop(0, _SCL, body, 0)
            return carry
        lax.fori_loop(0, _SCN, superchunk, 0)
        plsc.subcore_barrier()

        pltpu.sync_copy(dacc.at[pl.ds(t * _RPT, _RPT)], work_v)

        def finv(i, carry):
            v = work_v[pl.ds(i * 16, 16)]
            work_v[pl.ds(i * 16, 16)] = 1.0 / jnp.maximum(v, 1.0)
            return carry
        lax.fori_loop(0, _RPT // 16, finv, 0)
        pltpu.sync_copy(work_v, invdeg_hbm.at[pl.ds(t * _RPT, _RPT)])


@functools.partial(
    pl.kernel,
    out_type=jax.ShapeDtypeStruct((2 * _APAD, _HH), jnp.float32),
    mesh=_mesh,
    scratch_types=[
        pltpu.VMEM((_SCL, _ECH), jnp.int32),
        pltpu.VMEM((_SCL, _ECH), jnp.int32),
        pltpu.VMEM((_ECH, _HH), jnp.float32),
        pltpu.VMEM((_ECH, _HH), jnp.float32),
        pltpu.VMEM_SHARED((_APAD, _HH), jnp.float32),
        pltpu.SemaphoreType.DMA,
        pltpu.SemaphoreType.DMA,
    ],
)
def _agg_kernel(h2_hbm, src_hbm, dst_hbm, out_hbm,
                src_v, dst_v, rows0, rows1, acc, sem0, sem1):
    c = lax.axis_index("c")
    t = lax.axis_index("s")

    def fz(i, carry):
        r = i // 8
        col = (i - r * 8) * 16
        rows0[r, pl.ds(col, 16)] = jnp.zeros((16,), jnp.float32)
        return carry
    lax.fori_loop(0, _ECH * 8, fz, 0)
    for k in range(_RPT // _ECH):
        pltpu.sync_copy(rows0, acc.at[pl.ds(t * _RPT + k * _ECH, _ECH)])
    plsc.subcore_barrier()

    off = c * _N
    base = t * _ECN

    def superchunk(s, carry):
        pltpu.sync_copy(src_hbm.at[pl.ds(base + s * _SCL, _SCL)], src_v)
        pltpu.sync_copy(dst_hbm.at[pl.ds(base + s * _SCL, _SCL)], dst_v)

        def fs(i, carry2):
            r = i // 8
            col = (i - r * 8) * 16
            src_v[r, pl.ds(col, 16)] = src_v[r, pl.ds(col, 16)] + off
            return carry2
        lax.fori_loop(0, _SCL * 8, fs, 0)

        def g_start(j, buf, sem):
            pltpu.make_async_copy(h2_hbm.at[src_v.at[j]], buf, sem).start()

        def g_wait(j, buf, sem):
            pltpu.make_async_copy(h2_hbm.at[src_v.at[j]], buf, sem).wait()

        g_start(0, rows0, sem0)
        g_start(1, rows1, sem1)

        def body(k, carry2):
            j0 = 2 * k
            g_wait(j0, rows0, sem0)

            @pl.when(j0 + 2 < _SCL)
            def _():
                g_start(j0 + 2, rows0, sem0)
            pltpu.sync_copy(rows0, acc.at[dst_v.at[j0]], add=True)

            g_wait(j0 + 1, rows1, sem1)

            @pl.when(j0 + 3 < _SCL)
            def _():
                g_start(j0 + 3, rows1, sem1)
            pltpu.sync_copy(rows1, acc.at[dst_v.at[j0 + 1]], add=True)
            return carry2
        lax.fori_loop(0, _SCL // 2, body, 0)
        return carry
    lax.fori_loop(0, _SCN, superchunk, 0)
    plsc.subcore_barrier()

    pltpu.sync_copy(acc.at[pl.ds(t * _RPT, _RPT)],
                    out_hbm.at[pl.ds(c * _APAD + t * _RPT, _RPT)])


@functools.partial(
    pl.kernel,
    out_type=(jax.ShapeDtypeStruct((_PPADH, _H), jnp.float32),
              jax.ShapeDtypeStruct((_PPADH, _H), jnp.float32)),
    mesh=_mesh,
    scratch_types=[
        pltpu.VMEM((_PCN, _PCH), jnp.int32),
        pltpu.VMEM((_PCN, _PCH), jnp.int32),
        pltpu.VMEM((_PCH, _H), jnp.float32),
        pltpu.VMEM((_PCH, _H), jnp.float32),
        pltpu.SemaphoreType.DMA,
        pltpu.SemaphoreType.DMA,
    ],
)
def _pair_kernel(hn_hbm, i_hbm, j_hbm, hi_hbm, hj_hbm,
                 iv, jv, bi, bj, si, sj):
    c = lax.axis_index("c")
    s = lax.axis_index("s")
    w = c * _NS + s
    base = w * _PPT

    pltpu.sync_copy(i_hbm.at[pl.ds(w * _PCN, _PCN)], iv)
    pltpu.sync_copy(j_hbm.at[pl.ds(w * _PCN, _PCN)], jv)

    def gi_start(j):
        pltpu.make_async_copy(hn_hbm.at[iv.at[j]], bi, si).start()

    def gi_wait(j):
        pltpu.make_async_copy(hn_hbm.at[iv.at[j]], bi, si).wait()

    def gj_start(j):
        pltpu.make_async_copy(hn_hbm.at[jv.at[j]], bj, sj).start()

    def gj_wait(j):
        pltpu.make_async_copy(hn_hbm.at[jv.at[j]], bj, sj).wait()

    gi_start(0)
    gj_start(0)

    def body(k, carry):
        gi_wait(k)
        pltpu.sync_copy(bi, hi_hbm.at[pl.ds(base + k * _PCH, _PCH)])

        @pl.when(k + 1 < _PCN)
        def _():
            gi_start(k + 1)
        gj_wait(k)
        pltpu.sync_copy(bj, hj_hbm.at[pl.ds(base + k * _PCH, _PCH)])

        @pl.when(k + 1 < _PCN)
        def _():
            gj_start(k + 1)
        return carry
    lax.fori_loop(0, _PCN, body, 0)


_RB = 1000
_MB = 1024


def _inp_body(x_ref, w_ref, b_ref, o_ref):
    o_ref[0] = jnp.maximum(
        jnp.dot(x_ref[...], w_ref[...], preferred_element_type=jnp.float32)
        + b_ref[...], 0.0)


def _tc_input(X, W, b):
    return pl.pallas_call(
        _inp_body,
        grid=(2, 10),
        in_specs=[
            pl.BlockSpec((_RB, _D), lambda h, i: (i, 0)),
            pl.BlockSpec((_D, _HH), lambda h, i: (0, h)),
            pl.BlockSpec((1, _HH), lambda h, i: (0, h)),
        ],
        out_specs=pl.BlockSpec((1, _RB, _HH), lambda h, i: (h, i, 0)),
        out_shape=jax.ShapeDtypeStruct((2, _N, _HH), jnp.float32),
    )(X, W, b)


def _layer_math(h2_ref, agg_ref, inv_ref, ws_ref, wn_ref, b_ref, g_ref, lb_ref):
    h = jnp.concatenate([h2_ref[0], h2_ref[1]], axis=1)
    inv = inv_ref[...]
    m = jnp.concatenate([agg_ref[0] * inv, agg_ref[1] * inv], axis=1)
    out = (jnp.dot(h, ws_ref[...], preferred_element_type=jnp.float32)
           + jnp.dot(m, wn_ref[...], preferred_element_type=jnp.float32)
           + b_ref[...])
    out = jnp.maximum(out, 0.0)
    mu = jnp.mean(out, axis=1, keepdims=True)
    d = out - mu
    var = jnp.mean(d * d, axis=1, keepdims=True)
    return d * lax.rsqrt(var + 1e-5) * g_ref[...] + lb_ref[...]


def _layer_body(h2_ref, agg_ref, inv_ref, ws_ref, wn_ref, b_ref, g_ref,
                lb_ref, o_ref):
    hn = _layer_math(h2_ref, agg_ref, inv_ref, ws_ref, wn_ref, b_ref, g_ref,
                     lb_ref)
    o_ref[0] = hn[:, :_HH]
    o_ref[1] = hn[:, _HH:]


def _final_body(h2_ref, agg_ref, inv_ref, ws_ref, wn_ref, b_ref, g_ref,
                lb_ref, o_ref):
    hn = _layer_math(h2_ref, agg_ref, inv_ref, ws_ref, wn_ref, b_ref, g_ref,
                     lb_ref)
    nrm = jnp.sqrt(jnp.sum(hn * hn, axis=1, keepdims=True))
    o_ref[...] = hn / jnp.maximum(nrm, 1e-12)


def _tc_layer(h2, agg2, inv2d, ws, wn, b, g, lb, final):
    in_specs = [
        pl.BlockSpec((2, _RB, _HH), lambda i: (0, i, 0)),
        pl.BlockSpec((2, _RB, _HH), lambda i: (0, i, 0)),
        pl.BlockSpec((_RB, 1), lambda i: (i, 0)),
        pl.BlockSpec((_H, _H), lambda i: (0, 0)),
        pl.BlockSpec((_H, _H), lambda i: (0, 0)),
        pl.BlockSpec((1, _H), lambda i: (0, 0)),
        pl.BlockSpec((1, _H), lambda i: (0, 0)),
        pl.BlockSpec((1, _H), lambda i: (0, 0)),
    ]
    if final:
        out_specs = pl.BlockSpec((_RB, _H), lambda i: (i, 0))
        out_shape = jax.ShapeDtypeStruct((_N, _H), jnp.float32)
        body = _final_body
    else:
        out_specs = pl.BlockSpec((2, _RB, _HH), lambda i: (0, i, 0))
        out_shape = jax.ShapeDtypeStruct((2, _N, _HH), jnp.float32)
        body = _layer_body
    return pl.pallas_call(
        body, grid=(10,), in_specs=in_specs,
        out_specs=out_specs, out_shape=out_shape,
    )(h2, agg2, inv2d, ws, wn, b, g, lb)


def _mlp_body(hi_ref, hj_ref, w1_ref, b1_ref, w2_ref, b2_ref, w3_ref, b3_ref,
              o_ref):
    hi = hi_ref[...]
    hj = hj_ref[...]
    feat = jnp.concatenate([jnp.abs(hi - hj), hi * hj], axis=1)
    z = jnp.maximum(
        jnp.dot(feat, w1_ref[...], preferred_element_type=jnp.float32)
        + b1_ref[...], 0.0)
    z = jnp.maximum(
        jnp.dot(z, w2_ref[...], preferred_element_type=jnp.float32)
        + b2_ref[...], 0.0)
    o_ref[...] = (jnp.sum(z * w3_ref[...], axis=1, keepdims=True)
                  + b3_ref[...])


def _tc_mlp(HI, HJ, W1, b1, W2, b2, w3row, b3):
    return pl.pallas_call(
        _mlp_body,
        grid=(_PPADH // _MB,),
        in_specs=[
            pl.BlockSpec((_MB, _H), lambda i: (i, 0)),
            pl.BlockSpec((_MB, _H), lambda i: (i, 0)),
            pl.BlockSpec((2 * _H, _HID), lambda i: (0, 0)),
            pl.BlockSpec((1, _HID), lambda i: (0, 0)),
            pl.BlockSpec((_HID, _HID), lambda i: (0, 0)),
            pl.BlockSpec((1, _HID), lambda i: (0, 0)),
            pl.BlockSpec((1, _HID), lambda i: (0, 0)),
            pl.BlockSpec((1, 1), lambda i: (0, 0)),
        ],
        out_specs=pl.BlockSpec((_MB, 1), lambda i: (i, 0)),
        out_shape=jax.ShapeDtypeStruct((_PPADH, 1), jnp.float32),
    )(HI, HJ, W1, b1, W2, b2, w3row, b3)


def kernel(X, edge_index, i_idx, j_idx, W_inp, b_inp, Ws_self, bs_self,
           Ws_nei, bs_nei, ln_g, ln_b, W1, b1, W2, b2, W3, b3):
    src = edge_index[0]
    dst = edge_index[1]
    epad = _EPAD - _E
    esp = (jnp.arange(epad, dtype=jnp.int32) * 37) % _N
    src_slab = jnp.concatenate([src, esp]).reshape(_NS * _ECN, _ECH)
    dsp = _N + (jnp.arange(epad, dtype=jnp.int32) % (_APAD - _N))
    dst_slab = jnp.concatenate([dst, dsp]).reshape(_NS * _ECN, _ECH)
    ppad = _PPAD - _P
    psp = (jnp.arange(ppad, dtype=jnp.int32) * 37) % _N
    i_slab = jnp.concatenate([i_idx, psp]).reshape(_PSL, _NW * _PCN, _PCH)
    j_slab = jnp.concatenate([j_idx, psp]).reshape(_PSL, _NW * _PCN, _PCH)

    h2 = _tc_input(X, W_inp, b_inp.reshape(1, _H))
    invdeg = _deg_kernel(dst_slab)
    inv2d = invdeg[:_N].reshape(_N, 1)

    for l in range(_L):
        agg_flat = _agg_kernel(h2.reshape(2 * _N, _HH), src_slab, dst_slab)
        agg2 = agg_flat.reshape(2, _APAD, _HH)
        bsum = (bs_self[l] + bs_nei[l]).reshape(1, _H)
        if l < _L - 1:
            h2 = _tc_layer(h2, agg2, inv2d, Ws_self[l], Ws_nei[l], bsum,
                           ln_g[l].reshape(1, _H), ln_b[l].reshape(1, _H),
                           final=False)
        else:
            Hn = _tc_layer(h2, agg2, inv2d, Ws_self[l], Ws_nei[l], bsum,
                           ln_g[l].reshape(1, _H), ln_b[l].reshape(1, _H),
                           final=True)

    b1r = b1.reshape(1, _HID)
    b2r = b2.reshape(1, _HID)
    w3r = W3.reshape(1, _HID)
    b3r = b3.reshape(1, 1)
    outs = []
    for q in range(_PSL):
        HIq, HJq = _pair_kernel(Hn, i_slab[q], j_slab[q])
        outs.append(_tc_mlp(HIq, HJq, W1, b1r, W2, b2r, w3r, b3r))
    logits = jnp.concatenate(outs)[:_P, 0]
    return (Hn, logits)

# --- scband reference (transcript-rebuilt; emitter-appended) ---
"""Pipeline reference for scband-set-edge-model-36189394436993 (READ-ONLY COPY).

The authoritative reference and input builder live on the scoring server;
editing this copy changes nothing except your own understanding.
"""

import jax, jax.numpy as jnp
import numpy as np

N = 10000
E = 320000
D = 128
H = 256
L = 3
P = 100000
HID = 128

def setup_inputs(seed: int = 0) -> dict:
    key = jax.random.key(seed)
    ks = jax.random.split(key, 24)
    X = jax.random.normal(ks[0], (N, D), dtype=jnp.float32)
    edge_index = jax.random.randint(ks[1], (2, E), 0, N, dtype=jnp.int32)
    i_idx = jax.random.randint(ks[2], (P,), 0, N, dtype=jnp.int32)
    j_idx = jax.random.randint(ks[3], (P,), 0, N, dtype=jnp.int32)
    s = 0.05
    W_inp = jax.random.normal(ks[4], (D, H), dtype=jnp.float32) * s
    b_inp = jnp.zeros((H,), dtype=jnp.float32)
    Ws_self = jax.random.normal(ks[5], (L, H, H), dtype=jnp.float32) * s
    bs_self = jnp.zeros((L, H), dtype=jnp.float32)
    Ws_nei = jax.random.normal(ks[6], (L, H, H), dtype=jnp.float32) * s
    bs_nei = jnp.zeros((L, H), dtype=jnp.float32)
    ln_g = jnp.ones((L, H), dtype=jnp.float32)
    ln_b = jnp.zeros((L, H), dtype=jnp.float32)
    W1 = jax.random.normal(ks[7], (2 * H, HID), dtype=jnp.float32) * s
    b1 = jnp.zeros((HID,), dtype=jnp.float32)
    W2 = jax.random.normal(ks[8], (HID, HID), dtype=jnp.float32) * s
    b2 = jnp.zeros((HID,), dtype=jnp.float32)
    W3 = jax.random.normal(ks[9], (HID, 1), dtype=jnp.float32) * s
    b3 = jnp.zeros((1,), dtype=jnp.float32)
    return {"X": X, "edge_index": edge_index, "i_idx": i_idx, "j_idx": j_idx,
            "W_inp": W_inp, "b_inp": b_inp, "Ws_self": Ws_self, "bs_self": bs_self,
            "Ws_nei": Ws_nei, "bs_nei": bs_nei, "ln_g": ln_g, "ln_b": ln_b,
            "W1": W1, "b1": b1, "W2": W2, "b2": b2, "W3": W3, "b3": b3}

def reference(X, edge_index, i_idx, j_idx, W_inp, b_inp, Ws_self, bs_self,
              Ws_nei, bs_nei, ln_g, ln_b, W1, b1, W2, b2, W3, b3):
    src = edge_index[0]
    dst = edge_index[1]
    h = jax.nn.relu(X @ W_inp + b_inp)
    for l in range(L):
        msgs = h[src]
        agg = jnp.zeros_like(h).at[dst].add(msgs)
        deg = jnp.zeros((h.shape[0],), dtype=h.dtype).at[dst].add(1.0)
        deg = jnp.clip(deg, 1.0, None)[:, None]
        mean = agg / deg
        out = h @ Ws_self[l] + bs_self[l] + mean @ Ws_nei[l] + bs_nei[l]
        out = jax.nn.relu(out)
        mu = jnp.mean(out, axis=-1, keepdims=True)
        var = jnp.var(out, axis=-1, keepdims=True)
        h = (out - mu) / jnp.sqrt(var + 1e-5) * ln_g[l] + ln_b[l]
    norm = jnp.sqrt(jnp.sum(h * h, axis=1, keepdims=True))
    Hn = h / jnp.maximum(norm, 1e-12)
    hi = Hn[i_idx]
    hj = Hn[j_idx]
    feat = jnp.concatenate([jnp.abs(hi - hj), hi * hj], axis=1)
    z = jax.nn.relu(feat @ W1 + b1)
    z = jax.nn.relu(z @ W2 + b2)
    logits = (z @ W3 + b3)[:, 0]
    return (Hn, logits)

if __name__ == "__main__":
    import jax
    _d = setup_inputs()
    print(jax.jit(kernel)(*tuple(_d.values())))

</pallas_src>

<mosaic_0001>
#map = affine_map<(d0, d1) -> (0, 0)>
#map1 = affine_map<(d0, d1) -> (0)>
module attributes {stable_mosaic.version = 14 : i64} {
  func.func @_deg_kernel(%arg0: i32, %arg1: i32, %arg2: memref<2560x128xi32, #tpu.memory_space<hbm>>, %arg3: memref<10240xf32, #tpu.memory_space<hbm>>, %arg4: memref<32x128xi32, #tpu.memory_space<vmem>>, %arg5: memref<128xf32, #tpu.memory_space<vmem>>, %arg6: memref<640xf32, #tpu.memory_space<vmem>>, %arg7: memref<10240xf32, #tpu.memory_space<vmem_shared>>) attributes {dimension_semantics = [#tpu.dimension_semantics<core_parallel>, #tpu.dimension_semantics<subcore_parallel>], iteration_bounds = array<i64: 2, 16>, scalar_prefetch = 0 : i64, scratch_operands = 4 : i64, tpu.core_type = #tpu.core_type<sc_vector_subcore>, window_params = [{transform_indices = #map}, {transform_indices = #map1}]} {
    %eq3A = arith.constant 0 : i32
    %eq3A_0 = arith.cmpi eq, %arg0, %eq3A : i32
    %convert_element_type3A = arith.extui %eq3A_0 : i1 to i32
    %cond3A = arith.constant 0 : i32
    %cond3A_1 = arith.cmpi ne, %convert_element_type3A, %cond3A : i32
    scf.if %cond3A_1 {
      %scan3A = arith.constant 0 : i32
      %scan3A_2 = arith.constant 0 : i32
      %scan3A_3 = arith.constant 40 : i32
      %scan3A_4 = arith.addi %scan3A_2, %scan3A_3 : i32
      %scan3A_5 = arith.constant 1 : i32
      scf.for %scan3A_31 = %scan3A_2 to %scan3A_4 step %scan3A_5  : i32 {
        %broadcast_in_dim3A = arith.constant 0.000000e+00 : f32
        %broadcast_in_dim3A_32 = vector.broadcast %broadcast_in_dim3A : f32 to vector<16xf32>
        %mul3A_33 = arith.constant 16 : i32
        %mul3A_34 = arith.muli %scan3A_31, %mul3A_33 : i32
        %swap3A = arith.index_cast %mul3A_34 : i32 to index
        %swap3A_35 = tpu.vector_load %arg6[%swap3A] {strides = array<i32>} : memref<640xf32, #tpu.memory_space<vmem>>, vector<16xf32>,
        %swap3A_36 = vector.shape_cast %swap3A_35 : vector<16xf32> to vector<16xf32>
        %swap3A_37 = vector.shape_cast %broadcast_in_dim3A_32 : vector<16xf32> to vector<16xf32>
        tpu.vector_store %arg6[%swap3A], %swap3A_37 {strides = array<i32>} : memref<640xf32, #tpu.memory_space<vmem>>, vector<16xf32>,
      }
      %scan3A_6 = arith.constant 40 : i32
      %scan3A_7 = arith.constant 0 : i32
      %scan3A_8 = arith.constant 0 : i32
      %scan3A_9 = arith.constant 8 : i32
      %scan3A_10 = arith.addi %scan3A_8, %scan3A_9 : i32
      %scan3A_11 = arith.constant 1 : i32
      scf.for %scan3A_31 = %scan3A_8 to %scan3A_10 step %scan3A_11  : i32 {
        %broadcast_in_dim3A = arith.constant 1.000000e+00 : f32
        %broadcast_in_dim3A_32 = vector.broadcast %broadcast_in_dim3A : f32 to vector<16xf32>
        %mul3A_33 = arith.constant 16 : i32
        %mul3A_34 = arith.muli %scan3A_31, %mul3A_33 : i32
        %swap3A = arith.index_cast %mul3A_34 : i32 to index
        %swap3A_35 = tpu.vector_load %arg5[%swap3A] {strides = array<i32>} : memref<128xf32, #tpu.memory_space<vmem>>, vector<16xf32>,
        %swap3A_36 = vector.shape_cast %swap3A_35 : vector<16xf32> to vector<16xf32>
        %swap3A_37 = vector.shape_cast %broadcast_in_dim3A_32 : vector<16xf32> to vector<16xf32>
        tpu.vector_store %arg5[%swap3A], %swap3A_37 {strides = array<i32>} : memref<128xf32, #tpu.memory_space<vmem>>, vector<16xf32>,
      }
      %scan3A_12 = arith.constant 8 : i32
      %mul3A = arith.constant 640 : i32
      %mul3A_13 = arith.muli %arg1, %mul3A : i32
      "tpu.region"() ({
        %run_scoped3A = tpu.sem_alloc : memref<!tpu.dma_semaphore, #tpu.memory_space<semaphore_mem>>
        %dma_start3A = tpu.memref_slice %arg7[%mul3A_13] : memref<10240xf32, #tpu.memory_space<vmem_shared>> -> memref<640xf32, #tpu.memory_space<vmem_shared>>
        %dma_start3A_31 = tpu.memref_slice %arg7[%mul3A_13] : memref<10240xf32, #tpu.memory_space<vmem_shared>> -> memref<640xf32, #tpu.memory_space<vmem_shared>>
        tpu.enqueue_dma source(%arg6 : memref<640xf32, #tpu.memory_space<vmem>>) target(%dma_start3A_31 : memref<640xf32, #tpu.memory_space<vmem_shared>>) target_semaphore(%run_scoped3A : memref<!tpu.dma_semaphore, #tpu.memory_space<semaphore_mem>>)
        %dma_wait3A = tpu.memref_slice %arg7[%mul3A_13] : memref<10240xf32, #tpu.memory_space<vmem_shared>> -> memref<640xf32, #tpu.memory_space<vmem_shared>>
        %dma_wait3A_32 = tpu.memref_slice %arg7[%mul3A_13] : memref<10240xf32, #tpu.memory_space<vmem_shared>> -> memref<640xf32, #tpu.memory_space<vmem_shared>>
        tpu.wait_dma2 semaphore(%run_scoped3A : memref<!tpu.dma_semaphore, #tpu.memory_space<semaphore_mem>>) src(%arg6 : memref<640xf32, #tpu.memory_space<vmem>>) dst(%dma_wait3A_32 : memref<640xf32, #tpu.memory_space<vmem_shared>>)
        tpu.yield
      }) : () -> ()
      %barrier3A = arith.constant 0 : index
      tpu.barrier barrier_id(%barrier3A)
      %scan3A_14 = arith.constant 0 : i32
      %scan3A_15 = arith.constant 0 : i32
      %scan3A_16 = arith.constant 5 : i32
      %scan3A_17 = arith.addi %scan3A_15, %scan3A_16 : i32
      %scan3A_18 = arith.constant 1 : i32
      scf.for %scan3A_31 = %scan3A_15 to %scan3A_17 step %scan3A_18  : i32 {
        %mul3A_32 = arith.constant 160 : i32
        %mul3A_33 = arith.muli %arg1, %mul3A_32 : i32
        %mul3A_34 = arith.constant 32 : i32
        %mul3A_35 = arith.muli %scan3A_31, %mul3A_34 : i32
        %add3A = arith.addi %mul3A_33, %mul3A_35 : i32
        "tpu.region"() ({
          %run_scoped3A = tpu.sem_alloc : memref<!tpu.dma_semaphore, #tpu.memory_space<semaphore_mem>>
          %dma_start3A = arith.constant 0 : i32
          %dma_start3A_42 = tpu.memref_slice %arg2[%add3A, %dma_start3A] : memref<2560x128xi32, #tpu.memory_space<hbm>> -> memref<32x128xi32, #tpu.memory_space<hbm>>
          %dma_start3A_43 = arith.constant 0 : i32
          %dma_start3A_44 = tpu.memref_slice %arg2[%add3A, %dma_start3A_43] : memref<2560x128xi32, #tpu.memory_space<hbm>> -> memref<32x128xi32, #tpu.memory_space<hbm>>
          tpu.enqueue_dma source(%dma_start3A_44 : memref<32x128xi32, #tpu.memory_space<hbm>>) target(%arg4 : memref<32x128xi32, #tpu.memory_space<vmem>>) target_semaphore(%run_scoped3A : memref<!tpu.dma_semaphore, #tpu.memory_space<semaphore_mem>>)
          %dma_wait3A = arith.constant 0 : i32
          %dma_wait3A_45 = tpu.memref_slice %arg2[%add3A, %dma_wait3A] : memref<2560x128xi32, #tpu.memory_space<hbm>> -> memref<32x128xi32, #tpu.memory_space<hbm>>
          %dma_wait3A_46 = arith.constant 0 : i32
          %dma_wait3A_47 = tpu.memref_slice %arg2[%add3A, %dma_wait3A_46] : memref<2560x128xi32, #tpu.memory_space<hbm>> -> memref<32x128xi32, #tpu.memory_space<hbm>>
          tpu.wait_dma2 semaphore(%run_scoped3A : memref<!tpu.dma_semaphore, #tpu.memory_space<semaphore_mem>>) src(%dma_wait3A_47 : memref<32x128xi32, #tpu.memory_space<hbm>>) dst(%arg4 : memref<32x128xi32, #tpu.memory_space<vmem>>)
          tpu.yield
        }) : () -> ()
        %scan3A_36 = arith.constant 0 : i32
        %scan3A_37 = arith.constant 0 : i32
        %scan3A_38 = arith.constant 32 : i32
        %scan3A_39 = arith.addi %scan3A_37, %scan3A_38 : i32
        %scan3A_40 = arith.constant 1 : i32
        scf.for %scan3A_42 = %scan3A_37 to %scan3A_39 step %scan3A_40  : i32 {
          "tpu.region"() ({
            %run_scoped3A = tpu.sem_alloc : memref<!tpu.dma_semaphore, #tpu.memory_space<semaphore_mem>>
            %dma_start3A = arith.constant 0 : i32
            %dma_start3A_43 = tpu.memref_slice %arg4[%scan3A_42, %dma_start3A] : memref<32x128xi32, #tpu.memory_space<vmem>> -> memref<1x128xi32, #tpu.memory_space<vmem>>
            %dma_start3A_44 = tpu.memref_squeeze %dma_start3A_43 : memref<1x128xi32, #tpu.memory_space<vmem>> -> memref<128xi32, #tpu.memory_space<vmem>>
            %dma_start3A_45 = arith.constant 0 : i32
            %dma_start3A_46 = tpu.memref_slice %arg7[%dma_start3A_45] : memref<10240xf32, #tpu.memory_space<vmem_shared>> -> memref<10240xf32, #tpu.memory_space<vmem_shared>>
            tpu.enqueue_indirect_dma source(%arg5 : memref<128xf32, #tpu.memory_space<vmem>>) target(%dma_start3A_46 : memref<10240xf32, #tpu.memory_space<vmem_shared>>) offsets(%dma_start3A_44 : memref<128xi32, #tpu.memory_space<vmem>>) semaphore(%run_scoped3A : memref<!tpu.dma_semaphore, #tpu.memory_space<semaphore_mem>>) {add = true}
            %dma_wait3A = arith.constant 0 : i32
            %dma_wait3A_47 = tpu.memref_slice %arg4[%scan3A_42, %dma_wait3A] : memref<32x128xi32, #tpu.memory_space<vmem>> -> memref<1x128xi32, #tpu.memory_space<vmem>>
            %dma_wait3A_48 = tpu.memref_squeeze %dma_wait3A_47 : memref<1x128xi32, #tpu.memory_space<vmem>> -> memref<128xi32, #tpu.memory_space<vmem>>
            %dma_wait3A_49 = arith.constant 0 : i32
            %dma_wait3A_50 = tpu.memref_slice %arg7[%dma_wait3A_49] : memref<10240xf32, #tpu.memory_space<vmem_shared>> -> memref<10240xf32, #tpu.memory_space<vmem_shared>>
            tpu.wait_indirect_dma semaphore(%run_scoped3A : memref<!tpu.dma_semaphore, #tpu.memory_space<semaphore_mem>>) src(%arg5 : memref<128xf32, #tpu.memory_space<vmem>>) dst(%dma_wait3A_50 : memref<10240xf32, #tpu.memory_space<vmem_shared>>)
            tpu.yield
          }) : () -> ()
        }
        %scan3A_41 = arith.constant 32 : i32
      }
      %scan3A_19 = arith.constant 5 : i32
      %barrier3A_20 = arith.constant 0 : index
      tpu.barrier barrier_id(%barrier3A_20)
      %mul3A_21 = arith.constant 640 : i32
      %mul3A_22 = arith.muli %arg1, %mul3A_21 : i32
      "tpu.region"() ({
        %run_scoped3A = tpu.sem_alloc : memref<!tpu.dma_semaphore, #tpu.memory_space<semaphore_mem>>
        %dma_start3A = tpu.memref_slice %arg7[%mul3A_22] : memref<10240xf32, #tpu.memory_space<vmem_shared>> -> memref<640xf32, #tpu.memory_space<vmem_shared>>
        %dma_start3A_31 = tpu.memref_slice %arg7[%mul3A_22] : memref<10240xf32, #tpu.memory_space<vmem_shared>> -> memref<640xf32, #tpu.memory_space<vmem_shared>>
        tpu.enqueue_dma source(%dma_start3A_31 : memref<640xf32, #tpu.memory_space<vmem_shared>>) target(%arg6 : memref<640xf32, #tpu.memory_space<vmem>>) target_semaphore(%run_scoped3A : memref<!tpu.dma_semaphore, #tpu.memory_space<semaphore_mem>>)
        %dma_wait3A = tpu.memref_slice %arg7[%mul3A_22] : memref<10240xf32, #tpu.memory_space<vmem_shared>> -> memref<640xf32, #tpu.memory_space<vmem_shared>>
        %dma_wait3A_32 = tpu.memref_slice %arg7[%mul3A_22] : memref<10240xf32, #tpu.memory_space<vmem_shared>> -> memref<640xf32, #tpu.memory_space<vmem_shared>>
        tpu.wait_dma2 semaphore(%run_scoped3A : memref<!tpu.dma_semaphore, #tpu.memory_space<semaphore_mem>>) src(%dma_wait3A_32 : memref<640xf32, #tpu.memory_space<vmem_shared>>) dst(%arg6 : memref<640xf32, #tpu.memory_space<vmem>>)
        tpu.yield
      }) : () -> ()
      %scan3A_23 = arith.constant 0 : i32
      %scan3A_24 = arith.constant 0 : i32
      %scan3A_25 = arith.constant 40 : i32
      %scan3A_26 = arith.addi %scan3A_24, %scan3A_25 : i32
      %scan3A_27 = arith.constant 1 : i32
      scf.for %scan3A_31 = %scan3A_24 to %scan3A_26 step %scan3A_27  : i32 {
        %mul3A_32 = arith.constant 16 : i32
        %mul3A_33 = arith.muli %scan3A_31, %mul3A_32 : i32
        %get3A = arith.index_cast %mul3A_33 : i32 to index
        %get3A_34 = tpu.vector_load %arg6[%get3A] {strides = array<i32>} : memref<640xf32, #tpu.memory_space<vmem>>, vector<16xf32>,
        %get3A_35 = vector.shape_cast %get3A_34 : vector<16xf32> to vector<16xf32>
        %max3A = arith.constant 1.000000e+00 : f32
        %max3A_36 = vector.broadcast %max3A : f32 to vector<16xf32>
        %max3A_37 = arith.maximumf %get3A_35, %max3A_36 : vector<16xf32>
        %div3A = arith.constant 1.000000e+00 : f32
        %div3A_38 = vector.broadcast %div3A : f32 to vector<16xf32>
        %div3A_39 = arith.divf %div3A_38, %max3A_37 : vector<16xf32>
        %mul3A_40 = arith.constant 16 : i32
        %mul3A_41 = arith.muli %scan3A_31, %mul3A_40 : i32
        %swap3A = arith.index_cast %mul3A_41 : i32 to index
        %swap3A_42 = tpu.vector_load %arg6[%swap3A] {strides = array<i32>} : memref<640xf32, #tpu.memory_space<vmem>>, vector<16xf32>,
        %swap3A_43 = vector.shape_cast %swap3A_42 : vector<16xf32> to vector<16xf32>
        %swap3A_44 = vector.shape_cast %div3A_39 : vector<16xf32> to vector<16xf32>
        tpu.vector_store %arg6[%swap3A], %swap3A_44 {strides = array<i32>} : memref<640xf32, #tpu.memory_space<vmem>>, vector<16xf32>,
      }
      %scan3A_28 = arith.constant 40 : i32
      %mul3A_29 = arith.constant 640 : i32
      %mul3A_30 = arith.muli %arg1, %mul3A_29 : i32
      "tpu.region"() ({
        %run_scoped3A = tpu.sem_alloc : memref<!tpu.dma_semaphore, #tpu.memory_space<semaphore_mem>>
        %dma_start3A = tpu.memref_slice %arg3[%mul3A_30] : memref<10240xf32, #tpu.memory_space<hbm>> -> memref<640xf32, #tpu.memory_space<hbm>>
        %dma_start3A_31 = tpu.memref_slice %arg3[%mul3A_30] : memref<10240xf32, #tpu.memory_space<hbm>> -> memref<640xf32, #tpu.memory_space<hbm>>
        tpu.enqueue_dma source(%arg6 : memref<640xf32, #tpu.memory_space<vmem>>) target(%dma_start3A_31 : memref<640xf32, #tpu.memory_space<hbm>>) target_semaphore(%run_scoped3A : memref<!tpu.dma_semaphore, #tpu.memory_space<semaphore_mem>>)
        %dma_wait3A = tpu.memref_slice %arg3[%mul3A_30] : memref<10240xf32, #tpu.memory_space<hbm>> -> memref<640xf32, #tpu.memory_space<hbm>>
        %dma_wait3A_32 = tpu.memref_slice %arg3[%mul3A_30] : memref<10240xf32, #tpu.memory_space<hbm>> -> memref<640xf32, #tpu.memory_space<hbm>>
        tpu.wait_dma2 semaphore(%run_scoped3A : memref<!tpu.dma_semaphore, #tpu.memory_space<semaphore_mem>>) src(%arg6 : memref<640xf32, #tpu.memory_space<vmem>>) dst(%dma_wait3A_32 : memref<640xf32, #tpu.memory_space<hbm>>)
        tpu.yield
      }) : () -> ()
    } else {
    }
    return
  }
}

#map = affine_map<(d0, d1) -> (0, 0)>
module attributes {stable_mosaic.version = 14 : i64} {
  func.func @_agg_kernel(%arg0: i32, %arg1: i32, %arg2: memref<20000x128xf32, #tpu.memory_space<hbm>>, %arg3: memref<2560x128xi32, #tpu.memory_space<hbm>>, %arg4: memref<2560x128xi32, #tpu.memory_space<hbm>>, %arg5: memref<20480x128xf32, #tpu.memory_space<hbm>>, %arg6: memref<32x128xi32, #tpu.memory_space<vmem>>, %arg7: memref<32x128xi32, #tpu.memory_space<vmem>>, %arg8: memref<128x128xf32, #tpu.memory_space<vmem>>, %arg9: memref<128x128xf32, #tpu.memory_space<vmem>>, %arg10: memref<10240x128xf32, #tpu.memory_space<vmem_shared>>, %arg11: memref<!tpu.dma_semaphore, #tpu.memory_space<semaphore_mem>>, %arg12: memref<!tpu.dma_semaphore, #tpu.memory_space<semaphore_mem>>) attributes {dimension_semantics = [#tpu.dimension_semantics<core_parallel>, #tpu.dimension_semantics<subcore_parallel>], iteration_bounds = array<i64: 2, 16>, scalar_prefetch = 0 : i64, scratch_operands = 7 : i64, tpu.core_type = #tpu.core_type<sc_vector_subcore>, window_params = [{transform_indices = #map}, {transform_indices = #map}, {transform_indices = #map}, {transform_indices = #map}]} {
    %scan3A = arith.constant 0 : i32
    %scan3A_0 = arith.constant 0 : i32
    %scan3A_1 = arith.constant 1024 : i32
    %scan3A_2 = arith.addi %scan3A_0, %scan3A_1 : i32
    %scan3A_3 = arith.constant 1 : i32
    scf.for %scan3A_41 = %scan3A_0 to %scan3A_2 step %scan3A_3  : i32 {
      %jit3A = arith.constant 8 : i32
      %div3A = arith.divsi %scan3A_41, %jit3A : i32
      %sign3A = arith.constant 0 : i32
      %sign3A_42 = arith.cmpi sgt, %scan3A_41, %sign3A : i32
      %sign3A_43 = arith.extui %sign3A_42 : i1 to i32
      %sign3A_44 = arith.constant 0 : i32
      %sign3A_45 = arith.cmpi slt, %scan3A_41, %sign3A_44 : i32
      %sign3A_46 = arith.extui %sign3A_45 : i1 to i32
      %sign3A_47 = arith.subi %sign3A_43, %sign3A_46 : i32
      %sign3A_48 = arith.constant 0 : i32
      %sign3A_49 = arith.cmpi sgt, %jit3A, %sign3A_48 : i32
      %sign3A_50 = arith.extui %sign3A_49 : i1 to i32
      %sign3A_51 = arith.constant 0 : i32
      %sign3A_52 = arith.cmpi slt, %jit3A, %sign3A_51 : i32
      %sign3A_53 = arith.extui %sign3A_52 : i1 to i32
      %sign3A_54 = arith.subi %sign3A_50, %sign3A_53 : i32
      %ne3A = arith.cmpi ne, %sign3A_47, %sign3A_54 : i32
      %rem3A = arith.remsi %scan3A_41, %jit3A : i32
      %ne3A_55 = arith.constant 0 : i32
      %ne3A_56 = arith.cmpi ne, %rem3A, %ne3A_55 : i32
      %and3A = arith.andi %ne3A, %ne3A_56 : i1
      %sub3A = arith.constant 1 : i32
      %sub3A_57 = arith.subi %div3A, %sub3A : i32
      %select_n3A = arith.select %and3A, %sub3A_57, %div3A : i32
      %mul3A_58 = arith.constant 8 : i32
      %mul3A_59 = arith.muli %select_n3A, %mul3A_58 : i32
      %sub3A_60 = arith.subi %scan3A_41, %mul3A_59 : i32
      %mul3A_61 = arith.constant 16 : i32
      %mul3A_62 = arith.muli %sub3A_60, %mul3A_61 : i32
      %broadcast_in_dim3A = arith.constant 0.000000e+00 : f32
      %broadcast_in_dim3A_63 = vector.broadcast %broadcast_in_dim3A : f32 to vector<16xf32>
      %swap3A = arith.index_cast %select_n3A : i32 to index
      %swap3A_64 = arith.index_cast %mul3A_62 : i32 to index
      %swap3A_65 = tpu.vector_load %arg8[%swap3A, %swap3A_64] {strides = array<i32>} : memref<128x128xf32, #tpu.memory_space<vmem>>, vector<1x16xf32>,
      %swap3A_66 = vector.shape_cast %swap3A_65 : vector<1x16xf32> to vector<16xf32>
      %swap3A_67 = vector.shape_cast %broadcast_in_dim3A_63 : vector<16xf32> to vector<1x16xf32>
      tpu.vector_store %arg8[%swap3A, %swap3A_64], %swap3A_67 {strides = array<i32>} : memref<128x128xf32, #tpu.memory_space<vmem>>, vector<1x16xf32>,
    }
    %scan3A_4 = arith.constant 1024 : i32
    %mul3A = arith.constant 640 : i32
    %mul3A_5 = arith.muli %arg1, %mul3A : i32
    %add3A = arith.constant 0 : i32
    %add3A_6 = arith.addi %mul3A_5, %add3A : i32
    "tpu.region"() ({
      %run_scoped3A = tpu.sem_alloc : memref<!tpu.dma_semaphore, #tpu.memory_space<semaphore_mem>>
      %dma_start3A = arith.constant 0 : i32
      %dma_start3A_41 = tpu.memref_slice %arg10[%add3A_6, %dma_start3A] : memref<10240x128xf32, #tpu.memory_space<vmem_shared>> -> memref<128x128xf32, #tpu.memory_space<vmem_shared>>
      %dma_start3A_42 = arith.constant 0 : i32
      %dma_start3A_43 = tpu.memref_slice %arg10[%add3A_6, %dma_start3A_42] : memref<10240x128xf32, #tpu.memory_space<vmem_shared>> -> memref<128x128xf32, #tpu.memory_space<vmem_shared>>
      tpu.enqueue_dma source(%arg8 : memref<128x128xf32, #tpu.memory_space<vmem>>) target(%dma_start3A_43 : memref<128x128xf32, #tpu.memory_space<vmem_shared>>) target_semaphore(%run_scoped3A : memref<!tpu.dma_semaphore, #tpu.memory_space<semaphore_mem>>)
      %dma_wait3A = arith.constant 0 : i32
      %dma_wait3A_44 = tpu.memref_slice %arg10[%add3A_6, %dma_wait3A] : memref<10240x128xf32, #tpu.memory_space<vmem_shared>> -> memref<128x128xf32, #tpu.memory_space<vmem_shared>>
      %dma_wait3A_45 = arith.constant 0 : i32
      %dma_wait3A_46 = tpu.memref_slice %arg10[%add3A_6, %dma_wait3A_45] : memref<10240x128xf32, #tpu.memory_space<vmem_shared>> -> memref<128x128xf32, #tpu.memory_space<vmem_shared>>
      tpu.wait_dma2 semaphore(%run_scoped3A : memref<!tpu.dma_semaphore, #tpu.memory_space<semaphore_mem>>) src(%arg8 : memref<128x128xf32, #tpu.memory_space<vmem>>) dst(%dma_wait3A_46 : memref<128x128xf32, #tpu.memory_space<vmem_shared>>)
      tpu.yield
    }) : () -> ()
    %mul3A_7 = arith.constant 640 : i32
    %mul3A_8 = arith.muli %arg1, %mul3A_7 : i32
    %add3A_9 = arith.constant 128 : i32
    %add3A_10 = arith.addi %mul3A_8, %add3A_9 : i32
    "tpu.region"() ({
      %run_scoped3A = tpu.sem_alloc : memref<!tpu.dma_semaphore, #tpu.memory_space<semaphore_mem>>
      %dma_start3A = arith.constant 0 : i32
      %dma_start3A_41 = tpu.memref_slice %arg10[%add3A_10, %dma_start3A] : memref<10240x128xf32, #tpu.memory_space<vmem_shared>> -> memref<128x128xf32, #tpu.memory_space<vmem_shared>>
      %dma_start3A_42 = arith.constant 0 : i32
      %dma_start3A_43 = tpu.memref_slice %arg10[%add3A_10, %dma_start3A_42] : memref<10240x128xf32, #tpu.memory_space<vmem_shared>> -> memref<128x128xf32, #tpu.memory_space<vmem_shared>>
      tpu.enqueue_dma source(%arg8 : memref<128x128xf32, #tpu.memory_space<vmem>>) target(%dma_start3A_43 : memref<128x128xf32, #tpu.memory_space<vmem_shared>>) target_semaphore(%run_scoped3A : memref<!tpu.dma_semaphore, #tpu.memory_space<semaphore_mem>>)
      %dma_wait3A = arith.constant 0 : i32
      %dma_wait3A_44 = tpu.memref_slice %arg10[%add3A_10, %dma_wait3A] : memref<10240x128xf32, #tpu.memory_space<vmem_shared>> -> memref<128x128xf32, #tpu.memory_space<vmem_shared>>
      %dma_wait3A_45 = arith.constant 0 : i32
      %dma_wait3A_46 = tpu.memref_slice %arg10[%add3A_10, %dma_wait3A_45] : memref<10240x128xf32, #tpu.memory_space<vmem_shared>> -> memref<128x128xf32, #tpu.memory_space<vmem_shared>>
      tpu.wait_dma2 semaphore(%run_scoped3A : memref<!tpu.dma_semaphore, #tpu.memory_space<semaphore_mem>>) src(%arg8 : memref<128x128xf32, #tpu.memory_space<vmem>>) dst(%dma_wait3A_46 : memref<128x128xf32, #tpu.memory_space<vmem_shared>>)
      tpu.yield
    }) : () -> ()
    %mul3A_11 = arith.constant 640 : i32
    %mul3A_12 = arith.muli %arg1, %mul3A_11 : i32
    %add3A_13 = arith.constant 256 : i32
    %add3A_14 = arith.addi %mul3A_12, %add3A_13 : i32
    "tpu.region"() ({
      %run_scoped3A = tpu.sem_alloc : memref<!tpu.dma_semaphore, #tpu.memory_space<semaphore_mem>>
      %dma_start3A = arith.constant 0 : i32
      %dma_start3A_41 = tpu.memref_slice %arg10[%add3A_14, %dma_start3A] : memref<10240x128xf32, #tpu.memory_space<vmem_shared>> -> memref<128x128xf32, #tpu.memory_space<vmem_shared>>
      %dma_start3A_42 = arith.constant 0 : i32
      %dma_start3A_43 = tpu.memref_slice %arg10[%add3A_14, %dma_start3A_42] : memref<10240x128xf32, #tpu.memory_space<vmem_shared>> -> memref<128x128xf32, #tpu.memory_space<vmem_shared>>
      tpu.enqueue_dma source(%arg8 : memref<128x128xf32, #tpu.memory_space<vmem>>) target(%dma_start3A_43 : memref<128x128xf32, #tpu.memory_space<vmem_shared>>) target_semaphore(%run_scoped3A : memref<!tpu.dma_semaphore, #tpu.memory_space<semaphore_mem>>)
      %dma_wait3A = arith.constant 0 : i32
      %dma_wait3A_44 = tpu.memref_slice %arg10[%add3A_14, %dma_wait3A] : memref<10240x128xf32, #tpu.memory_space<vmem_shared>> -> memref<128x128xf32, #tpu.memory_space<vmem_shared>>
      %dma_wait3A_45 = arith.constant 0 : i32
      %dma_wait3A_46 = tpu.memref_slice %arg10[%add3A_14, %dma_wait3A_45] : memref<10240x128xf32, #tpu.memory_space<vmem_shared>> -> memref<128x128xf32, #tpu.memory_space<vmem_shared>>
      tpu.wait_dma2 semaphore(%run_scoped3A : memref<!tpu.dma_semaphore, #tpu.memory_space<semaphore_mem>>) src(%arg8 : memref<128x128xf32, #tpu.memory_space<vmem>>) dst(%dma_wait3A_46 : memref<128x128xf32, #tpu.memory_space<vmem_shared>>)
      tpu.yield
    }) : () -> ()
    %mul3A_15 = arith.constant 640 : i32
    %mul3A_16 = arith.muli %arg1, %mul3A_15 : i32
    %add3A_17 = arith.constant 384 : i32
    %add3A_18 = arith.addi %mul3A_16, %add3A_17 : i32
    "tpu.region"() ({
      %run_scoped3A = tpu.sem_alloc : memref<!tpu.dma_semaphore, #tpu.memory_space<semaphore_mem>>
      %dma_start3A = arith.constant 0 : i32
      %dma_start3A_41 = tpu.memref_slice %arg10[%add3A_18, %dma_start3A] : memref<10240x128xf32, #tpu.memory_space<vmem_shared>> -> memref<128x128xf32, #tpu.memory_space<vmem_shared>>
      %dma_start3A_42 = arith.constant 0 : i32
      %dma_start3A_43 = tpu.memref_slice %arg10[%add3A_18, %dma_start3A_42] : memref<10240x128xf32, #tpu.memory_space<vmem_shared>> -> memref<128x128xf32, #tpu.memory_space<vmem_shared>>
      tpu.enqueue_dma source(%arg8 : memref<128x128xf32, #tpu.memory_space<vmem>>) target(%dma_start3A_43 : memref<128x128xf32, #tpu.memory_space<vmem_shared>>) target_semaphore(%run_scoped3A : memref<!tpu.dma_semaphore, #tpu.memory_space<semaphore_mem>>)
      %dma_wait3A = arith.constant 0 : i32
      %dma_wait3A_44 = tpu.memref_slice %arg10[%add3A_18, %dma_wait3A] : memref<10240x128xf32, #tpu.memory_space<vmem_shared>> -> memref<128x128xf32, #tpu.memory_space<vmem_shared>>
      %dma_wait3A_45 = arith.constant 0 : i32
      %dma_wait3A_46 = tpu.memref_slice %arg10[%add3A_18, %dma_wait3A_45] : memref<10240x128xf32, #tpu.memory_space<vmem_shared>> -> memref<128x128xf32, #tpu.memory_space<vmem_shared>>
      tpu.wait_dma2 semaphore(%run_scoped3A : memref<!tpu.dma_semaphore, #tpu.memory_space<semaphore_mem>>) src(%arg8 : memref<128x128xf32, #tpu.memory_space<vmem>>) dst(%dma_wait3A_46 : memref<128x128xf32, #tpu.memory_space<vmem_shared>>)
      tpu.yield
    }) : () -> ()
    %mul3A_19 = arith.constant 640 : i32
    %mul3A_20 = arith.muli %arg1, %mul3A_19 : i32
    %add3A_21 = arith.constant 512 : i32
    %add3A_22 = arith.addi %mul3A_20, %add3A_21 : i32
    "tpu.region"() ({
      %run_scoped3A = tpu.sem_alloc : memref<!tpu.dma_semaphore, #tpu.memory_space<semaphore_mem>>
      %dma_start3A = arith.constant 0 : i32
      %dma_start3A_41 = tpu.memref_slice %arg10[%add3A_22, %dma_start3A] : memref<10240x128xf32, #tpu.memory_space<vmem_shared>> -> memref<128x128xf32, #tpu.memory_space<vmem_shared>>
      %dma_start3A_42 = arith.constant 0 : i32
      %dma_start3A_43 = tpu.memref_slice %arg10[%add3A_22, %dma_start3A_42] : memref<10240x128xf32, #tpu.memory_space<vmem_shared>> -> memref<128x128xf32, #tpu.memory_space<vmem_shared>>
      tpu.enqueue_dma source(%arg8 : memref<128x128xf32, #tpu.memory_space<vmem>>) target(%dma_start3A_43 : memref<128x128xf32, #tpu.memory_space<vmem_shared>>) target_semaphore(%run_scoped3A : memref<!tpu.dma_semaphore, #tpu.memory_space<semaphore_mem>>)
      %dma_wait3A = arith.constant 0 : i32
      %dma_wait3A_44 = tpu.memref_slice %arg10[%add3A_22, %dma_wait3A] : memref<10240x128xf32, #tpu.memory_space<vmem_shared>> -> memref<128x128xf32, #tpu.memory_space<vmem_shared>>
      %dma_wait3A_45 = arith.constant 0 : i32
      %dma_wait3A_46 = tpu.memref_slice %arg10[%add3A_22, %dma_wait3A_45] : memref<10240x128xf32, #tpu.memory_space<vmem_shared>> -> memref<128x128xf32, #tpu.memory_space<vmem_shared>>
      tpu.wait_dma2 semaphore(%run_scoped3A : memref<!tpu.dma_semaphore, #tpu.memory_space<semaphore_mem>>) src(%arg8 : memref<128x128xf32, #tpu.memory_space<vmem>>) dst(%dma_wait3A_46 : memref<128x128xf32, #tpu.memory_space<vmem_shared>>)
      tpu.yield
    }) : () -> ()
    %barrier3A = arith.constant 0 : index
    tpu.barrier barrier_id(%barrier3A)
    %mul3A_23 = arith.constant 10000 : i32
    %mul3A_24 = arith.muli %arg0, %mul3A_23 : i32
    %mul3A_25 = arith.constant 160 : i32
    %mul3A_26 = arith.muli %arg1, %mul3A_25 : i32
    %scan3A_27 = arith.constant 0 : i32
    %scan3A_28 = arith.constant 0 : i32
    %scan3A_29 = arith.constant 5 : i32
    %scan3A_30 = arith.addi %scan3A_28, %scan3A_29 : i32
    %scan3A_31 = arith.constant 1 : i32
    scf.for %scan3A_41 = %scan3A_28 to %scan3A_30 step %scan3A_31  : i32 {
      %mul3A_42 = arith.constant 32 : i32
      %mul3A_43 = arith.muli %scan3A_41, %mul3A_42 : i32
      %add3A_44 = arith.addi %mul3A_26, %mul3A_43 : i32
      "tpu.region"() ({
        %run_scoped3A = tpu.sem_alloc : memref<!tpu.dma_semaphore, #tpu.memory_space<semaphore_mem>>
        %dma_start3A_73 = arith.constant 0 : i32
        %dma_start3A_74 = tpu.memref_slice %arg3[%add3A_44, %dma_start3A_73] : memref<2560x128xi32, #tpu.memory_space<hbm>> -> memref<32x128xi32, #tpu.memory_space<hbm>>
        %dma_start3A_75 = arith.constant 0 : i32
        %dma_start3A_76 = tpu.memref_slice %arg3[%add3A_44, %dma_start3A_75] : memref<2560x128xi32, #tpu.memory_space<hbm>> -> memref<32x128xi32, #tpu.memory_space<hbm>>
        tpu.enqueue_dma source(%dma_start3A_76 : memref<32x128xi32, #tpu.memory_space<hbm>>) target(%arg6 : memref<32x128xi32, #tpu.memory_space<vmem>>) target_semaphore(%run_scoped3A : memref<!tpu.dma_semaphore, #tpu.memory_space<semaphore_mem>>)
        %dma_wait3A = arith.constant 0 : i32
        %dma_wait3A_77 = tpu.memref_slice %arg3[%add3A_44, %dma_wait3A] : memref<2560x128xi32, #tpu.memory_space<hbm>> -> memref<32x128xi32, #tpu.memory_space<hbm>>
        %dma_wait3A_78 = arith.constant 0 : i32
        %dma_wait3A_79 = tpu.memref_slice %arg3[%add3A_44, %dma_wait3A_78] : memref<2560x128xi32, #tpu.memory_space<hbm>> -> memref<32x128xi32, #tpu.memory_space<hbm>>
        tpu.wait_dma2 semaphore(%run_scoped3A : memref<!tpu.dma_semaphore, #tpu.memory_space<semaphore_mem>>) src(%dma_wait3A_79 : memref<32x128xi32, #tpu.memory_space<hbm>>) dst(%arg6 : memref<32x128xi32, #tpu.memory_space<vmem>>)
        tpu.yield
      }) : () -> ()
      %mul3A_45 = arith.constant 32 : i32
      %mul3A_46 = arith.muli %scan3A_41, %mul3A_45 : i32
      %add3A_47 = arith.addi %mul3A_26, %mul3A_46 : i32
      "tpu.region"() ({
        %run_scoped3A = tpu.sem_alloc : memref<!tpu.dma_semaphore, #tpu.memory_space<semaphore_mem>>
        %dma_start3A_73 = arith.constant 0 : i32
        %dma_start3A_74 = tpu.memref_slice %arg4[%add3A_47, %dma_start3A_73] : memref<2560x128xi32, #tpu.memory_space<hbm>> -> memref<32x128xi32, #tpu.memory_space<hbm>>
        %dma_start3A_75 = arith.constant 0 : i32
        %dma_start3A_76 = tpu.memref_slice %arg4[%add3A_47, %dma_start3A_75] : memref<2560x128xi32, #tpu.memory_space<hbm>> -> memref<32x128xi32, #tpu.memory_space<hbm>>
        tpu.enqueue_dma source(%dma_start3A_76 : memref<32x128xi32, #tpu.memory_space<hbm>>) target(%arg7 : memref<32x128xi32, #tpu.memory_space<vmem>>) target_semaphore(%run_scoped3A : memref<!tpu.dma_semaphore, #tpu.memory_space<semaphore_mem>>)
        %dma_wait3A = arith.constant 0 : i32
        %dma_wait3A_77 = tpu.memref_slice %arg4[%add3A_47, %dma_wait3A] : memref<2560x128xi32, #tpu.memory_space<hbm>> -> memref<32x128xi32, #tpu.memory_space<hbm>>
        %dma_wait3A_78 = arith.constant 0 : i32
        %dma_wait3A_79 = tpu.memref_slice %arg4[%add3A_47, %dma_wait3A_78] : memref<2560x128xi32, #tpu.memory_space<hbm>> -> memref<32x128xi32, #tpu.memory_space<hbm>>
        tpu.wait_dma2 semaphore(%run_scoped3A : memref<!tpu.dma_semaphore, #tpu.memory_space<semaphore_mem>>) src(%dma_wait3A_79 : memref<32x128xi32, #tpu.memory_space<hbm>>) dst(%arg7 : memref<32x128xi32, #tpu.memory_space<vmem>>)
        tpu.yield
      }) : () -> ()
      %scan3A_48 = arith.constant 0 : i32
      %scan3A_49 = arith.constant 0 : i32
      %scan3A_50 = arith.constant 256 : i32
      %scan3A_51 = arith.addi %scan3A_49, %scan3A_50 : i32
      %scan3A_52 = arith.constant 1 : i32
      scf.for %scan3A_73 = %scan3A_49 to %scan3A_51 step %scan3A_52  : i32 {
        %jit3A = arith.constant 8 : i32
        %div3A = arith.divsi %scan3A_73, %jit3A : i32
        %sign3A = arith.constant 0 : i32
        %sign3A_74 = arith.cmpi sgt, %scan3A_73, %sign3A : i32
        %sign3A_75 = arith.extui %sign3A_74 : i1 to i32
        %sign3A_76 = arith.constant 0 : i32
        %sign3A_77 = arith.cmpi slt, %scan3A_73, %sign3A_76 : i32
        %sign3A_78 = arith.extui %sign3A_77 : i1 to i32
        %sign3A_79 = arith.subi %sign3A_75, %sign3A_78 : i32
        %sign3A_80 = arith.constant 0 : i32
        %sign3A_81 = arith.cmpi sgt, %jit3A, %sign3A_80 : i32
        %sign3A_82 = arith.extui %sign3A_81 : i1 to i32
        %sign3A_83 = arith.constant 0 : i32
        %sign3A_84 = arith.cmpi slt, %jit3A, %sign3A_83 : i32
        %sign3A_85 = arith.extui %sign3A_84 : i1 to i32
        %sign3A_86 = arith.subi %sign3A_82, %sign3A_85 : i32
        %ne3A = arith.cmpi ne, %sign3A_79, %sign3A_86 : i32
        %rem3A = arith.remsi %scan3A_73, %jit3A : i32
        %ne3A_87 = arith.constant 0 : i32
        %ne3A_88 = arith.cmpi ne, %rem3A, %ne3A_87 : i32
        %and3A = arith.andi %ne3A, %ne3A_88 : i1
        %sub3A = arith.constant 1 : i32
        %sub3A_89 = arith.subi %div3A, %sub3A : i32
        %select_n3A = arith.select %and3A, %sub3A_89, %div3A : i32
        %mul3A_90 = arith.constant 8 : i32
        %mul3A_91 = arith.muli %select_n3A, %mul3A_90 : i32
        %sub3A_92 = arith.subi %scan3A_73, %mul3A_91 : i32
        %mul3A_93 = arith.constant 16 : i32
        %mul3A_94 = arith.muli %sub3A_92, %mul3A_93 : i32
        %get3A = arith.index_cast %select_n3A : i32 to index
        %get3A_95 = arith.index_cast %mul3A_94 : i32 to index
        %get3A_96 = tpu.vector_load %arg6[%get3A, %get3A_95] {strides = array<i32>} : memref<32x128xi32, #tpu.memory_space<vmem>>, vector<1x16xi32>,
        %get3A_97 = vector.shape_cast %get3A_96 : vector<1x16xi32> to vector<16xi32>
        %add3A_98 = vector.broadcast %mul3A_24 : i32 to vector<16xi32>
        %add3A_99 = arith.addi %get3A_97, %add3A_98 : vector<16xi32>
        %swap3A = arith.index_cast %select_n3A : i32 to index
        %swap3A_100 = arith.index_cast %mul3A_94 : i32 to index
        %swap3A_101 = tpu.vector_load %arg6[%swap3A, %swap3A_100] {strides = array<i32>} : memref<32x128xi32, #tpu.memory_space<vmem>>, vector<1x16xi32>,
        %swap3A_102 = vector.shape_cast %swap3A_101 : vector<1x16xi32> to vector<16xi32>
        %swap3A_103 = vector.shape_cast %add3A_99 : vector<16xi32> to vector<1x16xi32>
        tpu.vector_store %arg6[%swap3A, %swap3A_100], %swap3A_103 {strides = array<i32>} : memref<32x128xi32, #tpu.memory_space<vmem>>, vector<1x16xi32>,
      }
      %scan3A_53 = arith.constant 256 : i32
      %dma_start3A = arith.constant 0 : i32
      %dma_start3A_54 = arith.constant 0 : i32
      %dma_start3A_55 = tpu.memref_slice %arg6[%dma_start3A, %dma_start3A_54] : memref<32x128xi32, #tpu.memory_space<vmem>> -> memref<1x128xi32, #tpu.memory_space<vmem>>
      %dma_start3A_56 = tpu.memref_squeeze %dma_start3A_55 : memref<1x128xi32, #tpu.memory_space<vmem>> -> memref<128xi32, #tpu.memory_space<vmem>>
      %dma_start3A_57 = arith.constant 0 : i32
      %dma_start3A_58 = arith.constant 0 : i32
      %dma_start3A_59 = tpu.memref_slice %arg2[%dma_start3A_57, %dma_start3A_58] : memref<20000x128xf32, #tpu.memory_space<hbm>> -> memref<20000x128xf32, #tpu.memory_space<hbm>>
      tpu.enqueue_indirect_dma source(%dma_start3A_59 : memref<20000x128xf32, #tpu.memory_space<hbm>>) target(%arg8 : memref<128x128xf32, #tpu.memory_space<vmem>>) offsets(%dma_start3A_56 : memref<128xi32, #tpu.memory_space<vmem>>) semaphore(%arg11 : memref<!tpu.dma_semaphore, #tpu.memory_space<semaphore_mem>>)
      %dma_start3A_60 = arith.constant 1 : i32
      %dma_start3A_61 = arith.constant 0 : i32
      %dma_start3A_62 = tpu.memref_slice %arg6[%dma_start3A_60, %dma_start3A_61] : memref<32x128xi32, #tpu.memory_space<vmem>> -> memref<1x128xi32, #tpu.memory_space<vmem>>
      %dma_start3A_63 = tpu.memref_squeeze %dma_start3A_62 : memref<1x128xi32, #tpu.memory_space<vmem>> -> memref<128xi32, #tpu.memory_space<vmem>>
      %dma_start3A_64 = arith.constant 0 : i32
      %dma_start3A_65 = arith.constant 0 : i32
      %dma_start3A_66 = tpu.memref_slice %arg2[%dma_start3A_64, %dma_start3A_65] : memref<20000x128xf32, #tpu.memory_space<hbm>> -> memref<20000x128xf32, #tpu.memory_space<hbm>>
      tpu.enqueue_indirect_dma source(%dma_start3A_66 : memref<20000x128xf32, #tpu.memory_space<hbm>>) target(%arg9 : memref<128x128xf32, #tpu.memory_space<vmem>>) offsets(%dma_start3A_63 : memref<128xi32, #tpu.memory_space<vmem>>) semaphore(%arg12 : memref<!tpu.dma_semaphore, #tpu.memory_space<semaphore_mem>>)
      %scan3A_67 = arith.constant 0 : i32
      %scan3A_68 = arith.constant 0 : i32
      %scan3A_69 = arith.constant 16 : i32
      %scan3A_70 = arith.addi %scan3A_68, %scan3A_69 : i32
      %scan3A_71 = arith.constant 1 : i32
      scf.for %scan3A_73 = %scan3A_68 to %scan3A_70 step %scan3A_71  : i32 {
        %mul3A_74 = arith.constant 2 : i32
        %mul3A_75 = arith.muli %mul3A_74, %scan3A_73 : i32
        %dma_wait3A = arith.constant 0 : i32
        %dma_wait3A_76 = tpu.memref_slice %arg6[%mul3A_75, %dma_wait3A] : memref<32x128xi32, #tpu.memory_space<vmem>> -> memref<1x128xi32, #tpu.memory_space<vmem>>
        %dma_wait3A_77 = tpu.memref_squeeze %dma_wait3A_76 : memref<1x128xi32, #tpu.memory_space<vmem>> -> memref<128xi32, #tpu.memory_space<vmem>>
        %dma_wait3A_78 = arith.constant 0 : i32
        %dma_wait3A_79 = arith.constant 0 : i32
        %dma_wait3A_80 = tpu.memref_slice %arg2[%dma_wait3A_78, %dma_wait3A_79] : memref<20000x128xf32, #tpu.memory_space<hbm>> -> memref<20000x128xf32, #tpu.memory_space<hbm>>
        tpu.wait_indirect_dma semaphore(%arg11 : memref<!tpu.dma_semaphore, #tpu.memory_space<semaphore_mem>>) src(%dma_wait3A_80 : memref<20000x128xf32, #tpu.memory_space<hbm>>) dst(%arg8 : memref<128x128xf32, #tpu.memory_space<vmem>>)
        %add3A_81 = arith.constant 2 : i32
        %add3A_82 = arith.addi %mul3A_75, %add3A_81 : i32
        %lt3A = arith.constant 32 : i32
        %lt3A_83 = arith.cmpi slt, %add3A_82, %lt3A : i32
        %convert_element_type3A = arith.extui %lt3A_83 : i1 to i32
        %cond3A = arith.constant 0 : i32
        %cond3A_84 = arith.cmpi ne, %convert_element_type3A, %cond3A : i32
        scf.if %cond3A_84 {
          %add3A_102 = arith.constant 2 : i32
          %add3A_103 = arith.addi %mul3A_75, %add3A_102 : i32
          %dma_start3A_104 = arith.constant 0 : i32
          %dma_start3A_105 = tpu.memref_slice %arg6[%add3A_103, %dma_start3A_104] : memref<32x128xi32, #tpu.memory_space<vmem>> -> memref<1x128xi32, #tpu.memory_space<vmem>>
          %dma_start3A_106 = tpu.memref_squeeze %dma_start3A_105 : memref<1x128xi32, #tpu.memory_space<vmem>> -> memref<128xi32, #tpu.memory_space<vmem>>
          %dma_start3A_107 = arith.constant 0 : i32
          %dma_start3A_108 = arith.constant 0 : i32
          %dma_start3A_109 = tpu.memref_slice %arg2[%dma_start3A_107, %dma_start3A_108] : memref<20000x128xf32, #tpu.memory_space<hbm>> -> memref<20000x128xf32, #tpu.memory_space<hbm>>
          tpu.enqueue_indirect_dma source(%dma_start3A_109 : memref<20000x128xf32, #tpu.memory_space<hbm>>) target(%arg8 : memref<128x128xf32, #tpu.memory_space<vmem>>) offsets(%dma_start3A_106 : memref<128xi32, #tpu.memory_space<vmem>>) semaphore(%arg11 : memref<!tpu.dma_semaphore, #tpu.memory_space<semaphore_mem>>)
        } else {
        }
        "tpu.region"() ({
          %run_scoped3A = tpu.sem_alloc : memref<!tpu.dma_semaphore, #tpu.memory_space<semaphore_mem>>
          %dma_start3A_102 = arith.constant 0 : i32
          %dma_start3A_103 = tpu.memref_slice %arg7[%mul3A_75, %dma_start3A_102] : memref<32x128xi32, #tpu.memory_space<vmem>> -> memref<1x128xi32, #tpu.memory_space<vmem>>
          %dma_start3A_104 = tpu.memref_squeeze %dma_start3A_103 : memref<1x128xi32, #tpu.memory_space<vmem>> -> memref<128xi32, #tpu.memory_space<vmem>>
          %dma_start3A_105 = arith.constant 0 : i32
          %dma_start3A_106 = arith.constant 0 : i32
          %dma_start3A_107 = tpu.memref_slice %arg10[%dma_start3A_105, %dma_start3A_106] : memref<10240x128xf32, #tpu.memory_space<vmem_shared>> -> memref<10240x128xf32, #tpu.memory_space<vmem_shared>>
          tpu.enqueue_indirect_dma source(%arg8 : memref<128x128xf32, #tpu.memory_space<vmem>>) target(%dma_start3A_107 : memref<10240x128xf32, #tpu.memory_space<vmem_shared>>) offsets(%dma_start3A_104 : memref<128xi32, #tpu.memory_space<vmem>>) semaphore(%run_scoped3A : memref<!tpu.dma_semaphore, #tpu.memory_space<semaphore_mem>>) {add = true}
          %dma_wait3A_108 = arith.constant 0 : i32
          %dma_wait3A_109 = tpu.memref_slice %arg7[%mul3A_75, %dma_wait3A_108] : memref<32x128xi32, #tpu.memory_space<vmem>> -> memref<1x128xi32, #tpu.memory_space<vmem>>
          %dma_wait3A_110 = tpu.memref_squeeze %dma_wait3A_109 : memref<1x128xi32, #tpu.memory_space<vmem>> -> memref<128xi32, #tpu.memory_space<vmem>>
          %dma_wait3A_111 = arith.constant 0 : i32
          %dma_wait3A_112 = arith.constant 0 : i32
          %dma_wait3A_113 = tpu.memref_slice %arg10[%dma_wait3A_111, %dma_wait3A_112] : memref<10240x128xf32, #tpu.memory_space<vmem_shared>> -> memref<10240x128xf32, #tpu.memory_space<vmem_shared>>
          tpu.wait_indirect_dma semaphore(%run_scoped3A : memref<!tpu.dma_semaphore, #tpu.memory_space<semaphore_mem>>) src(%arg8 : memref<128x128xf32, #tpu.memory_space<vmem>>) dst(%dma_wait3A_113 : memref<10240x128xf32, #tpu.memory_space<vmem_shared>>)
          tpu.yield
        }) : () -> ()
        %add3A_85 = arith.constant 1 : i32
        %add3A_86 = arith.addi %mul3A_75, %add3A_85 : i32
        %dma_wait3A_87 = arith.constant 0 : i32
        %dma_wait3A_88 = tpu.memref_slice %arg6[%add3A_86, %dma_wait3A_87] : memref<32x128xi32, #tpu.memory_space<vmem>> -> memref<1x128xi32, #tpu.memory_space<vmem>>
        %dma_wait3A_89 = tpu.memref_squeeze %dma_wait3A_88 : memref<1x128xi32, #tpu.memory_space<vmem>> -> memref<128xi32, #tpu.memory_space<vmem>>
        %dma_wait3A_90 = arith.constant 0 : i32
        %dma_wait3A_91 = arith.constant 0 : i32
        %dma_wait3A_92 = tpu.memref_slice %arg2[%dma_wait3A_90, %dma_wait3A_91] : memref<20000x128xf32, #tpu.memory_space<hbm>> -> memref<20000x128xf32, #tpu.memory_space<hbm>>
        tpu.wait_indirect_dma semaphore(%arg12 : memref<!tpu.dma_semaphore, #tpu.memory_space<semaphore_mem>>) src(%dma_wait3A_92 : memref<20000x128xf32, #tpu.memory_space<hbm>>) dst(%arg9 : memref<128x128xf32, #tpu.memory_space<vmem>>)
        %add3A_93 = arith.constant 3 : i32
        %add3A_94 = arith.addi %mul3A_75, %add3A_93 : i32
        %lt3A_95 = arith.constant 32 : i32
        %lt3A_96 = arith.cmpi slt, %add3A_94, %lt3A_95 : i32
        %convert_element_type3A_97 = arith.extui %lt3A_96 : i1 to i32
        %cond3A_98 = arith.constant 0 : i32
        %cond3A_99 = arith.cmpi ne, %convert_element_type3A_97, %cond3A_98 : i32
        scf.if %cond3A_99 {
          %add3A_102 = arith.constant 3 : i32
          %add3A_103 = arith.addi %mul3A_75, %add3A_102 : i32
          %dma_start3A_104 = arith.constant 0 : i32
          %dma_start3A_105 = tpu.memref_slice %arg6[%add3A_103, %dma_start3A_104] : memref<32x128xi32, #tpu.memory_space<vmem>> -> memref<1x128xi32, #tpu.memory_space<vmem>>
          %dma_start3A_106 = tpu.memref_squeeze %dma_start3A_105 : memref<1x128xi32, #tpu.memory_space<vmem>> -> memref<128xi32, #tpu.memory_space<vmem>>
          %dma_start3A_107 = arith.constant 0 : i32
          %dma_start3A_108 = arith.constant 0 : i32
          %dma_start3A_109 = tpu.memref_slice %arg2[%dma_start3A_107, %dma_start3A_108] : memref<20000x128xf32, #tpu.memory_space<hbm>> -> memref<20000x128xf32, #tpu.memory_space<hbm>>
          tpu.enqueue_indirect_dma source(%dma_start3A_109 : memref<20000x128xf32, #tpu.memory_space<hbm>>) target(%arg9 : memref<128x128xf32, #tpu.memory_space<vmem>>) offsets(%dma_start3A_106 : memref<128xi32, #tpu.memory_space<vmem>>) semaphore(%arg12 : memref<!tpu.dma_semaphore, #tpu.memory_space<semaphore_mem>>)
        } else {
        }
        %add3A_100 = arith.constant 1 : i32
        %add3A_101 = arith.addi %mul3A_75, %add3A_100 : i32
        "tpu.region"() ({
          %run_scoped3A = tpu.sem_alloc : memref<!tpu.dma_semaphore, #tpu.memory_space<semaphore_mem>>
          %dma_start3A_102 = arith.constant 0 : i32
          %dma_start3A_103 = tpu.memref_slice %arg7[%add3A_101, %dma_start3A_102] : memref<32x128xi32, #tpu.memory_space<vmem>> -> memref<1x128xi32, #tpu.memory_space<vmem>>
          %dma_start3A_104 = tpu.memref_squeeze %dma_start3A_103 : memref<1x128xi32, #tpu.memory_space<vmem>> -> memref<128xi32, #tpu.memory_space<vmem>>
          %dma_start3A_105 = arith.constant 0 : i32
          %dma_start3A_106 = arith.constant 0 : i32
          %dma_start3A_107 = tpu.memref_slice %arg10[%dma_start3A_105, %dma_start3A_106] : memref<10240x128xf32, #tpu.memory_space<vmem_shared>> -> memref<10240x128xf32, #tpu.memory_space<vmem_shared>>
          tpu.enqueue_indirect_dma source(%arg9 : memref<128x128xf32, #tpu.memory_space<vmem>>) target(%dma_start3A_107 : memref<10240x128xf32, #tpu.memory_space<vmem_shared>>) offsets(%dma_start3A_104 : memref<128xi32, #tpu.memory_space<vmem>>) semaphore(%run_scoped3A : memref<!tpu.dma_semaphore, #tpu.memory_space<semaphore_mem>>) {add = true}
          %dma_wait3A_108 = arith.constant 0 : i32
          %dma_wait3A_109 = tpu.memref_slice %arg7[%add3A_101, %dma_wait3A_108] : memref<32x128xi32, #tpu.memory_space<vmem>> -> memref<1x128xi32, #tpu.memory_space<vmem>>
          %dma_wait3A_110 = tpu.memref_squeeze %dma_wait3A_109 : memref<1x128xi32, #tpu.memory_space<vmem>> -> memref<128xi32, #tpu.memory_space<vmem>>
          %dma_wait3A_111 = arith.constant 0 : i32
          %dma_wait3A_112 = arith.constant 0 : i32
          %dma_wait3A_113 = tpu.memref_slice %arg10[%dma_wait3A_111, %dma_wait3A_112] : memref<10240x128xf32, #tpu.memory_space<vmem_shared>> -> memref<10240x128xf32, #tpu.memory_space<vmem_shared>>
          tpu.wait_indirect_dma semaphore(%run_scoped3A : memref<!tpu.dma_semaphore, #tpu.memory_space<semaphore_mem>>) src(%arg9 : memref<128x128xf32, #tpu.memory_space<vmem>>) dst(%dma_wait3A_113 : memref<10240x128xf32, #tpu.memory_space<vmem_shared>>)
          tpu.yield
        }) : () -> ()
      }
      %scan3A_72 = arith.constant 16 : i32
    }
    %scan3A_32 = arith.constant 5 : i32
    %barrier3A_33 = arith.constant 0 : index
    tpu.barrier barrier_id(%barrier3A_33)
    %mul3A_34 = arith.constant 640 : i32
    %mul3A_35 = arith.muli %arg1, %mul3A_34 : i32
    %mul3A_36 = arith.constant 10240 : i32
    %mul3A_37 = arith.muli %arg0, %mul3A_36 : i32
    %mul3A_38 = arith.constant 640 : i32
    %mul3A_39 = arith.muli %arg1, %mul3A_38 : i32
    %add3A_40 = arith.addi %mul3A_37, %mul3A_39 : i32
    "tpu.region"() ({
      %run_scoped3A = tpu.sem_alloc : memref<!tpu.dma_semaphore, #tpu.memory_space<semaphore_mem>>
      %dma_start3A = arith.constant 0 : i32
      %dma_start3A_41 = tpu.memref_slice %arg5[%add3A_40, %dma_start3A] : memref<20480x128xf32, #tpu.memory_space<hbm>> -> memref<640x128xf32, #tpu.memory_space<hbm>>
      %dma_start3A_42 = arith.constant 0 : i32
      %dma_start3A_43 = tpu.memref_slice %arg10[%mul3A_35, %dma_start3A_42] : memref<10240x128xf32, #tpu.memory_space<vmem_shared>> -> memref<640x128xf32, #tpu.memory_space<vmem_shared>>
      tpu.enqueue_dma source(%dma_start3A_43 : memref<640x128xf32, #tpu.memory_space<vmem_shared>>) target(%dma_start3A_41 : memref<640x128xf32, #tpu.memory_space<hbm>>) target_semaphore(%run_scoped3A : memref<!tpu.dma_semaphore, #tpu.memory_space<semaphore_mem>>)
      %dma_wait3A = arith.constant 0 : i32
      %dma_wait3A_44 = tpu.memref_slice %arg5[%add3A_40, %dma_wait3A] : memref<20480x128xf32, #tpu.memory_space<hbm>> -> memref<640x128xf32, #tpu.memory_space<hbm>>
      %dma_wait3A_45 = arith.constant 0 : i32
      %dma_wait3A_46 = tpu.memref_slice %arg10[%mul3A_35, %dma_wait3A_45] : memref<10240x128xf32, #tpu.memory_space<vmem_shared>> -> memref<640x128xf32, #tpu.memory_space<vmem_shared>>
      tpu.wait_dma2 semaphore(%run_scoped3A : memref<!tpu.dma_semaphore, #tpu.memory_space<semaphore_mem>>) src(%dma_wait3A_46 : memref<640x128xf32, #tpu.memory_space<vmem_shared>>) dst(%dma_wait3A_44 : memref<640x128xf32, #tpu.memory_space<hbm>>)
      tpu.yield
    }) : () -> ()
    return
  }
}

#map = affine_map<(d0, d1) -> (0, 0)>
module attributes {stable_mosaic.version = 14 : i64} {
  func.func @_agg_kernel(%arg0: i32, %arg1: i32, %arg2: memref<20000x128xf32, #tpu.memory_space<hbm>>, %arg3: memref<2560x128xi32, #tpu.memory_space<hbm>>, %arg4: memref<2560x128xi32, #tpu.memory_space<hbm>>, %arg5: memref<20480x128xf32, #tpu.memory_space<hbm>>, %arg6: memref<32x128xi32, #tpu.memory_space<vmem>>, %arg7: memref<32x128xi32, #tpu.memory_space<vmem>>, %arg8: memref<128x128xf32, #tpu.memory_space<vmem>>, %arg9: memref<128x128xf32, #tpu.memory_space<vmem>>, %arg10: memref<10240x128xf32, #tpu.memory_space<vmem_shared>>, %arg11: memref<!tpu.dma_semaphore, #tpu.memory_space<semaphore_mem>>, %arg12: memref<!tpu.dma_semaphore, #tpu.memory_space<semaphore_mem>>) attributes {dimension_semantics = [#tpu.dimension_semantics<core_parallel>, #tpu.dimension_semantics<subcore_parallel>], iteration_bounds = array<i64: 2, 16>, scalar_prefetch = 0 : i64, scratch_operands = 7 : i64, tpu.core_type = #tpu.core_type<sc_vector_subcore>, window_params = [{transform_indices = #map}, {transform_indices = #map}, {transform_indices = #map}, {transform_indices = #map}]} {
    %scan3A = arith.constant 0 : i32
    %scan3A_0 = arith.constant 0 : i32
    %scan3A_1 = arith.constant 1024 : i32
    %scan3A_2 = arith.addi %scan3A_0, %scan3A_1 : i32
    %scan3A_3 = arith.constant 1 : i32
    scf.for %scan3A_41 = %scan3A_0 to %scan3A_2 step %scan3A_3  : i32 {
      %jit3A = arith.constant 8 : i32
      %div3A = arith.divsi %scan3A_41, %jit3A : i32
      %sign3A = arith.constant 0 : i32
      %sign3A_42 = arith.cmpi sgt, %scan3A_41, %sign3A : i32
      %sign3A_43 = arith.extui %sign3A_42 : i1 to i32
      %sign3A_44 = arith.constant 0 : i32
      %sign3A_45 = arith.cmpi slt, %scan3A_41, %sign3A_44 : i32
      %sign3A_46 = arith.extui %sign3A_45 : i1 to i32
      %sign3A_47 = arith.subi %sign3A_43, %sign3A_46 : i32
      %sign3A_48 = arith.constant 0 : i32
      %sign3A_49 = arith.cmpi sgt, %jit3A, %sign3A_48 : i32
      %sign3A_50 = arith.extui %sign3A_49 : i1 to i32
      %sign3A_51 = arith.constant 0 : i32
      %sign3A_52 = arith.cmpi slt, %jit3A, %sign3A_51 : i32
      %sign3A_53 = arith.extui %sign3A_52 : i1 to i32
      %sign3A_54 = arith.subi %sign3A_50, %sign3A_53 : i32
      %ne3A = arith.cmpi ne, %sign3A_47, %sign3A_54 : i32
      %rem3A = arith.remsi %scan3A_41, %jit3A : i32
      %ne3A_55 = arith.constant 0 : i32
      %ne3A_56 = arith.cmpi ne, %rem3A, %ne3A_55 : i32
      %and3A = arith.andi %ne3A, %ne3A_56 : i1
      %sub3A = arith.constant 1 : i32
      %sub3A_57 = arith.subi %div3A, %sub3A : i32
      %select_n3A = arith.select %and3A, %sub3A_57, %div3A : i32
      %mul3A_58 = arith.constant 8 : i32
      %mul3A_59 = arith.muli %select_n3A, %mul3A_58 : i32
      %sub3A_60 = arith.subi %scan3A_41, %mul3A_59 : i32
      %mul3A_61 = arith.constant 16 : i32
      %mul3A_62 = arith.muli %sub3A_60, %mul3A_61 : i32
      %broadcast_in_dim3A = arith.constant 0.000000e+00 : f32
      %broadcast_in_dim3A_63 = vector.broadcast %broadcast_in_dim3A : f32 to vector<16xf32>
      %swap3A = arith.index_cast %select_n3A : i32 to index
      %swap3A_64 = arith.index_cast %mul3A_62 : i32 to index
      %swap3A_65 = tpu.vector_load %arg8[%swap3A, %swap3A_64] {strides = array<i32>} : memref<128x128xf32, #tpu.memory_space<vmem>>, vector<1x16xf32>,
      %swap3A_66 = vector.shape_cast %swap3A_65 : vector<1x16xf32> to vector<16xf32>
      %swap3A_67 = vector.shape_cast %broadcast_in_dim3A_63 : vector<16xf32> to vector<1x16xf32>
      tpu.vector_store %arg8[%swap3A, %swap3A_64], %swap3A_67 {strides = array<i32>} : memref<128x128xf32, #tpu.memory_space<vmem>>, vector<1x16xf32>,
    }
    %scan3A_4 = arith.constant 1024 : i32
    %mul3A = arith.constant 640 : i32
    %mul3A_5 = arith.muli %arg1, %mul3A : i32
    %add3A = arith.constant 0 : i32
    %add3A_6 = arith.addi %mul3A_5, %add3A : i32
    "tpu.region"() ({
      %run_scoped3A = tpu.sem_alloc : memref<!tpu.dma_semaphore, #tpu.memory_space<semaphore_mem>>
      %dma_start3A = arith.constant 0 : i32
      %dma_start3A_41 = tpu.memref_slice %arg10[%add3A_6, %dma_start3A] : memref<10240x128xf32, #tpu.memory_space<vmem_shared>> -> memref<128x128xf32, #tpu.memory_space<vmem_shared>>
      %dma_start3A_42 = arith.constant 0 : i32
      %dma_start3A_43 = tpu.memref_slice %arg10[%add3A_6, %dma_start3A_42] : memref<10240x128xf32, #tpu.memory_space<vmem_shared>> -> memref<128x128xf32, #tpu.memory_space<vmem_shared>>
      tpu.enqueue_dma source(%arg8 : memref<128x128xf32, #tpu.memory_space<vmem>>) target(%dma_start3A_43 : memref<128x128xf32, #tpu.memory_space<vmem_shared>>) target_semaphore(%run_scoped3A : memref<!tpu.dma_semaphore, #tpu.memory_space<semaphore_mem>>)
      %dma_wait3A = arith.constant 0 : i32
      %dma_wait3A_44 = tpu.memref_slice %arg10[%add3A_6, %dma_wait3A] : memref<10240x128xf32, #tpu.memory_space<vmem_shared>> -> memref<128x128xf32, #tpu.memory_space<vmem_shared>>
      %dma_wait3A_45 = arith.constant 0 : i32
      %dma_wait3A_46 = tpu.memref_slice %arg10[%add3A_6, %dma_wait3A_45] : memref<10240x128xf32, #tpu.memory_space<vmem_shared>> -> memref<128x128xf32, #tpu.memory_space<vmem_shared>>
      tpu.wait_dma2 semaphore(%run_scoped3A : memref<!tpu.dma_semaphore, #tpu.memory_space<semaphore_mem>>) src(%arg8 : memref<128x128xf32, #tpu.memory_space<vmem>>) dst(%dma_wait3A_46 : memref<128x128xf32, #tpu.memory_space<vmem_shared>>)
      tpu.yield
    }) : () -> ()
    %mul3A_7 = arith.constant 640 : i32
    %mul3A_8 = arith.muli %arg1, %mul3A_7 : i32
    %add3A_9 = arith.constant 128 : i32
    %add3A_10 = arith.addi %mul3A_8, %add3A_9 : i32
    "tpu.region"() ({
      %run_scoped3A = tpu.sem_alloc : memref<!tpu.dma_semaphore, #tpu.memory_space<semaphore_mem>>
      %dma_start3A = arith.constant 0 : i32
      %dma_start3A_41 = tpu.memref_slice %arg10[%add3A_10, %dma_start3A] : memref<10240x128xf32, #tpu.memory_space<vmem_shared>> -> memref<128x128xf32, #tpu.memory_space<vmem_shared>>
      %dma_start3A_42 = arith.constant 0 : i32
      %dma_start3A_43 = tpu.memref_slice %arg10[%add3A_10, %dma_start3A_42] : memref<10240x128xf32, #tpu.memory_space<vmem_shared>> -> memref<128x128xf32, #tpu.memory_space<vmem_shared>>
      tpu.enqueue_dma source(%arg8 : memref<128x128xf32, #tpu.memory_space<vmem>>) target(%dma_start3A_43 : memref<128x128xf32, #tpu.memory_space<vmem_shared>>) target_semaphore(%run_scoped3A : memref<!tpu.dma_semaphore, #tpu.memory_space<semaphore_mem>>)
      %dma_wait3A = arith.constant 0 : i32
      %dma_wait3A_44 = tpu.memref_slice %arg10[%add3A_10, %dma_wait3A] : memref<10240x128xf32, #tpu.memory_space<vmem_shared>> -> memref<128x128xf32, #tpu.memory_space<vmem_shared>>
      %dma_wait3A_45 = arith.constant 0 : i32
      %dma_wait3A_46 = tpu.memref_slice %arg10[%add3A_10, %dma_wait3A_45] : memref<10240x128xf32, #tpu.memory_space<vmem_shared>> -> memref<128x128xf32, #tpu.memory_space<vmem_shared>>
      tpu.wait_dma2 semaphore(%run_scoped3A : memref<!tpu.dma_semaphore, #tpu.memory_space<semaphore_mem>>) src(%arg8 : memref<128x128xf32, #tpu.memory_space<vmem>>) dst(%dma_wait3A_46 : memref<128x128xf32, #tpu.memory_space<vmem_shared>>)
      tpu.yield
    }) : () -> ()
    %mul3A_11 = arith.constant 640 : i32
    %mul3A_12 = arith.muli %arg1, %mul3A_11 : i32
    %add3A_13 = arith.constant 256 : i32
    %add3A_14 = arith.addi %mul3A_12, %add3A_13 : i32
    "tpu.region"() ({
      %run_scoped3A = tpu.sem_alloc : memref<!tpu.dma_semaphore, #tpu.memory_space<semaphore_mem>>
      %dma_start3A = arith.constant 0 : i32
      %dma_start3A_41 = tpu.memref_slice %arg10[%add3A_14, %dma_start3A] : memref<10240x128xf32, #tpu.memory_space<vmem_shared>> -> memref<128x128xf32, #tpu.memory_space<vmem_shared>>
      %dma_start3A_42 = arith.constant 0 : i32
      %dma_start3A_43 = tpu.memref_slice %arg10[%add3A_14, %dma_start3A_42] : memref<10240x128xf32, #tpu.memory_space<vmem_shared>> -> memref<128x128xf32, #tpu.memory_space<vmem_shared>>
      tpu.enqueue_dma source(%arg8 : memref<128x128xf32, #tpu.memory_space<vmem>>) target(%dma_start3A_43 : memref<128x128xf32, #tpu.memory_space<vmem_shared>>) target_semaphore(%run_scoped3A : memref<!tpu.dma_semaphore, #tpu.memory_space<semaphore_mem>>)
      %dma_wait3A = arith.constant 0 : i32
      %dma_wait3A_44 = tpu.memref_slice %arg10[%add3A_14, %dma_wait3A] : memref<10240x128xf32, #tpu.memory_space<vmem_shared>> -> memref<128x128xf32, #tpu.memory_space<vmem_shared>>
      %dma_wait3A_45 = arith.constant 0 : i32
      %dma_wait3A_46 = tpu.memref_slice %arg10[%add3A_14, %dma_wait3A_45] : memref<10240x128xf32, #tpu.memory_space<vmem_shared>> -> memref<128x128xf32, #tpu.memory_space<vmem_shared>>
      tpu.wait_dma2 semaphore(%run_scoped3A : memref<!tpu.dma_semaphore, #tpu.memory_space<semaphore_mem>>) src(%arg8 : memref<128x128xf32, #tpu.memory_space<vmem>>) dst(%dma_wait3A_46 : memref<128x128xf32, #tpu.memory_space<vmem_shared>>)
      tpu.yield
    }) : () -> ()
    %mul3A_15 = arith.constant 640 : i32
    %mul3A_16 = arith.muli %arg1, %mul3A_15 : i32
    %add3A_17 = arith.constant 384 : i32
    %add3A_18 = arith.addi %mul3A_16, %add3A_17 : i32
    "tpu.region"() ({
      %run_scoped3A = tpu.sem_alloc : memref<!tpu.dma_semaphore, #tpu.memory_space<semaphore_mem>>
      %dma_start3A = arith.constant 0 : i32
      %dma_start3A_41 = tpu.memref_slice %arg10[%add3A_18, %dma_start3A] : memref<10240x128xf32, #tpu.memory_space<vmem_shared>> -> memref<128x128xf32, #tpu.memory_space<vmem_shared>>
      %dma_start3A_42 = arith.constant 0 : i32
      %dma_start3A_43 = tpu.memref_slice %arg10[%add3A_18, %dma_start3A_42] : memref<10240x128xf32, #tpu.memory_space<vmem_shared>> -> memref<128x128xf32, #tpu.memory_space<vmem_shared>>
      tpu.enqueue_dma source(%arg8 : memref<128x128xf32, #tpu.memory_space<vmem>>) target(%dma_start3A_43 : memref<128x128xf32, #tpu.memory_space<vmem_shared>>) target_semaphore(%run_scoped3A : memref<!tpu.dma_semaphore, #tpu.memory_space<semaphore_mem>>)
      %dma_wait3A = arith.constant 0 : i32
      %dma_wait3A_44 = tpu.memref_slice %arg10[%add3A_18, %dma_wait3A] : memref<10240x128xf32, #tpu.memory_space<vmem_shared>> -> memref<128x128xf32, #tpu.memory_space<vmem_shared>>
      %dma_wait3A_45 = arith.constant 0 : i32
      %dma_wait3A_46 = tpu.memref_slice %arg10[%add3A_18, %dma_wait3A_45] : memref<10240x128xf32, #tpu.memory_space<vmem_shared>> -> memref<128x128xf32, #tpu.memory_space<vmem_shared>>
      tpu.wait_dma2 semaphore(%run_scoped3A : memref<!tpu.dma_semaphore, #tpu.memory_space<semaphore_mem>>) src(%arg8 : memref<128x128xf32, #tpu.memory_space<vmem>>) dst(%dma_wait3A_46 : memref<128x128xf32, #tpu.memory_space<vmem_shared>>)
      tpu.yield
    }) : () -> ()
    %mul3A_19 = arith.constant 640 : i32
    %mul3A_20 = arith.muli %arg1, %mul3A_19 : i32
    %add3A_21 = arith.constant 512 : i32
    %add3A_22 = arith.addi %mul3A_20, %add3A_21 : i32
    "tpu.region"() ({
      %run_scoped3A = tpu.sem_alloc : memref<!tpu.dma_semaphore, #tpu.memory_space<semaphore_mem>>
      %dma_start3A = arith.constant 0 : i32
      %dma_start3A_41 = tpu.memref_slice %arg10[%add3A_22, %dma_start3A] : memref<10240x128xf32, #tpu.memory_space<vmem_shared>> -> memref<128x128xf32, #tpu.memory_space<vmem_shared>>
      %dma_start3A_42 = arith.constant 0 : i32
      %dma_start3A_43 = tpu.memref_slice %arg10[%add3A_22, %dma_start3A_42] : memref<10240x128xf32, #tpu.memory_space<vmem_shared>> -> memref<128x128xf32, #tpu.memory_space<vmem_shared>>
      tpu.enqueue_dma source(%arg8 : memref<128x128xf32, #tpu.memory_space<vmem>>) target(%dma_start3A_43 : memref<128x128xf32, #tpu.memory_space<vmem_shared>>) target_semaphore(%run_scoped3A : memref<!tpu.dma_semaphore, #tpu.memory_space<semaphore_mem>>)
      %dma_wait3A = arith.constant 0 : i32
      %dma_wait3A_44 = tpu.memref_slice %arg10[%add3A_22, %dma_wait3A] : memref<10240x128xf32, #tpu.memory_space<vmem_shared>> -> memref<128x128xf32, #tpu.memory_space<vmem_shared>>
      %dma_wait3A_45 = arith.constant 0 : i32
      %dma_wait3A_46 = tpu.memref_slice %arg10[%add3A_22, %dma_wait3A_45] : memref<10240x128xf32, #tpu.memory_space<vmem_shared>> -> memref<128x128xf32, #tpu.memory_space<vmem_shared>>
      tpu.wait_dma2 semaphore(%run_scoped3A : memref<!tpu.dma_semaphore, #tpu.memory_space<semaphore_mem>>) src(%arg8 : memref<128x128xf32, #tpu.memory_space<vmem>>) dst(%dma_wait3A_46 : memref<128x128xf32, #tpu.memory_space<vmem_shared>>)
      tpu.yield
    }) : () -> ()
    %barrier3A = arith.constant 0 : index
    tpu.barrier barrier_id(%barrier3A)
    %mul3A_23 = arith.constant 10000 : i32
    %mul3A_24 = arith.muli %arg0, %mul3A_23 : i32
    %mul3A_25 = arith.constant 160 : i32
    %mul3A_26 = arith.muli %arg1, %mul3A_25 : i32
    %scan3A_27 = arith.constant 0 : i32
    %scan3A_28 = arith.constant 0 : i32
    %scan3A_29 = arith.constant 5 : i32
    %scan3A_30 = arith.addi %scan3A_28, %scan3A_29 : i32
    %scan3A_31 = arith.constant 1 : i32
    scf.for %scan3A_41 = %scan3A_28 to %scan3A_30 step %scan3A_31  : i32 {
      %mul3A_42 = arith.constant 32 : i32
      %mul3A_43 = arith.muli %scan3A_41, %mul3A_42 : i32
      %add3A_44 = arith.addi %mul3A_26, %mul3A_43 : i32
      "tpu.region"() ({
        %run_scoped3A = tpu.sem_alloc : memref<!tpu.dma_semaphore, #tpu.memory_space<semaphore_mem>>
        %dma_start3A_73 = arith.constant 0 : i32
        %dma_start3A_74 = tpu.memref_slice %arg3[%add3A_44, %dma_start3A_73] : memref<2560x128xi32, #tpu.memory_space<hbm>> -> memref<32x128xi32, #tpu.memory_space<hbm>>
        %dma_start3A_75 = arith.constant 0 : i32
        %dma_start3A_76 = tpu.memref_slice %arg3[%add3A_44, %dma_start3A_75] : memref<2560x128xi32, #tpu.memory_space<hbm>> -> memref<32x128xi32, #tpu.memory_space<hbm>>
        tpu.enqueue_dma source(%dma_start3A_76 : memref<32x128xi32, #tpu.memory_space<hbm>>) target(%arg6 : memref<32x128xi32, #tpu.memory_space<vmem>>) target_semaphore(%run_scoped3A : memref<!tpu.dma_semaphore, #tpu.memory_space<semaphore_mem>>)
        %dma_wait3A = arith.constant 0 : i32
        %dma_wait3A_77 = tpu.memref_slice %arg3[%add3A_44, %dma_wait3A] : memref<2560x128xi32, #tpu.memory_space<hbm>> -> memref<32x128xi32, #tpu.memory_space<hbm>>
        %dma_wait3A_78 = arith.constant 0 : i32
        %dma_wait3A_79 = tpu.memref_slice %arg3[%add3A_44, %dma_wait3A_78] : memref<2560x128xi32, #tpu.memory_space<hbm>> -> memref<32x128xi32, #tpu.memory_space<hbm>>
        tpu.wait_dma2 semaphore(%run_scoped3A : memref<!tpu.dma_semaphore, #tpu.memory_space<semaphore_mem>>) src(%dma_wait3A_79 : memref<32x128xi32, #tpu.memory_space<hbm>>) dst(%arg6 : memref<32x128xi32, #tpu.memory_space<vmem>>)
        tpu.yield
      }) : () -> ()
      %mul3A_45 = arith.constant 32 : i32
      %mul3A_46 = arith.muli %scan3A_41, %mul3A_45 : i32
      %add3A_47 = arith.addi %mul3A_26, %mul3A_46 : i32
      "tpu.region"() ({
        %run_scoped3A = tpu.sem_alloc : memref<!tpu.dma_semaphore, #tpu.memory_space<semaphore_mem>>
        %dma_start3A_73 = arith.constant 0 : i32
        %dma_start3A_74 = tpu.memref_slice %arg4[%add3A_47, %dma_start3A_73] : memref<2560x128xi32, #tpu.memory_space<hbm>> -> memref<32x128xi32, #tpu.memory_space<hbm>>
        %dma_start3A_75 = arith.constant 0 : i32
        %dma_start3A_76 = tpu.memref_slice %arg4[%add3A_47, %dma_start3A_75] : memref<2560x128xi32, #tpu.memory_space<hbm>> -> memref<32x128xi32, #tpu.memory_space<hbm>>
        tpu.enqueue_dma source(%dma_start3A_76 : memref<32x128xi32, #tpu.memory_space<hbm>>) target(%arg7 : memref<32x128xi32, #tpu.memory_space<vmem>>) target_semaphore(%run_scoped3A : memref<!tpu.dma_semaphore, #tpu.memory_space<semaphore_mem>>)
        %dma_wait3A = arith.constant 0 : i32
        %dma_wait3A_77 = tpu.memref_slice %arg4[%add3A_47, %dma_wait3A] : memref<2560x128xi32, #tpu.memory_space<hbm>> -> memref<32x128xi32, #tpu.memory_space<hbm>>
        %dma_wait3A_78 = arith.constant 0 : i32
        %dma_wait3A_79 = tpu.memref_slice %arg4[%add3A_47, %dma_wait3A_78] : memref<2560x128xi32, #tpu.memory_space<hbm>> -> memref<32x128xi32, #tpu.memory_space<hbm>>
        tpu.wait_dma2 semaphore(%run_scoped3A : memref<!tpu.dma_semaphore, #tpu.memory_space<semaphore_mem>>) src(%dma_wait3A_79 : memref<32x128xi32, #tpu.memory_space<hbm>>) dst(%arg7 : memref<32x128xi32, #tpu.memory_space<vmem>>)
        tpu.yield
      }) : () -> ()
      %scan3A_48 = arith.constant 0 : i32
      %scan3A_49 = arith.constant 0 : i32
      %scan3A_50 = arith.constant 256 : i32
      %scan3A_51 = arith.addi %scan3A_49, %scan3A_50 : i32
      %scan3A_52 = arith.constant 1 : i32
      scf.for %scan3A_73 = %scan3A_49 to %scan3A_51 step %scan3A_52  : i32 {
        %jit3A = arith.constant 8 : i32
        %div3A = arith.divsi %scan3A_73, %jit3A : i32
        %sign3A = arith.constant 0 : i32
        %sign3A_74 = arith.cmpi sgt, %scan3A_73, %sign3A : i32
        %sign3A_75 = arith.extui %sign3A_74 : i1 to i32
        %sign3A_76 = arith.constant 0 : i32
        %sign3A_77 = arith.cmpi slt, %scan3A_73, %sign3A_76 : i32
        %sign3A_78 = arith.extui %sign3A_77 : i1 to i32
        %sign3A_79 = arith.subi %sign3A_75, %sign3A_78 : i32
        %sign3A_80 = arith.constant 0 : i32
        %sign3A_81 = arith.cmpi sgt, %jit3A, %sign3A_80 : i32
        %sign3A_82 = arith.extui %sign3A_81 : i1 to i32
        %sign3A_83 = arith.constant 0 : i32
        %sign3A_84 = arith.cmpi slt, %jit3A, %sign3A_83 : i32
        %sign3A_85 = arith.extui %sign3A_84 : i1 to i32
        %sign3A_86 = arith.subi %sign3A_82, %sign3A_85 : i32
        %ne3A = arith.cmpi ne, %sign3A_79, %sign3A_86 : i32
        %rem3A = arith.remsi %scan3A_73, %jit3A : i32
        %ne3A_87 = arith.constant 0 : i32
        %ne3A_88 = arith.cmpi ne, %rem3A, %ne3A_87 : i32
        %and3A = arith.andi %ne3A, %ne3A_88 : i1
        %sub3A = arith.constant 1 : i32
        %sub3A_89 = arith.subi %div3A, %sub3A : i32
        %select_n3A = arith.select %and3A, %sub3A_89, %div3A : i32
        %mul3A_90 = arith.constant 8 : i32
        %mul3A_91 = arith.muli %select_n3A, %mul3A_90 : i32
        %sub3A_92 = arith.subi %scan3A_73, %mul3A_91 : i32
        %mul3A_93 = arith.constant 16 : i32
        %mul3A_94 = arith.muli %sub3A_92, %mul3A_93 : i32
        %get3A = arith.index_cast %select_n3A : i32 to index
        %get3A_95 = arith.index_cast %mul3A_94 : i32 to index
        %get3A_96 = tpu.vector_load %arg6[%get3A, %get3A_95] {strides = array<i32>} : memref<32x128xi32, #tpu.memory_space<vmem>>, vector<1x16xi32>,
        %get3A_97 = vector.shape_cast %get3A_96 : vector<1x16xi32> to vector<16xi32>
        %add3A_98 = vector.broadcast %mul3A_24 : i32 to vector<16xi32>
        %add3A_99 = arith.addi %get3A_97, %add3A_98 : vector<16xi32>
        %swap3A = arith.index_cast %select_n3A : i32 to index
        %swap3A_100 = arith.index_cast %mul3A_94 : i32 to index
        %swap3A_101 = tpu.vector_load %arg6[%swap3A, %swap3A_100] {strides = array<i32>} : memref<32x128xi32, #tpu.memory_space<vmem>>, vector<1x16xi32>,
        %swap3A_102 = vector.shape_cast %swap3A_101 : vector<1x16xi32> to vector<16xi32>
        %swap3A_103 = vector.shape_cast %add3A_99 : vector<16xi32> to vector<1x16xi32>
        tpu.vector_store %arg6[%swap3A, %swap3A_100], %swap3A_103 {strides = array<i32>} : memref<32x128xi32, #tpu.memory_space<vmem>>, vector<1x16xi32>,
      }
      %scan3A_53 = arith.constant 256 : i32
      %dma_start3A = arith.constant 0 : i32
      %dma_start3A_54 = arith.constant 0 : i32
      %dma_start3A_55 = tpu.memref_slice %arg6[%dma_start3A, %dma_start3A_54] : memref<32x128xi32, #tpu.memory_space<vmem>> -> memref<1x128xi32, #tpu.memory_space<vmem>>
      %dma_start3A_56 = tpu.memref_squeeze %dma_start3A_55 : memref<1x128xi32, #tpu.memory_space<vmem>> -> memref<128xi32, #tpu.memory_space<vmem>>
      %dma_start3A_57 = arith.constant 0 : i32
      %dma_start3A_58 = arith.constant 0 : i32
      %dma_start3A_59 = tpu.memref_slice %arg2[%dma_start3A_57, %dma_start3A_58] : memref<20000x128xf32, #tpu.memory_space<hbm>> -> memref<20000x128xf32, #tpu.memory_space<hbm>>
      tpu.enqueue_indirect_dma source(%dma_start3A_59 : memref<20000x128xf32, #tpu.memory_space<hbm>>) target(%arg8 : memref<128x128xf32, #tpu.memory_space<vmem>>) offsets(%dma_start3A_56 : memref<128xi32, #tpu.memory_space<vmem>>) semaphore(%arg11 : memref<!tpu.dma_semaphore, #tpu.memory_space<semaphore_mem>>)
      %dma_start3A_60 = arith.constant 1 : i32
      %dma_start3A_61 = arith.constant 0 : i32
      %dma_start3A_62 = tpu.memref_slice %arg6[%dma_start3A_60, %dma_start3A_61] : memref<32x128xi32, #tpu.memory_space<vmem>> -> memref<1x128xi32, #tpu.memory_space<vmem>>
      %dma_start3A_63 = tpu.memref_squeeze %dma_start3A_62 : memref<1x128xi32, #tpu.memory_space<vmem>> -> memref<128xi32, #tpu.memory_space<vmem>>
      %dma_start3A_64 = arith.constant 0 : i32
      %dma_start3A_65 = arith.constant 0 : i32
      %dma_start3A_66 = tpu.memref_slice %arg2[%dma_start3A_64, %dma_start3A_65] : memref<20000x128xf32, #tpu.memory_space<hbm>> -> memref<20000x128xf32, #tpu.memory_space<hbm>>
      tpu.enqueue_indirect_dma source(%dma_start3A_66 : memref<20000x128xf32, #tpu.memory_space<hbm>>) target(%arg9 : memref<128x128xf32, #tpu.memory_space<vmem>>) offsets(%dma_start3A_63 : memref<128xi32, #tpu.memory_space<vmem>>) semaphore(%arg12 : memref<!tpu.dma_semaphore, #tpu.memory_space<semaphore_mem>>)
      %scan3A_67 = arith.constant 0 : i32
      %scan3A_68 = arith.constant 0 : i32
      %scan3A_69 = arith.constant 16 : i32
      %scan3A_70 = arith.addi %scan3A_68, %scan3A_69 : i32
      %scan3A_71 = arith.constant 1 : i32
      scf.for %scan3A_73 = %scan3A_68 to %scan3A_70 step %scan3A_71  : i32 {
        %mul3A_74 = arith.constant 2 : i32
        %mul3A_75 = arith.muli %mul3A_74, %scan3A_73 : i32
        %dma_wait3A = arith.constant 0 : i32
        %dma_wait3A_76 = tpu.memref_slice %arg6[%mul3A_75, %dma_wait3A] : memref<32x128xi32, #tpu.memory_space<vmem>> -> memref<1x128xi32, #tpu.memory_space<vmem>>
        %dma_wait3A_77 = tpu.memref_squeeze %dma_wait3A_76 : memref<1x128xi32, #tpu.memory_space<vmem>> -> memref<128xi32, #tpu.memory_space<vmem>>
        %dma_wait3A_78 = arith.constant 0 : i32
        %dma_wait3A_79 = arith.constant 0 : i32
        %dma_wait3A_80 = tpu.memref_slice %arg2[%dma_wait3A_78, %dma_wait3A_79] : memref<20000x128xf32, #tpu.memory_space<hbm>> -> memref<20000x128xf32, #tpu.memory_space<hbm>>
        tpu.wait_indirect_dma semaphore(%arg11 : memref<!tpu.dma_semaphore, #tpu.memory_space<semaphore_mem>>) src(%dma_wait3A_80 : memref<20000x128xf32, #tpu.memory_space<hbm>>) dst(%arg8 : memref<128x128xf32, #tpu.memory_space<vmem>>)
        %add3A_81 = arith.constant 2 : i32
        %add3A_82 = arith.addi %mul3A_75, %add3A_81 : i32
        %lt3A = arith.constant 32 : i32
        %lt3A_83 = arith.cmpi slt, %add3A_82, %lt3A : i32
        %convert_element_type3A = arith.extui %lt3A_83 : i1 to i32
        %cond3A = arith.constant 0 : i32
        %cond3A_84 = arith.cmpi ne, %convert_element_type3A, %cond3A : i32
        scf.if %cond3A_84 {
          %add3A_102 = arith.constant 2 : i32
          %add3A_103 = arith.addi %mul3A_75, %add3A_102 : i32
          %dma_start3A_104 = arith.constant 0 : i32
          %dma_start3A_105 = tpu.memref_slice %arg6[%add3A_103, %dma_start3A_104] : memref<32x128xi32, #tpu.memory_space<vmem>> -> memref<1x128xi32, #tpu.memory_space<vmem>>
          %dma_start3A_106 = tpu.memref_squeeze %dma_start3A_105 : memref<1x128xi32, #tpu.memory_space<vmem>> -> memref<128xi32, #tpu.memory_space<vmem>>
          %dma_start3A_107 = arith.constant 0 : i32
          %dma_start3A_108 = arith.constant 0 : i32
          %dma_start3A_109 = tpu.memref_slice %arg2[%dma_start3A_107, %dma_start3A_108] : memref<20000x128xf32, #tpu.memory_space<hbm>> -> memref<20000x128xf32, #tpu.memory_space<hbm>>
          tpu.enqueue_indirect_dma source(%dma_start3A_109 : memref<20000x128xf32, #tpu.memory_space<hbm>>) target(%arg8 : memref<128x128xf32, #tpu.memory_space<vmem>>) offsets(%dma_start3A_106 : memref<128xi32, #tpu.memory_space<vmem>>) semaphore(%arg11 : memref<!tpu.dma_semaphore, #tpu.memory_space<semaphore_mem>>)
        } else {
        }
        "tpu.region"() ({
          %run_scoped3A = tpu.sem_alloc : memref<!tpu.dma_semaphore, #tpu.memory_space<semaphore_mem>>
          %dma_start3A_102 = arith.constant 0 : i32
          %dma_start3A_103 = tpu.memref_slice %arg7[%mul3A_75, %dma_start3A_102] : memref<32x128xi32, #tpu.memory_space<vmem>> -> memref<1x128xi32, #tpu.memory_space<vmem>>
          %dma_start3A_104 = tpu.memref_squeeze %dma_start3A_103 : memref<1x128xi32, #tpu.memory_space<vmem>> -> memref<128xi32, #tpu.memory_space<vmem>>
          %dma_start3A_105 = arith.constant 0 : i32
          %dma_start3A_106 = arith.constant 0 : i32
          %dma_start3A_107 = tpu.memref_slice %arg10[%dma_start3A_105, %dma_start3A_106] : memref<10240x128xf32, #tpu.memory_space<vmem_shared>> -> memref<10240x128xf32, #tpu.memory_space<vmem_shared>>
          tpu.enqueue_indirect_dma source(%arg8 : memref<128x128xf32, #tpu.memory_space<vmem>>) target(%dma_start3A_107 : memref<10240x128xf32, #tpu.memory_space<vmem_shared>>) offsets(%dma_start3A_104 : memref<128xi32, #tpu.memory_space<vmem>>) semaphore(%run_scoped3A : memref<!tpu.dma_semaphore, #tpu.memory_space<semaphore_mem>>) {add = true}
          %dma_wait3A_108 = arith.constant 0 : i32
          %dma_wait3A_109 = tpu.memref_slice %arg7[%mul3A_75, %dma_wait3A_108] : memref<32x128xi32, #tpu.memory_space<vmem>> -> memref<1x128xi32, #tpu.memory_space<vmem>>
          %dma_wait3A_110 = tpu.memref_squeeze %dma_wait3A_109 : memref<1x128xi32, #tpu.memory_space<vmem>> -> memref<128xi32, #tpu.memory_space<vmem>>
          %dma_wait3A_111 = arith.constant 0 : i32
          %dma_wait3A_112 = arith.constant 0 : i32
          %dma_wait3A_113 = tpu.memref_slice %arg10[%dma_wait3A_111, %dma_wait3A_112] : memref<10240x128xf32, #tpu.memory_space<vmem_shared>> -> memref<10240x128xf32, #tpu.memory_space<vmem_shared>>
          tpu.wait_indirect_dma semaphore(%run_scoped3A : memref<!tpu.dma_semaphore, #tpu.memory_space<semaphore_mem>>) src(%arg8 : memref<128x128xf32, #tpu.memory_space<vmem>>) dst(%dma_wait3A_113 : memref<10240x128xf32, #tpu.memory_space<vmem_shared>>)
          tpu.yield
        }) : () -> ()
        %add3A_85 = arith.constant 1 : i32
        %add3A_86 = arith.addi %mul3A_75, %add3A_85 : i32
        %dma_wait3A_87 = arith.constant 0 : i32
        %dma_wait3A_88 = tpu.memref_slice %arg6[%add3A_86, %dma_wait3A_87] : memref<32x128xi32, #tpu.memory_space<vmem>> -> memref<1x128xi32, #tpu.memory_space<vmem>>
        %dma_wait3A_89 = tpu.memref_squeeze %dma_wait3A_88 : memref<1x128xi32, #tpu.memory_space<vmem>> -> memref<128xi32, #tpu.memory_space<vmem>>
        %dma_wait3A_90 = arith.constant 0 : i32
        %dma_wait3A_91 = arith.constant 0 : i32
        %dma_wait3A_92 = tpu.memref_slice %arg2[%dma_wait3A_90, %dma_wait3A_91] : memref<20000x128xf32, #tpu.memory_space<hbm>> -> memref<20000x128xf32, #tpu.memory_space<hbm>>
        tpu.wait_indirect_dma semaphore(%arg12 : memref<!tpu.dma_semaphore, #tpu.memory_space<semaphore_mem>>) src(%dma_wait3A_92 : memref<20000x128xf32, #tpu.memory_space<hbm>>) dst(%arg9 : memref<128x128xf32, #tpu.memory_space<vmem>>)
        %add3A_93 = arith.constant 3 : i32
        %add3A_94 = arith.addi %mul3A_75, %add3A_93 : i32
        %lt3A_95 = arith.constant 32 : i32
        %lt3A_96 = arith.cmpi slt, %add3A_94, %lt3A_95 : i32
        %convert_element_type3A_97 = arith.extui %lt3A_96 : i1 to i32
        %cond3A_98 = arith.constant 0 : i32
        %cond3A_99 = arith.cmpi ne, %convert_element_type3A_97, %cond3A_98 : i32
        scf.if %cond3A_99 {
          %add3A_102 = arith.constant 3 : i32
          %add3A_103 = arith.addi %mul3A_75, %add3A_102 : i32
          %dma_start3A_104 = arith.constant 0 : i32
          %dma_start3A_105 = tpu.memref_slice %arg6[%add3A_103, %dma_start3A_104] : memref<32x128xi32, #tpu.memory_space<vmem>> -> memref<1x128xi32, #tpu.memory_space<vmem>>
          %dma_start3A_106 = tpu.memref_squeeze %dma_start3A_105 : memref<1x128xi32, #tpu.memory_space<vmem>> -> memref<128xi32, #tpu.memory_space<vmem>>
          %dma_start3A_107 = arith.constant 0 : i32
          %dma_start3A_108 = arith.constant 0 : i32
          %dma_start3A_109 = tpu.memref_slice %arg2[%dma_start3A_107, %dma_start3A_108] : memref<20000x128xf32, #tpu.memory_space<hbm>> -> memref<20000x128xf32, #tpu.memory_space<hbm>>
          tpu.enqueue_indirect_dma source(%dma_start3A_109 : memref<20000x128xf32, #tpu.memory_space<hbm>>) target(%arg9 : memref<128x128xf32, #tpu.memory_space<vmem>>) offsets(%dma_start3A_106 : memref<128xi32, #tpu.memory_space<vmem>>) semaphore(%arg12 : memref<!tpu.dma_semaphore, #tpu.memory_space<semaphore_mem>>)
        } else {
        }
        %add3A_100 = arith.constant 1 : i32
        %add3A_101 = arith.addi %mul3A_75, %add3A_100 : i32
        "tpu.region"() ({
          %run_scoped3A = tpu.sem_alloc : memref<!tpu.dma_semaphore, #tpu.memory_space<semaphore_mem>>
          %dma_start3A_102 = arith.constant 0 : i32
          %dma_start3A_103 = tpu.memref_slice %arg7[%add3A_101, %dma_start3A_102] : memref<32x128xi32, #tpu.memory_space<vmem>> -> memref<1x128xi32, #tpu.memory_space<vmem>>
          %dma_start3A_104 = tpu.memref_squeeze %dma_start3A_103 : memref<1x128xi32, #tpu.memory_space<vmem>> -> memref<128xi32, #tpu.memory_space<vmem>>
          %dma_start3A_105 = arith.constant 0 : i32
          %dma_start3A_106 = arith.constant 0 : i32
          %dma_start3A_107 = tpu.memref_slice %arg10[%dma_start3A_105, %dma_start3A_106] : memref<10240x128xf32, #tpu.memory_space<vmem_shared>> -> memref<10240x128xf32, #tpu.memory_space<vmem_shared>>
          tpu.enqueue_indirect_dma source(%arg9 : memref<128x128xf32, #tpu.memory_space<vmem>>) target(%dma_start3A_107 : memref<10240x128xf32, #tpu.memory_space<vmem_shared>>) offsets(%dma_start3A_104 : memref<128xi32, #tpu.memory_space<vmem>>) semaphore(%run_scoped3A : memref<!tpu.dma_semaphore, #tpu.memory_space<semaphore_mem>>) {add = true}
          %dma_wait3A_108 = arith.constant 0 : i32
          %dma_wait3A_109 = tpu.memref_slice %arg7[%add3A_101, %dma_wait3A_108] : memref<32x128xi32, #tpu.memory_space<vmem>> -> memref<1x128xi32, #tpu.memory_space<vmem>>
          %dma_wait3A_110 = tpu.memref_squeeze %dma_wait3A_109 : memref<1x128xi32, #tpu.memory_space<vmem>> -> memref<128xi32, #tpu.memory_space<vmem>>
          %dma_wait3A_111 = arith.constant 0 : i32
          %dma_wait3A_112 = arith.constant 0 : i32
          %dma_wait3A_113 = tpu.memref_slice %arg10[%dma_wait3A_111, %dma_wait3A_112] : memref<10240x128xf32, #tpu.memory_space<vmem_shared>> -> memref<10240x128xf32, #tpu.memory_space<vmem_shared>>
          tpu.wait_indirect_dma semaphore(%run_scoped3A : memref<!tpu.dma_semaphore, #tpu.memory_space<semaphore_mem>>) src(%arg9 : memref<128x128xf32, #tpu.memory_space<vmem>>) dst(%dma_wait3A_113 : memref<10240x128xf32, #tpu.memory_space<vmem_shared>>)
          tpu.yield
        }) : () -> ()
      }
      %scan3A_72 = arith.constant 16 : i32
    }
    %scan3A_32 = arith.constant 5 : i32
    %barrier3A_33 = arith.constant 0 : index
    tpu.barrier barrier_id(%barrier3A_33)
    %mul3A_34 = arith.constant 640 : i32
    %mul3A_35 = arith.muli %arg1, %mul3A_34 : i32
    %mul3A_36 = arith.constant 10240 : i32
    %mul3A_37 = arith.muli %arg0, %mul3A_36 : i32
    %mul3A_38 = arith.constant 640 : i32
    %mul3A_39 = arith.muli %arg1, %mul3A_38 : i32
    %add3A_40 = arith.addi %mul3A_37, %mul3A_39 : i32
    "tpu.region"() ({
      %run_scoped3A = tpu.sem_alloc : memref<!tpu.dma_semaphore, #tpu.memory_space<semaphore_mem>>
      %dma_start3A = arith.constant 0 : i32
      %dma_start3A_41 = tpu.memref_slice %arg5[%add3A_40, %dma_start3A] : memref<20480x128xf32, #tpu.memory_space<hbm>> -> memref<640x128xf32, #tpu.memory_space<hbm>>
      %dma_start3A_42 = arith.constant 0 : i32
      %dma_start3A_43 = tpu.memref_slice %arg10[%mul3A_35, %dma_start3A_42] : memref<10240x128xf32, #tpu.memory_space<vmem_shared>> -> memref<640x128xf32, #tpu.memory_space<vmem_shared>>
      tpu.enqueue_dma source(%dma_start3A_43 : memref<640x128xf32, #tpu.memory_space<vmem_shared>>) target(%dma_start3A_41 : memref<640x128xf32, #tpu.memory_space<hbm>>) target_semaphore(%run_scoped3A : memref<!tpu.dma_semaphore, #tpu.memory_space<semaphore_mem>>)
      %dma_wait3A = arith.constant 0 : i32
      %dma_wait3A_44 = tpu.memref_slice %arg5[%add3A_40, %dma_wait3A] : memref<20480x128xf32, #tpu.memory_space<hbm>> -> memref<640x128xf32, #tpu.memory_space<hbm>>
      %dma_wait3A_45 = arith.constant 0 : i32
      %dma_wait3A_46 = tpu.memref_slice %arg10[%mul3A_35, %dma_wait3A_45] : memref<10240x128xf32, #tpu.memory_space<vmem_shared>> -> memref<640x128xf32, #tpu.memory_space<vmem_shared>>
      tpu.wait_dma2 semaphore(%run_scoped3A : memref<!tpu.dma_semaphore, #tpu.memory_space<semaphore_mem>>) src(%dma_wait3A_46 : memref<640x128xf32, #tpu.memory_space<vmem_shared>>) dst(%dma_wait3A_44 : memref<640x128xf32, #tpu.memory_space<hbm>>)
      tpu.yield
    }) : () -> ()
    return
  }
}

#map = affine_map<(d0, d1) -> (0, 0)>
module attributes {stable_mosaic.version = 14 : i64} {
  func.func @_agg_kernel(%arg0: i32, %arg1: i32, %arg2: memref<20000x128xf32, #tpu.memory_space<hbm>>, %arg3: memref<2560x128xi32, #tpu.memory_space<hbm>>, %arg4: memref<2560x128xi32, #tpu.memory_space<hbm>>, %arg5: memref<20480x128xf32, #tpu.memory_space<hbm>>, %arg6: memref<32x128xi32, #tpu.memory_space<vmem>>, %arg7: memref<32x128xi32, #tpu.memory_space<vmem>>, %arg8: memref<128x128xf32, #tpu.memory_space<vmem>>, %arg9: memref<128x128xf32, #tpu.memory_space<vmem>>, %arg10: memref<10240x128xf32, #tpu.memory_space<vmem_shared>>, %arg11: memref<!tpu.dma_semaphore, #tpu.memory_space<semaphore_mem>>, %arg12: memref<!tpu.dma_semaphore, #tpu.memory_space<semaphore_mem>>) attributes {dimension_semantics = [#tpu.dimension_semantics<core_parallel>, #tpu.dimension_semantics<subcore_parallel>], iteration_bounds = array<i64: 2, 16>, scalar_prefetch = 0 : i64, scratch_operands = 7 : i64, tpu.core_type = #tpu.core_type<sc_vector_subcore>, window_params = [{transform_indices = #map}, {transform_indices = #map}, {transform_indices = #map}, {transform_indices = #map}]} {
    %scan3A = arith.constant 0 : i32
    %scan3A_0 = arith.constant 0 : i32
    %scan3A_1 = arith.constant 1024 : i32
    %scan3A_2 = arith.addi %scan3A_0, %scan3A_1 : i32
    %scan3A_3 = arith.constant 1 : i32
    scf.for %scan3A_41 = %scan3A_0 to %scan3A_2 step %scan3A_3  : i32 {
      %jit3A = arith.constant 8 : i32
      %div3A = arith.divsi %scan3A_41, %jit3A : i32
      %sign3A = arith.constant 0 : i32
      %sign3A_42 = arith.cmpi sgt, %scan3A_41, %sign3A : i32
      %sign3A_43 = arith.extui %sign3A_42 : i1 to i32
      %sign3A_44 = arith.constant 0 : i32
      %sign3A_45 = arith.cmpi slt, %scan3A_41, %sign3A_44 : i32
      %sign3A_46 = arith.extui %sign3A_45 : i1 to i32
      %sign3A_47 = arith.subi %sign3A_43, %sign3A_46 : i32
      %sign3A_48 = arith.constant 0 : i32
      %sign3A_49 = arith.cmpi sgt, %jit3A, %sign3A_48 : i32
      %sign3A_50 = arith.extui %sign3A_49 : i1 to i32
      %sign3A_51 = arith.constant 0 : i32
      %sign3A_52 = arith.cmpi slt, %jit3A, %sign3A_51 : i32
      %sign3A_53 = arith.extui %sign3A_52 : i1 to i32
      %sign3A_54 = arith.subi %sign3A_50, %sign3A_53 : i32
      %ne3A = arith.cmpi ne, %sign3A_47, %sign3A_54 : i32
      %rem3A = arith.remsi %scan3A_41, %jit3A : i32
      %ne3A_55 = arith.constant 0 : i32
      %ne3A_56 = arith.cmpi ne, %rem3A, %ne3A_55 : i32
      %and3A = arith.andi %ne3A, %ne3A_56 : i1
      %sub3A = arith.constant 1 : i32
      %sub3A_57 = arith.subi %div3A, %sub3A : i32
      %select_n3A = arith.select %and3A, %sub3A_57, %div3A : i32
      %mul3A_58 = arith.constant 8 : i32
      %mul3A_59 = arith.muli %select_n3A, %mul3A_58 : i32
      %sub3A_60 = arith.subi %scan3A_41, %mul3A_59 : i32
      %mul3A_61 = arith.constant 16 : i32
      %mul3A_62 = arith.muli %sub3A_60, %mul3A_61 : i32
      %broadcast_in_dim3A = arith.constant 0.000000e+00 : f32
      %broadcast_in_dim3A_63 = vector.broadcast %broadcast_in_dim3A : f32 to vector<16xf32>
      %swap3A = arith.index_cast %select_n3A : i32 to index
      %swap3A_64 = arith.index_cast %mul3A_62 : i32 to index
      %swap3A_65 = tpu.vector_load %arg8[%swap3A, %swap3A_64] {strides = array<i32>} : memref<128x128xf32, #tpu.memory_space<vmem>>, vector<1x16xf32>,
      %swap3A_66 = vector.shape_cast %swap3A_65 : vector<1x16xf32> to vector<16xf32>
      %swap3A_67 = vector.shape_cast %broadcast_in_dim3A_63 : vector<16xf32> to vector<1x16xf32>
      tpu.vector_store %arg8[%swap3A, %swap3A_64], %swap3A_67 {strides = array<i32>} : memref<128x128xf32, #tpu.memory_space<vmem>>, vector<1x16xf32>,
    }
    %scan3A_4 = arith.constant 1024 : i32
    %mul3A = arith.constant 640 : i32
    %mul3A_5 = arith.muli %arg1, %mul3A : i32
    %add3A = arith.constant 0 : i32
    %add3A_6 = arith.addi %mul3A_5, %add3A : i32
    "tpu.region"() ({
      %run_scoped3A = tpu.sem_alloc : memref<!tpu.dma_semaphore, #tpu.memory_space<semaphore_mem>>
      %dma_start3A = arith.constant 0 : i32
      %dma_start3A_41 = tpu.memref_slice %arg10[%add3A_6, %dma_start3A] : memref<10240x128xf32, #tpu.memory_space<vmem_shared>> -> memref<128x128xf32, #tpu.memory_space<vmem_shared>>
      %dma_start3A_42 = arith.constant 0 : i32
      %dma_start3A_43 = tpu.memref_slice %arg10[%add3A_6, %dma_start3A_42] : memref<10240x128xf32, #tpu.memory_space<vmem_shared>> -> memref<128x128xf32, #tpu.memory_space<vmem_shared>>
      tpu.enqueue_dma source(%arg8 : memref<128x128xf32, #tpu.memory_space<vmem>>) target(%dma_start3A_43 : memref<128x128xf32, #tpu.memory_space<vmem_shared>>) target_semaphore(%run_scoped3A : memref<!tpu.dma_semaphore, #tpu.memory_space<semaphore_mem>>)
      %dma_wait3A = arith.constant 0 : i32
      %dma_wait3A_44 = tpu.memref_slice %arg10[%add3A_6, %dma_wait3A] : memref<10240x128xf32, #tpu.memory_space<vmem_shared>> -> memref<128x128xf32, #tpu.memory_space<vmem_shared>>
      %dma_wait3A_45 = arith.constant 0 : i32
      %dma_wait3A_46 = tpu.memref_slice %arg10[%add3A_6, %dma_wait3A_45] : memref<10240x128xf32, #tpu.memory_space<vmem_shared>> -> memref<128x128xf32, #tpu.memory_space<vmem_shared>>
      tpu.wait_dma2 semaphore(%run_scoped3A : memref<!tpu.dma_semaphore, #tpu.memory_space<semaphore_mem>>) src(%arg8 : memref<128x128xf32, #tpu.memory_space<vmem>>) dst(%dma_wait3A_46 : memref<128x128xf32, #tpu.memory_space<vmem_shared>>)
      tpu.yield
    }) : () -> ()
    %mul3A_7 = arith.constant 640 : i32
    %mul3A_8 = arith.muli %arg1, %mul3A_7 : i32
    %add3A_9 = arith.constant 128 : i32
    %add3A_10 = arith.addi %mul3A_8, %add3A_9 : i32
    "tpu.region"() ({
      %run_scoped3A = tpu.sem_alloc : memref<!tpu.dma_semaphore, #tpu.memory_space<semaphore_mem>>
      %dma_start3A = arith.constant 0 : i32
      %dma_start3A_41 = tpu.memref_slice %arg10[%add3A_10, %dma_start3A] : memref<10240x128xf32, #tpu.memory_space<vmem_shared>> -> memref<128x128xf32, #tpu.memory_space<vmem_shared>>
      %dma_start3A_42 = arith.constant 0 : i32
      %dma_start3A_43 = tpu.memref_slice %arg10[%add3A_10, %dma_start3A_42] : memref<10240x128xf32, #tpu.memory_space<vmem_shared>> -> memref<128x128xf32, #tpu.memory_space<vmem_shared>>
      tpu.enqueue_dma source(%arg8 : memref<128x128xf32, #tpu.memory_space<vmem>>) target(%dma_start3A_43 : memref<128x128xf32, #tpu.memory_space<vmem_shared>>) target_semaphore(%run_scoped3A : memref<!tpu.dma_semaphore, #tpu.memory_space<semaphore_mem>>)
      %dma_wait3A = arith.constant 0 : i32
      %dma_wait3A_44 = tpu.memref_slice %arg10[%add3A_10, %dma_wait3A] : memref<10240x128xf32, #tpu.memory_space<vmem_shared>> -> memref<128x128xf32, #tpu.memory_space<vmem_shared>>
      %dma_wait3A_45 = arith.constant 0 : i32
      %dma_wait3A_46 = tpu.memref_slice %arg10[%add3A_10, %dma_wait3A_45] : memref<10240x128xf32, #tpu.memory_space<vmem_shared>> -> memref<128x128xf32, #tpu.memory_space<vmem_shared>>
      tpu.wait_dma2 semaphore(%run_scoped3A : memref<!tpu.dma_semaphore, #tpu.memory_space<semaphore_mem>>) src(%arg8 : memref<128x128xf32, #tpu.memory_space<vmem>>) dst(%dma_wait3A_46 : memref<128x128xf32, #tpu.memory_space<vmem_shared>>)
      tpu.yield
    }) : () -> ()
    %mul3A_11 = arith.constant 640 : i32
    %mul3A_12 = arith.muli %arg1, %mul3A_11 : i32
    %add3A_13 = arith.constant 256 : i32
    %add3A_14 = arith.addi %mul3A_12, %add3A_13 : i32
    "tpu.region"() ({
      %run_scoped3A = tpu.sem_alloc : memref<!tpu.dma_semaphore, #tpu.memory_space<semaphore_mem>>
      %dma_start3A = arith.constant 0 : i32
      %dma_start3A_41 = tpu.memref_slice %arg10[%add3A_14, %dma_start3A] : memref<10240x128xf32, #tpu.memory_space<vmem_shared>> -> memref<128x128xf32, #tpu.memory_space<vmem_shared>>
      %dma_start3A_42 = arith.constant 0 : i32
      %dma_start3A_43 = tpu.memref_slice %arg10[%add3A_14, %dma_start3A_42] : memref<10240x128xf32, #tpu.memory_space<vmem_shared>> -> memref<128x128xf32, #tpu.memory_space<vmem_shared>>
      tpu.enqueue_dma source(%arg8 : memref<128x128xf32, #tpu.memory_space<vmem>>) target(%dma_start3A_43 : memref<128x128xf32, #tpu.memory_space<vmem_shared>>) target_semaphore(%run_scoped3A : memref<!tpu.dma_semaphore, #tpu.memory_space<semaphore_mem>>)
      %dma_wait3A = arith.constant 0 : i32
      %dma_wait3A_44 = tpu.memref_slice %arg10[%add3A_14, %dma_wait3A] : memref<10240x128xf32, #tpu.memory_space<vmem_shared>> -> memref<128x128xf32, #tpu.memory_space<vmem_shared>>
      %dma_wait3A_45 = arith.constant 0 : i32
      %dma_wait3A_46 = tpu.memref_slice %arg10[%add3A_14, %dma_wait3A_45] : memref<10240x128xf32, #tpu.memory_space<vmem_shared>> -> memref<128x128xf32, #tpu.memory_space<vmem_shared>>
      tpu.wait_dma2 semaphore(%run_scoped3A : memref<!tpu.dma_semaphore, #tpu.memory_space<semaphore_mem>>) src(%arg8 : memref<128x128xf32, #tpu.memory_space<vmem>>) dst(%dma_wait3A_46 : memref<128x128xf32, #tpu.memory_space<vmem_shared>>)
      tpu.yield
    }) : () -> ()
    %mul3A_15 = arith.constant 640 : i32
    %mul3A_16 = arith.muli %arg1, %mul3A_15 : i32
    %add3A_17 = arith.constant 384 : i32
    %add3A_18 = arith.addi %mul3A_16, %add3A_17 : i32
    "tpu.region"() ({
      %run_scoped3A = tpu.sem_alloc : memref<!tpu.dma_semaphore, #tpu.memory_space<semaphore_mem>>
      %dma_start3A = arith.constant 0 : i32
      %dma_start3A_41 = tpu.memref_slice %arg10[%add3A_18, %dma_start3A] : memref<10240x128xf32, #tpu.memory_space<vmem_shared>> -> memref<128x128xf32, #tpu.memory_space<vmem_shared>>
      %dma_start3A_42 = arith.constant 0 : i32
      %dma_start3A_43 = tpu.memref_slice %arg10[%add3A_18, %dma_start3A_42] : memref<10240x128xf32, #tpu.memory_space<vmem_shared>> -> memref<128x128xf32, #tpu.memory_space<vmem_shared>>
      tpu.enqueue_dma source(%arg8 : memref<128x128xf32, #tpu.memory_space<vmem>>) target(%dma_start3A_43 : memref<128x128xf32, #tpu.memory_space<vmem_shared>>) target_semaphore(%run_scoped3A : memref<!tpu.dma_semaphore, #tpu.memory_space<semaphore_mem>>)
      %dma_wait3A = arith.constant 0 : i32
      %dma_wait3A_44 = tpu.memref_slice %arg10[%add3A_18, %dma_wait3A] : memref<10240x128xf32, #tpu.memory_space<vmem_shared>> -> memref<128x128xf32, #tpu.memory_space<vmem_shared>>
      %dma_wait3A_45 = arith.constant 0 : i32
      %dma_wait3A_46 = tpu.memref_slice %arg10[%add3A_18, %dma_wait3A_45] : memref<10240x128xf32, #tpu.memory_space<vmem_shared>> -> memref<128x128xf32, #tpu.memory_space<vmem_shared>>
      tpu.wait_dma2 semaphore(%run_scoped3A : memref<!tpu.dma_semaphore, #tpu.memory_space<semaphore_mem>>) src(%arg8 : memref<128x128xf32, #tpu.memory_space<vmem>>) dst(%dma_wait3A_46 : memref<128x128xf32, #tpu.memory_space<vmem_shared>>)
      tpu.yield
    }) : () -> ()
    %mul3A_19 = arith.constant 640 : i32
    %mul3A_20 = arith.muli %arg1, %mul3A_19 : i32
    %add3A_21 = arith.constant 512 : i32
    %add3A_22 = arith.addi %mul3A_20, %add3A_21 : i32
    "tpu.region"() ({
      %run_scoped3A = tpu.sem_alloc : memref<!tpu.dma_semaphore, #tpu.memory_space<semaphore_mem>>
      %dma_start3A = arith.constant 0 : i32
      %dma_start3A_41 = tpu.memref_slice %arg10[%add3A_22, %dma_start3A] : memref<10240x128xf32, #tpu.memory_space<vmem_shared>> -> memref<128x128xf32, #tpu.memory_space<vmem_shared>>
      %dma_start3A_42 = arith.constant 0 : i32
      %dma_start3A_43 = tpu.memref_slice %arg10[%add3A_22, %dma_start3A_42] : memref<10240x128xf32, #tpu.memory_space<vmem_shared>> -> memref<128x128xf32, #tpu.memory_space<vmem_shared>>
      tpu.enqueue_dma source(%arg8 : memref<128x128xf32, #tpu.memory_space<vmem>>) target(%dma_start3A_43 : memref<128x128xf32, #tpu.memory_space<vmem_shared>>) target_semaphore(%run_scoped3A : memref<!tpu.dma_semaphore, #tpu.memory_space<semaphore_mem>>)
      %dma_wait3A = arith.constant 0 : i32
      %dma_wait3A_44 = tpu.memref_slice %arg10[%add3A_22, %dma_wait3A] : memref<10240x128xf32, #tpu.memory_space<vmem_shared>> -> memref<128x128xf32, #tpu.memory_space<vmem_shared>>
      %dma_wait3A_45 = arith.constant 0 : i32
      %dma_wait3A_46 = tpu.memref_slice %arg10[%add3A_22, %dma_wait3A_45] : memref<10240x128xf32, #tpu.memory_space<vmem_shared>> -> memref<128x128xf32, #tpu.memory_space<vmem_shared>>
      tpu.wait_dma2 semaphore(%run_scoped3A : memref<!tpu.dma_semaphore, #tpu.memory_space<semaphore_mem>>) src(%arg8 : memref<128x128xf32, #tpu.memory_space<vmem>>) dst(%dma_wait3A_46 : memref<128x128xf32, #tpu.memory_space<vmem_shared>>)
      tpu.yield
    }) : () -> ()
    %barrier3A = arith.constant 0 : index
    tpu.barrier barrier_id(%barrier3A)
    %mul3A_23 = arith.constant 10000 : i32
    %mul3A_24 = arith.muli %arg0, %mul3A_23 : i32
    %mul3A_25 = arith.constant 160 : i32
    %mul3A_26 = arith.muli %arg1, %mul3A_25 : i32
    %scan3A_27 = arith.constant 0 : i32
    %scan3A_28 = arith.constant 0 : i32
    %scan3A_29 = arith.constant 5 : i32
    %scan3A_30 = arith.addi %scan3A_28, %scan3A_29 : i32
    %scan3A_31 = arith.constant 1 : i32
    scf.for %scan3A_41 = %scan3A_28 to %scan3A_30 step %scan3A_31  : i32 {
      %mul3A_42 = arith.constant 32 : i32
      %mul3A_43 = arith.muli %scan3A_41, %mul3A_42 : i32
      %add3A_44 = arith.addi %mul3A_26, %mul3A_43 : i32
      "tpu.region"() ({
        %run_scoped3A = tpu.sem_alloc : memref<!tpu.dma_semaphore, #tpu.memory_space<semaphore_mem>>
        %dma_start3A_73 = arith.constant 0 : i32
        %dma_start3A_74 = tpu.memref_slice %arg3[%add3A_44, %dma_start3A_73] : memref<2560x128xi32, #tpu.memory_space<hbm>> -> memref<32x128xi32, #tpu.memory_space<hbm>>
        %dma_start3A_75 = arith.constant 0 : i32
        %dma_start3A_76 = tpu.memref_slice %arg3[%add3A_44, %dma_start3A_75] : memref<2560x128xi32, #tpu.memory_space<hbm>> -> memref<32x128xi32, #tpu.memory_space<hbm>>
        tpu.enqueue_dma source(%dma_start3A_76 : memref<32x128xi32, #tpu.memory_space<hbm>>) target(%arg6 : memref<32x128xi32, #tpu.memory_space<vmem>>) target_semaphore(%run_scoped3A : memref<!tpu.dma_semaphore, #tpu.memory_space<semaphore_mem>>)
        %dma_wait3A = arith.constant 0 : i32
        %dma_wait3A_77 = tpu.memref_slice %arg3[%add3A_44, %dma_wait3A] : memref<2560x128xi32, #tpu.memory_space<hbm>> -> memref<32x128xi32, #tpu.memory_space<hbm>>
        %dma_wait3A_78 = arith.constant 0 : i32
        %dma_wait3A_79 = tpu.memref_slice %arg3[%add3A_44, %dma_wait3A_78] : memref<2560x128xi32, #tpu.memory_space<hbm>> -> memref<32x128xi32, #tpu.memory_space<hbm>>
        tpu.wait_dma2 semaphore(%run_scoped3A : memref<!tpu.dma_semaphore, #tpu.memory_space<semaphore_mem>>) src(%dma_wait3A_79 : memref<32x128xi32, #tpu.memory_space<hbm>>) dst(%arg6 : memref<32x128xi32, #tpu.memory_space<vmem>>)
        tpu.yield
      }) : () -> ()
      %mul3A_45 = arith.constant 32 : i32
      %mul3A_46 = arith.muli %scan3A_41, %mul3A_45 : i32
      %add3A_47 = arith.addi %mul3A_26, %mul3A_46 : i32
      "tpu.region"() ({
        %run_scoped3A = tpu.sem_alloc : memref<!tpu.dma_semaphore, #tpu.memory_space<semaphore_mem>>
        %dma_start3A_73 = arith.constant 0 : i32
        %dma_start3A_74 = tpu.memref_slice %arg4[%add3A_47, %dma_start3A_73] : memref<2560x128xi32, #tpu.memory_space<hbm>> -> memref<32x128xi32, #tpu.memory_space<hbm>>
        %dma_start3A_75 = arith.constant 0 : i32
        %dma_start3A_76 = tpu.memref_slice %arg4[%add3A_47, %dma_start3A_75] : memref<2560x128xi32, #tpu.memory_space<hbm>> -> memref<32x128xi32, #tpu.memory_space<hbm>>
        tpu.enqueue_dma source(%dma_start3A_76 : memref<32x128xi32, #tpu.memory_space<hbm>>) target(%arg7 : memref<32x128xi32, #tpu.memory_space<vmem>>) target_semaphore(%run_scoped3A : memref<!tpu.dma_semaphore, #tpu.memory_space<semaphore_mem>>)
        %dma_wait3A = arith.constant 0 : i32
        %dma_wait3A_77 = tpu.memref_slice %arg4[%add3A_47, %dma_wait3A] : memref<2560x128xi32, #tpu.memory_space<hbm>> -> memref<32x128xi32, #tpu.memory_space<hbm>>
        %dma_wait3A_78 = arith.constant 0 : i32
        %dma_wait3A_79 = tpu.memref_slice %arg4[%add3A_47, %dma_wait3A_78] : memref<2560x128xi32, #tpu.memory_space<hbm>> -> memref<32x128xi32, #tpu.memory_space<hbm>>
        tpu.wait_dma2 semaphore(%run_scoped3A : memref<!tpu.dma_semaphore, #tpu.memory_space<semaphore_mem>>) src(%dma_wait3A_79 : memref<32x128xi32, #tpu.memory_space<hbm>>) dst(%arg7 : memref<32x128xi32, #tpu.memory_space<vmem>>)
        tpu.yield
      }) : () -> ()
      %scan3A_48 = arith.constant 0 : i32
      %scan3A_49 = arith.constant 0 : i32
      %scan3A_50 = arith.constant 256 : i32
      %scan3A_51 = arith.addi %scan3A_49, %scan3A_50 : i32
      %scan3A_52 = arith.constant 1 : i32
      scf.for %scan3A_73 = %scan3A_49 to %scan3A_51 step %scan3A_52  : i32 {
        %jit3A = arith.constant 8 : i32
        %div3A = arith.divsi %scan3A_73, %jit3A : i32
        %sign3A = arith.constant 0 : i32
        %sign3A_74 = arith.cmpi sgt, %scan3A_73, %sign3A : i32
        %sign3A_75 = arith.extui %sign3A_74 : i1 to i32
        %sign3A_76 = arith.constant 0 : i32
        %sign3A_77 = arith.cmpi slt, %scan3A_73, %sign3A_76 : i32
        %sign3A_78 = arith.extui %sign3A_77 : i1 to i32
        %sign3A_79 = arith.subi %sign3A_75, %sign3A_78 : i32
        %sign3A_80 = arith.constant 0 : i32
        %sign3A_81 = arith.cmpi sgt, %jit3A, %sign3A_80 : i32
        %sign3A_82 = arith.extui %sign3A_81 : i1 to i32
        %sign3A_83 = arith.constant 0 : i32
        %sign3A_84 = arith.cmpi slt, %jit3A, %sign3A_83 : i32
        %sign3A_85 = arith.extui %sign3A_84 : i1 to i32
        %sign3A_86 = arith.subi %sign3A_82, %sign3A_85 : i32
        %ne3A = arith.cmpi ne, %sign3A_79, %sign3A_86 : i32
        %rem3A = arith.remsi %scan3A_73, %jit3A : i32
        %ne3A_87 = arith.constant 0 : i32
        %ne3A_88 = arith.cmpi ne, %rem3A, %ne3A_87 : i32
        %and3A = arith.andi %ne3A, %ne3A_88 : i1
        %sub3A = arith.constant 1 : i32
        %sub3A_89 = arith.subi %div3A, %sub3A : i32
        %select_n3A = arith.select %and3A, %sub3A_89, %div3A : i32
        %mul3A_90 = arith.constant 8 : i32
        %mul3A_91 = arith.muli %select_n3A, %mul3A_90 : i32
        %sub3A_92 = arith.subi %scan3A_73, %mul3A_91 : i32
        %mul3A_93 = arith.constant 16 : i32
        %mul3A_94 = arith.muli %sub3A_92, %mul3A_93 : i32
        %get3A = arith.index_cast %select_n3A : i32 to index
        %get3A_95 = arith.index_cast %mul3A_94 : i32 to index
        %get3A_96 = tpu.vector_load %arg6[%get3A, %get3A_95] {strides = array<i32>} : memref<32x128xi32, #tpu.memory_space<vmem>>, vector<1x16xi32>,
        %get3A_97 = vector.shape_cast %get3A_96 : vector<1x16xi32> to vector<16xi32>
        %add3A_98 = vector.broadcast %mul3A_24 : i32 to vector<16xi32>
        %add3A_99 = arith.addi %get3A_97, %add3A_98 : vector<16xi32>
        %swap3A = arith.index_cast %select_n3A : i32 to index
        %swap3A_100 = arith.index_cast %mul3A_94 : i32 to index
        %swap3A_101 = tpu.vector_load %arg6[%swap3A, %swap3A_100] {strides = array<i32>} : memref<32x128xi32, #tpu.memory_space<vmem>>, vector<1x16xi32>,
        %swap3A_102 = vector.shape_cast %swap3A_101 : vector<1x16xi32> to vector<16xi32>
        %swap3A_103 = vector.shape_cast %add3A_99 : vector<16xi32> to vector<1x16xi32>
        tpu.vector_store %arg6[%swap3A, %swap3A_100], %swap3A_103 {strides = array<i32>} : memref<32x128xi32, #tpu.memory_space<vmem>>, vector<1x16xi32>,
      }
      %scan3A_53 = arith.constant 256 : i32
      %dma_start3A = arith.constant 0 : i32
      %dma_start3A_54 = arith.constant 0 : i32
      %dma_start3A_55 = tpu.memref_slice %arg6[%dma_start3A, %dma_start3A_54] : memref<32x128xi32, #tpu.memory_space<vmem>> -> memref<1x128xi32, #tpu.memory_space<vmem>>
      %dma_start3A_56 = tpu.memref_squeeze %dma_start3A_55 : memref<1x128xi32, #tpu.memory_space<vmem>> -> memref<128xi32, #tpu.memory_space<vmem>>
      %dma_start3A_57 = arith.constant 0 : i32
      %dma_start3A_58 = arith.constant 0 : i32
      %dma_start3A_59 = tpu.memref_slice %arg2[%dma_start3A_57, %dma_start3A_58] : memref<20000x128xf32, #tpu.memory_space<hbm>> -> memref<20000x128xf32, #tpu.memory_space<hbm>>
      tpu.enqueue_indirect_dma source(%dma_start3A_59 : memref<20000x128xf32, #tpu.memory_space<hbm>>) target(%arg8 : memref<128x128xf32, #tpu.memory_space<vmem>>) offsets(%dma_start3A_56 : memref<128xi32, #tpu.memory_space<vmem>>) semaphore(%arg11 : memref<!tpu.dma_semaphore, #tpu.memory_space<semaphore_mem>>)
      %dma_start3A_60 = arith.constant 1 : i32
      %dma_start3A_61 = arith.constant 0 : i32
      %dma_start3A_62 = tpu.memref_slice %arg6[%dma_start3A_60, %dma_start3A_61] : memref<32x128xi32, #tpu.memory_space<vmem>> -> memref<1x128xi32, #tpu.memory_space<vmem>>
      %dma_start3A_63 = tpu.memref_squeeze %dma_start3A_62 : memref<1x128xi32, #tpu.memory_space<vmem>> -> memref<128xi32, #tpu.memory_space<vmem>>
      %dma_start3A_64 = arith.constant 0 : i32
      %dma_start3A_65 = arith.constant 0 : i32
      %dma_start3A_66 = tpu.memref_slice %arg2[%dma_start3A_64, %dma_start3A_65] : memref<20000x128xf32, #tpu.memory_space<hbm>> -> memref<20000x128xf32, #tpu.memory_space<hbm>>
      tpu.enqueue_indirect_dma source(%dma_start3A_66 : memref<20000x128xf32, #tpu.memory_space<hbm>>) target(%arg9 : memref<128x128xf32, #tpu.memory_space<vmem>>) offsets(%dma_start3A_63 : memref<128xi32, #tpu.memory_space<vmem>>) semaphore(%arg12 : memref<!tpu.dma_semaphore, #tpu.memory_space<semaphore_mem>>)
      %scan3A_67 = arith.constant 0 : i32
      %scan3A_68 = arith.constant 0 : i32
      %scan3A_69 = arith.constant 16 : i32
      %scan3A_70 = arith.addi %scan3A_68, %scan3A_69 : i32
      %scan3A_71 = arith.constant 1 : i32
      scf.for %scan3A_73 = %scan3A_68 to %scan3A_70 step %scan3A_71  : i32 {
        %mul3A_74 = arith.constant 2 : i32
        %mul3A_75 = arith.muli %mul3A_74, %scan3A_73 : i32
        %dma_wait3A = arith.constant 0 : i32
        %dma_wait3A_76 = tpu.memref_slice %arg6[%mul3A_75, %dma_wait3A] : memref<32x128xi32, #tpu.memory_space<vmem>> -> memref<1x128xi32, #tpu.memory_space<vmem>>
        %dma_wait3A_77 = tpu.memref_squeeze %dma_wait3A_76 : memref<1x128xi32, #tpu.memory_space<vmem>> -> memref<128xi32, #tpu.memory_space<vmem>>
        %dma_wait3A_78 = arith.constant 0 : i32
        %dma_wait3A_79 = arith.constant 0 : i32
        %dma_wait3A_80 = tpu.memref_slice %arg2[%dma_wait3A_78, %dma_wait3A_79] : memref<20000x128xf32, #tpu.memory_space<hbm>> -> memref<20000x128xf32, #tpu.memory_space<hbm>>
        tpu.wait_indirect_dma semaphore(%arg11 : memref<!tpu.dma_semaphore, #tpu.memory_space<semaphore_mem>>) src(%dma_wait3A_80 : memref<20000x128xf32, #tpu.memory_space<hbm>>) dst(%arg8 : memref<128x128xf32, #tpu.memory_space<vmem>>)
        %add3A_81 = arith.constant 2 : i32
        %add3A_82 = arith.addi %mul3A_75, %add3A_81 : i32
        %lt3A = arith.constant 32 : i32
        %lt3A_83 = arith.cmpi slt, %add3A_82, %lt3A : i32
        %convert_element_type3A = arith.extui %lt3A_83 : i1 to i32
        %cond3A = arith.constant 0 : i32
        %cond3A_84 = arith.cmpi ne, %convert_element_type3A, %cond3A : i32
        scf.if %cond3A_84 {
          %add3A_102 = arith.constant 2 : i32
          %add3A_103 = arith.addi %mul3A_75, %add3A_102 : i32
          %dma_start3A_104 = arith.constant 0 : i32
          %dma_start3A_105 = tpu.memref_slice %arg6[%add3A_103, %dma_start3A_104] : memref<32x128xi32, #tpu.memory_space<vmem>> -> memref<1x128xi32, #tpu.memory_space<vmem>>
          %dma_start3A_106 = tpu.memref_squeeze %dma_start3A_105 : memref<1x128xi32, #tpu.memory_space<vmem>> -> memref<128xi32, #tpu.memory_space<vmem>>
          %dma_start3A_107 = arith.constant 0 : i32
          %dma_start3A_108 = arith.constant 0 : i32
          %dma_start3A_109 = tpu.memref_slice %arg2[%dma_start3A_107, %dma_start3A_108] : memref<20000x128xf32, #tpu.memory_space<hbm>> -> memref<20000x128xf32, #tpu.memory_space<hbm>>
          tpu.enqueue_indirect_dma source(%dma_start3A_109 : memref<20000x128xf32, #tpu.memory_space<hbm>>) target(%arg8 : memref<128x128xf32, #tpu.memory_space<vmem>>) offsets(%dma_start3A_106 : memref<128xi32, #tpu.memory_space<vmem>>) semaphore(%arg11 : memref<!tpu.dma_semaphore, #tpu.memory_space<semaphore_mem>>)
        } else {
        }
        "tpu.region"() ({
          %run_scoped3A = tpu.sem_alloc : memref<!tpu.dma_semaphore, #tpu.memory_space<semaphore_mem>>
          %dma_start3A_102 = arith.constant 0 : i32
          %dma_start3A_103 = tpu.memref_slice %arg7[%mul3A_75, %dma_start3A_102] : memref<32x128xi32, #tpu.memory_space<vmem>> -> memref<1x128xi32, #tpu.memory_space<vmem>>
          %dma_start3A_104 = tpu.memref_squeeze %dma_start3A_103 : memref<1x128xi32, #tpu.memory_space<vmem>> -> memref<128xi32, #tpu.memory_space<vmem>>
          %dma_start3A_105 = arith.constant 0 : i32
          %dma_start3A_106 = arith.constant 0 : i32
          %dma_start3A_107 = tpu.memref_slice %arg10[%dma_start3A_105, %dma_start3A_106] : memref<10240x128xf32, #tpu.memory_space<vmem_shared>> -> memref<10240x128xf32, #tpu.memory_space<vmem_shared>>
          tpu.enqueue_indirect_dma source(%arg8 : memref<128x128xf32, #tpu.memory_space<vmem>>) target(%dma_start3A_107 : memref<10240x128xf32, #tpu.memory_space<vmem_shared>>) offsets(%dma_start3A_104 : memref<128xi32, #tpu.memory_space<vmem>>) semaphore(%run_scoped3A : memref<!tpu.dma_semaphore, #tpu.memory_space<semaphore_mem>>) {add = true}
          %dma_wait3A_108 = arith.constant 0 : i32
          %dma_wait3A_109 = tpu.memref_slice %arg7[%mul3A_75, %dma_wait3A_108] : memref<32x128xi32, #tpu.memory_space<vmem>> -> memref<1x128xi32, #tpu.memory_space<vmem>>
          %dma_wait3A_110 = tpu.memref_squeeze %dma_wait3A_109 : memref<1x128xi32, #tpu.memory_space<vmem>> -> memref<128xi32, #tpu.memory_space<vmem>>
          %dma_wait3A_111 = arith.constant 0 : i32
          %dma_wait3A_112 = arith.constant 0 : i32
          %dma_wait3A_113 = tpu.memref_slice %arg10[%dma_wait3A_111, %dma_wait3A_112] : memref<10240x128xf32, #tpu.memory_space<vmem_shared>> -> memref<10240x128xf32, #tpu.memory_space<vmem_shared>>
          tpu.wait_indirect_dma semaphore(%run_scoped3A : memref<!tpu.dma_semaphore, #tpu.memory_space<semaphore_mem>>) src(%arg8 : memref<128x128xf32, #tpu.memory_space<vmem>>) dst(%dma_wait3A_113 : memref<10240x128xf32, #tpu.memory_space<vmem_shared>>)
          tpu.yield
        }) : () -> ()
        %add3A_85 = arith.constant 1 : i32
        %add3A_86 = arith.addi %mul3A_75, %add3A_85 : i32
        %dma_wait3A_87 = arith.constant 0 : i32
        %dma_wait3A_88 = tpu.memref_slice %arg6[%add3A_86, %dma_wait3A_87] : memref<32x128xi32, #tpu.memory_space<vmem>> -> memref<1x128xi32, #tpu.memory_space<vmem>>
        %dma_wait3A_89 = tpu.memref_squeeze %dma_wait3A_88 : memref<1x128xi32, #tpu.memory_space<vmem>> -> memref<128xi32, #tpu.memory_space<vmem>>
        %dma_wait3A_90 = arith.constant 0 : i32
        %dma_wait3A_91 = arith.constant 0 : i32
        %dma_wait3A_92 = tpu.memref_slice %arg2[%dma_wait3A_90, %dma_wait3A_91] : memref<20000x128xf32, #tpu.memory_space<hbm>> -> memref<20000x128xf32, #tpu.memory_space<hbm>>
        tpu.wait_indirect_dma semaphore(%arg12 : memref<!tpu.dma_semaphore, #tpu.memory_space<semaphore_mem>>) src(%dma_wait3A_92 : memref<20000x128xf32, #tpu.memory_space<hbm>>) dst(%arg9 : memref<128x128xf32, #tpu.memory_space<vmem>>)
        %add3A_93 = arith.constant 3 : i32
        %add3A_94 = arith.addi %mul3A_75, %add3A_93 : i32
        %lt3A_95 = arith.constant 32 : i32
        %lt3A_96 = arith.cmpi slt, %add3A_94, %lt3A_95 : i32
        %convert_element_type3A_97 = arith.extui %lt3A_96 : i1 to i32
        %cond3A_98 = arith.constant 0 : i32
        %cond3A_99 = arith.cmpi ne, %convert_element_type3A_97, %cond3A_98 : i32
        scf.if %cond3A_99 {
          %add3A_102 = arith.constant 3 : i32
          %add3A_103 = arith.addi %mul3A_75, %add3A_102 : i32
          %dma_start3A_104 = arith.constant 0 : i32
          %dma_start3A_105 = tpu.memref_slice %arg6[%add3A_103, %dma_start3A_104] : memref<32x128xi32, #tpu.memory_space<vmem>> -> memref<1x128xi32, #tpu.memory_space<vmem>>
          %dma_start3A_106 = tpu.memref_squeeze %dma_start3A_105 : memref<1x128xi32, #tpu.memory_space<vmem>> -> memref<128xi32, #tpu.memory_space<vmem>>
          %dma_start3A_107 = arith.constant 0 : i32
          %dma_start3A_108 = arith.constant 0 : i32
          %dma_start3A_109 = tpu.memref_slice %arg2[%dma_start3A_107, %dma_start3A_108] : memref<20000x128xf32, #tpu.memory_space<hbm>> -> memref<20000x128xf32, #tpu.memory_space<hbm>>
          tpu.enqueue_indirect_dma source(%dma_start3A_109 : memref<20000x128xf32, #tpu.memory_space<hbm>>) target(%arg9 : memref<128x128xf32, #tpu.memory_space<vmem>>) offsets(%dma_start3A_106 : memref<128xi32, #tpu.memory_space<vmem>>) semaphore(%arg12 : memref<!tpu.dma_semaphore, #tpu.memory_space<semaphore_mem>>)
        } else {
        }
        %add3A_100 = arith.constant 1 : i32
        %add3A_101 = arith.addi %mul3A_75, %add3A_100 : i32
        "tpu.region"() ({
          %run_scoped3A = tpu.sem_alloc : memref<!tpu.dma_semaphore, #tpu.memory_space<semaphore_mem>>
          %dma_start3A_102 = arith.constant 0 : i32
          %dma_start3A_103 = tpu.memref_slice %arg7[%add3A_101, %dma_start3A_102] : memref<32x128xi32, #tpu.memory_space<vmem>> -> memref<1x128xi32, #tpu.memory_space<vmem>>
          %dma_start3A_104 = tpu.memref_squeeze %dma_start3A_103 : memref<1x128xi32, #tpu.memory_space<vmem>> -> memref<128xi32, #tpu.memory_space<vmem>>
          %dma_start3A_105 = arith.constant 0 : i32
          %dma_start3A_106 = arith.constant 0 : i32
          %dma_start3A_107 = tpu.memref_slice %arg10[%dma_start3A_105, %dma_start3A_106] : memref<10240x128xf32, #tpu.memory_space<vmem_shared>> -> memref<10240x128xf32, #tpu.memory_space<vmem_shared>>
          tpu.enqueue_indirect_dma source(%arg9 : memref<128x128xf32, #tpu.memory_space<vmem>>) target(%dma_start3A_107 : memref<10240x128xf32, #tpu.memory_space<vmem_shared>>) offsets(%dma_start3A_104 : memref<128xi32, #tpu.memory_space<vmem>>) semaphore(%run_scoped3A : memref<!tpu.dma_semaphore, #tpu.memory_space<semaphore_mem>>) {add = true}
          %dma_wait3A_108 = arith.constant 0 : i32
          %dma_wait3A_109 = tpu.memref_slice %arg7[%add3A_101, %dma_wait3A_108] : memref<32x128xi32, #tpu.memory_space<vmem>> -> memref<1x128xi32, #tpu.memory_space<vmem>>
          %dma_wait3A_110 = tpu.memref_squeeze %dma_wait3A_109 : memref<1x128xi32, #tpu.memory_space<vmem>> -> memref<128xi32, #tpu.memory_space<vmem>>
          %dma_wait3A_111 = arith.constant 0 : i32
          %dma_wait3A_112 = arith.constant 0 : i32
          %dma_wait3A_113 = tpu.memref_slice %arg10[%dma_wait3A_111, %dma_wait3A_112] : memref<10240x128xf32, #tpu.memory_space<vmem_shared>> -> memref<10240x128xf32, #tpu.memory_space<vmem_shared>>
          tpu.wait_indirect_dma semaphore(%run_scoped3A : memref<!tpu.dma_semaphore, #tpu.memory_space<semaphore_mem>>) src(%arg9 : memref<128x128xf32, #tpu.memory_space<vmem>>) dst(%dma_wait3A_113 : memref<10240x128xf32, #tpu.memory_space<vmem_shared>>)
          tpu.yield
        }) : () -> ()
      }
      %scan3A_72 = arith.constant 16 : i32
    }
    %scan3A_32 = arith.constant 5 : i32
    %barrier3A_33 = arith.constant 0 : index
    tpu.barrier barrier_id(%barrier3A_33)
    %mul3A_34 = arith.constant 640 : i32
    %mul3A_35 = arith.muli %arg1, %mul3A_34 : i32
    %mul3A_36 = arith.constant 10240 : i32
    %mul3A_37 = arith.muli %arg0, %mul3A_36 : i32
    %mul3A_38 = arith.constant 640 : i32
    %mul3A_39 = arith.muli %arg1, %mul3A_38 : i32
    %add3A_40 = arith.addi %mul3A_37, %mul3A_39 : i32
    "tpu.region"() ({
      %run_scoped3A = tpu.sem_alloc : memref<!tpu.dma_semaphore, #tpu.memory_space<semaphore_mem>>
      %dma_start3A = arith.constant 0 : i32
      %dma_start3A_41 = tpu.memref_slice %arg5[%add3A_40, %dma_start3A] : memref<20480x128xf32, #tpu.memory_space<hbm>> -> memref<640x128xf32, #tpu.memory_space<hbm>>
      %dma_start3A_42 = arith.constant 0 : i32
      %dma_start3A_43 = tpu.memref_slice %arg10[%mul3A_35, %dma_start3A_42] : memref<10240x128xf32, #tpu.memory_space<vmem_shared>> -> memref<640x128xf32, #tpu.memory_space<vmem_shared>>
      tpu.enqueue_dma source(%dma_start3A_43 : memref<640x128xf32, #tpu.memory_space<vmem_shared>>) target(%dma_start3A_41 : memref<640x128xf32, #tpu.memory_space<hbm>>) target_semaphore(%run_scoped3A : memref<!tpu.dma_semaphore, #tpu.memory_space<semaphore_mem>>)
      %dma_wait3A = arith.constant 0 : i32
      %dma_wait3A_44 = tpu.memref_slice %arg5[%add3A_40, %dma_wait3A] : memref<20480x128xf32, #tpu.memory_space<hbm>> -> memref<640x128xf32, #tpu.memory_space<hbm>>
      %dma_wait3A_45 = arith.constant 0 : i32
      %dma_wait3A_46 = tpu.memref_slice %arg10[%mul3A_35, %dma_wait3A_45] : memref<10240x128xf32, #tpu.memory_space<vmem_shared>> -> memref<640x128xf32, #tpu.memory_space<vmem_shared>>
      tpu.wait_dma2 semaphore(%run_scoped3A : memref<!tpu.dma_semaphore, #tpu.memory_space<semaphore_mem>>) src(%dma_wait3A_46 : memref<640x128xf32, #tpu.memory_space<vmem_shared>>) dst(%dma_wait3A_44 : memref<640x128xf32, #tpu.memory_space<hbm>>)
      tpu.yield
    }) : () -> ()
    return
  }
}

#map = affine_map<(d0, d1) -> (0, 0)>
module attributes {stable_mosaic.version = 14 : i64} {
  func.func @_pair_kernel(%arg0: i32, %arg1: i32, %arg2: memref<10000x256xf32, #tpu.memory_space<hbm>>, %arg3: memref<256x128xi32, #tpu.memory_space<hbm>>, %arg4: memref<256x128xi32, #tpu.memory_space<hbm>>, %arg5: memref<32768x256xf32, #tpu.memory_space<hbm>>, %arg6: memref<32768x256xf32, #tpu.memory_space<hbm>>, %arg7: memref<8x128xi32, #tpu.memory_space<vmem>>, %arg8: memref<8x128xi32, #tpu.memory_space<vmem>>, %arg9: memref<128x256xf32, #tpu.memory_space<vmem>>, %arg10: memref<128x256xf32, #tpu.memory_space<vmem>>, %arg11: memref<!tpu.dma_semaphore, #tpu.memory_space<semaphore_mem>>, %arg12: memref<!tpu.dma_semaphore, #tpu.memory_space<semaphore_mem>>) attributes {dimension_semantics = [#tpu.dimension_semantics<core_parallel>, #tpu.dimension_semantics<subcore_parallel>], iteration_bounds = array<i64: 2, 16>, scalar_prefetch = 0 : i64, scratch_operands = 6 : i64, tpu.core_type = #tpu.core_type<sc_vector_subcore>, window_params = [{transform_indices = #map}, {transform_indices = #map}, {transform_indices = #map}, {transform_indices = #map}, {transform_indices = #map}]} {
    %mul3A = arith.constant 16 : i32
    %mul3A_0 = arith.muli %arg0, %mul3A : i32
    %add3A = arith.addi %mul3A_0, %arg1 : i32
    %mul3A_1 = arith.constant 1024 : i32
    %mul3A_2 = arith.muli %add3A, %mul3A_1 : i32
    %mul3A_3 = arith.constant 8 : i32
    %mul3A_4 = arith.muli %add3A, %mul3A_3 : i32
    "tpu.region"() ({
      %run_scoped3A = tpu.sem_alloc : memref<!tpu.dma_semaphore, #tpu.memory_space<semaphore_mem>>
      %dma_start3A_25 = arith.constant 0 : i32
      %dma_start3A_26 = tpu.memref_slice %arg3[%mul3A_4, %dma_start3A_25] : memref<256x128xi32, #tpu.memory_space<hbm>> -> memref<8x128xi32, #tpu.memory_space<hbm>>
      %dma_start3A_27 = arith.constant 0 : i32
      %dma_start3A_28 = tpu.memref_slice %arg3[%mul3A_4, %dma_start3A_27] : memref<256x128xi32, #tpu.memory_space<hbm>> -> memref<8x128xi32, #tpu.memory_space<hbm>>
      tpu.enqueue_dma source(%dma_start3A_28 : memref<8x128xi32, #tpu.memory_space<hbm>>) target(%arg7 : memref<8x128xi32, #tpu.memory_space<vmem>>) target_semaphore(%run_scoped3A : memref<!tpu.dma_semaphore, #tpu.memory_space<semaphore_mem>>)
      %dma_wait3A = arith.constant 0 : i32
      %dma_wait3A_29 = tpu.memref_slice %arg3[%mul3A_4, %dma_wait3A] : memref<256x128xi32, #tpu.memory_space<hbm>> -> memref<8x128xi32, #tpu.memory_space<hbm>>
      %dma_wait3A_30 = arith.constant 0 : i32
      %dma_wait3A_31 = tpu.memref_slice %arg3[%mul3A_4, %dma_wait3A_30] : memref<256x128xi32, #tpu.memory_space<hbm>> -> memref<8x128xi32, #tpu.memory_space<hbm>>
      tpu.wait_dma2 semaphore(%run_scoped3A : memref<!tpu.dma_semaphore, #tpu.memory_space<semaphore_mem>>) src(%dma_wait3A_31 : memref<8x128xi32, #tpu.memory_space<hbm>>) dst(%arg7 : memref<8x128xi32, #tpu.memory_space<vmem>>)
      tpu.yield
    }) : () -> ()
    %mul3A_5 = arith.constant 8 : i32
    %mul3A_6 = arith.muli %add3A, %mul3A_5 : i32
    "tpu.region"() ({
      %run_scoped3A = tpu.sem_alloc : memref<!tpu.dma_semaphore, #tpu.memory_space<semaphore_mem>>
      %dma_start3A_25 = arith.constant 0 : i32
      %dma_start3A_26 = tpu.memref_slice %arg4[%mul3A_6, %dma_start3A_25] : memref<256x128xi32, #tpu.memory_space<hbm>> -> memref<8x128xi32, #tpu.memory_space<hbm>>
      %dma_start3A_27 = arith.constant 0 : i32
      %dma_start3A_28 = tpu.memref_slice %arg4[%mul3A_6, %dma_start3A_27] : memref<256x128xi32, #tpu.memory_space<hbm>> -> memref<8x128xi32, #tpu.memory_space<hbm>>
      tpu.enqueue_dma source(%dma_start3A_28 : memref<8x128xi32, #tpu.memory_space<hbm>>) target(%arg8 : memref<8x128xi32, #tpu.memory_space<vmem>>) target_semaphore(%run_scoped3A : memref<!tpu.dma_semaphore, #tpu.memory_space<semaphore_mem>>)
      %dma_wait3A = arith.constant 0 : i32
      %dma_wait3A_29 = tpu.memref_slice %arg4[%mul3A_6, %dma_wait3A] : memref<256x128xi32, #tpu.memory_space<hbm>> -> memref<8x128xi32, #tpu.memory_space<hbm>>
      %dma_wait3A_30 = arith.constant 0 : i32
      %dma_wait3A_31 = tpu.memref_slice %arg4[%mul3A_6, %dma_wait3A_30] : memref<256x128xi32, #tpu.memory_space<hbm>> -> memref<8x128xi32, #tpu.memory_space<hbm>>
      tpu.wait_dma2 semaphore(%run_scoped3A : memref<!tpu.dma_semaphore, #tpu.memory_space<semaphore_mem>>) src(%dma_wait3A_31 : memref<8x128xi32, #tpu.memory_space<hbm>>) dst(%arg8 : memref<8x128xi32, #tpu.memory_space<vmem>>)
      tpu.yield
    }) : () -> ()
    %dma_start3A = arith.constant 0 : i32
    %dma_start3A_7 = arith.constant 0 : i32
    %dma_start3A_8 = tpu.memref_slice %arg7[%dma_start3A, %dma_start3A_7] : memref<8x128xi32, #tpu.memory_space<vmem>> -> memref<1x128xi32, #tpu.memory_space<vmem>>
    %dma_start3A_9 = tpu.memref_squeeze %dma_start3A_8 : memref<1x128xi32, #tpu.memory_space<vmem>> -> memref<128xi32, #tpu.memory_space<vmem>>
    %dma_start3A_10 = arith.constant 0 : i32
    %dma_start3A_11 = arith.constant 0 : i32
    %dma_start3A_12 = tpu.memref_slice %arg2[%dma_start3A_10, %dma_start3A_11] : memref<10000x256xf32, #tpu.memory_space<hbm>> -> memref<10000x256xf32, #tpu.memory_space<hbm>>
    tpu.enqueue_indirect_dma source(%dma_start3A_12 : memref<10000x256xf32, #tpu.memory_space<hbm>>) target(%arg9 : memref<128x256xf32, #tpu.memory_space<vmem>>) offsets(%dma_start3A_9 : memref<128xi32, #tpu.memory_space<vmem>>) semaphore(%arg11 : memref<!tpu.dma_semaphore, #tpu.memory_space<semaphore_mem>>)
    %dma_start3A_13 = arith.constant 0 : i32
    %dma_start3A_14 = arith.constant 0 : i32
    %dma_start3A_15 = tpu.memref_slice %arg8[%dma_start3A_13, %dma_start3A_14] : memref<8x128xi32, #tpu.memory_space<vmem>> -> memref<1x128xi32, #tpu.memory_space<vmem>>
    %dma_start3A_16 = tpu.memref_squeeze %dma_start3A_15 : memref<1x128xi32, #tpu.memory_space<vmem>> -> memref<128xi32, #tpu.memory_space<vmem>>
    %dma_start3A_17 = arith.constant 0 : i32
    %dma_start3A_18 = arith.constant 0 : i32
    %dma_start3A_19 = tpu.memref_slice %arg2[%dma_start3A_17, %dma_start3A_18] : memref<10000x256xf32, #tpu.memory_space<hbm>> -> memref<10000x256xf32, #tpu.memory_space<hbm>>
    tpu.enqueue_indirect_dma source(%dma_start3A_19 : memref<10000x256xf32, #tpu.memory_space<hbm>>) target(%arg10 : memref<128x256xf32, #tpu.memory_space<vmem>>) offsets(%dma_start3A_16 : memref<128xi32, #tpu.memory_space<vmem>>) semaphore(%arg12 : memref<!tpu.dma_semaphore, #tpu.memory_space<semaphore_mem>>)
    %scan3A = arith.constant 0 : i32
    %scan3A_20 = arith.constant 0 : i32
    %scan3A_21 = arith.constant 8 : i32
    %scan3A_22 = arith.addi %scan3A_20, %scan3A_21 : i32
    %scan3A_23 = arith.constant 1 : i32
    scf.for %scan3A_25 = %scan3A_20 to %scan3A_22 step %scan3A_23  : i32 {
      %dma_wait3A = arith.constant 0 : i32
      %dma_wait3A_26 = tpu.memref_slice %arg7[%scan3A_25, %dma_wait3A] : memref<8x128xi32, #tpu.memory_space<vmem>> -> memref<1x128xi32, #tpu.memory_space<vmem>>
      %dma_wait3A_27 = tpu.memref_squeeze %dma_wait3A_26 : memref<1x128xi32, #tpu.memory_space<vmem>> -> memref<128xi32, #tpu.memory_space<vmem>>
      %dma_wait3A_28 = arith.constant 0 : i32
      %dma_wait3A_29 = arith.constant 0 : i32
      %dma_wait3A_30 = tpu.memref_slice %arg2[%dma_wait3A_28, %dma_wait3A_29] : memref<10000x256xf32, #tpu.memory_space<hbm>> -> memref<10000x256xf32, #tpu.memory_space<hbm>>
      tpu.wait_indirect_dma semaphore(%arg11 : memref<!tpu.dma_semaphore, #tpu.memory_space<semaphore_mem>>) src(%dma_wait3A_30 : memref<10000x256xf32, #tpu.memory_space<hbm>>) dst(%arg9 : memref<128x256xf32, #tpu.memory_space<vmem>>)
      %mul3A_31 = arith.constant 128 : i32
      %mul3A_32 = arith.muli %scan3A_25, %mul3A_31 : i32
      %add3A_33 = arith.addi %mul3A_2, %mul3A_32 : i32
      "tpu.region"() ({
        %run_scoped3A = tpu.sem_alloc : memref<!tpu.dma_semaphore, #tpu.memory_space<semaphore_mem>>
        %dma_start3A_54 = arith.constant 0 : i32
        %dma_start3A_55 = tpu.memref_slice %arg5[%add3A_33, %dma_start3A_54] : memref<32768x256xf32, #tpu.memory_space<hbm>> -> memref<128x256xf32, #tpu.memory_space<hbm>>
        %dma_start3A_56 = arith.constant 0 : i32
        %dma_start3A_57 = tpu.memref_slice %arg5[%add3A_33, %dma_start3A_56] : memref<32768x256xf32, #tpu.memory_space<hbm>> -> memref<128x256xf32, #tpu.memory_space<hbm>>
        tpu.enqueue_dma source(%arg9 : memref<128x256xf32, #tpu.memory_space<vmem>>) target(%dma_start3A_57 : memref<128x256xf32, #tpu.memory_space<hbm>>) target_semaphore(%run_scoped3A : memref<!tpu.dma_semaphore, #tpu.memory_space<semaphore_mem>>)
        %dma_wait3A_58 = arith.constant 0 : i32
        %dma_wait3A_59 = tpu.memref_slice %arg5[%add3A_33, %dma_wait3A_58] : memref<32768x256xf32, #tpu.memory_space<hbm>> -> memref<128x256xf32, #tpu.memory_space<hbm>>
        %dma_wait3A_60 = arith.constant 0 : i32
        %dma_wait3A_61 = tpu.memref_slice %arg5[%add3A_33, %dma_wait3A_60] : memref<32768x256xf32, #tpu.memory_space<hbm>> -> memref<128x256xf32, #tpu.memory_space<hbm>>
        tpu.wait_dma2 semaphore(%run_scoped3A : memref<!tpu.dma_semaphore, #tpu.memory_space<semaphore_mem>>) src(%arg9 : memref<128x256xf32, #tpu.memory_space<vmem>>) dst(%dma_wait3A_61 : memref<128x256xf32, #tpu.memory_space<hbm>>)
        tpu.yield
      }) : () -> ()
      %add3A_34 = arith.constant 1 : i32
      %add3A_35 = arith.addi %scan3A_25, %add3A_34 : i32
      %lt3A = arith.constant 8 : i32
      %lt3A_36 = arith.cmpi slt, %add3A_35, %lt3A : i32
      %convert_element_type3A = arith.extui %lt3A_36 : i1 to i32
      %cond3A = arith.constant 0 : i32
      %cond3A_37 = arith.cmpi ne, %convert_element_type3A, %cond3A : i32
      scf.if %cond3A_37 {
        %add3A_54 = arith.constant 1 : i32
        %add3A_55 = arith.addi %scan3A_25, %add3A_54 : i32
        %dma_start3A_56 = arith.constant 0 : i32
        %dma_start3A_57 = tpu.memref_slice %arg7[%add3A_55, %dma_start3A_56] : memref<8x128xi32, #tpu.memory_space<vmem>> -> memref<1x128xi32, #tpu.memory_space<vmem>>
        %dma_start3A_58 = tpu.memref_squeeze %dma_start3A_57 : memref<1x128xi32, #tpu.memory_space<vmem>> -> memref<128xi32, #tpu.memory_space<vmem>>
        %dma_start3A_59 = arith.constant 0 : i32
        %dma_start3A_60 = arith.constant 0 : i32
        %dma_start3A_61 = tpu.memref_slice %arg2[%dma_start3A_59, %dma_start3A_60] : memref<10000x256xf32, #tpu.memory_space<hbm>> -> memref<10000x256xf32, #tpu.memory_space<hbm>>
        tpu.enqueue_indirect_dma source(%dma_start3A_61 : memref<10000x256xf32, #tpu.memory_space<hbm>>) target(%arg9 : memref<128x256xf32, #tpu.memory_space<vmem>>) offsets(%dma_start3A_58 : memref<128xi32, #tpu.memory_space<vmem>>) semaphore(%arg11 : memref<!tpu.dma_semaphore, #tpu.memory_space<semaphore_mem>>)
      } else {
      }
      %dma_wait3A_38 = arith.constant 0 : i32
      %dma_wait3A_39 = tpu.memref_slice %arg8[%scan3A_25, %dma_wait3A_38] : memref<8x128xi32, #tpu.memory_space<vmem>> -> memref<1x128xi32, #tpu.memory_space<vmem>>
      %dma_wait3A_40 = tpu.memref_squeeze %dma_wait3A_39 : memref<1x128xi32, #tpu.memory_space<vmem>> -> memref<128xi32, #tpu.memory_space<vmem>>
      %dma_wait3A_41 = arith.constant 0 : i32
      %dma_wait3A_42 = arith.constant 0 : i32
      %dma_wait3A_43 = tpu.memref_slice %arg2[%dma_wait3A_41, %dma_wait3A_42] : memref<10000x256xf32, #tpu.memory_space<hbm>> -> memref<10000x256xf32, #tpu.memory_space<hbm>>
      tpu.wait_indirect_dma semaphore(%arg12 : memref<!tpu.dma_semaphore, #tpu.memory_space<semaphore_mem>>) src(%dma_wait3A_43 : memref<10000x256xf32, #tpu.memory_space<hbm>>) dst(%arg10 : memref<128x256xf32, #tpu.memory_space<vmem>>)
      %mul3A_44 = arith.constant 128 : i32
      %mul3A_45 = arith.muli %scan3A_25, %mul3A_44 : i32
      %add3A_46 = arith.addi %mul3A_2, %mul3A_45 : i32
      "tpu.region"() ({
        %run_scoped3A = tpu.sem_alloc : memref<!tpu.dma_semaphore, #tpu.memory_space<semaphore_mem>>
        %dma_start3A_54 = arith.constant 0 : i32
        %dma_start3A_55 = tpu.memref_slice %arg6[%add3A_46, %dma_start3A_54] : memref<32768x256xf32, #tpu.memory_space<hbm>> -> memref<128x256xf32, #tpu.memory_space<hbm>>
        %dma_start3A_56 = arith.constant 0 : i32
        %dma_start3A_57 = tpu.memref_slice %arg6[%add3A_46, %dma_start3A_56] : memref<32768x256xf32, #tpu.memory_space<hbm>> -> memref<128x256xf32, #tpu.memory_space<hbm>>
        tpu.enqueue_dma source(%arg10 : memref<128x256xf32, #tpu.memory_space<vmem>>) target(%dma_start3A_57 : memref<128x256xf32, #tpu.memory_space<hbm>>) target_semaphore(%run_scoped3A : memref<!tpu.dma_semaphore, #tpu.memory_space<semaphore_mem>>)
        %dma_wait3A_58 = arith.constant 0 : i32
        %dma_wait3A_59 = tpu.memref_slice %arg6[%add3A_46, %dma_wait3A_58] : memref<32768x256xf32, #tpu.memory_space<hbm>> -> memref<128x256xf32, #tpu.memory_space<hbm>>
        %dma_wait3A_60 = arith.constant 0 : i32
        %dma_wait3A_61 = tpu.memref_slice %arg6[%add3A_46, %dma_wait3A_60] : memref<32768x256xf32, #tpu.memory_space<hbm>> -> memref<128x256xf32, #tpu.memory_space<hbm>>
        tpu.wait_dma2 semaphore(%run_scoped3A : memref<!tpu.dma_semaphore, #tpu.memory_space<semaphore_mem>>) src(%arg10 : memref<128x256xf32, #tpu.memory_space<vmem>>) dst(%dma_wait3A_61 : memref<128x256xf32, #tpu.memory_space<hbm>>)
        tpu.yield
      }) : () -> ()
      %add3A_47 = arith.constant 1 : i32
      %add3A_48 = arith.addi %scan3A_25, %add3A_47 : i32
      %lt3A_49 = arith.constant 8 : i32
      %lt3A_50 = arith.cmpi slt, %add3A_48, %lt3A_49 : i32
      %convert_element_type3A_51 = arith.extui %lt3A_50 : i1 to i32
      %cond3A_52 = arith.constant 0 : i32
      %cond3A_53 = arith.cmpi ne, %convert_element_type3A_51, %cond3A_52 : i32
      scf.if %cond3A_53 {
        %add3A_54 = arith.constant 1 : i32
        %add3A_55 = arith.addi %scan3A_25, %add3A_54 : i32
        %dma_start3A_56 = arith.constant 0 : i32
        %dma_start3A_57 = tpu.memref_slice %arg8[%add3A_55, %dma_start3A_56] : memref<8x128xi32, #tpu.memory_space<vmem>> -> memref<1x128xi32, #tpu.memory_space<vmem>>
        %dma_start3A_58 = tpu.memref_squeeze %dma_start3A_57 : memref<1x128xi32, #tpu.memory_space<vmem>> -> memref<128xi32, #tpu.memory_space<vmem>>
        %dma_start3A_59 = arith.constant 0 : i32
        %dma_start3A_60 = arith.constant 0 : i32
        %dma_start3A_61 = tpu.memref_slice %arg2[%dma_start3A_59, %dma_start3A_60] : memref<10000x256xf32, #tpu.memory_space<hbm>> -> memref<10000x256xf32, #tpu.memory_space<hbm>>
        tpu.enqueue_indirect_dma source(%dma_start3A_61 : memref<10000x256xf32, #tpu.memory_space<hbm>>) target(%arg10 : memref<128x256xf32, #tpu.memory_space<vmem>>) offsets(%dma_start3A_58 : memref<128xi32, #tpu.memory_space<vmem>>) semaphore(%arg12 : memref<!tpu.dma_semaphore, #tpu.memory_space<semaphore_mem>>)
      } else {
      }
    }
    %scan3A_24 = arith.constant 8 : i32
    return
  }
}

#map = affine_map<(d0, d1) -> (0, 0)>
module attributes {stable_mosaic.version = 14 : i64} {
  func.func @_pair_kernel(%arg0: i32, %arg1: i32, %arg2: memref<10000x256xf32, #tpu.memory_space<hbm>>, %arg3: memref<256x128xi32, #tpu.memory_space<hbm>>, %arg4: memref<256x128xi32, #tpu.memory_space<hbm>>, %arg5: memref<32768x256xf32, #tpu.memory_space<hbm>>, %arg6: memref<32768x256xf32, #tpu.memory_space<hbm>>, %arg7: memref<8x128xi32, #tpu.memory_space<vmem>>, %arg8: memref<8x128xi32, #tpu.memory_space<vmem>>, %arg9: memref<128x256xf32, #tpu.memory_space<vmem>>, %arg10: memref<128x256xf32, #tpu.memory_space<vmem>>, %arg11: memref<!tpu.dma_semaphore, #tpu.memory_space<semaphore_mem>>, %arg12: memref<!tpu.dma_semaphore, #tpu.memory_space<semaphore_mem>>) attributes {dimension_semantics = [#tpu.dimension_semantics<core_parallel>, #tpu.dimension_semantics<subcore_parallel>], iteration_bounds = array<i64: 2, 16>, scalar_prefetch = 0 : i64, scratch_operands = 6 : i64, tpu.core_type = #tpu.core_type<sc_vector_subcore>, window_params = [{transform_indices = #map}, {transform_indices = #map}, {transform_indices = #map}, {transform_indices = #map}, {transform_indices = #map}]} {
    %mul3A = arith.constant 16 : i32
    %mul3A_0 = arith.muli %arg0, %mul3A : i32
    %add3A = arith.addi %mul3A_0, %arg1 : i32
    %mul3A_1 = arith.constant 1024 : i32
    %mul3A_2 = arith.muli %add3A, %mul3A_1 : i32
    %mul3A_3 = arith.constant 8 : i32
    %mul3A_4 = arith.muli %add3A, %mul3A_3 : i32
    "tpu.region"() ({
      %run_scoped3A = tpu.sem_alloc : memref<!tpu.dma_semaphore, #tpu.memory_space<semaphore_mem>>
      %dma_start3A_25 = arith.constant 0 : i32
      %dma_start3A_26 = tpu.memref_slice %arg3[%mul3A_4, %dma_start3A_25] : memref<256x128xi32, #tpu.memory_space<hbm>> -> memref<8x128xi32, #tpu.memory_space<hbm>>
      %dma_start3A_27 = arith.constant 0 : i32
      %dma_start3A_28 = tpu.memref_slice %arg3[%mul3A_4, %dma_start3A_27] : memref<256x128xi32, #tpu.memory_space<hbm>> -> memref<8x128xi32, #tpu.memory_space<hbm>>
      tpu.enqueue_dma source(%dma_start3A_28 : memref<8x128xi32, #tpu.memory_space<hbm>>) target(%arg7 : memref<8x128xi32, #tpu.memory_space<vmem>>) target_semaphore(%run_scoped3A : memref<!tpu.dma_semaphore, #tpu.memory_space<semaphore_mem>>)
      %dma_wait3A = arith.constant 0 : i32
      %dma_wait3A_29 = tpu.memref_slice %arg3[%mul3A_4, %dma_wait3A] : memref<256x128xi32, #tpu.memory_space<hbm>> -> memref<8x128xi32, #tpu.memory_space<hbm>>
      %dma_wait3A_30 = arith.constant 0 : i32
      %dma_wait3A_31 = tpu.memref_slice %arg3[%mul3A_4, %dma_wait3A_30] : memref<256x128xi32, #tpu.memory_space<hbm>> -> memref<8x128xi32, #tpu.memory_space<hbm>>
      tpu.wait_dma2 semaphore(%run_scoped3A : memref<!tpu.dma_semaphore, #tpu.memory_space<semaphore_mem>>) src(%dma_wait3A_31 : memref<8x128xi32, #tpu.memory_space<hbm>>) dst(%arg7 : memref<8x128xi32, #tpu.memory_space<vmem>>)
      tpu.yield
    }) : () -> ()
    %mul3A_5 = arith.constant 8 : i32
    %mul3A_6 = arith.muli %add3A, %mul3A_5 : i32
    "tpu.region"() ({
      %run_scoped3A = tpu.sem_alloc : memref<!tpu.dma_semaphore, #tpu.memory_space<semaphore_mem>>
      %dma_start3A_25 = arith.constant 0 : i32
      %dma_start3A_26 = tpu.memref_slice %arg4[%mul3A_6, %dma_start3A_25] : memref<256x128xi32, #tpu.memory_space<hbm>> -> memref<8x128xi32, #tpu.memory_space<hbm>>
      %dma_start3A_27 = arith.constant 0 : i32
      %dma_start3A_28 = tpu.memref_slice %arg4[%mul3A_6, %dma_start3A_27] : memref<256x128xi32, #tpu.memory_space<hbm>> -> memref<8x128xi32, #tpu.memory_space<hbm>>
      tpu.enqueue_dma source(%dma_start3A_28 : memref<8x128xi32, #tpu.memory_space<hbm>>) target(%arg8 : memref<8x128xi32, #tpu.memory_space<vmem>>) target_semaphore(%run_scoped3A : memref<!tpu.dma_semaphore, #tpu.memory_space<semaphore_mem>>)
      %dma_wait3A = arith.constant 0 : i32
      %dma_wait3A_29 = tpu.memref_slice %arg4[%mul3A_6, %dma_wait3A] : memref<256x128xi32, #tpu.memory_space<hbm>> -> memref<8x128xi32, #tpu.memory_space<hbm>>
      %dma_wait3A_30 = arith.constant 0 : i32
      %dma_wait3A_31 = tpu.memref_slice %arg4[%mul3A_6, %dma_wait3A_30] : memref<256x128xi32, #tpu.memory_space<hbm>> -> memref<8x128xi32, #tpu.memory_space<hbm>>
      tpu.wait_dma2 semaphore(%run_scoped3A : memref<!tpu.dma_semaphore, #tpu.memory_space<semaphore_mem>>) src(%dma_wait3A_31 : memref<8x128xi32, #tpu.memory_space<hbm>>) dst(%arg8 : memref<8x128xi32, #tpu.memory_space<vmem>>)
      tpu.yield
    }) : () -> ()
    %dma_start3A = arith.constant 0 : i32
    %dma_start3A_7 = arith.constant 0 : i32
    %dma_start3A_8 = tpu.memref_slice %arg7[%dma_start3A, %dma_start3A_7] : memref<8x128xi32, #tpu.memory_space<vmem>> -> memref<1x128xi32, #tpu.memory_space<vmem>>
    %dma_start3A_9 = tpu.memref_squeeze %dma_start3A_8 : memref<1x128xi32, #tpu.memory_space<vmem>> -> memref<128xi32, #tpu.memory_space<vmem>>
    %dma_start3A_10 = arith.constant 0 : i32
    %dma_start3A_11 = arith.constant 0 : i32
    %dma_start3A_12 = tpu.memref_slice %arg2[%dma_start3A_10, %dma_start3A_11] : memref<10000x256xf32, #tpu.memory_space<hbm>> -> memref<10000x256xf32, #tpu.memory_space<hbm>>
    tpu.enqueue_indirect_dma source(%dma_start3A_12 : memref<10000x256xf32, #tpu.memory_space<hbm>>) target(%arg9 : memref<128x256xf32, #tpu.memory_space<vmem>>) offsets(%dma_start3A_9 : memref<128xi32, #tpu.memory_space<vmem>>) semaphore(%arg11 : memref<!tpu.dma_semaphore, #tpu.memory_space<semaphore_mem>>)
    %dma_start3A_13 = arith.constant 0 : i32
    %dma_start3A_14 = arith.constant 0 : i32
    %dma_start3A_15 = tpu.memref_slice %arg8[%dma_start3A_13, %dma_start3A_14] : memref<8x128xi32, #tpu.memory_space<vmem>> -> memref<1x128xi32, #tpu.memory_space<vmem>>
    %dma_start3A_16 = tpu.memref_squeeze %dma_start3A_15 : memref<1x128xi32, #tpu.memory_space<vmem>> -> memref<128xi32, #tpu.memory_space<vmem>>
    %dma_start3A_17 = arith.constant 0 : i32
    %dma_start3A_18 = arith.constant 0 : i32
    %dma_start3A_19 = tpu.memref_slice %arg2[%dma_start3A_17, %dma_start3A_18] : memref<10000x256xf32, #tpu.memory_space<hbm>> -> memref<10000x256xf32, #tpu.memory_space<hbm>>
    tpu.enqueue_indirect_dma source(%dma_start3A_19 : memref<10000x256xf32, #tpu.memory_space<hbm>>) target(%arg10 : memref<128x256xf32, #tpu.memory_space<vmem>>) offsets(%dma_start3A_16 : memref<128xi32, #tpu.memory_space<vmem>>) semaphore(%arg12 : memref<!tpu.dma_semaphore, #tpu.memory_space<semaphore_mem>>)
    %scan3A = arith.constant 0 : i32
    %scan3A_20 = arith.constant 0 : i32
    %scan3A_21 = arith.constant 8 : i32
    %scan3A_22 = arith.addi %scan3A_20, %scan3A_21 : i32
    %scan3A_23 = arith.constant 1 : i32
    scf.for %scan3A_25 = %scan3A_20 to %scan3A_22 step %scan3A_23  : i32 {
      %dma_wait3A = arith.constant 0 : i32
      %dma_wait3A_26 = tpu.memref_slice %arg7[%scan3A_25, %dma_wait3A] : memref<8x128xi32, #tpu.memory_space<vmem>> -> memref<1x128xi32, #tpu.memory_space<vmem>>
      %dma_wait3A_27 = tpu.memref_squeeze %dma_wait3A_26 : memref<1x128xi32, #tpu.memory_space<vmem>> -> memref<128xi32, #tpu.memory_space<vmem>>
      %dma_wait3A_28 = arith.constant 0 : i32
      %dma_wait3A_29 = arith.constant 0 : i32
      %dma_wait3A_30 = tpu.memref_slice %arg2[%dma_wait3A_28, %dma_wait3A_29] : memref<10000x256xf32, #tpu.memory_space<hbm>> -> memref<10000x256xf32, #tpu.memory_space<hbm>>
      tpu.wait_indirect_dma semaphore(%arg11 : memref<!tpu.dma_semaphore, #tpu.memory_space<semaphore_mem>>) src(%dma_wait3A_30 : memref<10000x256xf32, #tpu.memory_space<hbm>>) dst(%arg9 : memref<128x256xf32, #tpu.memory_space<vmem>>)
      %mul3A_31 = arith.constant 128 : i32
      %mul3A_32 = arith.muli %scan3A_25, %mul3A_31 : i32
      %add3A_33 = arith.addi %mul3A_2, %mul3A_32 : i32
      "tpu.region"() ({
        %run_scoped3A = tpu.sem_alloc : memref<!tpu.dma_semaphore, #tpu.memory_space<semaphore_mem>>
        %dma_start3A_54 = arith.constant 0 : i32
        %dma_start3A_55 = tpu.memref_slice %arg5[%add3A_33, %dma_start3A_54] : memref<32768x256xf32, #tpu.memory_space<hbm>> -> memref<128x256xf32, #tpu.memory_space<hbm>>
        %dma_start3A_56 = arith.constant 0 : i32
        %dma_start3A_57 = tpu.memref_slice %arg5[%add3A_33, %dma_start3A_56] : memref<32768x256xf32, #tpu.memory_space<hbm>> -> memref<128x256xf32, #tpu.memory_space<hbm>>
        tpu.enqueue_dma source(%arg9 : memref<128x256xf32, #tpu.memory_space<vmem>>) target(%dma_start3A_57 : memref<128x256xf32, #tpu.memory_space<hbm>>) target_semaphore(%run_scoped3A : memref<!tpu.dma_semaphore, #tpu.memory_space<semaphore_mem>>)
        %dma_wait3A_58 = arith.constant 0 : i32
        %dma_wait3A_59 = tpu.memref_slice %arg5[%add3A_33, %dma_wait3A_58] : memref<32768x256xf32, #tpu.memory_space<hbm>> -> memref<128x256xf32, #tpu.memory_space<hbm>>
        %dma_wait3A_60 = arith.constant 0 : i32
        %dma_wait3A_61 = tpu.memref_slice %arg5[%add3A_33, %dma_wait3A_60] : memref<32768x256xf32, #tpu.memory_space<hbm>> -> memref<128x256xf32, #tpu.memory_space<hbm>>
        tpu.wait_dma2 semaphore(%run_scoped3A : memref<!tpu.dma_semaphore, #tpu.memory_space<semaphore_mem>>) src(%arg9 : memref<128x256xf32, #tpu.memory_space<vmem>>) dst(%dma_wait3A_61 : memref<128x256xf32, #tpu.memory_space<hbm>>)
        tpu.yield
      }) : () -> ()
      %add3A_34 = arith.constant 1 : i32
      %add3A_35 = arith.addi %scan3A_25, %add3A_34 : i32
      %lt3A = arith.constant 8 : i32
      %lt3A_36 = arith.cmpi slt, %add3A_35, %lt3A : i32
      %convert_element_type3A = arith.extui %lt3A_36 : i1 to i32
      %cond3A = arith.constant 0 : i32
      %cond3A_37 = arith.cmpi ne, %convert_element_type3A, %cond3A : i32
      scf.if %cond3A_37 {
        %add3A_54 = arith.constant 1 : i32
        %add3A_55 = arith.addi %scan3A_25, %add3A_54 : i32
        %dma_start3A_56 = arith.constant 0 : i32
        %dma_start3A_57 = tpu.memref_slice %arg7[%add3A_55, %dma_start3A_56] : memref<8x128xi32, #tpu.memory_space<vmem>> -> memref<1x128xi32, #tpu.memory_space<vmem>>
        %dma_start3A_58 = tpu.memref_squeeze %dma_start3A_57 : memref<1x128xi32, #tpu.memory_space<vmem>> -> memref<128xi32, #tpu.memory_space<vmem>>
        %dma_start3A_59 = arith.constant 0 : i32
        %dma_start3A_60 = arith.constant 0 : i32
        %dma_start3A_61 = tpu.memref_slice %arg2[%dma_start3A_59, %dma_start3A_60] : memref<10000x256xf32, #tpu.memory_space<hbm>> -> memref<10000x256xf32, #tpu.memory_space<hbm>>
        tpu.enqueue_indirect_dma source(%dma_start3A_61 : memref<10000x256xf32, #tpu.memory_space<hbm>>) target(%arg9 : memref<128x256xf32, #tpu.memory_space<vmem>>) offsets(%dma_start3A_58 : memref<128xi32, #tpu.memory_space<vmem>>) semaphore(%arg11 : memref<!tpu.dma_semaphore, #tpu.memory_space<semaphore_mem>>)
      } else {
      }
      %dma_wait3A_38 = arith.constant 0 : i32
      %dma_wait3A_39 = tpu.memref_slice %arg8[%scan3A_25, %dma_wait3A_38] : memref<8x128xi32, #tpu.memory_space<vmem>> -> memref<1x128xi32, #tpu.memory_space<vmem>>
      %dma_wait3A_40 = tpu.memref_squeeze %dma_wait3A_39 : memref<1x128xi32, #tpu.memory_space<vmem>> -> memref<128xi32, #tpu.memory_space<vmem>>
      %dma_wait3A_41 = arith.constant 0 : i32
      %dma_wait3A_42 = arith.constant 0 : i32
      %dma_wait3A_43 = tpu.memref_slice %arg2[%dma_wait3A_41, %dma_wait3A_42] : memref<10000x256xf32, #tpu.memory_space<hbm>> -> memref<10000x256xf32, #tpu.memory_space<hbm>>
      tpu.wait_indirect_dma semaphore(%arg12 : memref<!tpu.dma_semaphore, #tpu.memory_space<semaphore_mem>>) src(%dma_wait3A_43 : memref<10000x256xf32, #tpu.memory_space<hbm>>) dst(%arg10 : memref<128x256xf32, #tpu.memory_space<vmem>>)
      %mul3A_44 = arith.constant 128 : i32
      %mul3A_45 = arith.muli %scan3A_25, %mul3A_44 : i32
      %add3A_46 = arith.addi %mul3A_2, %mul3A_45 : i32
      "tpu.region"() ({
        %run_scoped3A = tpu.sem_alloc : memref<!tpu.dma_semaphore, #tpu.memory_space<semaphore_mem>>
        %dma_start3A_54 = arith.constant 0 : i32
        %dma_start3A_55 = tpu.memref_slice %arg6[%add3A_46, %dma_start3A_54] : memref<32768x256xf32, #tpu.memory_space<hbm>> -> memref<128x256xf32, #tpu.memory_space<hbm>>
        %dma_start3A_56 = arith.constant 0 : i32
        %dma_start3A_57 = tpu.memref_slice %arg6[%add3A_46, %dma_start3A_56] : memref<32768x256xf32, #tpu.memory_space<hbm>> -> memref<128x256xf32, #tpu.memory_space<hbm>>
        tpu.enqueue_dma source(%arg10 : memref<128x256xf32, #tpu.memory_space<vmem>>) target(%dma_start3A_57 : memref<128x256xf32, #tpu.memory_space<hbm>>) target_semaphore(%run_scoped3A : memref<!tpu.dma_semaphore, #tpu.memory_space<semaphore_mem>>)
        %dma_wait3A_58 = arith.constant 0 : i32
        %dma_wait3A_59 = tpu.memref_slice %arg6[%add3A_46, %dma_wait3A_58] : memref<32768x256xf32, #tpu.memory_space<hbm>> -> memref<128x256xf32, #tpu.memory_space<hbm>>
        %dma_wait3A_60 = arith.constant 0 : i32
        %dma_wait3A_61 = tpu.memref_slice %arg6[%add3A_46, %dma_wait3A_60] : memref<32768x256xf32, #tpu.memory_space<hbm>> -> memref<128x256xf32, #tpu.memory_space<hbm>>
        tpu.wait_dma2 semaphore(%run_scoped3A : memref<!tpu.dma_semaphore, #tpu.memory_space<semaphore_mem>>) src(%arg10 : memref<128x256xf32, #tpu.memory_space<vmem>>) dst(%dma_wait3A_61 : memref<128x256xf32, #tpu.memory_space<hbm>>)
        tpu.yield
      }) : () -> ()
      %add3A_47 = arith.constant 1 : i32
      %add3A_48 = arith.addi %scan3A_25, %add3A_47 : i32
      %lt3A_49 = arith.constant 8 : i32
      %lt3A_50 = arith.cmpi slt, %add3A_48, %lt3A_49 : i32
      %convert_element_type3A_51 = arith.extui %lt3A_50 : i1 to i32
      %cond3A_52 = arith.constant 0 : i32
      %cond3A_53 = arith.cmpi ne, %convert_element_type3A_51, %cond3A_52 : i32
      scf.if %cond3A_53 {
        %add3A_54 = arith.constant 1 : i32
        %add3A_55 = arith.addi %scan3A_25, %add3A_54 : i32
        %dma_start3A_56 = arith.constant 0 : i32
        %dma_start3A_57 = tpu.memref_slice %arg8[%add3A_55, %dma_start3A_56] : memref<8x128xi32, #tpu.memory_space<vmem>> -> memref<1x128xi32, #tpu.memory_space<vmem>>
        %dma_start3A_58 = tpu.memref_squeeze %dma_start3A_57 : memref<1x128xi32, #tpu.memory_space<vmem>> -> memref<128xi32, #tpu.memory_space<vmem>>
        %dma_start3A_59 = arith.constant 0 : i32
        %dma_start3A_60 = arith.constant 0 : i32
        %dma_start3A_61 = tpu.memref_slice %arg2[%dma_start3A_59, %dma_start3A_60] : memref<10000x256xf32, #tpu.memory_space<hbm>> -> memref<10000x256xf32, #tpu.memory_space<hbm>>
        tpu.enqueue_indirect_dma source(%dma_start3A_61 : memref<10000x256xf32, #tpu.memory_space<hbm>>) target(%arg10 : memref<128x256xf32, #tpu.memory_space<vmem>>) offsets(%dma_start3A_58 : memref<128xi32, #tpu.memory_space<vmem>>) semaphore(%arg12 : memref<!tpu.dma_semaphore, #tpu.memory_space<semaphore_mem>>)
      } else {
      }
    }
    %scan3A_24 = arith.constant 8 : i32
    return
  }
}

#map = affine_map<(d0, d1) -> (0, 0)>
module attributes {stable_mosaic.version = 14 : i64} {
  func.func @_pair_kernel(%arg0: i32, %arg1: i32, %arg2: memref<10000x256xf32, #tpu.memory_space<hbm>>, %arg3: memref<256x128xi32, #tpu.memory_space<hbm>>, %arg4: memref<256x128xi32, #tpu.memory_space<hbm>>, %arg5: memref<32768x256xf32, #tpu.memory_space<hbm>>, %arg6: memref<32768x256xf32, #tpu.memory_space<hbm>>, %arg7: memref<8x128xi32, #tpu.memory_space<vmem>>, %arg8: memref<8x128xi32, #tpu.memory_space<vmem>>, %arg9: memref<128x256xf32, #tpu.memory_space<vmem>>, %arg10: memref<128x256xf32, #tpu.memory_space<vmem>>, %arg11: memref<!tpu.dma_semaphore, #tpu.memory_space<semaphore_mem>>, %arg12: memref<!tpu.dma_semaphore, #tpu.memory_space<semaphore_mem>>) attributes {dimension_semantics = [#tpu.dimension_semantics<core_parallel>, #tpu.dimension_semantics<subcore_parallel>], iteration_bounds = array<i64: 2, 16>, scalar_prefetch = 0 : i64, scratch_operands = 6 : i64, tpu.core_type = #tpu.core_type<sc_vector_subcore>, window_params = [{transform_indices = #map}, {transform_indices = #map}, {transform_indices = #map}, {transform_indices = #map}, {transform_indices = #map}]} {
    %mul3A = arith.constant 16 : i32
    %mul3A_0 = arith.muli %arg0, %mul3A : i32
    %add3A = arith.addi %mul3A_0, %arg1 : i32
    %mul3A_1 = arith.constant 1024 : i32
    %mul3A_2 = arith.muli %add3A, %mul3A_1 : i32
    %mul3A_3 = arith.constant 8 : i32
    %mul3A_4 = arith.muli %add3A, %mul3A_3 : i32
    "tpu.region"() ({
      %run_scoped3A = tpu.sem_alloc : memref<!tpu.dma_semaphore, #tpu.memory_space<semaphore_mem>>
      %dma_start3A_25 = arith.constant 0 : i32
      %dma_start3A_26 = tpu.memref_slice %arg3[%mul3A_4, %dma_start3A_25] : memref<256x128xi32, #tpu.memory_space<hbm>> -> memref<8x128xi32, #tpu.memory_space<hbm>>
      %dma_start3A_27 = arith.constant 0 : i32
      %dma_start3A_28 = tpu.memref_slice %arg3[%mul3A_4, %dma_start3A_27] : memref<256x128xi32, #tpu.memory_space<hbm>> -> memref<8x128xi32, #tpu.memory_space<hbm>>
      tpu.enqueue_dma source(%dma_start3A_28 : memref<8x128xi32, #tpu.memory_space<hbm>>) target(%arg7 : memref<8x128xi32, #tpu.memory_space<vmem>>) target_semaphore(%run_scoped3A : memref<!tpu.dma_semaphore, #tpu.memory_space<semaphore_mem>>)
      %dma_wait3A = arith.constant 0 : i32
      %dma_wait3A_29 = tpu.memref_slice %arg3[%mul3A_4, %dma_wait3A] : memref<256x128xi32, #tpu.memory_space<hbm>> -> memref<8x128xi32, #tpu.memory_space<hbm>>
      %dma_wait3A_30 = arith.constant 0 : i32
      %dma_wait3A_31 = tpu.memref_slice %arg3[%mul3A_4, %dma_wait3A_30] : memref<256x128xi32, #tpu.memory_space<hbm>> -> memref<8x128xi32, #tpu.memory_space<hbm>>
      tpu.wait_dma2 semaphore(%run_scoped3A : memref<!tpu.dma_semaphore, #tpu.memory_space<semaphore_mem>>) src(%dma_wait3A_31 : memref<8x128xi32, #tpu.memory_space<hbm>>) dst(%arg7 : memref<8x128xi32, #tpu.memory_space<vmem>>)
      tpu.yield
    }) : () -> ()
    %mul3A_5 = arith.constant 8 : i32
    %mul3A_6 = arith.muli %add3A, %mul3A_5 : i32
    "tpu.region"() ({
      %run_scoped3A = tpu.sem_alloc : memref<!tpu.dma_semaphore, #tpu.memory_space<semaphore_mem>>
      %dma_start3A_25 = arith.constant 0 : i32
      %dma_start3A_26 = tpu.memref_slice %arg4[%mul3A_6, %dma_start3A_25] : memref<256x128xi32, #tpu.memory_space<hbm>> -> memref<8x128xi32, #tpu.memory_space<hbm>>
      %dma_start3A_27 = arith.constant 0 : i32
      %dma_start3A_28 = tpu.memref_slice %arg4[%mul3A_6, %dma_start3A_27] : memref<256x128xi32, #tpu.memory_space<hbm>> -> memref<8x128xi32, #tpu.memory_space<hbm>>
      tpu.enqueue_dma source(%dma_start3A_28 : memref<8x128xi32, #tpu.memory_space<hbm>>) target(%arg8 : memref<8x128xi32, #tpu.memory_space<vmem>>) target_semaphore(%run_scoped3A : memref<!tpu.dma_semaphore, #tpu.memory_space<semaphore_mem>>)
      %dma_wait3A = arith.constant 0 : i32
      %dma_wait3A_29 = tpu.memref_slice %arg4[%mul3A_6, %dma_wait3A] : memref<256x128xi32, #tpu.memory_space<hbm>> -> memref<8x128xi32, #tpu.memory_space<hbm>>
      %dma_wait3A_30 = arith.constant 0 : i32
      %dma_wait3A_31 = tpu.memref_slice %arg4[%mul3A_6, %dma_wait3A_30] : memref<256x128xi32, #tpu.memory_space<hbm>> -> memref<8x128xi32, #tpu.memory_space<hbm>>
      tpu.wait_dma2 semaphore(%run_scoped3A : memref<!tpu.dma_semaphore, #tpu.memory_space<semaphore_mem>>) src(%dma_wait3A_31 : memref<8x128xi32, #tpu.memory_space<hbm>>) dst(%arg8 : memref<8x128xi32, #tpu.memory_space<vmem>>)
      tpu.yield
    }) : () -> ()
    %dma_start3A = arith.constant 0 : i32
    %dma_start3A_7 = arith.constant 0 : i32
    %dma_start3A_8 = tpu.memref_slice %arg7[%dma_start3A, %dma_start3A_7] : memref<8x128xi32, #tpu.memory_space<vmem>> -> memref<1x128xi32, #tpu.memory_space<vmem>>
    %dma_start3A_9 = tpu.memref_squeeze %dma_start3A_8 : memref<1x128xi32, #tpu.memory_space<vmem>> -> memref<128xi32, #tpu.memory_space<vmem>>
    %dma_start3A_10 = arith.constant 0 : i32
    %dma_start3A_11 = arith.constant 0 : i32
    %dma_start3A_12 = tpu.memref_slice %arg2[%dma_start3A_10, %dma_start3A_11] : memref<10000x256xf32, #tpu.memory_space<hbm>> -> memref<10000x256xf32, #tpu.memory_space<hbm>>
    tpu.enqueue_indirect_dma source(%dma_start3A_12 : memref<10000x256xf32, #tpu.memory_space<hbm>>) target(%arg9 : memref<128x256xf32, #tpu.memory_space<vmem>>) offsets(%dma_start3A_9 : memref<128xi32, #tpu.memory_space<vmem>>) semaphore(%arg11 : memref<!tpu.dma_semaphore, #tpu.memory_space<semaphore_mem>>)
    %dma_start3A_13 = arith.constant 0 : i32
    %dma_start3A_14 = arith.constant 0 : i32
    %dma_start3A_15 = tpu.memref_slice %arg8[%dma_start3A_13, %dma_start3A_14] : memref<8x128xi32, #tpu.memory_space<vmem>> -> memref<1x128xi32, #tpu.memory_space<vmem>>
    %dma_start3A_16 = tpu.memref_squeeze %dma_start3A_15 : memref<1x128xi32, #tpu.memory_space<vmem>> -> memref<128xi32, #tpu.memory_space<vmem>>
    %dma_start3A_17 = arith.constant 0 : i32
    %dma_start3A_18 = arith.constant 0 : i32
    %dma_start3A_19 = tpu.memref_slice %arg2[%dma_start3A_17, %dma_start3A_18] : memref<10000x256xf32, #tpu.memory_space<hbm>> -> memref<10000x256xf32, #tpu.memory_space<hbm>>
    tpu.enqueue_indirect_dma source(%dma_start3A_19 : memref<10000x256xf32, #tpu.memory_space<hbm>>) target(%arg10 : memref<128x256xf32, #tpu.memory_space<vmem>>) offsets(%dma_start3A_16 : memref<128xi32, #tpu.memory_space<vmem>>) semaphore(%arg12 : memref<!tpu.dma_semaphore, #tpu.memory_space<semaphore_mem>>)
    %scan3A = arith.constant 0 : i32
    %scan3A_20 = arith.constant 0 : i32
    %scan3A_21 = arith.constant 8 : i32
    %scan3A_22 = arith.addi %scan3A_20, %scan3A_21 : i32
    %scan3A_23 = arith.constant 1 : i32
    scf.for %scan3A_25 = %scan3A_20 to %scan3A_22 step %scan3A_23  : i32 {
      %dma_wait3A = arith.constant 0 : i32
      %dma_wait3A_26 = tpu.memref_slice %arg7[%scan3A_25, %dma_wait3A] : memref<8x128xi32, #tpu.memory_space<vmem>> -> memref<1x128xi32, #tpu.memory_space<vmem>>
      %dma_wait3A_27 = tpu.memref_squeeze %dma_wait3A_26 : memref<1x128xi32, #tpu.memory_space<vmem>> -> memref<128xi32, #tpu.memory_space<vmem>>
      %dma_wait3A_28 = arith.constant 0 : i32
      %dma_wait3A_29 = arith.constant 0 : i32
      %dma_wait3A_30 = tpu.memref_slice %arg2[%dma_wait3A_28, %dma_wait3A_29] : memref<10000x256xf32, #tpu.memory_space<hbm>> -> memref<10000x256xf32, #tpu.memory_space<hbm>>
      tpu.wait_indirect_dma semaphore(%arg11 : memref<!tpu.dma_semaphore, #tpu.memory_space<semaphore_mem>>) src(%dma_wait3A_30 : memref<10000x256xf32, #tpu.memory_space<hbm>>) dst(%arg9 : memref<128x256xf32, #tpu.memory_space<vmem>>)
      %mul3A_31 = arith.constant 128 : i32
      %mul3A_32 = arith.muli %scan3A_25, %mul3A_31 : i32
      %add3A_33 = arith.addi %mul3A_2, %mul3A_32 : i32
      "tpu.region"() ({
        %run_scoped3A = tpu.sem_alloc : memref<!tpu.dma_semaphore, #tpu.memory_space<semaphore_mem>>
        %dma_start3A_54 = arith.constant 0 : i32
        %dma_start3A_55 = tpu.memref_slice %arg5[%add3A_33, %dma_start3A_54] : memref<32768x256xf32, #tpu.memory_space<hbm>> -> memref<128x256xf32, #tpu.memory_space<hbm>>
        %dma_start3A_56 = arith.constant 0 : i32
        %dma_start3A_57 = tpu.memref_slice %arg5[%add3A_33, %dma_start3A_56] : memref<32768x256xf32, #tpu.memory_space<hbm>> -> memref<128x256xf32, #tpu.memory_space<hbm>>
        tpu.enqueue_dma source(%arg9 : memref<128x256xf32, #tpu.memory_space<vmem>>) target(%dma_start3A_57 : memref<128x256xf32, #tpu.memory_space<hbm>>) target_semaphore(%run_scoped3A : memref<!tpu.dma_semaphore, #tpu.memory_space<semaphore_mem>>)
        %dma_wait3A_58 = arith.constant 0 : i32
        %dma_wait3A_59 = tpu.memref_slice %arg5[%add3A_33, %dma_wait3A_58] : memref<32768x256xf32, #tpu.memory_space<hbm>> -> memref<128x256xf32, #tpu.memory_space<hbm>>
        %dma_wait3A_60 = arith.constant 0 : i32
        %dma_wait3A_61 = tpu.memref_slice %arg5[%add3A_33, %dma_wait3A_60] : memref<32768x256xf32, #tpu.memory_space<hbm>> -> memref<128x256xf32, #tpu.memory_space<hbm>>
        tpu.wait_dma2 semaphore(%run_scoped3A : memref<!tpu.dma_semaphore, #tpu.memory_space<semaphore_mem>>) src(%arg9 : memref<128x256xf32, #tpu.memory_space<vmem>>) dst(%dma_wait3A_61 : memref<128x256xf32, #tpu.memory_space<hbm>>)
        tpu.yield
      }) : () -> ()
      %add3A_34 = arith.constant 1 : i32
      %add3A_35 = arith.addi %scan3A_25, %add3A_34 : i32
      %lt3A = arith.constant 8 : i32
      %lt3A_36 = arith.cmpi slt, %add3A_35, %lt3A : i32
      %convert_element_type3A = arith.extui %lt3A_36 : i1 to i32
      %cond3A = arith.constant 0 : i32
      %cond3A_37 = arith.cmpi ne, %convert_element_type3A, %cond3A : i32
      scf.if %cond3A_37 {
        %add3A_54 = arith.constant 1 : i32
        %add3A_55 = arith.addi %scan3A_25, %add3A_54 : i32
        %dma_start3A_56 = arith.constant 0 : i32
        %dma_start3A_57 = tpu.memref_slice %arg7[%add3A_55, %dma_start3A_56] : memref<8x128xi32, #tpu.memory_space<vmem>> -> memref<1x128xi32, #tpu.memory_space<vmem>>
        %dma_start3A_58 = tpu.memref_squeeze %dma_start3A_57 : memref<1x128xi32, #tpu.memory_space<vmem>> -> memref<128xi32, #tpu.memory_space<vmem>>
        %dma_start3A_59 = arith.constant 0 : i32
        %dma_start3A_60 = arith.constant 0 : i32
        %dma_start3A_61 = tpu.memref_slice %arg2[%dma_start3A_59, %dma_start3A_60] : memref<10000x256xf32, #tpu.memory_space<hbm>> -> memref<10000x256xf32, #tpu.memory_space<hbm>>
        tpu.enqueue_indirect_dma source(%dma_start3A_61 : memref<10000x256xf32, #tpu.memory_space<hbm>>) target(%arg9 : memref<128x256xf32, #tpu.memory_space<vmem>>) offsets(%dma_start3A_58 : memref<128xi32, #tpu.memory_space<vmem>>) semaphore(%arg11 : memref<!tpu.dma_semaphore, #tpu.memory_space<semaphore_mem>>)
      } else {
      }
      %dma_wait3A_38 = arith.constant 0 : i32
      %dma_wait3A_39 = tpu.memref_slice %arg8[%scan3A_25, %dma_wait3A_38] : memref<8x128xi32, #tpu.memory_space<vmem>> -> memref<1x128xi32, #tpu.memory_space<vmem>>
      %dma_wait3A_40 = tpu.memref_squeeze %dma_wait3A_39 : memref<1x128xi32, #tpu.memory_space<vmem>> -> memref<128xi32, #tpu.memory_space<vmem>>
      %dma_wait3A_41 = arith.constant 0 : i32
      %dma_wait3A_42 = arith.constant 0 : i32
      %dma_wait3A_43 = tpu.memref_slice %arg2[%dma_wait3A_41, %dma_wait3A_42] : memref<10000x256xf32, #tpu.memory_space<hbm>> -> memref<10000x256xf32, #tpu.memory_space<hbm>>
      tpu.wait_indirect_dma semaphore(%arg12 : memref<!tpu.dma_semaphore, #tpu.memory_space<semaphore_mem>>) src(%dma_wait3A_43 : memref<10000x256xf32, #tpu.memory_space<hbm>>) dst(%arg10 : memref<128x256xf32, #tpu.memory_space<vmem>>)
      %mul3A_44 = arith.constant 128 : i32
      %mul3A_45 = arith.muli %scan3A_25, %mul3A_44 : i32
      %add3A_46 = arith.addi %mul3A_2, %mul3A_45 : i32
      "tpu.region"() ({
        %run_scoped3A = tpu.sem_alloc : memref<!tpu.dma_semaphore, #tpu.memory_space<semaphore_mem>>
        %dma_start3A_54 = arith.constant 0 : i32
        %dma_start3A_55 = tpu.memref_slice %arg6[%add3A_46, %dma_start3A_54] : memref<32768x256xf32, #tpu.memory_space<hbm>> -> memref<128x256xf32, #tpu.memory_space<hbm>>
        %dma_start3A_56 = arith.constant 0 : i32
        %dma_start3A_57 = tpu.memref_slice %arg6[%add3A_46, %dma_start3A_56] : memref<32768x256xf32, #tpu.memory_space<hbm>> -> memref<128x256xf32, #tpu.memory_space<hbm>>
        tpu.enqueue_dma source(%arg10 : memref<128x256xf32, #tpu.memory_space<vmem>>) target(%dma_start3A_57 : memref<128x256xf32, #tpu.memory_space<hbm>>) target_semaphore(%run_scoped3A : memref<!tpu.dma_semaphore, #tpu.memory_space<semaphore_mem>>)
        %dma_wait3A_58 = arith.constant 0 : i32
        %dma_wait3A_59 = tpu.memref_slice %arg6[%add3A_46, %dma_wait3A_58] : memref<32768x256xf32, #tpu.memory_space<hbm>> -> memref<128x256xf32, #tpu.memory_space<hbm>>
        %dma_wait3A_60 = arith.constant 0 : i32
        %dma_wait3A_61 = tpu.memref_slice %arg6[%add3A_46, %dma_wait3A_60] : memref<32768x256xf32, #tpu.memory_space<hbm>> -> memref<128x256xf32, #tpu.memory_space<hbm>>
        tpu.wait_dma2 semaphore(%run_scoped3A : memref<!tpu.dma_semaphore, #tpu.memory_space<semaphore_mem>>) src(%arg10 : memref<128x256xf32, #tpu.memory_space<vmem>>) dst(%dma_wait3A_61 : memref<128x256xf32, #tpu.memory_space<hbm>>)
        tpu.yield
      }) : () -> ()
      %add3A_47 = arith.constant 1 : i32
      %add3A_48 = arith.addi %scan3A_25, %add3A_47 : i32
      %lt3A_49 = arith.constant 8 : i32
      %lt3A_50 = arith.cmpi slt, %add3A_48, %lt3A_49 : i32
      %convert_element_type3A_51 = arith.extui %lt3A_50 : i1 to i32
      %cond3A_52 = arith.constant 0 : i32
      %cond3A_53 = arith.cmpi ne, %convert_element_type3A_51, %cond3A_52 : i32
      scf.if %cond3A_53 {
        %add3A_54 = arith.constant 1 : i32
        %add3A_55 = arith.addi %scan3A_25, %add3A_54 : i32
        %dma_start3A_56 = arith.constant 0 : i32
        %dma_start3A_57 = tpu.memref_slice %arg8[%add3A_55, %dma_start3A_56] : memref<8x128xi32, #tpu.memory_space<vmem>> -> memref<1x128xi32, #tpu.memory_space<vmem>>
        %dma_start3A_58 = tpu.memref_squeeze %dma_start3A_57 : memref<1x128xi32, #tpu.memory_space<vmem>> -> memref<128xi32, #tpu.memory_space<vmem>>
        %dma_start3A_59 = arith.constant 0 : i32
        %dma_start3A_60 = arith.constant 0 : i32
        %dma_start3A_61 = tpu.memref_slice %arg2[%dma_start3A_59, %dma_start3A_60] : memref<10000x256xf32, #tpu.memory_space<hbm>> -> memref<10000x256xf32, #tpu.memory_space<hbm>>
        tpu.enqueue_indirect_dma source(%dma_start3A_61 : memref<10000x256xf32, #tpu.memory_space<hbm>>) target(%arg10 : memref<128x256xf32, #tpu.memory_space<vmem>>) offsets(%dma_start3A_58 : memref<128xi32, #tpu.memory_space<vmem>>) semaphore(%arg12 : memref<!tpu.dma_semaphore, #tpu.memory_space<semaphore_mem>>)
      } else {
      }
    }
    %scan3A_24 = arith.constant 8 : i32
    return
  }
}

#map = affine_map<(d0, d1) -> (0, 0)>
module attributes {stable_mosaic.version = 14 : i64} {
  func.func @_pair_kernel(%arg0: i32, %arg1: i32, %arg2: memref<10000x256xf32, #tpu.memory_space<hbm>>, %arg3: memref<256x128xi32, #tpu.memory_space<hbm>>, %arg4: memref<256x128xi32, #tpu.memory_space<hbm>>, %arg5: memref<32768x256xf32, #tpu.memory_space<hbm>>, %arg6: memref<32768x256xf32, #tpu.memory_space<hbm>>, %arg7: memref<8x128xi32, #tpu.memory_space<vmem>>, %arg8: memref<8x128xi32, #tpu.memory_space<vmem>>, %arg9: memref<128x256xf32, #tpu.memory_space<vmem>>, %arg10: memref<128x256xf32, #tpu.memory_space<vmem>>, %arg11: memref<!tpu.dma_semaphore, #tpu.memory_space<semaphore_mem>>, %arg12: memref<!tpu.dma_semaphore, #tpu.memory_space<semaphore_mem>>) attributes {dimension_semantics = [#tpu.dimension_semantics<core_parallel>, #tpu.dimension_semantics<subcore_parallel>], iteration_bounds = array<i64: 2, 16>, scalar_prefetch = 0 : i64, scratch_operands = 6 : i64, tpu.core_type = #tpu.core_type<sc_vector_subcore>, window_params = [{transform_indices = #map}, {transform_indices = #map}, {transform_indices = #map}, {transform_indices = #map}, {transform_indices = #map}]} {
    %mul3A = arith.constant 16 : i32
    %mul3A_0 = arith.muli %arg0, %mul3A : i32
    %add3A = arith.addi %mul3A_0, %arg1 : i32
    %mul3A_1 = arith.constant 1024 : i32
    %mul3A_2 = arith.muli %add3A, %mul3A_1 : i32
    %mul3A_3 = arith.constant 8 : i32
    %mul3A_4 = arith.muli %add3A, %mul3A_3 : i32
    "tpu.region"() ({
      %run_scoped3A = tpu.sem_alloc : memref<!tpu.dma_semaphore, #tpu.memory_space<semaphore_mem>>
      %dma_start3A_25 = arith.constant 0 : i32
      %dma_start3A_26 = tpu.memref_slice %arg3[%mul3A_4, %dma_start3A_25] : memref<256x128xi32, #tpu.memory_space<hbm>> -> memref<8x128xi32, #tpu.memory_space<hbm>>
      %dma_start3A_27 = arith.constant 0 : i32
      %dma_start3A_28 = tpu.memref_slice %arg3[%mul3A_4, %dma_start3A_27] : memref<256x128xi32, #tpu.memory_space<hbm>> -> memref<8x128xi32, #tpu.memory_space<hbm>>
      tpu.enqueue_dma source(%dma_start3A_28 : memref<8x128xi32, #tpu.memory_space<hbm>>) target(%arg7 : memref<8x128xi32, #tpu.memory_space<vmem>>) target_semaphore(%run_scoped3A : memref<!tpu.dma_semaphore, #tpu.memory_space<semaphore_mem>>)
      %dma_wait3A = arith.constant 0 : i32
      %dma_wait3A_29 = tpu.memref_slice %arg3[%mul3A_4, %dma_wait3A] : memref<256x128xi32, #tpu.memory_space<hbm>> -> memref<8x128xi32, #tpu.memory_space<hbm>>
      %dma_wait3A_30 = arith.constant 0 : i32
      %dma_wait3A_31 = tpu.memref_slice %arg3[%mul3A_4, %dma_wait3A_30] : memref<256x128xi32, #tpu.memory_space<hbm>> -> memref<8x128xi32, #tpu.memory_space<hbm>>
      tpu.wait_dma2 semaphore(%run_scoped3A : memref<!tpu.dma_semaphore, #tpu.memory_space<semaphore_mem>>) src(%dma_wait3A_31 : memref<8x128xi32, #tpu.memory_space<hbm>>) dst(%arg7 : memref<8x128xi32, #tpu.memory_space<vmem>>)
      tpu.yield
    }) : () -> ()
    %mul3A_5 = arith.constant 8 : i32
    %mul3A_6 = arith.muli %add3A, %mul3A_5 : i32
    "tpu.region"() ({
      %run_scoped3A = tpu.sem_alloc : memref<!tpu.dma_semaphore, #tpu.memory_space<semaphore_mem>>
      %dma_start3A_25 = arith.constant 0 : i32
      %dma_start3A_26 = tpu.memref_slice %arg4[%mul3A_6, %dma_start3A_25] : memref<256x128xi32, #tpu.memory_space<hbm>> -> memref<8x128xi32, #tpu.memory_space<hbm>>
      %dma_start3A_27 = arith.constant 0 : i32
      %dma_start3A_28 = tpu.memref_slice %arg4[%mul3A_6, %dma_start3A_27] : memref<256x128xi32, #tpu.memory_space<hbm>> -> memref<8x128xi32, #tpu.memory_space<hbm>>
      tpu.enqueue_dma source(%dma_start3A_28 : memref<8x128xi32, #tpu.memory_space<hbm>>) target(%arg8 : memref<8x128xi32, #tpu.memory_space<vmem>>) target_semaphore(%run_scoped3A : memref<!tpu.dma_semaphore, #tpu.memory_space<semaphore_mem>>)
      %dma_wait3A = arith.constant 0 : i32
      %dma_wait3A_29 = tpu.memref_slice %arg4[%mul3A_6, %dma_wait3A] : memref<256x128xi32, #tpu.memory_space<hbm>> -> memref<8x128xi32, #tpu.memory_space<hbm>>
      %dma_wait3A_30 = arith.constant 0 : i32
      %dma_wait3A_31 = tpu.memref_slice %arg4[%mul3A_6, %dma_wait3A_30] : memref<256x128xi32, #tpu.memory_space<hbm>> -> memref<8x128xi32, #tpu.memory_space<hbm>>
      tpu.wait_dma2 semaphore(%run_scoped3A : memref<!tpu.dma_semaphore, #tpu.memory_space<semaphore_mem>>) src(%dma_wait3A_31 : memref<8x128xi32, #tpu.memory_space<hbm>>) dst(%arg8 : memref<8x128xi32, #tpu.memory_space<vmem>>)
      tpu.yield
    }) : () -> ()
    %dma_start3A = arith.constant 0 : i32
    %dma_start3A_7 = arith.constant 0 : i32
    %dma_start3A_8 = tpu.memref_slice %arg7[%dma_start3A, %dma_start3A_7] : memref<8x128xi32, #tpu.memory_space<vmem>> -> memref<1x128xi32, #tpu.memory_space<vmem>>
    %dma_start3A_9 = tpu.memref_squeeze %dma_start3A_8 : memref<1x128xi32, #tpu.memory_space<vmem>> -> memref<128xi32, #tpu.memory_space<vmem>>
    %dma_start3A_10 = arith.constant 0 : i32
    %dma_start3A_11 = arith.constant 0 : i32
    %dma_start3A_12 = tpu.memref_slice %arg2[%dma_start3A_10, %dma_start3A_11] : memref<10000x256xf32, #tpu.memory_space<hbm>> -> memref<10000x256xf32, #tpu.memory_space<hbm>>
    tpu.enqueue_indirect_dma source(%dma_start3A_12 : memref<10000x256xf32, #tpu.memory_space<hbm>>) target(%arg9 : memref<128x256xf32, #tpu.memory_space<vmem>>) offsets(%dma_start3A_9 : memref<128xi32, #tpu.memory_space<vmem>>) semaphore(%arg11 : memref<!tpu.dma_semaphore, #tpu.memory_space<semaphore_mem>>)
    %dma_start3A_13 = arith.constant 0 : i32
    %dma_start3A_14 = arith.constant 0 : i32
    %dma_start3A_15 = tpu.memref_slice %arg8[%dma_start3A_13, %dma_start3A_14] : memref<8x128xi32, #tpu.memory_space<vmem>> -> memref<1x128xi32, #tpu.memory_space<vmem>>
    %dma_start3A_16 = tpu.memref_squeeze %dma_start3A_15 : memref<1x128xi32, #tpu.memory_space<vmem>> -> memref<128xi32, #tpu.memory_space<vmem>>
    %dma_start3A_17 = arith.constant 0 : i32
    %dma_start3A_18 = arith.constant 0 : i32
    %dma_start3A_19 = tpu.memref_slice %arg2[%dma_start3A_17, %dma_start3A_18] : memref<10000x256xf32, #tpu.memory_space<hbm>> -> memref<10000x256xf32, #tpu.memory_space<hbm>>
    tpu.enqueue_indirect_dma source(%dma_start3A_19 : memref<10000x256xf32, #tpu.memory_space<hbm>>) target(%arg10 : memref<128x256xf32, #tpu.memory_space<vmem>>) offsets(%dma_start3A_16 : memref<128xi32, #tpu.memory_space<vmem>>) semaphore(%arg12 : memref<!tpu.dma_semaphore, #tpu.memory_space<semaphore_mem>>)
    %scan3A = arith.constant 0 : i32
    %scan3A_20 = arith.constant 0 : i32
    %scan3A_21 = arith.constant 8 : i32
    %scan3A_22 = arith.addi %scan3A_20, %scan3A_21 : i32
    %scan3A_23 = arith.constant 1 : i32
    scf.for %scan3A_25 = %scan3A_20 to %scan3A_22 step %scan3A_23  : i32 {
      %dma_wait3A = arith.constant 0 : i32
      %dma_wait3A_26 = tpu.memref_slice %arg7[%scan3A_25, %dma_wait3A] : memref<8x128xi32, #tpu.memory_space<vmem>> -> memref<1x128xi32, #tpu.memory_space<vmem>>
      %dma_wait3A_27 = tpu.memref_squeeze %dma_wait3A_26 : memref<1x128xi32, #tpu.memory_space<vmem>> -> memref<128xi32, #tpu.memory_space<vmem>>
      %dma_wait3A_28 = arith.constant 0 : i32
      %dma_wait3A_29 = arith.constant 0 : i32
      %dma_wait3A_30 = tpu.memref_slice %arg2[%dma_wait3A_28, %dma_wait3A_29] : memref<10000x256xf32, #tpu.memory_space<hbm>> -> memref<10000x256xf32, #tpu.memory_space<hbm>>
      tpu.wait_indirect_dma semaphore(%arg11 : memref<!tpu.dma_semaphore, #tpu.memory_space<semaphore_mem>>) src(%dma_wait3A_30 : memref<10000x256xf32, #tpu.memory_space<hbm>>) dst(%arg9 : memref<128x256xf32, #tpu.memory_space<vmem>>)
      %mul3A_31 = arith.constant 128 : i32
      %mul3A_32 = arith.muli %scan3A_25, %mul3A_31 : i32
      %add3A_33 = arith.addi %mul3A_2, %mul3A_32 : i32
      "tpu.region"() ({
        %run_scoped3A = tpu.sem_alloc : memref<!tpu.dma_semaphore, #tpu.memory_space<semaphore_mem>>
        %dma_start3A_54 = arith.constant 0 : i32
        %dma_start3A_55 = tpu.memref_slice %arg5[%add3A_33, %dma_start3A_54] : memref<32768x256xf32, #tpu.memory_space<hbm>> -> memref<128x256xf32, #tpu.memory_space<hbm>>
        %dma_start3A_56 = arith.constant 0 : i32
        %dma_start3A_57 = tpu.memref_slice %arg5[%add3A_33, %dma_start3A_56] : memref<32768x256xf32, #tpu.memory_space<hbm>> -> memref<128x256xf32, #tpu.memory_space<hbm>>
        tpu.enqueue_dma source(%arg9 : memref<128x256xf32, #tpu.memory_space<vmem>>) target(%dma_start3A_57 : memref<128x256xf32, #tpu.memory_space<hbm>>) target_semaphore(%run_scoped3A : memref<!tpu.dma_semaphore, #tpu.memory_space<semaphore_mem>>)
        %dma_wait3A_58 = arith.constant 0 : i32
        %dma_wait3A_59 = tpu.memref_slice %arg5[%add3A_33, %dma_wait3A_58] : memref<32768x256xf32, #tpu.memory_space<hbm>> -> memref<128x256xf32, #tpu.memory_space<hbm>>
        %dma_wait3A_60 = arith.constant 0 : i32
        %dma_wait3A_61 = tpu.memref_slice %arg5[%add3A_33, %dma_wait3A_60] : memref<32768x256xf32, #tpu.memory_space<hbm>> -> memref<128x256xf32, #tpu.memory_space<hbm>>
        tpu.wait_dma2 semaphore(%run_scoped3A : memref<!tpu.dma_semaphore, #tpu.memory_space<semaphore_mem>>) src(%arg9 : memref<128x256xf32, #tpu.memory_space<vmem>>) dst(%dma_wait3A_61 : memref<128x256xf32, #tpu.memory_space<hbm>>)
        tpu.yield
      }) : () -> ()
      %add3A_34 = arith.constant 1 : i32
      %add3A_35 = arith.addi %scan3A_25, %add3A_34 : i32
      %lt3A = arith.constant 8 : i32
      %lt3A_36 = arith.cmpi slt, %add3A_35, %lt3A : i32
      %convert_element_type3A = arith.extui %lt3A_36 : i1 to i32
      %cond3A = arith.constant 0 : i32
      %cond3A_37 = arith.cmpi ne, %convert_element_type3A, %cond3A : i32
      scf.if %cond3A_37 {
        %add3A_54 = arith.constant 1 : i32
        %add3A_55 = arith.addi %scan3A_25, %add3A_54 : i32
        %dma_start3A_56 = arith.constant 0 : i32
        %dma_start3A_57 = tpu.memref_slice %arg7[%add3A_55, %dma_start3A_56] : memref<8x128xi32, #tpu.memory_space<vmem>> -> memref<1x128xi32, #tpu.memory_space<vmem>>
        %dma_start3A_58 = tpu.memref_squeeze %dma_start3A_57 : memref<1x128xi32, #tpu.memory_space<vmem>> -> memref<128xi32, #tpu.memory_space<vmem>>
        %dma_start3A_59 = arith.constant 0 : i32
        %dma_start3A_60 = arith.constant 0 : i32
        %dma_start3A_61 = tpu.memref_slice %arg2[%dma_start3A_59, %dma_start3A_60] : memref<10000x256xf32, #tpu.memory_space<hbm>> -> memref<10000x256xf32, #tpu.memory_space<hbm>>
        tpu.enqueue_indirect_dma source(%dma_start3A_61 : memref<10000x256xf32, #tpu.memory_space<hbm>>) target(%arg9 : memref<128x256xf32, #tpu.memory_space<vmem>>) offsets(%dma_start3A_58 : memref<128xi32, #tpu.memory_space<vmem>>) semaphore(%arg11 : memref<!tpu.dma_semaphore, #tpu.memory_space<semaphore_mem>>)
      } else {
      }
      %dma_wait3A_38 = arith.constant 0 : i32
      %dma_wait3A_39 = tpu.memref_slice %arg8[%scan3A_25, %dma_wait3A_38] : memref<8x128xi32, #tpu.memory_space<vmem>> -> memref<1x128xi32, #tpu.memory_space<vmem>>
      %dma_wait3A_40 = tpu.memref_squeeze %dma_wait3A_39 : memref<1x128xi32, #tpu.memory_space<vmem>> -> memref<128xi32, #tpu.memory_space<vmem>>
      %dma_wait3A_41 = arith.constant 0 : i32
      %dma_wait3A_42 = arith.constant 0 : i32
      %dma_wait3A_43 = tpu.memref_slice %arg2[%dma_wait3A_41, %dma_wait3A_42] : memref<10000x256xf32, #tpu.memory_space<hbm>> -> memref<10000x256xf32, #tpu.memory_space<hbm>>
      tpu.wait_indirect_dma semaphore(%arg12 : memref<!tpu.dma_semaphore, #tpu.memory_space<semaphore_mem>>) src(%dma_wait3A_43 : memref<10000x256xf32, #tpu.memory_space<hbm>>) dst(%arg10 : memref<128x256xf32, #tpu.memory_space<vmem>>)
      %mul3A_44 = arith.constant 128 : i32
      %mul3A_45 = arith.muli %scan3A_25, %mul3A_44 : i32
      %add3A_46 = arith.addi %mul3A_2, %mul3A_45 : i32
      "tpu.region"() ({
        %run_scoped3A = tpu.sem_alloc : memref<!tpu.dma_semaphore, #tpu.memory_space<semaphore_mem>>
        %dma_start3A_54 = arith.constant 0 : i32
        %dma_start3A_55 = tpu.memref_slice %arg6[%add3A_46, %dma_start3A_54] : memref<32768x256xf32, #tpu.memory_space<hbm>> -> memref<128x256xf32, #tpu.memory_space<hbm>>
        %dma_start3A_56 = arith.constant 0 : i32
        %dma_start3A_57 = tpu.memref_slice %arg6[%add3A_46, %dma_start3A_56] : memref<32768x256xf32, #tpu.memory_space<hbm>> -> memref<128x256xf32, #tpu.memory_space<hbm>>
        tpu.enqueue_dma source(%arg10 : memref<128x256xf32, #tpu.memory_space<vmem>>) target(%dma_start3A_57 : memref<128x256xf32, #tpu.memory_space<hbm>>) target_semaphore(%run_scoped3A : memref<!tpu.dma_semaphore, #tpu.memory_space<semaphore_mem>>)
        %dma_wait3A_58 = arith.constant 0 : i32
        %dma_wait3A_59 = tpu.memref_slice %arg6[%add3A_46, %dma_wait3A_58] : memref<32768x256xf32, #tpu.memory_space<hbm>> -> memref<128x256xf32, #tpu.memory_space<hbm>>
        %dma_wait3A_60 = arith.constant 0 : i32
        %dma_wait3A_61 = tpu.memref_slice %arg6[%add3A_46, %dma_wait3A_60] : memref<32768x256xf32, #tpu.memory_space<hbm>> -> memref<128x256xf32, #tpu.memory_space<hbm>>
        tpu.wait_dma2 semaphore(%run_scoped3A : memref<!tpu.dma_semaphore, #tpu.memory_space<semaphore_mem>>) src(%arg10 : memref<128x256xf32, #tpu.memory_space<vmem>>) dst(%dma_wait3A_61 : memref<128x256xf32, #tpu.memory_space<hbm>>)
        tpu.yield
      }) : () -> ()
      %add3A_47 = arith.constant 1 : i32
      %add3A_48 = arith.addi %scan3A_25, %add3A_47 : i32
      %lt3A_49 = arith.constant 8 : i32
      %lt3A_50 = arith.cmpi slt, %add3A_48, %lt3A_49 : i32
      %convert_element_type3A_51 = arith.extui %lt3A_50 : i1 to i32
      %cond3A_52 = arith.constant 0 : i32
      %cond3A_53 = arith.cmpi ne, %convert_element_type3A_51, %cond3A_52 : i32
      scf.if %cond3A_53 {
        %add3A_54 = arith.constant 1 : i32
        %add3A_55 = arith.addi %scan3A_25, %add3A_54 : i32
        %dma_start3A_56 = arith.constant 0 : i32
        %dma_start3A_57 = tpu.memref_slice %arg8[%add3A_55, %dma_start3A_56] : memref<8x128xi32, #tpu.memory_space<vmem>> -> memref<1x128xi32, #tpu.memory_space<vmem>>
        %dma_start3A_58 = tpu.memref_squeeze %dma_start3A_57 : memref<1x128xi32, #tpu.memory_space<vmem>> -> memref<128xi32, #tpu.memory_space<vmem>>
        %dma_start3A_59 = arith.constant 0 : i32
        %dma_start3A_60 = arith.constant 0 : i32
        %dma_start3A_61 = tpu.memref_slice %arg2[%dma_start3A_59, %dma_start3A_60] : memref<10000x256xf32, #tpu.memory_space<hbm>> -> memref<10000x256xf32, #tpu.memory_space<hbm>>
        tpu.enqueue_indirect_dma source(%dma_start3A_61 : memref<10000x256xf32, #tpu.memory_space<hbm>>) target(%arg10 : memref<128x256xf32, #tpu.memory_space<vmem>>) offsets(%dma_start3A_58 : memref<128xi32, #tpu.memory_space<vmem>>) semaphore(%arg12 : memref<!tpu.dma_semaphore, #tpu.memory_space<semaphore_mem>>)
      } else {
      }
    }
    %scan3A_24 = arith.constant 8 : i32
    return
  }
}

module attributes {stable_mosaic.version = 14 : i64} {
  func.func @_inp_body(%arg0: i32, %arg1: i32, %arg2: memref<1000x128xf32, #tpu.memory_space<vmem>>, %arg3: memref<128x128xf32, #tpu.memory_space<vmem>>, %arg4: memref<1x128xf32, #tpu.memory_space<vmem>>, %arg5: memref<1x1000x128xf32, #tpu.memory_space<vmem>>) attributes {dimension_semantics = [#tpu.dimension_semantics<arbitrary>, #tpu.dimension_semantics<arbitrary>], iteration_bounds = array<i64: 2, 10>, scalar_prefetch = 0 : i64, scratch_operands = 0 : i64, tpu.core_type = #tpu.core_type<tc>, window_params = [{transform_indices = @transform_0, window_bounds = array<i64: 1000, 128>}, {transform_indices = @transform_1, window_bounds = array<i64: 128, 128>}, {transform_indices = @transform_2, window_bounds = array<i64: 1, 128>}, {transform_indices = @transform_3, window_bounds = array<i64: 1, 1000, 128>}]} {
    %get3A = arith.constant 0 : index
    %get3A_0 = arith.constant 0 : index
    %get3A_1 = vector.load %arg2[%get3A, %get3A_0] : memref<1000x128xf32, #tpu.memory_space<vmem>>, vector<1000x128xf32>
    %get3A_2 = arith.constant 0 : index
    %get3A_3 = arith.constant 0 : index
    %get3A_4 = vector.load %arg3[%get3A_2, %get3A_3] : memref<128x128xf32, #tpu.memory_space<vmem>>, vector<128x128xf32>
    %dot_general3A = arith.constant dense<0.000000e+00> : vector<1000x128xf32>
    %dot_general3A_5 = tpu.matmul %get3A_1, %get3A_4, %dot_general3A {dimension_numbers = #tpu.dot_dimension_numbers<[1], [0], [0], [1], [0, 0, 1, 1], [], []>, transpose_lhs_hint = false} : vector<1000x128xf32>, vector<128x128xf32>, vector<1000x128xf32> -> vector<1000x128xf32>
    %get3A_6 = arith.constant 0 : index
    %get3A_7 = arith.constant 0 : index
    %get3A_8 = vector.load %arg4[%get3A_6, %get3A_7] : memref<1x128xf32, #tpu.memory_space<vmem>>, vector<1x128xf32>
    %add3A = vector.broadcast %get3A_8 : vector<1x128xf32> to vector<1000x128xf32>
    %add3A_9 = arith.addf %dot_general3A_5, %add3A : vector<1000x128xf32>
    %max3A = arith.constant 0.000000e+00 : f32
    %max3A_10 = vector.broadcast %max3A : f32 to vector<1000x128xf32>
    %max3A_11 = arith.maximumf %add3A_9, %max3A_10 : vector<1000x128xf32>
    %swap3A = arith.constant 0 : index
    %swap3A_12 = arith.constant 0 : index
    %swap3A_13 = arith.constant 0 : index
    %swap3A_14 = vector.load %arg5[%swap3A, %swap3A_12, %swap3A_13] : memref<1x1000x128xf32, #tpu.memory_space<vmem>>, vector<1x1000x128xf32>
    %swap3A_15 = vector.shape_cast %swap3A_14 : vector<1x1000x128xf32> to vector<1000x128xf32>
    %swap3A_16 = vector.shape_cast %max3A_11 : vector<1000x128xf32> to vector<1x1000x128xf32>
    tpu.vector_store %arg5[%swap3A, %swap3A_12, %swap3A_13], %swap3A_16 {strides = array<i32>} : memref<1x1000x128xf32, #tpu.memory_space<vmem>>, vector<1x1000x128xf32>,
    return
  }
  func.func @transform_0(%arg0: i32, %arg1: i32) -> (i32, i32) {
    %c0_i32 = arith.constant 0 : i32
    %c0_i32_0 = arith.constant 0 : i32
    return %arg1, %c0_i32 : i32, i32
  }
  func.func @transform_1(%arg0: i32, %arg1: i32) -> (i32, i32) {
    %c0_i32 = arith.constant 0 : i32
    %c0_i32_0 = arith.constant 0 : i32
    return %c0_i32, %arg0 : i32, i32
  }
  func.func @transform_2(%arg0: i32, %arg1: i32) -> (i32, i32) {
    %c0_i32 = arith.constant 0 : i32
    %c0_i32_0 = arith.constant 0 : i32
    return %c0_i32, %arg0 : i32, i32
  }
  func.func @transform_3(%arg0: i32, %arg1: i32) -> (i32, i32, i32) {
    %c0_i32 = arith.constant 0 : i32
    %c0_i32_0 = arith.constant 0 : i32
    return %arg0, %arg1, %c0_i32 : i32, i32, i32
  }
}

module attributes {stable_mosaic.version = 14 : i64} {
  func.func @_layer_body(%arg0: i32, %arg1: memref<2x1000x128xf32, #tpu.memory_space<vmem>>, %arg2: memref<2x1000x128xf32, #tpu.memory_space<vmem>>, %arg3: memref<1000x1xf32, #tpu.memory_space<vmem>>, %arg4: memref<256x256xf32, #tpu.memory_space<vmem>>, %arg5: memref<256x256xf32, #tpu.memory_space<vmem>>, %arg6: memref<1x256xf32, #tpu.memory_space<vmem>>, %arg7: memref<1x256xf32, #tpu.memory_space<vmem>>, %arg8: memref<1x256xf32, #tpu.memory_space<vmem>>, %arg9: memref<2x1000x128xf32, #tpu.memory_space<vmem>>) attributes {dimension_semantics = [#tpu.dimension_semantics<arbitrary>], iteration_bounds = array<i64: 10>, scalar_prefetch = 0 : i64, scratch_operands = 0 : i64, tpu.core_type = #tpu.core_type<tc>, window_params = [{transform_indices = @transform_0, window_bounds = array<i64: 2, 1000, 128>}, {transform_indices = @transform_1, window_bounds = array<i64: 2, 1000, 128>}, {transform_indices = @transform_2, window_bounds = array<i64: 1000, 1>}, {pipeline_mode = #tpu.pipeline_mode<synchronous>, transform_indices = @transform_3, window_bounds = array<i64: 256, 256>}, {pipeline_mode = #tpu.pipeline_mode<synchronous>, transform_indices = @transform_4, window_bounds = array<i64: 256, 256>}, {pipeline_mode = #tpu.pipeline_mode<synchronous>, transform_indices = @transform_5, window_bounds = array<i64: 1, 256>}, {pipeline_mode = #tpu.pipeline_mode<synchronous>, transform_indices = @transform_6, window_bounds = array<i64: 1, 256>}, {pipeline_mode = #tpu.pipeline_mode<synchronous>, transform_indices = @transform_7, window_bounds = array<i64: 1, 256>}, {transform_indices = @transform_8, window_bounds = array<i64: 2, 1000, 128>}]} {
    %get3A = arith.constant 0 : index
    %get3A_0 = arith.constant 0 : index
    %get3A_1 = arith.constant 0 : index
    %get3A_2 = vector.load %arg1[%get3A, %get3A_0, %get3A_1] : memref<2x1000x128xf32, #tpu.memory_space<vmem>>, vector<1x1000x128xf32>
    %get3A_3 = vector.shape_cast %get3A_2 : vector<1x1000x128xf32> to vector<1000x128xf32>
    %get3A_4 = arith.constant 1 : index
    %get3A_5 = arith.constant 0 : index
    %get3A_6 = arith.constant 0 : index
    %get3A_7 = vector.load %arg1[%get3A_4, %get3A_5, %get3A_6] : memref<2x1000x128xf32, #tpu.memory_space<vmem>>, vector<1x1000x128xf32>
    %get3A_8 = vector.shape_cast %get3A_7 : vector<1x1000x128xf32> to vector<1000x128xf32>
    %concatenate3A = tpu.concatenate %get3A_3, %get3A_8 in 1 : vector<1000x128xf32>, vector<1000x128xf32> -> vector<1000x256xf32>
    %get3A_9 = arith.constant 0 : index
    %get3A_10 = arith.constant 0 : index
    %get3A_11 = vector.load %arg3[%get3A_9, %get3A_10] : memref<1000x1xf32, #tpu.memory_space<vmem>>, vector<1000x1xf32>
    %get3A_12 = arith.constant 0 : index
    %get3A_13 = arith.constant 0 : index
    %get3A_14 = arith.constant 0 : index
    %get3A_15 = vector.load %arg2[%get3A_12, %get3A_13, %get3A_14] : memref<2x1000x128xf32, #tpu.memory_space<vmem>>, vector<1x1000x128xf32>
    %get3A_16 = vector.shape_cast %get3A_15 : vector<1x1000x128xf32> to vector<1000x128xf32>
    %mul3A = vector.broadcast %get3A_11 : vector<1000x1xf32> to vector<1000x128xf32>
    %mul3A_17 = arith.mulf %get3A_16, %mul3A : vector<1000x128xf32>
    %get3A_18 = arith.constant 1 : index
    %get3A_19 = arith.constant 0 : index
    %get3A_20 = arith.constant 0 : index
    %get3A_21 = vector.load %arg2[%get3A_18, %get3A_19, %get3A_20] : memref<2x1000x128xf32, #tpu.memory_space<vmem>>, vector<1x1000x128xf32>
    %get3A_22 = vector.shape_cast %get3A_21 : vector<1x1000x128xf32> to vector<1000x128xf32>
    %mul3A_23 = vector.broadcast %get3A_11 : vector<1000x1xf32> to vector<1000x128xf32>
    %mul3A_24 = arith.mulf %get3A_22, %mul3A_23 : vector<1000x128xf32>
    %concatenate3A_25 = tpu.concatenate %mul3A_17, %mul3A_24 in 1 : vector<1000x128xf32>, vector<1000x128xf32> -> vector<1000x256xf32>
    %get3A_26 = arith.constant 0 : index
    %get3A_27 = arith.constant 0 : index
    %get3A_28 = vector.load %arg4[%get3A_26, %get3A_27] : memref<256x256xf32, #tpu.memory_space<vmem>>, vector<256x256xf32>
    %dot_general3A = arith.constant dense<0.000000e+00> : vector<1000x256xf32>
    %dot_general3A_29 = tpu.matmul %concatenate3A, %get3A_28, %dot_general3A {dimension_numbers = #tpu.dot_dimension_numbers<[1], [0], [0], [1], [0, 0, 1, 1], [], []>, transpose_lhs_hint = false} : vector<1000x256xf32>, vector<256x256xf32>, vector<1000x256xf32> -> vector<1000x256xf32>
    %get3A_30 = arith.constant 0 : index
    %get3A_31 = arith.constant 0 : index
    %get3A_32 = vector.load %arg5[%get3A_30, %get3A_31] : memref<256x256xf32, #tpu.memory_space<vmem>>, vector<256x256xf32>
    %dot_general3A_33 = arith.constant dense<0.000000e+00> : vector<1000x256xf32>
    %dot_general3A_34 = tpu.matmul %concatenate3A_25, %get3A_32, %dot_general3A_33 {dimension_numbers = #tpu.dot_dimension_numbers<[1], [0], [0], [1], [0, 0, 1, 1], [], []>, transpose_lhs_hint = false} : vector<1000x256xf32>, vector<256x256xf32>, vector<1000x256xf32> -> vector<1000x256xf32>
    %add3A = arith.addf %dot_general3A_29, %dot_general3A_34 : vector<1000x256xf32>
    %get3A_35 = arith.constant 0 : index
    %get3A_36 = arith.constant 0 : index
    %get3A_37 = vector.load %arg6[%get3A_35, %get3A_36] : memref<1x256xf32, #tpu.memory_space<vmem>>, vector<1x256xf32>
    %add3A_38 = vector.broadcast %get3A_37 : vector<1x256xf32> to vector<1000x256xf32>
    %add3A_39 = arith.addf %add3A, %add3A_38 : vector<1000x256xf32>
    %max3A = arith.constant 0.000000e+00 : f32
    %max3A_40 = vector.broadcast %max3A : f32 to vector<1000x256xf32>
    %max3A_41 = arith.maximumf %add3A_39, %max3A_40 : vector<1000x256xf32>
    %reduce_sum3A = arith.constant dense<0.000000e+00> : vector<1000xf32>
    %reduce_sum3A_42 = vector.multi_reduction <add>, %max3A_41, %reduce_sum3A [1] : vector<1000x256xf32> to vector<1000xf32>
    %broadcast_in_dim3A = vector.shape_cast %reduce_sum3A_42 : vector<1000xf32> to vector<1000x1xf32>
    %div3A = arith.constant 2.560000e+02 : f32
    %div3A_43 = vector.broadcast %div3A : f32 to vector<1000x1xf32>
    %div3A_44 = arith.divf %broadcast_in_dim3A, %div3A_43 : vector<1000x1xf32>
    %sub3A = vector.broadcast %div3A_44 : vector<1000x1xf32> to vector<1000x256xf32>
    %sub3A_45 = arith.subf %max3A_41, %sub3A : vector<1000x256xf32>
    %mul3A_46 = arith.mulf %sub3A_45, %sub3A_45 : vector<1000x256xf32>
    %reduce_sum3A_47 = arith.constant dense<0.000000e+00> : vector<1000xf32>
    %reduce_sum3A_48 = vector.multi_reduction <add>, %mul3A_46, %reduce_sum3A_47 [1] : vector<1000x256xf32> to vector<1000xf32>
    %broadcast_in_dim3A_49 = vector.shape_cast %reduce_sum3A_48 : vector<1000xf32> to vector<1000x1xf32>
    %div3A_50 = arith.constant 2.560000e+02 : f32
    %div3A_51 = vector.broadcast %div3A_50 : f32 to vector<1000x1xf32>
    %div3A_52 = arith.divf %broadcast_in_dim3A_49, %div3A_51 : vector<1000x1xf32>
    %add3A_53 = arith.constant 9.99999974E-6 : f32
    %add3A_54 = vector.broadcast %add3A_53 : f32 to vector<1000x1xf32>
    %add3A_55 = arith.addf %div3A_52, %add3A_54 : vector<1000x1xf32>
    %rsqrt3A = math.rsqrt %add3A_55 : vector<1000x1xf32>
    %mul3A_56 = vector.broadcast %rsqrt3A : vector<1000x1xf32> to vector<1000x256xf32>
    %mul3A_57 = arith.mulf %sub3A_45, %mul3A_56 : vector<1000x256xf32>
    %get3A_58 = arith.constant 0 : index
    %get3A_59 = arith.constant 0 : index
    %get3A_60 = vector.load %arg7[%get3A_58, %get3A_59] : memref<1x256xf32, #tpu.memory_space<vmem>>, vector<1x256xf32>
    %mul3A_61 = vector.broadcast %get3A_60 : vector<1x256xf32> to vector<1000x256xf32>
    %mul3A_62 = arith.mulf %mul3A_57, %mul3A_61 : vector<1000x256xf32>
    %get3A_63 = arith.constant 0 : index
    %get3A_64 = arith.constant 0 : index
    %get3A_65 = vector.load %arg8[%get3A_63, %get3A_64] : memref<1x256xf32, #tpu.memory_space<vmem>>, vector<1x256xf32>
    %add3A_66 = vector.broadcast %get3A_65 : vector<1x256xf32> to vector<1000x256xf32>
    %add3A_67 = arith.addf %mul3A_62, %add3A_66 : vector<1000x256xf32>
    %slice3A = vector.extract_strided_slice %add3A_67 {offsets = [0, 0], sizes = [1000, 128], strides = [1, 1]} : vector<1000x256xf32> to vector<1000x128xf32>
    %swap3A = arith.constant 0 : index
    %swap3A_68 = arith.constant 0 : index
    %swap3A_69 = arith.constant 0 : index
    %swap3A_70 = vector.load %arg9[%swap3A, %swap3A_68, %swap3A_69] : memref<2x1000x128xf32, #tpu.memory_space<vmem>>, vector<1x1000x128xf32>
    %swap3A_71 = vector.shape_cast %swap3A_70 : vector<1x1000x128xf32> to vector<1000x128xf32>
    %swap3A_72 = vector.shape_cast %slice3A : vector<1000x128xf32> to vector<1x1000x128xf32>
    tpu.vector_store %arg9[%swap3A, %swap3A_68, %swap3A_69], %swap3A_72 {strides = array<i32>} : memref<2x1000x128xf32, #tpu.memory_space<vmem>>, vector<1x1000x128xf32>,
    %slice3A_73 = vector.extract_strided_slice %add3A_67 {offsets = [0, 128], sizes = [1000, 128], strides = [1, 1]} : vector<1000x256xf32> to vector<1000x128xf32>
    %swap3A_74 = arith.constant 1 : index
    %swap3A_75 = arith.constant 0 : index
    %swap3A_76 = arith.constant 0 : index
    %swap3A_77 = vector.load %arg9[%swap3A_74, %swap3A_75, %swap3A_76] : memref<2x1000x128xf32, #tpu.memory_space<vmem>>, vector<1x1000x128xf32>
    %swap3A_78 = vector.shape_cast %swap3A_77 : vector<1x1000x128xf32> to vector<1000x128xf32>
    %swap3A_79 = vector.shape_cast %slice3A_73 : vector<1000x128xf32> to vector<1x1000x128xf32>
    tpu.vector_store %arg9[%swap3A_74, %swap3A_75, %swap3A_76], %swap3A_79 {strides = array<i32>} : memref<2x1000x128xf32, #tpu.memory_space<vmem>>, vector<1x1000x128xf32>,
    return
  }
  func.func @transform_0(%arg0: i32) -> (i32, i32, i32) {
    %c0_i32 = arith.constant 0 : i32
    %c0_i32_0 = arith.constant 0 : i32
    %c0_i32_1 = arith.constant 0 : i32
    return %c0_i32, %arg0, %c0_i32_0 : i32, i32, i32
  }
  func.func @transform_1(%arg0: i32) -> (i32, i32, i32) {
    %c0_i32 = arith.constant 0 : i32
    %c0_i32_0 = arith.constant 0 : i32
    %c0_i32_1 = arith.constant 0 : i32
    return %c0_i32, %arg0, %c0_i32_0 : i32, i32, i32
  }
  func.func @transform_2(%arg0: i32) -> (i32, i32) {
    %c0_i32 = arith.constant 0 : i32
    %c0_i32_0 = arith.constant 0 : i32
    return %arg0, %c0_i32 : i32, i32
  }
  func.func @transform_3(%arg0: i32) -> (i32, i32) {
    %c0_i32 = arith.constant 0 : i32
    %c0_i32_0 = arith.constant 0 : i32
    %c0_i32_1 = arith.constant 0 : i32
    return %c0_i32, %c0_i32_0 : i32, i32
  }
  func.func @transform_4(%arg0: i32) -> (i32, i32) {
    %c0_i32 = arith.constant 0 : i32
    %c0_i32_0 = arith.constant 0 : i32
    %c0_i32_1 = arith.constant 0 : i32
    return %c0_i32, %c0_i32_0 : i32, i32
  }
  func.func @transform_5(%arg0: i32) -> (i32, i32) {
    %c0_i32 = arith.constant 0 : i32
    %c0_i32_0 = arith.constant 0 : i32
    %c0_i32_1 = arith.constant 0 : i32
    return %c0_i32, %c0_i32_0 : i32, i32
  }
  func.func @transform_6(%arg0: i32) -> (i32, i32) {
    %c0_i32 = arith.constant 0 : i32
    %c0_i32_0 = arith.constant 0 : i32
    %c0_i32_1 = arith.constant 0 : i32
    return %c0_i32, %c0_i32_0 : i32, i32
  }
  func.func @transform_7(%arg0: i32) -> (i32, i32) {
    %c0_i32 = arith.constant 0 : i32
    %c0_i32_0 = arith.constant 0 : i32
    %c0_i32_1 = arith.constant 0 : i32
    return %c0_i32, %c0_i32_0 : i32, i32
  }
  func.func @transform_8(%arg0: i32) -> (i32, i32, i32) {
    %c0_i32 = arith.constant 0 : i32
    %c0_i32_0 = arith.constant 0 : i32
    %c0_i32_1 = arith.constant 0 : i32
    return %c0_i32, %arg0, %c0_i32_0 : i32, i32, i32
  }
}

module attributes {stable_mosaic.version = 14 : i64} {
  func.func @_final_body(%arg0: i32, %arg1: memref<2x1000x128xf32, #tpu.memory_space<vmem>>, %arg2: memref<2x1000x128xf32, #tpu.memory_space<vmem>>, %arg3: memref<1000x1xf32, #tpu.memory_space<vmem>>, %arg4: memref<256x256xf32, #tpu.memory_space<vmem>>, %arg5: memref<256x256xf32, #tpu.memory_space<vmem>>, %arg6: memref<1x256xf32, #tpu.memory_space<vmem>>, %arg7: memref<1x256xf32, #tpu.memory_space<vmem>>, %arg8: memref<1x256xf32, #tpu.memory_space<vmem>>, %arg9: memref<1000x256xf32, #tpu.memory_space<vmem>>) attributes {dimension_semantics = [#tpu.dimension_semantics<arbitrary>], iteration_bounds = array<i64: 10>, scalar_prefetch = 0 : i64, scratch_operands = 0 : i64, tpu.core_type = #tpu.core_type<tc>, window_params = [{transform_indices = @transform_0, window_bounds = array<i64: 2, 1000, 128>}, {transform_indices = @transform_1, window_bounds = array<i64: 2, 1000, 128>}, {transform_indices = @transform_2, window_bounds = array<i64: 1000, 1>}, {pipeline_mode = #tpu.pipeline_mode<synchronous>, transform_indices = @transform_3, window_bounds = array<i64: 256, 256>}, {pipeline_mode = #tpu.pipeline_mode<synchronous>, transform_indices = @transform_4, window_bounds = array<i64: 256, 256>}, {pipeline_mode = #tpu.pipeline_mode<synchronous>, transform_indices = @transform_5, window_bounds = array<i64: 1, 256>}, {pipeline_mode = #tpu.pipeline_mode<synchronous>, transform_indices = @transform_6, window_bounds = array<i64: 1, 256>}, {pipeline_mode = #tpu.pipeline_mode<synchronous>, transform_indices = @transform_7, window_bounds = array<i64: 1, 256>}, {transform_indices = @transform_8, window_bounds = array<i64: 1000, 256>}]} {
    %get3A = arith.constant 0 : index
    %get3A_0 = arith.constant 0 : index
    %get3A_1 = arith.constant 0 : index
    %get3A_2 = vector.load %arg1[%get3A, %get3A_0, %get3A_1] : memref<2x1000x128xf32, #tpu.memory_space<vmem>>, vector<1x1000x128xf32>
    %get3A_3 = vector.shape_cast %get3A_2 : vector<1x1000x128xf32> to vector<1000x128xf32>
    %get3A_4 = arith.constant 1 : index
    %get3A_5 = arith.constant 0 : index
    %get3A_6 = arith.constant 0 : index
    %get3A_7 = vector.load %arg1[%get3A_4, %get3A_5, %get3A_6] : memref<2x1000x128xf32, #tpu.memory_space<vmem>>, vector<1x1000x128xf32>
    %get3A_8 = vector.shape_cast %get3A_7 : vector<1x1000x128xf32> to vector<1000x128xf32>
    %concatenate3A = tpu.concatenate %get3A_3, %get3A_8 in 1 : vector<1000x128xf32>, vector<1000x128xf32> -> vector<1000x256xf32>
    %get3A_9 = arith.constant 0 : index
    %get3A_10 = arith.constant 0 : index
    %get3A_11 = vector.load %arg3[%get3A_9, %get3A_10] : memref<1000x1xf32, #tpu.memory_space<vmem>>, vector<1000x1xf32>
    %get3A_12 = arith.constant 0 : index
    %get3A_13 = arith.constant 0 : index
    %get3A_14 = arith.constant 0 : index
    %get3A_15 = vector.load %arg2[%get3A_12, %get3A_13, %get3A_14] : memref<2x1000x128xf32, #tpu.memory_space<vmem>>, vector<1x1000x128xf32>
    %get3A_16 = vector.shape_cast %get3A_15 : vector<1x1000x128xf32> to vector<1000x128xf32>
    %mul3A = vector.broadcast %get3A_11 : vector<1000x1xf32> to vector<1000x128xf32>
    %mul3A_17 = arith.mulf %get3A_16, %mul3A : vector<1000x128xf32>
    %get3A_18 = arith.constant 1 : index
    %get3A_19 = arith.constant 0 : index
    %get3A_20 = arith.constant 0 : index
    %get3A_21 = vector.load %arg2[%get3A_18, %get3A_19, %get3A_20] : memref<2x1000x128xf32, #tpu.memory_space<vmem>>, vector<1x1000x128xf32>
    %get3A_22 = vector.shape_cast %get3A_21 : vector<1x1000x128xf32> to vector<1000x128xf32>
    %mul3A_23 = vector.broadcast %get3A_11 : vector<1000x1xf32> to vector<1000x128xf32>
    %mul3A_24 = arith.mulf %get3A_22, %mul3A_23 : vector<1000x128xf32>
    %concatenate3A_25 = tpu.concatenate %mul3A_17, %mul3A_24 in 1 : vector<1000x128xf32>, vector<1000x128xf32> -> vector<1000x256xf32>
    %get3A_26 = arith.constant 0 : index
    %get3A_27 = arith.constant 0 : index
    %get3A_28 = vector.load %arg4[%get3A_26, %get3A_27] : memref<256x256xf32, #tpu.memory_space<vmem>>, vector<256x256xf32>
    %dot_general3A = arith.constant dense<0.000000e+00> : vector<1000x256xf32>
    %dot_general3A_29 = tpu.matmul %concatenate3A, %get3A_28, %dot_general3A {dimension_numbers = #tpu.dot_dimension_numbers<[1], [0], [0], [1], [0, 0, 1, 1], [], []>, transpose_lhs_hint = false} : vector<1000x256xf32>, vector<256x256xf32>, vector<1000x256xf32> -> vector<1000x256xf32>
    %get3A_30 = arith.constant 0 : index
    %get3A_31 = arith.constant 0 : index
    %get3A_32 = vector.load %arg5[%get3A_30, %get3A_31] : memref<256x256xf32, #tpu.memory_space<vmem>>, vector<256x256xf32>
    %dot_general3A_33 = arith.constant dense<0.000000e+00> : vector<1000x256xf32>
    %dot_general3A_34 = tpu.matmul %concatenate3A_25, %get3A_32, %dot_general3A_33 {dimension_numbers = #tpu.dot_dimension_numbers<[1], [0], [0], [1], [0, 0, 1, 1], [], []>, transpose_lhs_hint = false} : vector<1000x256xf32>, vector<256x256xf32>, vector<1000x256xf32> -> vector<1000x256xf32>
    %add3A = arith.addf %dot_general3A_29, %dot_general3A_34 : vector<1000x256xf32>
    %get3A_35 = arith.constant 0 : index
    %get3A_36 = arith.constant 0 : index
    %get3A_37 = vector.load %arg6[%get3A_35, %get3A_36] : memref<1x256xf32, #tpu.memory_space<vmem>>, vector<1x256xf32>
    %add3A_38 = vector.broadcast %get3A_37 : vector<1x256xf32> to vector<1000x256xf32>
    %add3A_39 = arith.addf %add3A, %add3A_38 : vector<1000x256xf32>
    %max3A = arith.constant 0.000000e+00 : f32
    %max3A_40 = vector.broadcast %max3A : f32 to vector<1000x256xf32>
    %max3A_41 = arith.maximumf %add3A_39, %max3A_40 : vector<1000x256xf32>
    %reduce_sum3A = arith.constant dense<0.000000e+00> : vector<1000xf32>
    %reduce_sum3A_42 = vector.multi_reduction <add>, %max3A_41, %reduce_sum3A [1] : vector<1000x256xf32> to vector<1000xf32>
    %broadcast_in_dim3A = vector.shape_cast %reduce_sum3A_42 : vector<1000xf32> to vector<1000x1xf32>
    %div3A = arith.constant 2.560000e+02 : f32
    %div3A_43 = vector.broadcast %div3A : f32 to vector<1000x1xf32>
    %div3A_44 = arith.divf %broadcast_in_dim3A, %div3A_43 : vector<1000x1xf32>
    %sub3A = vector.broadcast %div3A_44 : vector<1000x1xf32> to vector<1000x256xf32>
    %sub3A_45 = arith.subf %max3A_41, %sub3A : vector<1000x256xf32>
    %mul3A_46 = arith.mulf %sub3A_45, %sub3A_45 : vector<1000x256xf32>
    %reduce_sum3A_47 = arith.constant dense<0.000000e+00> : vector<1000xf32>
    %reduce_sum3A_48 = vector.multi_reduction <add>, %mul3A_46, %reduce_sum3A_47 [1] : vector<1000x256xf32> to vector<1000xf32>
    %broadcast_in_dim3A_49 = vector.shape_cast %reduce_sum3A_48 : vector<1000xf32> to vector<1000x1xf32>
    %div3A_50 = arith.constant 2.560000e+02 : f32
    %div3A_51 = vector.broadcast %div3A_50 : f32 to vector<1000x1xf32>
    %div3A_52 = arith.divf %broadcast_in_dim3A_49, %div3A_51 : vector<1000x1xf32>
    %add3A_53 = arith.constant 9.99999974E-6 : f32
    %add3A_54 = vector.broadcast %add3A_53 : f32 to vector<1000x1xf32>
    %add3A_55 = arith.addf %div3A_52, %add3A_54 : vector<1000x1xf32>
    %rsqrt3A = math.rsqrt %add3A_55 : vector<1000x1xf32>
    %mul3A_56 = vector.broadcast %rsqrt3A : vector<1000x1xf32> to vector<1000x256xf32>
    %mul3A_57 = arith.mulf %sub3A_45, %mul3A_56 : vector<1000x256xf32>
    %get3A_58 = arith.constant 0 : index
    %get3A_59 = arith.constant 0 : index
    %get3A_60 = vector.load %arg7[%get3A_58, %get3A_59] : memref<1x256xf32, #tpu.memory_space<vmem>>, vector<1x256xf32>
    %mul3A_61 = vector.broadcast %get3A_60 : vector<1x256xf32> to vector<1000x256xf32>
    %mul3A_62 = arith.mulf %mul3A_57, %mul3A_61 : vector<1000x256xf32>
    %get3A_63 = arith.constant 0 : index
    %get3A_64 = arith.constant 0 : index
    %get3A_65 = vector.load %arg8[%get3A_63, %get3A_64] : memref<1x256xf32, #tpu.memory_space<vmem>>, vector<1x256xf32>
    %add3A_66 = vector.broadcast %get3A_65 : vector<1x256xf32> to vector<1000x256xf32>
    %add3A_67 = arith.addf %mul3A_62, %add3A_66 : vector<1000x256xf32>
    %mul3A_68 = arith.mulf %add3A_67, %add3A_67 : vector<1000x256xf32>
    %reduce_sum3A_69 = arith.constant dense<0.000000e+00> : vector<1000xf32>
    %reduce_sum3A_70 = vector.multi_reduction <add>, %mul3A_68, %reduce_sum3A_69 [1] : vector<1000x256xf32> to vector<1000xf32>
    %broadcast_in_dim3A_71 = vector.shape_cast %reduce_sum3A_70 : vector<1000xf32> to vector<1000x1xf32>
    %sqrt3A = math.sqrt %broadcast_in_dim3A_71 : vector<1000x1xf32>
    %max3A_72 = arith.constant 9.99999996E-13 : f32
    %max3A_73 = vector.broadcast %max3A_72 : f32 to vector<1000x1xf32>
    %max3A_74 = arith.maximumf %sqrt3A, %max3A_73 : vector<1000x1xf32>
    %div3A_75 = vector.broadcast %max3A_74 : vector<1000x1xf32> to vector<1000x256xf32>
    %div3A_76 = arith.divf %add3A_67, %div3A_75 : vector<1000x256xf32>
    %swap3A = arith.constant 0 : index
    %swap3A_77 = arith.constant 0 : index
    %swap3A_78 = vector.load %arg9[%swap3A, %swap3A_77] : memref<1000x256xf32, #tpu.memory_space<vmem>>, vector<1000x256xf32>
    tpu.vector_store %arg9[%swap3A, %swap3A_77], %div3A_76 {strides = array<i32>} : memref<1000x256xf32, #tpu.memory_space<vmem>>, vector<1000x256xf32>,
    return
  }
  func.func @transform_0(%arg0: i32) -> (i32, i32, i32) {
    %c0_i32 = arith.constant 0 : i32
    %c0_i32_0 = arith.constant 0 : i32
    %c0_i32_1 = arith.constant 0 : i32
    return %c0_i32, %arg0, %c0_i32_0 : i32, i32, i32
  }
  func.func @transform_1(%arg0: i32) -> (i32, i32, i32) {
    %c0_i32 = arith.constant 0 : i32
    %c0_i32_0 = arith.constant 0 : i32
    %c0_i32_1 = arith.constant 0 : i32
    return %c0_i32, %arg0, %c0_i32_0 : i32, i32, i32
  }
  func.func @transform_2(%arg0: i32) -> (i32, i32) {
    %c0_i32 = arith.constant 0 : i32
    %c0_i32_0 = arith.constant 0 : i32
    return %arg0, %c0_i32 : i32, i32
  }
  func.func @transform_3(%arg0: i32) -> (i32, i32) {
    %c0_i32 = arith.constant 0 : i32
    %c0_i32_0 = arith.constant 0 : i32
    %c0_i32_1 = arith.constant 0 : i32
    return %c0_i32, %c0_i32_0 : i32, i32
  }
  func.func @transform_4(%arg0: i32) -> (i32, i32) {
    %c0_i32 = arith.constant 0 : i32
    %c0_i32_0 = arith.constant 0 : i32
    %c0_i32_1 = arith.constant 0 : i32
    return %c0_i32, %c0_i32_0 : i32, i32
  }
  func.func @transform_5(%arg0: i32) -> (i32, i32) {
    %c0_i32 = arith.constant 0 : i32
    %c0_i32_0 = arith.constant 0 : i32
    %c0_i32_1 = arith.constant 0 : i32
    return %c0_i32, %c0_i32_0 : i32, i32
  }
  func.func @transform_6(%arg0: i32) -> (i32, i32) {
    %c0_i32 = arith.constant 0 : i32
    %c0_i32_0 = arith.constant 0 : i32
    %c0_i32_1 = arith.constant 0 : i32
    return %c0_i32, %c0_i32_0 : i32, i32
  }
  func.func @transform_7(%arg0: i32) -> (i32, i32) {
    %c0_i32 = arith.constant 0 : i32
    %c0_i32_0 = arith.constant 0 : i32
    %c0_i32_1 = arith.constant 0 : i32
    return %c0_i32, %c0_i32_0 : i32, i32
  }
  func.func @transform_8(%arg0: i32) -> (i32, i32) {
    %c0_i32 = arith.constant 0 : i32
    %c0_i32_0 = arith.constant 0 : i32
    return %arg0, %c0_i32 : i32, i32
  }
}

module attributes {stable_mosaic.version = 14 : i64} {
  func.func @_mlp_body(%arg0: i32, %arg1: memref<1024x256xf32, #tpu.memory_space<vmem>>, %arg2: memref<1024x256xf32, #tpu.memory_space<vmem>>, %arg3: memref<512x128xf32, #tpu.memory_space<vmem>>, %arg4: memref<1x128xf32, #tpu.memory_space<vmem>>, %arg5: memref<128x128xf32, #tpu.memory_space<vmem>>, %arg6: memref<1x128xf32, #tpu.memory_space<vmem>>, %arg7: memref<1x128xf32, #tpu.memory_space<vmem>>, %arg8: memref<1x1xf32, #tpu.memory_space<vmem>>, %arg9: memref<1024x1xf32, #tpu.memory_space<vmem>>) attributes {dimension_semantics = [#tpu.dimension_semantics<arbitrary>], iteration_bounds = array<i64: 32>, scalar_prefetch = 0 : i64, scratch_operands = 0 : i64, tpu.core_type = #tpu.core_type<tc>, window_params = [{transform_indices = @transform_0, window_bounds = array<i64: 1024, 256>}, {transform_indices = @transform_1, window_bounds = array<i64: 1024, 256>}, {pipeline_mode = #tpu.pipeline_mode<synchronous>, transform_indices = @transform_2, window_bounds = array<i64: 512, 128>}, {pipeline_mode = #tpu.pipeline_mode<synchronous>, transform_indices = @transform_3, window_bounds = array<i64: 1, 128>}, {pipeline_mode = #tpu.pipeline_mode<synchronous>, transform_indices = @transform_4, window_bounds = array<i64: 128, 128>}, {pipeline_mode = #tpu.pipeline_mode<synchronous>, transform_indices = @transform_5, window_bounds = array<i64: 1, 128>}, {pipeline_mode = #tpu.pipeline_mode<synchronous>, transform_indices = @transform_6, window_bounds = array<i64: 1, 128>}, {pipeline_mode = #tpu.pipeline_mode<synchronous>, transform_indices = @transform_7, window_bounds = array<i64: 1, 1>}, {transform_indices = @transform_8, window_bounds = array<i64: 1024, 1>}]} {
    %get3A = arith.constant 0 : index
    %get3A_0 = arith.constant 0 : index
    %get3A_1 = vector.load %arg1[%get3A, %get3A_0] : memref<1024x256xf32, #tpu.memory_space<vmem>>, vector<1024x256xf32>
    %get3A_2 = arith.constant 0 : index
    %get3A_3 = arith.constant 0 : index
    %get3A_4 = vector.load %arg2[%get3A_2, %get3A_3] : memref<1024x256xf32, #tpu.memory_space<vmem>>, vector<1024x256xf32>
    %sub3A = arith.subf %get3A_1, %get3A_4 : vector<1024x256xf32>
    %abs3A = math.absf %sub3A : vector<1024x256xf32>
    %mul3A = arith.mulf %get3A_1, %get3A_4 : vector<1024x256xf32>
    %concatenate3A = tpu.concatenate %abs3A, %mul3A in 1 : vector<1024x256xf32>, vector<1024x256xf32> -> vector<1024x512xf32>
    %get3A_5 = arith.constant 0 : index
    %get3A_6 = arith.constant 0 : index
    %get3A_7 = vector.load %arg3[%get3A_5, %get3A_6] : memref<512x128xf32, #tpu.memory_space<vmem>>, vector<512x128xf32>
    %dot_general3A = arith.constant dense<0.000000e+00> : vector<1024x128xf32>
    %dot_general3A_8 = tpu.matmul %concatenate3A, %get3A_7, %dot_general3A {dimension_numbers = #tpu.dot_dimension_numbers<[1], [0], [0], [1], [0, 0, 1, 1], [], []>, transpose_lhs_hint = false} : vector<1024x512xf32>, vector<512x128xf32>, vector<1024x128xf32> -> vector<1024x128xf32>
    %get3A_9 = arith.constant 0 : index
    %get3A_10 = arith.constant 0 : index
    %get3A_11 = vector.load %arg4[%get3A_9, %get3A_10] : memref<1x128xf32, #tpu.memory_space<vmem>>, vector<1x128xf32>
    %add3A = vector.broadcast %get3A_11 : vector<1x128xf32> to vector<1024x128xf32>
    %add3A_12 = arith.addf %dot_general3A_8, %add3A : vector<1024x128xf32>
    %max3A = arith.constant 0.000000e+00 : f32
    %max3A_13 = vector.broadcast %max3A : f32 to vector<1024x128xf32>
    %max3A_14 = arith.maximumf %add3A_12, %max3A_13 : vector<1024x128xf32>
    %get3A_15 = arith.constant 0 : index
    %get3A_16 = arith.constant 0 : index
    %get3A_17 = vector.load %arg5[%get3A_15, %get3A_16] : memref<128x128xf32, #tpu.memory_space<vmem>>, vector<128x128xf32>
    %dot_general3A_18 = arith.constant dense<0.000000e+00> : vector<1024x128xf32>
    %dot_general3A_19 = tpu.matmul %max3A_14, %get3A_17, %dot_general3A_18 {dimension_numbers = #tpu.dot_dimension_numbers<[1], [0], [0], [1], [0, 0, 1, 1], [], []>, transpose_lhs_hint = false} : vector<1024x128xf32>, vector<128x128xf32>, vector<1024x128xf32> -> vector<1024x128xf32>
    %get3A_20 = arith.constant 0 : index
    %get3A_21 = arith.constant 0 : index
    %get3A_22 = vector.load %arg6[%get3A_20, %get3A_21] : memref<1x128xf32, #tpu.memory_space<vmem>>, vector<1x128xf32>
    %add3A_23 = vector.broadcast %get3A_22 : vector<1x128xf32> to vector<1024x128xf32>
    %add3A_24 = arith.addf %dot_general3A_19, %add3A_23 : vector<1024x128xf32>
    %max3A_25 = arith.constant 0.000000e+00 : f32
    %max3A_26 = vector.broadcast %max3A_25 : f32 to vector<1024x128xf32>
    %max3A_27 = arith.maximumf %add3A_24, %max3A_26 : vector<1024x128xf32>
    %get3A_28 = arith.constant 0 : index
    %get3A_29 = arith.constant 0 : index
    %get3A_30 = vector.load %arg7[%get3A_28, %get3A_29] : memref<1x128xf32, #tpu.memory_space<vmem>>, vector<1x128xf32>
    %mul3A_31 = vector.broadcast %get3A_30 : vector<1x128xf32> to vector<1024x128xf32>
    %mul3A_32 = arith.mulf %max3A_27, %mul3A_31 : vector<1024x128xf32>
    %reduce_sum3A = arith.constant dense<0.000000e+00> : vector<1024xf32>
    %reduce_sum3A_33 = vector.multi_reduction <add>, %mul3A_32, %reduce_sum3A [1] : vector<1024x128xf32> to vector<1024xf32>
    %broadcast_in_dim3A = vector.shape_cast %reduce_sum3A_33 : vector<1024xf32> to vector<1024x1xf32>
    %get3A_34 = arith.constant 0 : index
    %get3A_35 = arith.constant 0 : index
    %get3A_36 = vector.load %arg8[%get3A_34, %get3A_35] : memref<1x1xf32, #tpu.memory_space<vmem>>, vector<1x1xf32>
    %add3A_37 = vector.broadcast %get3A_36 : vector<1x1xf32> to vector<1024x1xf32>
    %add3A_38 = arith.addf %broadcast_in_dim3A, %add3A_37 : vector<1024x1xf32>
    %swap3A = arith.constant 0 : index
    %swap3A_39 = arith.constant 0 : index
    %swap3A_40 = vector.load %arg9[%swap3A, %swap3A_39] : memref<1024x1xf32, #tpu.memory_space<vmem>>, vector<1024x1xf32>
    tpu.vector_store %arg9[%swap3A, %swap3A_39], %add3A_38 {strides = array<i32>} : memref<1024x1xf32, #tpu.memory_space<vmem>>, vector<1024x1xf32>,
    return
  }
  func.func @transform_0(%arg0: i32) -> (i32, i32) {
    %c0_i32 = arith.constant 0 : i32
    %c0_i32_0 = arith.constant 0 : i32
    return %arg0, %c0_i32 : i32, i32
  }
  func.func @transform_1(%arg0: i32) -> (i32, i32) {
    %c0_i32 = arith.constant 0 : i32
    %c0_i32_0 = arith.constant 0 : i32
    return %arg0, %c0_i32 : i32, i32
  }
  func.func @transform_2(%arg0: i32) -> (i32, i32) {
    %c0_i32 = arith.constant 0 : i32
    %c0_i32_0 = arith.constant 0 : i32
    %c0_i32_1 = arith.constant 0 : i32
    return %c0_i32, %c0_i32_0 : i32, i32
  }
  func.func @transform_3(%arg0: i32) -> (i32, i32) {
    %c0_i32 = arith.constant 0 : i32
    %c0_i32_0 = arith.constant 0 : i32
    %c0_i32_1 = arith.constant 0 : i32
    return %c0_i32, %c0_i32_0 : i32, i32
  }
  func.func @transform_4(%arg0: i32) -> (i32, i32) {
    %c0_i32 = arith.constant 0 : i32
    %c0_i32_0 = arith.constant 0 : i32
    %c0_i32_1 = arith.constant 0 : i32
    return %c0_i32, %c0_i32_0 : i32, i32
  }
  func.func @transform_5(%arg0: i32) -> (i32, i32) {
    %c0_i32 = arith.constant 0 : i32
    %c0_i32_0 = arith.constant 0 : i32
    %c0_i32_1 = arith.constant 0 : i32
    return %c0_i32, %c0_i32_0 : i32, i32
  }
  func.func @transform_6(%arg0: i32) -> (i32, i32) {
    %c0_i32 = arith.constant 0 : i32
    %c0_i32_0 = arith.constant 0 : i32
    %c0_i32_1 = arith.constant 0 : i32
    return %c0_i32, %c0_i32_0 : i32, i32
  }
  func.func @transform_7(%arg0: i32) -> (i32, i32) {
    %c0_i32 = arith.constant 0 : i32
    %c0_i32_0 = arith.constant 0 : i32
    %c0_i32_1 = arith.constant 0 : i32
    return %c0_i32, %c0_i32_0 : i32, i32
  }
  func.func @transform_8(%arg0: i32) -> (i32, i32) {
    %c0_i32 = arith.constant 0 : i32
    %c0_i32_0 = arith.constant 0 : i32
    return %arg0, %c0_i32 : i32, i32
  }
}

</mosaic_0001>

<sc_bundles>
// kernel: kernel.18.cloned.1.call-start
scs
__scs_entry_jumppad:
0x0: {  	(pc) =	sbr.rel $0x88, $3  }
0x1: {  	(tag) =	ssettag $0x0;
	lr =	simm.s32 $0x1  }
0x2: {  	[smem:$0x3F8F] =	sst lr;
	_ =	strace $0xD0000000  }
0x3: {  	_ = 	snop  }
0x4: {  	_ = 	snop  }
0x5: {  	_ = 	snop  }
0x6: {  	_ = 	snop  }
0x7: {  	_ = 	snop  }
__scs_overlays_trampoline_lowered:
0x8: {  	[smem:$0x3F9E] =	sst s0  }
0x9: {  	[smem:$0x3F9F] =	sst s1  }
0xa: {  	[smem:$0x3FA0] =	sst s2  }
0xb: {  	[smem:$0x3FA1] =	sst s3  }
0xc: {  	[smem:$0x3FA2] =	sst s4  }
0xd: {  	[smem:$0x3FA3] =	sst s5  }
0xe: {  	[smem:$0x3FA4] =	sst s6  }
0xf: {  	[smem:$0x3FA5] =	sst s7  }
0x10: {  	[smem:$0x3FA6] =	sst s8  }
0x11: {  	[smem:$0x3FA7] =	sst s9;
	s0 =	simm.s32 @!p0 $0x0  }
0x12: {  	s1 =	sld [smem:$0x3F8D];
	s0 =	simm.s32 @p0 $0x1  }
0x13: {  	[smem:$0x3FA8] =	sst s0;
	s0 =	simm.s32 @!p1 $0x0  }
0x14: {  	s2 =	sld [smem:$0x3F8C];
	s0 =	simm.s32 @p1 $0x1  }
0x15: {  	[smem:$0x3FA9] =	sst s0;
	s0 =	simm.s32 @!p2 $0x0  }
0x16: {  	s3 =	sld [smem:$0x3FDB];
	s0 =	simm.s32 @p2 $0x1  }
0x17: {  	s4 =	simm.s32 $0x1BF5;
	[smem:$0x3FAB] =	sst s0  }
0x18: {  	s0 =	sld [smem:$0x3F8E];
	_ =	swait.ge [sflag:s4], $0x0  }
0x19: {  	s7 =	sld [smem:$0x3F8F]  }
0x1a: {  	s8 =	sadd.s32 $0xFFFFE003, lr  }
0x1b: {  	s9 =	sadd.s32 $0xFFFFFEF7, lr;
	s5 =	simm.s32 $0xFFFFFFFF;
	p2 =	slt.u32 s8, $0xFFFFF086  }
0x1c: {  	p1 =	slt.u32 s9, $0xF7A;
	s5 =	simm.s32 @!p2 $0x0  }
0x1d: {  	s5 =	simm.s32 @p1 $0x1;
	p0 =	seq.s32 s7, s2  }
0x1e: {  	s7 =	smul.u32 @!p0 $0xF7A, s2;
	p2 =	seq.s32 @!p0 s5, $0x0  }
0x1f: {  	s9 =	smul.u32 $0xF7A, s1;
	s8 =	simm.s32 @!p0 $0x1BF5;
	p2 =	por !p2, p0  }
0x20: {  	[sflag:s8] =	ssyncset.s32 @!p0 $0xFFFFF086;
	s6 =	sadd.s32 @!p0 s3, s7;
	s7 =	simm.s32 @!p0 $0x108  }
0x21: {  	s3 =	sadd.s32 s3, s9;
	s6 =	sadd.s32 @!p0 $0x88, s6;
	s7 =	simm.s32 @p2 $0x1082  }
0x22: {  	[simem:s7], [sflag:s8] =	dma.local @!p0 [hbm:s6], $0xF7A  }
0x23: {  	s9 =	sor.u32 $0xD0000000, s2;
	s6 =	simm.s32 $0x108;
	_ =	swait.ge @!p0 [sflag:s8], $0x0  }
0x24: {  	s3 =	sadd.s32 $0x88, s3;
	s6 =	simm.s32 @!p1 $0x1082;
	[sflag:s4] =	ssyncset.s32 $0xFFFFF086  }
0x25: {  	[simem:s6], [sflag:s4] =	dma.local [hbm:s3], $0xF7A  }
0x26: {  	[smem:$0x3F8F] =	sst s1;
	(tag) =	ssettag s2;
	_ =	strace s9  }
0x27: {  	s1 =	sld [smem:$0x3F9F]  }
0x28: {  	s2 =	sld [smem:$0x3FA0]  }
0x29: {  	s4 =	sld [smem:$0x3FA2]  }
0x2a: {  	p0 =	seq.s32 s5, $0x0;
	s5 =	sld [smem:$0x3FA3]  }
0x2b: {  	s6 =	sld [smem:$0x3FA4]  }
0x2c: {  	s7 =	sld [smem:$0x3FA5]  }
0x2d: {  	s3 =	simm.s32 $0x108;
	s8 =	sld [smem:$0x3FA6]  }
0x2e: {  	s3 =	simm.s32 @!p0 $0x1082;
	s9 =	sld [smem:$0x3FA7]  }
0x2f: {  	lr =	sadd.s32 s0, s3;
	s0 =	sld [smem:$0x3F9E]  }
0x30: {  	s3 =	sld [smem:$0x3FA1]  }
0x31: {  	[smem:$0x3FAA] =	sst s10  }
0x32: {  	s10 =	sld [smem:$0x3FA8];
	_ =	sdelay $0x3  }
0x33: {  	p0 =	seq.s32 s10, $0x1;
	s10 =	sld [smem:$0x3FAA];
	_ =	sdelay $0x3  }
0x34: {  	[smem:$0x3FAA] =	sst s10  }
0x35: {  	s10 =	sld [smem:$0x3FA9];
	_ =	sdelay $0x3  }
0x36: {  	p1 =	seq.s32 s10, $0x1;
	s10 =	sld [smem:$0x3FAA];
	_ =	sdelay $0x3  }
0x37: {  	[smem:$0x3FAA] =	sst s10  }
0x38: {  	s10 =	sld [smem:$0x3FAB]  }
0x39: {  	_ = 	snop;
	(pc) =	sbr.ind lr, $3  }
0x3a: {  	_ = 	snop  }
0x3b: {  	_ = 	snop  }
0x3c: {  	p2 =	seq.s32 s10, $0x1;
	s10 =	sld [smem:$0x3FAA]  }
0x3d: {  	_ =	shalt  }
0x3e: {  	_ =	shalt  }
0x3f: {  	_ =	shalt  }
0x40: {  	_ =	shalt  }
0x41: {  	_ =	shalt  }
0x42: {  	_ =	shalt  }
0x43: {  	_ =	shalt  }
0x44: {  	_ =	shalt  }
0x45: {  	_ =	shalt  }
0x46: {  	_ =	shalt  }
0x47: {  	_ =	shalt  }
0x48: {  	_ =	shalt  }
0x49: {  	_ =	shalt  }
0x4a: {  	_ =	shalt  }
0x4b: {  	_ =	shalt  }
0x4c: {  	_ =	shalt  }
0x4d: {  	_ =	shalt  }
0x4e: {  	_ =	shalt  }
0x4f: {  	_ =	shalt  }
0x50: {  	_ =	shalt  }
0x51: {  	_ =	shalt  }
0x52: {  	_ =	shalt  }
0x53: {  	_ =	shalt  }
0x54: {  	_ =	shalt  }
0x55: {  	_ =	shalt  }
0x56: {  	_ =	shalt  }
0x57: {  	_ =	shalt  }
0x58: {  	_ =	shalt  }
0x59: {  	_ =	shalt  }
0x5a: {  	_ =	shalt  }
0x5b: {  	_ =	shalt  }
0x5c: {  	_ =	shalt  }
0x5d: {  	_ =	shalt  }
0x5e: {  	_ =	shalt  }
0x5f: {  	_ =	shalt  }
0x60: {  	_ =	shalt  }
0x61: {  	_ =	shalt  }
0x62: {  	_ =	shalt  }
0x63: {  	_ =	shalt  }
0x64: {  	_ =	shalt  }
0x65: {  	_ =	shalt  }
0x66: {  	_ =	shalt  }
0x67: {  	_ =	shalt  }
0x68: {  	_ =	shalt  }
0x69: {  	_ =	shalt  }
0x6a: {  	_ =	shalt  }
0x6b: {  	_ =	shalt  }
0x6c: {  	_ =	shalt  }
0x6d: {  	_ =	shalt  }
0x6e: {  	_ =	shalt  }
0x6f: {  	_ =	shalt  }
0x70: {  	_ =	shalt  }
0x71: {  	_ =	shalt  }
0x72: {  	_ =	shalt  }
0x73: {  	_ =	shalt  }
0x74: {  	_ =	shalt  }
0x75: {  	_ =	shalt  }
0x76: {  	_ =	shalt  }
0x77: {  	_ =	shalt  }
0x78: {  	_ =	shalt  }
0x79: {  	_ =	shalt  }
0x7a: {  	_ =	shalt  }
0x7b: {  	_ =	shalt  }
0x7c: {  	_ =	shalt  }
0x7d: {  	_ =	shalt  }
0x7e: {  	_ =	shalt  }
0x7f: {  	_ =	shalt  }
0x80: {  	_ =	shalt  }
0x81: {  	_ =	shalt  }
0x82: {  	_ =	shalt  }
0x83: {  	_ =	shalt  }
0x84: {  	_ =	shalt  }
0x85: {  	_ =	shalt  }
0x86: {  	_ =	shalt  }
0x87: {  	_ =	shalt  }
.Lfunc_end0:
.L_simem_size_0:
called_computation_lowered:
.L_overlay_start_0:
0x88: {  	s2 =	sld [smem:$0x3FD9]  }
0x89: {  	s3 =	sld [smem:$0x3FFE];
	_ =	sdelay $0x1  }
0x8a: {  	s1 =	srdreg.scid  }
0x8b: {  	s0 =	sand.u32 $0x1, s1  }
0x8c: {  	s14 =	sshll.u32 s0, $0xA;
	s2 =	sadd.s32 s3, s2  }
0x8d: {  	s2 =	sadd.s32 s2, s14  }
0x8e: {  	[smem:$0x3FB6] =	sst s2  }
0x8f: {  	_ = 	snop  }
0x90: {  	s2 =	sld [smem:$0x3FD0];
	_ =	sdelay $0x2  }
0x91: {  	s15 =	simm.s32 $0xD;
	s4 =	simm.s32 $0x10  }
0x92: {  	[smem:s4], [sflag:s15] =	dma.local [hbm:s2], $0x1  }
0x93: {  	_ =	swait.eq [sflag:s15], $0x1  }
0x94: {  	[sflag:s15] =	ssyncset.done $0x0  }
0x95: {  	[sflag:s15] =	ssyncadd.s32 $0xFFFFFFFF  }
0x96: {  	s16 =	sld [smem:$0x11];
	(tm) =	ssettm $0x1  }
0x97: {  	s17 =	sld [smem:$0x3FFB];
	_ =	sdelay $0x3  }
0x98: {  	_ =	strace s17  }
0x99: {  	s3 =	sld [smem:$0x3FFC];
	_ =	sdelay $0x3  }
0x9a: {  	_ =	strace s3  }
0x9b: {  	s3 =	sld [smem:$0x3FFD];
	_ =	sdelay $0x3  }
0x9c: {  	_ =	strace s3  }
0x9d: {  	_ =	strace $0x8FFFFFFF  }
0x9e: {  	s18 =	sld [smem:$0x3FDB];
	_ =	sdelay $0x1  }
0x9f: {  	s19 =	simm.s32 $_scs_section_size  }
0xa0: {  	s5 =	simm.s32 $_size__tile_overlayer_lowered;
	s6 =	simm.s32 $_tile_overlayer_lowered  }
0xa1: {  	s22 =	simm.s32 $0x1BFF;
	s21 =	sshll.u32 s6, $0x1;
	s3 =	sadd.s32 s19, s18  }
0xa2: {  	s7 =	simm.s32 $0x0;
	s20 =	sshll.u32 s5, $0x1;
	s5 =	sadd.s32 s21, s3  }
0xa3: {  	[timem:s7], [sflag:s22] =	dma.local [hbm:s5], s20  }
0xa4: {  	_ =	swait.ge [sflag:s22], s20  }
0xa5: {  	s4 =	ssub.s32 $0x0, s20;
	[sflag:s22] =	ssyncset.done $0x0  }
0xa6: {  	[sflag:s22] =	ssyncadd.s32 s4;
	_ =	sdelay $0x1  }
0xa7: {  	s23 =	simm.s32 $0x1B8B  }
0xa8: {  	_ =	swait.ge [sflag:s23], $0x1  }
0xa9: {  	[sflag:s23] =	ssyncset.done $0x0  }
0xaa: {  	s25 =	simm.s32 $0x1B8E;
	s24 =	sld [smem:$0x3FFE];
	[sflag:s23] =	ssyncadd.s32 $0xFFFFFFFF  }
0xab: {  	s26 =	simm.s32 $execute0_lowered;
	[smem:$0x3FD2] =	sst s25  }
0xac: {  	s5 =	sshll.u32 s26, $0x1;
	_ =	strace $0x80000046;
	[dreg:$0x1] =	wrdreg $0xFFFFFFFF  }
0xad: {  	s28 =	simm.s32 $_size_execute0_lowered;
	s3 =	sadd.s32 s3, s5;
	[dreg:$0x0] =	wrdreg $0x0  }
0xae: {  	s5 =	sshll.u32 s28, $0x1;
	[dreg:$0x2] =	wrdreg s3  }
0xaf: {  	[dreg:$0x3] =	wrdreg s5  }
0xb0: {  	[dreg:$0x4] =	wrdreg $0xC0  }
0xb1: {  	_ =	task [dreg:s7], $0x5FFFF  }
0xb2: {  	[dreg:$0x1] =	wrdreg $0xFFFFFFFF  }
0xb3: {  	[dreg:$0x0] =	wrdreg $0x60  }
0xb4: {  	[dreg:$0x2] =	wrdreg s24  }
0xb5: {  	[dreg:$0x3] =	wrdreg s16  }
0xb6: {  	[dreg:$0x4] =	wrdreg $0x13000  }
0xb7: {  	[dreg:$0x5] =	wrdreg $0x9  }
0xb8: {  	_ =	task.clear_ibuf [dreg:s7], $0x6FFFF;
	_ =	strace $0x90000046  }
0xb9: {  	s29 =	simm.s32 $0x9;
	_ =	strace $0x80000048  }
0xba: {  	_ =	swait.ge [sflag:s29], $0x1  }
0xbb: {  	[sflag:s29] =	ssyncadd.s32 $0xFFFFFFFF  }
0xbc: {  	_ =	strace $0x90000048  }
0xbd: {  	_ =	sfence  }
0xbe: {  	s30 =	sld [smem:$0x0];
	_ =	sdelay $0x2  }
0xbf: {  	s31 =	sshll.u32 s1, $0xD;
	s1 =	sshrl.u32 s1, $0x2  }
0xc0: {  	s3 =	sand.u32 $0x4000, s31;
	s1 =	sadd.s32 s1, s30  }
0xc1: {  	s0 =	sor.u32 s3, s0;
	s1 =	sshll.u32 s1, $0x11  }
0xc2: {  	s0 =	sor.u32 s1, s0  }
0xc3: {  	s0 =	sadd.s32 $0x8F2B, s0  }
0xc4: {  	[sflag:s0] =	ssyncadd.remote.s32 $0x1  }
0xc5: {  	_ =	sfence.sel $0xFFFF  }
0xc6: {  	[dreg:$0x0] =	wrdreg $0xFFFFFFFF;
	(pc) =	sbr.abs _section_cstart, $3  }
0xc7: {  	[dreg:$0x1] =	wrdreg $0xFFFFFFFF  }
0xc8: {  	_ =	task.clear_ibuf [dreg:s7], $0x2FFFF;
	_ =	strace $0x9FFFFFFF  }
0xc9: {  	(tm) =	ssettm $0x7FFFFFFF  }
tec
execute0_lowered:
.L_overlay_start_1:
0x0: {  	(tag) =	ssettag $0x1  }
0x1: {  	s1 =	srdreg.scid  }
0x2: {  	s1 =	sand.u32 $0x1, s1  }
0x3: {  	p0 =	seq.s32 s1, $0x1  }
.Ltmp0:
0x4: {  	s5 =	rddreg [dreg:$0x0];
	(pc) =	sbr.rel @p0 .LBB2_14-.Ltmp0, $4  }
0x5: {  	s3 =	rddreg [dreg:$0x1]  }
0x6: {  	s2 =	rddreg [dreg:$0x2];
	s6 =	simm.s32 $0x0  }
0x7: {  	[smem:$0x7FF] =	sst s6  }
0x8: {  	s0 =	rddreg [dreg:$0x3];
	_ =	strace $0x80000047;
	s1 =	stileid.u32  }
0x9: {  	v0 =	vimm.f32 $0.0e+00  }
0xa: {  	[tilespmem:$0x1080] =	vst v0  }
0xb: {  	[tilespmem:$0x1090] =	vst v0  }
0xc: {  	[tilespmem:$0x10A0] =	vst v0  }
0xd: {  	[tilespmem:$0x10B0] =	vst v0  }
0xe: {  	[tilespmem:$0x10C0] =	vst v0  }
0xf: {  	[tilespmem:$0x10D0] =	vst v0  }
0x10: {  	[tilespmem:$0x10E0] =	vst v0  }
0x11: {  	[tilespmem:$0x10F0] =	vst v0  }
0x12: {  	[tilespmem:$0x1100] =	vst v0  }
0x13: {  	[tilespmem:$0x1110] =	vst v0  }
0x14: {  	[tilespmem:$0x1120] =	vst v0  }
0x15: {  	[tilespmem:$0x1130] =	vst v0  }
0x16: {  	[tilespmem:$0x1140] =	vst v0  }
0x17: {  	[tilespmem:$0x1150] =	vst v0  }
0x18: {  	[tilespmem:$0x1160] =	vst v0  }
0x19: {  	[tilespmem:$0x1170] =	vst v0  }
0x1a: {  	[tilespmem:$0x1180] =	vst v0  }
0x1b: {  	[tilespmem:$0x1190] =	vst v0  }
0x1c: {  	[tilespmem:$0x11A0] =	vst v0  }
0x1d: {  	[tilespmem:$0x11B0] =	vst v0  }
0x1e: {  	[tilespmem:$0x11C0] =	vst v0  }
0x1f: {  	[tilespmem:$0x11D0] =	vst v0  }
0x20: {  	[tilespmem:$0x11E0] =	vst v0  }
0x21: {  	[tilespmem:$0x11F0] =	vst v0  }
0x22: {  	[tilespmem:$0x1200] =	vst v0  }
0x23: {  	[tilespmem:$0x1210] =	vst v0  }
0x24: {  	[tilespmem:$0x1220] =	vst v0  }
0x25: {  	[tilespmem:$0x1230] =	vst v0  }
0x26: {  	[tilespmem:$0x1240] =	vst v0  }
0x27: {  	[tilespmem:$0x1250] =	vst v0  }
0x28: {  	[tilespmem:$0x1260] =	vst v0  }
0x29: {  	[tilespmem:$0x1270] =	vst v0  }
0x2a: {  	[tilespmem:$0x1280] =	vst v0  }
0x2b: {  	[tilespmem:$0x1290] =	vst v0  }
0x2c: {  	[tilespmem:$0x12A0] =	vst v0  }
0x2d: {  	[tilespmem:$0x12B0] =	vst v0  }
0x2e: {  	[tilespmem:$0x12C0] =	vst v0  }
0x2f: {  	[tilespmem:$0x12D0] =	vst v0  }
0x30: {  	[tilespmem:$0x12E0] =	vst v0  }
0x31: {  	v63 =	vimm.f32 $1.000000000e+00;
	[tilespmem:$0x12F0] =	vst v0  }
0x32: {  	[tilespmem:$0x1000] =	vst v63  }
0x33: {  	[tilespmem:$0x1010] =	vst v63  }
0x34: {  	[tilespmem:$0x1020] =	vst v63  }
0x35: {  	[tilespmem:$0x1030] =	vst v63  }
0x36: {  	[tilespmem:$0x1040] =	vst v63  }
0x37: {  	s7 =	smul.u32 $0x280, s1;
	[tilespmem:$0x1050] =	vst v63  }
0x38: {  	[tilespmem:$0x1060] =	vst v63  }
0x39: {  	s8 =	simm.s32 $0x1080;
	[tilespmem:$0x1070] =	vst v63;
	s4 =	sadd.s32 s7, s2  }
0x3a: {  	[spmem:s4] =	stream.linear.scatter [tilespmem:s8], [sflag:$0x1], $0x280, $0x38;
	[tilespmem:$0x1580] =	vst v63  }
0x3b: {  	s8 =	simm.s32 $0x1  }
0x3c: {  	s9 =	smul.u32 $0x5000, s1;
	_ =	swait.ge [sflag:s8], $0x280  }
0x3d: {  	[sflag:s8] =	ssyncset.done $0x0  }
0x3e: {  	s5 =	sadd.s32 $0x10800, s5;
	s9 =	sshrl.u32 s9, $0x3;
	[sflag:s8] =	ssyncadd.s32 $0xFFFFFD80  }
0x3f: {  	s5 =	sadd.s32 s5, s9;
	[bflag:$0x0] =	sbarrier.arrive $0xFFFF  }
0x40: {  	[tilespmem:s6], [sflag:$0x1] =	stream.linear.gather [hbm4b:s5+s6], $0x1000, $0x38;
	[tilespmem:$0x1580] =	vst v63  }
0x41: {  	s10 =	simm.s32 $0x80;
	s11 =	simm.s32 $0x1000;
	_ =	swait.ge [sflag:s8], $0x1000  }
0x42: {  	s31 =	simm.s32 $0x0;
	s30 =	sshrl.u32 s7, $0x3;
	[sflag:s8] =	ssyncset.done $0x0  }
0x43: {  	s12 =	simm.s32 $0x200;
	s3 =	sadd.s32 s3, s30;
	[sflag:s8] =	ssyncadd.s32 $0xFFFFF000  }
0x44: {  	[spmem:s2] =	stream.indirect.scatter.add.f32 [tilespmem:s11], [sflag:$0x1], $0x1, s31, s10, $0xb8;
	[tilespmem:$0x1580] =	vst v63  }
0x45: {  	s9 =	sadd.s32 $0x200, s5;
	s7 =	sadd.s32 $0x400, s5;
	_ =	swait.ge [sflag:s8], $0x80  }
0x46: {  	s6 =	sadd.s32 $0x600, s5;
	s5 =	sadd.s32 $0x800, s5;
	[sflag:s8] =	ssyncset.done $0x0  }
.LBB2_2:
0x47: {  	s13 =	sshra.s32 s12, $0x2;
	[sflag:s8] =	ssyncadd.s32 $0xFFFFFF80;
	p0 =	sne.s32 s12, $0x3E00  }
0x48: {  	[spmem:s2] =	stream.indirect.scatter.add.f32 [tilespmem:s11], [sflag:$0x1], $0x1, s13, s10, $0xb8;
	[tilespmem:$0x1580] =	vst v63  }
.Ltmp1:
0x49: {  	_ = 	snop;
	(pc) =	sbr.rel @p0 .LBB2_2-.Ltmp1, $4  }
0x4a: {  	_ = 	snop  }
0x4b: {  	s12 =	sadd.s32 $0x200, s12  }
0x4c: {  	_ =	swait.ge [sflag:s8], $0x80  }
0x4d: {  	[sflag:s8] =	ssyncset.done $0x0  }
0x4e: {  	[sflag:s8] =	ssyncadd.s32 $0xFFFFFF80;
	s31 =	simm.s32 $0x0;
	s8 =	simm.s32 $0x1  }
0x4f: {  	[tilespmem:s31], [sflag:$0x1] =	stream.linear.gather [hbm4b:s9+s31], $0x1000, $0x38;
	[tilespmem:$0x1580] =	vst v63  }
0x50: {  	_ =	swait.ge [sflag:s8], $0x1000  }
0x51: {  	s10 =	simm.s32 $0x1000;
	[sflag:s8] =	ssyncset.done $0x0  }
0x52: {  	s11 =	simm.s32 $0x0;
	s9 =	simm.s32 $0x80;
	[sflag:s8] =	ssyncadd.s32 $0xFFFFF000  }
0x53: {  	[spmem:s2] =	stream.indirect.scatter.add.f32 [tilespmem:s10], [sflag:$0x1], $0x1, s11, s9, $0xb8;
	[tilespmem:$0x1580] =	vst v63  }
0x54: {  	_ =	swait.ge [sflag:s8], $0x80  }
0x55: {  	s11 =	simm.s32 $0x200;
	[sflag:s8] =	ssyncset.done $0x0  }
.LBB2_4:
0x56: {  	s12 =	sshra.s32 s11, $0x2;
	[sflag:s8] =	ssyncadd.s32 $0xFFFFFF80;
	p0 =	sne.s32 s11, $0x3E00  }
0x57: {  	[spmem:s2] =	stream.indirect.scatter.add.f32 [tilespmem:s10], [sflag:$0x1], $0x1, s12, s9, $0xb8;
	[tilespmem:$0x1580] =	vst v63  }
.Ltmp2:
0x58: {  	_ = 	snop;
	(pc) =	sbr.rel @p0 .LBB2_4-.Ltmp2, $4  }
0x59: {  	_ = 	snop  }
0x5a: {  	s11 =	sadd.s32 $0x200, s11  }
0x5b: {  	_ =	swait.ge [sflag:s8], $0x80  }
0x5c: {  	[sflag:s8] =	ssyncset.done $0x0  }
0x5d: {  	[sflag:s8] =	ssyncadd.s32 $0xFFFFFF80;
	s31 =	simm.s32 $0x0  }
0x5e: {  	[tilespmem:s31], [sflag:$0x1] =	stream.linear.gather [hbm4b:s7+s31], $0x1000, $0x38;
	[tilespmem:$0x1580] =	vst v63  }
0x5f: {  	s7 =	simm.s32 $0x1  }
0x60: {  	_ =	swait.ge [sflag:s7], $0x1000  }
0x61: {  	s8 =	simm.s32 $0x80;
	[sflag:s7] =	ssyncset.done $0x0  }
0x62: {  	s9 =	simm.s32 $0x1000;
	s10 =	simm.s32 $0x0;
	[sflag:s7] =	ssyncadd.s32 $0xFFFFF000  }
0x63: {  	[spmem:s2] =	stream.indirect.scatter.add.f32 [tilespmem:s9], [sflag:$0x1], $0x1, s10, s8, $0xb8;
	[tilespmem:$0x1580] =	vst v63  }
0x64: {  	_ =	swait.ge [sflag:s7], $0x80  }
0x65: {  	s10 =	simm.s32 $0x200;
	[sflag:s7] =	ssyncset.done $0x0  }
.LBB2_6:
0x66: {  	s11 =	sshra.s32 s10, $0x2;
	[sflag:s7] =	ssyncadd.s32 $0xFFFFFF80;
	p0 =	sne.s32 s10, $0x3E00  }
0x67: {  	[spmem:s2] =	stream.indirect.scatter.add.f32 [tilespmem:s9], [sflag:$0x1], $0x1, s11, s8, $0xb8;
	[tilespmem:$0x1580] =	vst v63  }
.Ltmp3:
0x68: {  	_ = 	snop;
	(pc) =	sbr.rel @p0 .LBB2_6-.Ltmp3, $4  }
0x69: {  	_ = 	snop  }
0x6a: {  	s10 =	sadd.s32 $0x200, s10  }
0x6b: {  	_ =	swait.ge [sflag:s7], $0x80  }
0x6c: {  	[sflag:s7] =	ssyncset.done $0x0  }
0x6d: {  	[sflag:s7] =	ssyncadd.s32 $0xFFFFFF80;
	s31 =	simm.s32 $0x0  }
0x6e: {  	[tilespmem:s31], [sflag:$0x1] =	stream.linear.gather [hbm4b:s6+s31], $0x1000, $0x38;
	[tilespmem:$0x1580] =	vst v63  }
0x6f: {  	s6 =	simm.s32 $0x1  }
0x70: {  	_ =	swait.ge [sflag:s6], $0x1000  }
0x71: {  	s7 =	simm.s32 $0x80;
	[sflag:s6] =	ssyncset.done $0x0  }
0x72: {  	s8 =	simm.s32 $0x1000;
	s9 =	simm.s32 $0x0;
	[sflag:s6] =	ssyncadd.s32 $0xFFFFF000  }
0x73: {  	[spmem:s2] =	stream.indirect.scatter.add.f32 [tilespmem:s8], [sflag:$0x1], $0x1, s9, s7, $0xb8;
	[tilespmem:$0x1580] =	vst v63  }
0x74: {  	_ =	swait.ge [sflag:s6], $0x80  }
0x75: {  	s9 =	simm.s32 $0x200;
	[sflag:s6] =	ssyncset.done $0x0  }
.LBB2_8:
0x76: {  	s10 =	sshra.s32 s9, $0x2;
	[sflag:s6] =	ssyncadd.s32 $0xFFFFFF80;
	p0 =	sne.s32 s9, $0x3E00  }
0x77: {  	[spmem:s2] =	stream.indirect.scatter.add.f32 [tilespmem:s8], [sflag:$0x1], $0x1, s10, s7, $0xb8;
	[tilespmem:$0x1580] =	vst v63  }
.Ltmp4:
0x78: {  	_ = 	snop;
	(pc) =	sbr.rel @p0 .LBB2_8-.Ltmp4, $4  }
0x79: {  	_ = 	snop  }
0x7a: {  	s9 =	sadd.s32 $0x200, s9  }
0x7b: {  	_ =	swait.ge [sflag:s6], $0x80  }
0x7c: {  	[sflag:s6] =	ssyncset.done $0x0  }
0x7d: {  	[sflag:s6] =	ssyncadd.s32 $0xFFFFFF80;
	s31 =	simm.s32 $0x0  }
0x7e: {  	[tilespmem:s31], [sflag:$0x1] =	stream.linear.gather [hbm4b:s5+s31], $0x1000, $0x38;
	[tilespmem:$0x1580] =	vst v63  }
0x7f: {  	s5 =	simm.s32 $0x1  }
0x80: {  	_ =	swait.ge [sflag:s5], $0x1000  }
0x81: {  	s6 =	simm.s32 $0x80;
	[sflag:s5] =	ssyncset.done $0x0  }
0x82: {  	s7 =	simm.s32 $0x1000;
	s8 =	simm.s32 $0x0;
	[sflag:s5] =	ssyncadd.s32 $0xFFFFF000  }
0x83: {  	[spmem:s2] =	stream.indirect.scatter.add.f32 [tilespmem:s7], [sflag:$0x1], $0x1, s8, s6, $0xb8;
	[tilespmem:$0x1580] =	vst v63  }
0x84: {  	_ =	swait.ge [sflag:s5], $0x80  }
0x85: {  	s8 =	simm.s32 $0x200;
	[sflag:s5] =	ssyncset.done $0x0  }
.LBB2_10:
0x86: {  	s9 =	sshra.s32 s8, $0x2;
	[sflag:s5] =	ssyncadd.s32 $0xFFFFFF80;
	p0 =	sne.s32 s8, $0x3E00  }
0x87: {  	[spmem:s2] =	stream.indirect.scatter.add.f32 [tilespmem:s7], [sflag:$0x1], $0x1, s9, s6, $0xb8;
	[tilespmem:$0x1580] =	vst v63  }
.Ltmp5:
0x88: {  	_ = 	snop;
	(pc) =	sbr.rel @p0 .LBB2_10-.Ltmp5, $4  }
0x89: {  	_ = 	snop  }
0x8a: {  	s8 =	sadd.s32 $0x200, s8  }
0x8b: {  	_ =	swait.ge [sflag:s5], $0x80  }
0x8c: {  	[sflag:s5] =	ssyncset.done $0x0  }
0x8d: {  	[sflag:s5] =	ssyncadd.s32 $0xFFFFFF80  }
0x8e: {  	s2 =	simm.s32 $0x1080;
	s31 =	simm.s32 $0x1;
	[bflag:$0x0] =	sbarrier.arrive $0xFFFF  }
0x8f: {  	[tilespmem:s2], [sflag:$0x1] =	stream.linear.gather [spmem:s4], $0x280, $0x38;
	[tilespmem:$0x1580] =	vst v63  }
0x90: {  	_ =	swait.ge [sflag:s31], $0x280  }
0x91: {  	[sflag:s31] =	ssyncset.done $0x0  }
0x92: {  	s2 =	simm.s32 $0x0;
	s4 =	simm.s32 $0x40;
	[sflag:s31] =	ssyncadd.s32 $0xFFFFFD80  }
.LBB2_12:
0x93: {  	p0 =	sne.s32 s4, $0x9C0;
	v0 =	vld [tilespmem:s2+$0x1080];
	_ =	sdelay $0x4  }
0x94: {  	v0 =	vmax.f32 v0, $1.000000000e+00  }
0x95: {  	(erf) = vrcp.f32 v0;
	_ =	sdelay $0x5  }
.Ltmp6:
0x96: {  	(pc) =	sbr.rel @p0 .LBB2_12-.Ltmp6, $3  }
0x97: {  	_ =	sdelay $0x1  }
0x98: {  	v0 =	vpop (erf)  }
0x99: {  	[tilespmem:s2+$0x1080] =	vst v0;
	s2 =	sshra.s32 s4, $0x2;
	s4 =	sadd.s32 $0x40, s4  }
0x9a: {  	v0 =	vld [tilespmem:s2+$0x1080];
	_ =	sdelay $0x4  }
0x9b: {  	v0 =	vmax.f32 v0, $1.000000000e+00  }
0x9c: {  	(erf) = vrcp.f32 v0;
	_ =	sdelay $0x8  }
0x9d: {  	v0 =	vpop (erf)  }
0x9e: {  	s30 =	simm.s32 $0x0;
	s4 =	simm.s32 $0x1080;
	s31 =	simm.s32 $0x1;
	[tilespmem:s2+$0x1080] =	vst v0  }
0x9f: {  	[hbm4b:s3+s30] =	stream.linear.scatter [tilespmem:s4], [sflag:$0x1], $0x280, $0x38;
	[tilespmem:$0x1580] =	vst v63  }
0xa0: {  	_ =	swait.ge [sflag:s31], $0x280  }
0xa1: {  	[sflag:s31] =	ssyncset.done $0x0  }
0xa2: {  	[sflag:s31] =	ssyncadd.s32 $0xFFFFFD80  }
.LBB2_14:
0xa3: {  	_ =	sfence.sel $0x180000  }
0xa4: {  	[bflag:$0x0] =	sbarrier.arrive $0xFFFF  }
0xa5: {  	p0 =	sne.s32 s1, $0x0;
	_ =	strace $0x90000047  }
0xa6: {  	s0 =	sadd.s32 @!p0 $0x100000, s0;
	[bflag:$0x2] =	sbarrier.arrive $0xFFFF  }
0xa7: {  	[sflag:s0] =	ssyncadd.tile.s32 @!p0 $0x1;
	_ =	shalt  }
.Lfunc_end2:
_tile_overlayer_lowered:
.L_overlay_start_2:
0xa8: {  	(tag) =	ssettag $0x2  }
0xa9: {  	s0 =	rddreg [dreg:$0x0];
	s2 =	stileid.u32  }
0xaa: {  	s1 =	rddreg [dreg:$0x1];
	p0 =	sne.s32 s2, $0x0  }
0xab: {  	s3 =	rddreg [dreg:$0x2];
	[bflag:$0x3] =	sbarrier.arrive $0xFFFF;
	s2 =	simm.s32 @!p0 $0x1C01  }
0xac: {  	[timem:s3], [sflag:s2] =	dma.local @!p0 [hbm:s0], s1  }
0xad: {  	s0 =	simm.s32 @!p0 $0x1  }
0xae: {  	_ =	swait.ge @!p0 [sflag:s0], s1  }
0xaf: {  	s1 =	ssub.s32 @!p0 $0x0, s1;
	[sflag:s0] =	ssyncset.done @!p0 $0x0  }
0xb0: {  	[sflag:s0] =	ssyncadd.s32 @!p0 s1  }
0xb1: {  	[bflag:$0x3] =	sbarrier.arrive $0xFFFF  }
0xb2: {  	_ =	shalt  }

// kernel: kernel.21.cloned.1.call-start
scs
__scs_entry_jumppad:
0x0: {  	(pc) =	sbr.rel $0x88, $3  }
0x1: {  	(tag) =	ssettag $0x0;
	lr =	simm.s32 $0x1  }
0x2: {  	[smem:$0x3F8F] =	sst lr;
	_ =	strace $0xD0000000  }
0x3: {  	_ = 	snop  }
0x4: {  	_ = 	snop  }
0x5: {  	_ = 	snop  }
0x6: {  	_ = 	snop  }
0x7: {  	_ = 	snop  }
__scs_overlays_trampoline_lowered:
0x8: {  	[smem:$0x3F9E] =	sst s0  }
0x9: {  	[smem:$0x3F9F] =	sst s1  }
0xa: {  	[smem:$0x3FA0] =	sst s2  }
0xb: {  	[smem:$0x3FA1] =	sst s3  }
0xc: {  	[smem:$0x3FA2] =	sst s4  }
0xd: {  	[smem:$0x3FA3] =	sst s5  }
0xe: {  	[smem:$0x3FA4] =	sst s6  }
0xf: {  	[smem:$0x3FA5] =	sst s7  }
0x10: {  	[smem:$0x3FA6] =	sst s8  }
0x11: {  	[smem:$0x3FA7] =	sst s9;
	s0 =	simm.s32 @!p0 $0x0  }
0x12: {  	s1 =	sld [smem:$0x3F8D];
	s0 =	simm.s32 @p0 $0x1  }
0x13: {  	[smem:$0x3FA8] =	sst s0;
	s0 =	simm.s32 @!p1 $0x0  }
0x14: {  	s2 =	sld [smem:$0x3F8C];
	s0 =	simm.s32 @p1 $0x1  }
0x15: {  	[smem:$0x3FA9] =	sst s0;
	s0 =	simm.s32 @!p2 $0x0  }
0x16: {  	s3 =	sld [smem:$0x3FDB];
	s0 =	simm.s32 @p2 $0x1  }
0x17: {  	s4 =	simm.s32 $0x1BF5;
	[smem:$0x3FAB] =	sst s0  }
0x18: {  	s0 =	sld [smem:$0x3F8E];
	_ =	swait.ge [sflag:s4], $0x0  }
0x19: {  	s7 =	sld [smem:$0x3F8F]  }
0x1a: {  	s8 =	sadd.s32 $0xFFFFE003, lr  }
0x1b: {  	s9 =	sadd.s32 $0xFFFFFEF7, lr;
	s5 =	simm.s32 $0xFFFFFFFF;
	p2 =	slt.u32 s8, $0xFFFFF086  }
0x1c: {  	p1 =	slt.u32 s9, $0xF7A;
	s5 =	simm.s32 @!p2 $0x0  }
0x1d: {  	s5 =	simm.s32 @p1 $0x1;
	p0 =	seq.s32 s7, s2  }
0x1e: {  	s7 =	smul.u32 @!p0 $0xF7A, s2;
	p2 =	seq.s32 @!p0 s5, $0x0  }
0x1f: {  	s9 =	smul.u32 $0xF7A, s1;
	s8 =	simm.s32 @!p0 $0x1BF5;
	p2 =	por !p2, p0  }
0x20: {  	[sflag:s8] =	ssyncset.s32 @!p0 $0xFFFFF086;
	s6 =	sadd.s32 @!p0 s3, s7;
	s7 =	simm.s32 @!p0 $0x108  }
0x21: {  	s3 =	sadd.s32 s3, s9;
	s6 =	sadd.s32 @!p0 $0x88, s6;
	s7 =	simm.s32 @p2 $0x1082  }
0x22: {  	[simem:s7], [sflag:s8] =	dma.local @!p0 [hbm:s6], $0xF7A  }
0x23: {  	s9 =	sor.u32 $0xD0000000, s2;
	s6 =	simm.s32 $0x108;
	_ =	swait.ge @!p0 [sflag:s8], $0x0  }
0x24: {  	s3 =	sadd.s32 $0x88, s3;
	s6 =	simm.s32 @!p1 $0x1082;
	[sflag:s4] =	ssyncset.s32 $0xFFFFF086  }
0x25: {  	[simem:s6], [sflag:s4] =	dma.local [hbm:s3], $0xF7A  }
0x26: {  	[smem:$0x3F8F] =	sst s1;
	(tag) =	ssettag s2;
	_ =	strace s9  }
0x27: {  	s1 =	sld [smem:$0x3F9F]  }
0x28: {  	s2 =	sld [smem:$0x3FA0]  }
0x29: {  	s4 =	sld [smem:$0x3FA2]  }
0x2a: {  	p0 =	seq.s32 s5, $0x0;
	s5 =	sld [smem:$0x3FA3]  }
0x2b: {  	s6 =	sld [smem:$0x3FA4]  }
0x2c: {  	s7 =	sld [smem:$0x3FA5]  }
0x2d: {  	s3 =	simm.s32 $0x108;
	s8 =	sld [smem:$0x3FA6]  }
0x2e: {  	s3 =	simm.s32 @!p0 $0x1082;
	s9 =	sld [smem:$0x3FA7]  }
0x2f: {  	lr =	sadd.s32 s0, s3;
	s0 =	sld [smem:$0x3F9E]  }
0x30: {  	s3 =	sld [smem:$0x3FA1]  }
0x31: {  	[smem:$0x3FAA] =	sst s10  }
0x32: {  	s10 =	sld [smem:$0x3FA8];
	_ =	sdelay $0x3  }
0x33: {  	p0 =	seq.s32 s10, $0x1;
	s10 =	sld [smem:$0x3FAA];
	_ =	sdelay $0x3  }
0x34: {  	[smem:$0x3FAA] =	sst s10  }
0x35: {  	s10 =	sld [smem:$0x3FA9];
	_ =	sdelay $0x3  }
0x36: {  	p1 =	seq.s32 s10, $0x1;
	s10 =	sld [smem:$0x3FAA];
	_ =	sdelay $0x3  }
0x37: {  	[smem:$0x3FAA] =	sst s10  }
0x38: {  	s10 =	sld [smem:$0x3FAB]  }
0x39: {  	_ = 	snop;
	(pc) =	sbr.ind lr, $3  }
0x3a: {  	_ = 	snop  }
0x3b: {  	_ = 	snop  }
0x3c: {  	p2 =	seq.s32 s10, $0x1;
	s10 =	sld [smem:$0x3FAA]  }
0x3d: {  	_ =	shalt  }
0x3e: {  	_ =	shalt  }
0x3f: {  	_ =	shalt  }
0x40: {  	_ =	shalt  }
0x41: {  	_ =	shalt  }
0x42: {  	_ =	shalt  }
0x43: {  	_ =	shalt  }
0x44: {  	_ =	shalt  }
0x45: {  	_ =	shalt  }
0x46: {  	_ =	shalt  }
0x47: {  	_ =	shalt  }
0x48: {  	_ =	shalt  }
0x49: {  	_ =	shalt  }
0x4a: {  	_ =	shalt  }
0x4b: {  	_ =	shalt  }
0x4c: {  	_ =	shalt  }
0x4d: {  	_ =	shalt  }
0x4e: {  	_ =	shalt  }
0x4f: {  	_ =	shalt  }
0x50: {  	_ =	shalt  }
0x51: {  	_ =	shalt  }
0x52: {  	_ =	shalt  }
0x53: {  	_ =	shalt  }
0x54: {  	_ =	shalt  }
0x55: {  	_ =	shalt  }
0x56: {  	_ =	shalt  }
0x57: {  	_ =	shalt  }
0x58: {  	_ =	shalt  }
0x59: {  	_ =	shalt  }
0x5a: {  	_ =	shalt  }
0x5b: {  	_ =	shalt  }
0x5c: {  	_ =	shalt  }
0x5d: {  	_ =	shalt  }
0x5e: {  	_ =	shalt  }
0x5f: {  	_ =	shalt  }
0x60: {  	_ =	shalt  }
0x61: {  	_ =	shalt  }
0x62: {  	_ =	shalt  }
0x63: {  	_ =	shalt  }
0x64: {  	_ =	shalt  }
0x65: {  	_ =	shalt  }
0x66: {  	_ =	shalt  }
0x67: {  	_ =	shalt  }
0x68: {  	_ =	shalt  }
0x69: {  	_ =	shalt  }
0x6a: {  	_ =	shalt  }
0x6b: {  	_ =	shalt  }
0x6c: {  	_ =	shalt  }
0x6d: {  	_ =	shalt  }
0x6e: {  	_ =	shalt  }
0x6f: {  	_ =	shalt  }
0x70: {  	_ =	shalt  }
0x71: {  	_ =	shalt  }
0x72: {  	_ =	shalt  }
0x73: {  	_ =	shalt  }
0x74: {  	_ =	shalt  }
0x75: {  	_ =	shalt  }
0x76: {  	_ =	shalt  }
0x77: {  	_ =	shalt  }
0x78: {  	_ =	shalt  }
0x79: {  	_ =	shalt  }
0x7a: {  	_ =	shalt  }
0x7b: {  	_ =	shalt  }
0x7c: {  	_ =	shalt  }
0x7d: {  	_ =	shalt  }
0x7e: {  	_ =	shalt  }
0x7f: {  	_ =	shalt  }
0x80: {  	_ =	shalt  }
0x81: {  	_ =	shalt  }
0x82: {  	_ =	shalt  }
0x83: {  	_ =	shalt  }
0x84: {  	_ =	shalt  }
0x85: {  	_ =	shalt  }
0x86: {  	_ =	shalt  }
0x87: {  	_ =	shalt  }
.Lfunc_end0:
.L_simem_size_0:
called_computation.1_lowered:
.L_overlay_start_0:
0x88: {  	s2 =	sld [smem:$0x3FD9]  }
0x89: {  	s3 =	sld [smem:$0x3FFE];
	_ =	sdelay $0x1  }
0x8a: {  	s1 =	srdreg.scid  }
0x8b: {  	s0 =	sand.u32 $0x1, s1  }
0x8c: {  	s15 =	sshll.u32 s0, $0xA;
	s2 =	sadd.s32 s3, s2  }
0x8d: {  	s2 =	sadd.s32 s2, s15  }
0x8e: {  	[smem:$0x3FB6] =	sst s2  }
0x8f: {  	_ = 	snop  }
0x90: {  	s2 =	sld [smem:$0x3FD0];
	_ =	sdelay $0x2  }
0x91: {  	s16 =	simm.s32 $0xD;
	s4 =	simm.s32 $0x10  }
0x92: {  	[smem:s4], [sflag:s16] =	dma.local [hbm:s2], $0x1  }
0x93: {  	_ =	swait.eq [sflag:s16], $0x1  }
0x94: {  	[sflag:s16] =	ssyncset.done $0x0  }
0x95: {  	[sflag:s16] =	ssyncadd.s32 $0xFFFFFFFF  }
0x96: {  	s17 =	sld [smem:$0x10];
	(tm) =	ssettm $0x1  }
0x97: {  	s18 =	sld [smem:$0x3FFB];
	_ =	sdelay $0x3  }
0x98: {  	_ =	strace s18  }
0x99: {  	s2 =	sld [smem:$0x3FFC];
	_ =	sdelay $0x3  }
0x9a: {  	_ =	strace s2  }
0x9b: {  	s2 =	sld [smem:$0x3FFD];
	_ =	sdelay $0x3  }
0x9c: {  	_ =	strace s2  }
0x9d: {  	_ =	strace $0x8FFFFFFF  }
0x9e: {  	s19 =	sld [smem:$0x3FDB];
	_ =	sdelay $0x1  }
0x9f: {  	s20 =	simm.s32 $_scs_section_size  }
0xa0: {  	s5 =	simm.s32 $_size__tile_overlayer_lowered;
	s6 =	simm.s32 $_tile_overlayer_lowered  }
0xa1: {  	s7 =	simm.s32 $0x1BFF;
	s21 =	sshll.u32 s6, $0x1;
	s4 =	sadd.s32 s20, s19  }
0xa2: {  	s22 =	simm.s32 $0x0;
	s5 =	sshll.u32 s5, $0x1;
	s6 =	sadd.s32 s21, s4  }
0xa3: {  	[timem:s22], [sflag:s7] =	dma.local [hbm:s6], s5  }
0xa4: {  	_ =	swait.ge [sflag:s7], s5  }
0xa5: {  	s5 =	ssub.s32 $0x0, s5;
	[sflag:s7] =	ssyncset.done $0x0  }
0xa6: {  	[sflag:s7] =	ssyncadd.s32 s5;
	_ =	sdelay $0x1  }
0xa7: {  	s23 =	simm.s32 $0x1B8B  }
0xa8: {  	_ =	swait.ge [sflag:s23], $0x1  }
0xa9: {  	[sflag:s23] =	ssyncset.done $0x0  }
0xaa: {  	[sflag:s23] =	ssyncadd.s32 $0xFFFFFFFF  }
0xab: {  	s5 =	sld [smem:$0x0]  }
0xac: {  	s6 =	sand.u32 $0xFFFFFFFE, s1  }
0xad: {  	p0 =	sne.s32 s1, s6  }
0xae: {  	s6 =	sshll.u32 @p0 s6, $0xE  }
0xaf: {  	s6 =	sadd.s32 @p0 $0x11B8D, s6;
	s7 =	sshll.u32 @p0 s5, $0x11  }
0xb0: {  	s6 =	sor.u32 @p0 s7, s6  }
0xb1: {  	[sflag:s6] =	ssyncadd.remote.s32 @p0 $0x1;
	_ =	sdelay $0x1  }
0xb2: {  	s6 =	simm.s32 @p0 $0x1B8D  }
0xb3: {  	_ =	swait.eq @p0 [sflag:s6], $0x1  }
0xb4: {  	[sflag:s6] =	ssyncadd.s32 @p0 $0xFFFFFFFF  }
0xb5: {  	s7 =	sshll.u32 @!p0 s1, $0xE  }
0xb6: {  	s7 =	sor.u32 @!p0 $0x4000, s7;
	s6 =	simm.s32 @!p0 $0x1B8D  }
0xb7: {  	s5 =	sshll.u32 @!p0 s5, $0x11;
	s7 =	sadd.s32 @!p0 $0x11B8D, s7;
	_ =	swait.eq @!p0 [sflag:s6], $0x1  }
0xb8: {  	s5 =	sor.u32 @!p0 s5, s7;
	[sflag:s6] =	ssyncadd.s32 @!p0 $0xFFFFFFFF  }
0xb9: {  	s25 =	simm.s32 $0x1B8E;
	s24 =	sld [smem:$0x3FFE];
	[sflag:s5] =	ssyncadd.remote.s32 @!p0 $0x1  }
0xba: {  	s26 =	simm.s32 $execute0_lowered;
	[smem:$0x3FD2] =	sst s25  }
0xbb: {  	s6 =	sshll.u32 s26, $0x1;
	_ =	strace $0x80000049;
	[dreg:$0x1] =	wrdreg $0xFFFFFFFF  }
0xbc: {  	s28 =	simm.s32 $_size_execute0_lowered;
	s4 =	sadd.s32 s4, s6;
	[dreg:$0x0] =	wrdreg $0x0  }
0xbd: {  	s6 =	sshll.u32 s28, $0x1;
	[dreg:$0x2] =	wrdreg s4  }
0xbe: {  	[dreg:$0x3] =	wrdreg s6  }
0xbf: {  	[dreg:$0x4] =	wrdreg $0xC0  }
0xc0: {  	_ =	task [dreg:s22], $0x5FFFF  }
0xc1: {  	[dreg:$0x1] =	wrdreg $0xFFFFFFFF  }
0xc2: {  	[dreg:$0x0] =	wrdreg $0x60  }
0xc3: {  	[dreg:$0x2] =	wrdreg s17  }
0xc4: {  	[dreg:$0x3] =	wrdreg s24  }
0xc5: {  	[dreg:$0x4] =	wrdreg $0xA0000  }
0xc6: {  	[dreg:$0x5] =	wrdreg $0xA  }
0xc7: {  	_ =	task.clear_ibuf [dreg:s22], $0x6FFFF;
	_ =	strace $0x90000049  }
0xc8: {  	s29 =	simm.s32 $0xA;
	_ =	strace $0x8000004B  }
0xc9: {  	_ =	swait.ge [sflag:s29], $0x1  }
0xca: {  	[sflag:s29] =	ssyncadd.s32 $0xFFFFFFFF  }
0xcb: {  	_ =	strace $0x9000004B  }
0xcc: {  	_ =	sfence  }
0xcd: {  	s30 =	sld [smem:$0x0];
	_ =	sdelay $0x2  }
0xce: {  	s31 =	sshll.u32 s1, $0xD;
	s1 =	sshrl.u32 s1, $0x2  }
0xcf: {  	s4 =	sand.u32 $0x4000, s31;
	s1 =	sadd.s32 s1, s30  }
0xd0: {  	s0 =	sor.u32 s4, s0;
	s1 =	sshll.u32 s1, $0x11  }
0xd1: {  	s0 =	sor.u32 s1, s0  }
0xd2: {  	s0 =	sadd.s32 $0x8F2B, s0  }
0xd3: {  	[sflag:s0] =	ssyncadd.remote.s32 $0x1  }
0xd4: {  	_ =	sfence.sel $0xFFFF  }
0xd5: {  	[dreg:$0x0] =	wrdreg $0xFFFFFFFF;
	(pc) =	sbr.abs _section_cstart, $3  }
0xd6: {  	[dreg:$0x1] =	wrdreg $0xFFFFFFFF  }
0xd7: {  	_ =	task.clear_ibuf [dreg:s22], $0x2FFFF;
	_ =	strace $0x9FFFFFFF  }
0xd8: {  	(tm) =	ssettm $0x7FFFFFFF  }
0xd9: {  	_ =	shalt  }
tec
execute0_lowered:
.L_overlay_start_1:
0x0: {  	(tag) =	ssettag $0x1  }
0x1: {  	s1 =	rddreg [dreg:$0x0]  }
0x2: {  	s7 =	rddreg [dreg:$0x1]  }
0x3: {  	s3 =	rddreg [dreg:$0x2]  }
0x4: {  	s5 =	srdreg.scid;
	s2 =	stileid.u32;
	s0 =	simm.s32 $0x0  }
0x5: {  	s15 =	simm.s32 $0x2000;
	s16 =	simm.s32 $0x3;
	s17 =	simm.s32 $0x1000  }
0x6: {  	s18 =	simm.s32 $0x80;
	s19 =	simm.s32 $0x6000;
	s20 =	simm.s32 $0x1  }
0x7: {  	s21 =	simm.s32 $0x2;
	s23 =	simm.s32 $0x1F80;
	s24 =	simm.s32 $0x0  }
0x8: {  	s10 =	sand.u32 $0x1, s5;
	s8 =	smul.u32 $0x2800, s2;
	[smem:$0x7FF] =	sst s0  }
0x9: {  	s11 =	smul.u32 $0x50000, s2;
	s5 =	sadd.s32 $0x6800, s7;
	s6 =	sadd.s32 $0x10800, s7  }
0xa: {  	s9 =	smul.u32 $0x28000, s10;
	_ =	strace $0x8000004A;
	s12 =	ssub.s32 $0x2, s10  }
0xb: {  	s22 =	smul.u32 $0x2710, s10;
	s31 =	sshrl.u32 s12, $0x1;
	s11 =	sshrl.u32 s11, $0x2  }
0xc: {  	s8 =	sadd.s32 s8, s9;
	s14 =	ssub.s32 s12, s31;
	s12 =	smul.u32 $0x5000, s2  }
0xd: {  	v0 =	vmov s22;
	s22 =	simm.s32 $0x1F00;
	s13 =	sadd.s32 s8, s7;
	s7 =	sadd.s32 s11, s3  }
0xe: {  	s14 =	smax.u32 s14, $0x1;
	s8 =	sadd.s32 $0x4000, s7;
	s9 =	sadd.s32 $0x8000, s7  }
0xf: {  	v1 =	vimm.f32 $0.0e+00;
	s10 =	sadd.s32 $0xC000, s7;
	s11 =	sadd.s32 $0x10000, s7;
	s13 =	sadd.s32 $0x1A800, s13  }
.LBB2_1:
0x10: {  	s25 =	simm.s32 $0x0  }
0x11: {  	s26 =	sand.u32 $0xFFFFFF80, s25  }
0x12: {  	s26 =	ssub.s32 $0x0, s26  }
0x13: {  	s0 =	simm.s32 $0x0;
	s25 =	sand.u32 $0x3FFFFF80, s25;
	s26 =	sand.u32 $0xFFFFFF80, s26  }
0x14: {  	s28 =	sand.u32 $0x70, s0;
	s26 =	sadd.s32 s26, s25  }
0x15: {  	s25 =	simm.s32 $0x1;
	s28 =	sor.u32 s28, s26;
	s26 =	simm.s32 $0x0  }
.LBB2_2:
0x16: {  	s29 =	sshll.u32 s25, $0x4;
	p0 =	sne.s32 s25, $0x3FF;
	s25 =	sadd.s32 $0x1, s25;
	[tilespmem:s28+$0x2000] =	vst v1  }
.Ltmp0:
0x17: {  	s26 =	sadd.s32 $0x10, s26;
	s28 =	sand.u32 $0xFFFFFF80, s29;
	(pc) =	sbr.rel @p0 .LBB2_2-.Ltmp0, $4  }
0x18: {  	s28 =	ssub.s32 s26, s28  }
0x19: {  	s29 =	sand.u32 $0x3FFFFF80, s29;
	s28 =	sand.u32 $0xFFFFFF80, s28  }
0x1a: {  	s30 =	sand.u32 $0x70, s26;
	s28 =	sadd.s32 s28, s29  }
0x1b: {  	s28 =	sor.u32 s30, s28  }
0x1c: {  	[tilespmem:s28+$0x2000] =	vst v1  }
0x1d: {  	[spmem:s7] =	stream.linear.scatter [tilespmem:s15], [sflag:$0x3], $0x4000, $0x38;
	[tilespmem:$0x1E000] =	vst v63  }
0x1e: {  	_ =	swait.ge [sflag:s16], $0x4000  }
0x1f: {  	[sflag:s16] =	ssyncset.done $0x0  }
0x20: {  	[sflag:s16] =	ssyncadd.s32 $0xFFFFC000  }
0x21: {  	[spmem:s8] =	stream.linear.scatter [tilespmem:s15], [sflag:$0x3], $0x4000, $0x38;
	[tilespmem:$0x1E000] =	vst v63  }
0x22: {  	_ =	swait.ge [sflag:s16], $0x4000  }
0x23: {  	[sflag:s16] =	ssyncset.done $0x0  }
0x24: {  	[sflag:s16] =	ssyncadd.s32 $0xFFFFC000  }
0x25: {  	[spmem:s9] =	stream.linear.scatter [tilespmem:s15], [sflag:$0x3], $0x4000, $0x38;
	[tilespmem:$0x1E000] =	vst v63  }
0x26: {  	_ =	swait.ge [sflag:s16], $0x4000  }
0x27: {  	[sflag:s16] =	ssyncset.done $0x0  }
0x28: {  	[sflag:s16] =	ssyncadd.s32 $0xFFFFC000  }
0x29: {  	[spmem:s10] =	stream.linear.scatter [tilespmem:s15], [sflag:$0x3], $0x4000, $0x38;
	[tilespmem:$0x1E000] =	vst v63  }
0x2a: {  	_ =	swait.ge [sflag:s16], $0x4000  }
0x2b: {  	[sflag:s16] =	ssyncset.done $0x0  }
0x2c: {  	[sflag:s16] =	ssyncadd.s32 $0xFFFFC000  }
0x2d: {  	[spmem:s11] =	stream.linear.scatter [tilespmem:s15], [sflag:$0x3], $0x4000, $0x38;
	[tilespmem:$0x1E000] =	vst v63  }
0x2e: {  	_ =	swait.ge [sflag:s16], $0x4000  }
0x2f: {  	[sflag:s16] =	ssyncset.done $0x0  }
0x30: {  	[sflag:s16] =	ssyncadd.s32 $0xFFFFC000  }
0x31: {  	s25 =	simm.s32 $0x0;
	s26 =	simm.s32 $0x0;
	[bflag:$0x0] =	sbarrier.arrive $0xFFFF  }
.LBB2_4:
0x32: {  	s28 =	sshll.u32 s26, $0xC  }
0x33: {  	s28 =	sadd.s32 s12, s28  }
0x34: {  	s28 =	sshrl.u32 s28, $0x3  }
0x35: {  	s29 =	sadd.s32 s5, s28  }
0x36: {  	[tilespmem:s25], [sflag:$0x3] =	stream.linear.gather [hbm4b:s29+s25], $0x1000, $0x38;
	[tilespmem:$0x1E000] =	vst v63  }
0x37: {  	_ =	swait.ge [sflag:s16], $0x1000  }
0x38: {  	[sflag:s16] =	ssyncset.done $0x0  }
0x39: {  	s28 =	sadd.s32 s6, s28;
	[sflag:s16] =	ssyncadd.s32 $0xFFFFF000  }
0x3a: {  	[tilespmem:s17], [sflag:$0x3] =	stream.linear.gather [hbm4b:s28+s25], $0x1000, $0x38;
	[tilespmem:$0x1E000] =	vst v63  }
0x3b: {  	s28 =	simm.s32 $0x0  }
0x3c: {  	s29 =	sand.u32 $0xFFFFFF80, s28  }
0x3d: {  	s29 =	ssub.s32 $0x0, s29  }
0x3e: {  	_ =	swait.ge [sflag:s16], $0x1000;
	s28 =	sand.u32 $0x3FFFFF80, s28;
	s29 =	sand.u32 $0xFFFFFF80, s29  }
0x3f: {  	s30 =	sand.u32 $0x70, s25;
	[sflag:s16] =	ssyncset.done $0x0;
	s28 =	sadd.s32 s29, s28  }
0x40: {  	[sflag:s16] =	ssyncadd.s32 $0xFFFFF000;
	s28 =	sor.u32 s30, s28  }
0x41: {  	v2 =	vld [tilespmem:s28+$0x0]  }
0x42: {  	s31 =	simm.s32 $0x10;
	s29 =	simm.s32 $0x0;
	s30 =	simm.s32 $0x2  }
.LBB2_5:
0x43: {  	p0 =	sne.s32 s30, $0xFF;
	s0 =	sand.u32 $0xFFFFFF80, s31;
	s29 =	sadd.s32 $0x10, s29  }
0x44: {  	s0 =	ssub.s32 s29, s0  }
.Ltmp1:
0x45: {  	s31 =	sand.u32 $0x3FFFFF80, s31;
	s0 =	sand.u32 $0xFFFFFF80, s0;
	(pc) =	sbr.rel @p0 .LBB2_5-.Ltmp1, $4  }
0x46: {  	s4 =	sand.u32 $0x70, s29;
	s0 =	sadd.s32 s0, s31;
	v2 =	vadd.s32 v0, v2  }
0x47: {  	[tilespmem:s28+$0x0] =	vst v2;
	s28 =	sor.u32 s4, s0  }
0x48: {  	v2 =	vld [tilespmem:s28+$0x0]  }
0x49: {  	s31 =	sshll.u32 s30, $0x4;
	s30 =	sadd.s32 $0x1, s30  }
0x4a: {  	s0 =	sand.u32 $0xFFFFFF80, s31;
	s4 =	sadd.s32 $0x10, s29  }
0x4b: {  	s0 =	ssub.s32 s4, s0  }
0x4c: {  	s30 =	sand.u32 $0x3FFFFF80, s31;
	s0 =	sand.u32 $0xFFFFFF80, s0  }
0x4d: {  	s4 =	sand.u32 $0x70, s4;
	s0 =	sadd.s32 s0, s30;
	v2 =	vadd.s32 v0, v2  }
0x4e: {  	s0 =	sor.u32 s4, s0;
	[tilespmem:s28+$0x0] =	vst v2  }
0x4f: {  	v2 =	vld [tilespmem:s0+$0x0];
	_ =	sdelay $0x4  }
0x50: {  	v2 =	vadd.s32 v0, v2  }
0x51: {  	s31 =	simm.s32 $0x0;
	[tilespmem:s0+$0x0] =	vst v2  }
0x52: {  	[tilespmem:s15], [sflag:$0x1] =	stream.indirect.gather [hbm4b:s1+s18], $0x80, s31, s18, $0xb8;
	[tilespmem:$0x1E000] =	vst v63  }
0x53: {  	_ = 	snop  }
0x54: {  	[tilespmem:s19], [sflag:$0x2] =	stream.indirect.gather [hbm4b:s1+s18], $0x80, s18, s18, $0xb8;
	[tilespmem:$0x1E000] =	vst v63  }
0x55: {  	_ =	swait.ge [sflag:s20], $0x4000  }
0x56: {  	[sflag:s20] =	ssyncset.done $0x0  }
0x57: {  	s4 =	simm.s32 $0x100;
	[sflag:s20] =	ssyncadd.s32 $0xFFFFC000  }
0x58: {  	[tilespmem:s15], [sflag:$0x1] =	stream.indirect.gather [hbm4b:s1+s18], $0x80, s4, s18, $0xb8;
	[tilespmem:$0x1E000] =	vst v63  }
0x59: {  	s29 =	simm.s32 $0x1000  }
0x5a: {  	[spmem:s3] =	stream.indirect.scatter.add.f32 [tilespmem:s15], [sflag:$0x3], $0x80, s29, s18, $0xb8;
	[tilespmem:$0x1E000] =	vst v63  }
0x5b: {  	_ =	swait.ge [sflag:s16], $0x4000  }
0x5c: {  	[sflag:s16] =	ssyncset.done $0x0  }
0x5d: {  	[sflag:s16] =	ssyncadd.s32 $0xFFFFC000  }
0x5e: {  	_ =	swait.ge [sflag:s21], $0x4000  }
0x5f: {  	[sflag:s21] =	ssyncset.done $0x0  }
0x60: {  	s30 =	simm.s32 $0x180;
	[sflag:s21] =	ssyncadd.s32 $0xFFFFC000  }
0x61: {  	[tilespmem:s19], [sflag:$0x2] =	stream.indirect.gather [hbm4b:s1+s18], $0x80, s30, s18, $0xb8;
	[tilespmem:$0x1E000] =	vst v63  }
0x62: {  	s31 =	simm.s32 $0x1080  }
0x63: {  	[spmem:s3] =	stream.indirect.scatter.add.f32 [tilespmem:s19], [sflag:$0x3], $0x80, s31, s18, $0xb8;
	[tilespmem:$0x1E000] =	vst v63  }
0x64: {  	_ =	swait.ge [sflag:s16], $0x4000  }
0x65: {  	s28 =	simm.s32 $0x400;
	[sflag:s16] =	ssyncset.done $0x0  }
.LBB2_7:
0x66: {  	p0 =	sne.s32 s28, $0x3800  }
0x67: {  	[sflag:s16] =	ssyncadd.s32 $0xFFFFC000;
	s0 =	smov.u32 s28;
	s28 =	sadd.s32 $0x400, s28  }
0x68: {  	_ = 	snop  }
0x69: {  	_ =	swait.ge [sflag:s20], $0x4000  }
0x6a: {  	s0 =	sshra.s32 s0, $0x2;
	[sflag:s20] =	ssyncset.done $0x0  }
0x6b: {  	s4 =	sadd.s32 $0x100, s0;
	[sflag:s20] =	ssyncadd.s32 $0xFFFFC000  }
0x6c: {  	[tilespmem:s15], [sflag:$0x1] =	stream.indirect.gather [hbm4b:s1+s18], $0x80, s4, s18, $0xb8;
	[tilespmem:$0x1E000] =	vst v63  }
0x6d: {  	s4 =	sadd.s32 $0x1000, s0  }
0x6e: {  	[spmem:s3] =	stream.indirect.scatter.add.f32 [tilespmem:s15], [sflag:$0x3], $0x80, s4, s18, $0xb8;
	[tilespmem:$0x1E000] =	vst v63  }
0x6f: {  	_ =	swait.ge [sflag:s16], $0x4000  }
0x70: {  	[sflag:s16] =	ssyncset.done $0x0  }
0x71: {  	[sflag:s16] =	ssyncadd.s32 $0xFFFFC000  }
0x72: {  	_ =	swait.ge [sflag:s21], $0x4000  }
0x73: {  	[sflag:s21] =	ssyncset.done $0x0  }
0x74: {  	s4 =	sadd.s32 $0x180, s0;
	[sflag:s21] =	ssyncadd.s32 $0xFFFFC000  }
0x75: {  	[tilespmem:s19], [sflag:$0x2] =	stream.indirect.gather [hbm4b:s1+s18], $0x80, s4, s18, $0xb8;
	[tilespmem:$0x1E000] =	vst v63  }
.Ltmp2:
0x76: {  	_ = 	snop;
	(pc) =	sbr.rel @p0 .LBB2_7-.Ltmp2, $4  }
0x77: {  	s0 =	sadd.s32 $0x1080, s0  }
0x78: {  	[spmem:s3] =	stream.indirect.scatter.add.f32 [tilespmem:s19], [sflag:$0x3], $0x80, s0, s18, $0xb8;
	[tilespmem:$0x1E000] =	vst v63  }
0x79: {  	_ =	swait.ge [sflag:s16], $0x4000  }
0x7a: {  	[sflag:s16] =	ssyncset.done $0x0  }
0x7b: {  	[sflag:s16] =	ssyncadd.s32 $0xFFFFC000  }
0x7c: {  	_ =	swait.ge [sflag:s20], $0x4000  }
0x7d: {  	[sflag:s20] =	ssyncset.done $0x0  }
0x7e: {  	[sflag:s20] =	ssyncadd.s32 $0xFFFFC000  }
0x7f: {  	[spmem:s3] =	stream.indirect.scatter.add.f32 [tilespmem:s15], [sflag:$0x3], $0x80, s22, s18, $0xb8;
	[tilespmem:$0x1E000] =	vst v63  }
0x80: {  	_ =	swait.ge [sflag:s16], $0x4000  }
0x81: {  	[sflag:s16] =	ssyncset.done $0x0  }
0x82: {  	[sflag:s16] =	ssyncadd.s32 $0xFFFFC000  }
0x83: {  	s26 =	sadd.s32 $0x1, s26;
	_ =	swait.ge [sflag:s21], $0x4000  }
0x84: {  	p0 =	sne.s32 s26, $0x5;
	[sflag:s21] =	ssyncset.done $0x0  }
.Ltmp3:
0x85: {  	[sflag:s21] =	ssyncadd.s32 $0xFFFFC000;
	(pc) =	sbr.rel @p0 .LBB2_4-.Ltmp3, $4  }
0x86: {  	[spmem:s3] =	stream.indirect.scatter.add.f32 [tilespmem:s19], [sflag:$0x3], $0x80, s23, s18, $0xb8;
	[tilespmem:$0x1E000] =	vst v63  }
0x87: {  	_ =	swait.ge [sflag:s16], $0x4000  }
0x88: {  	[sflag:s16] =	ssyncset.done $0x0  }
0x89: {  	[sflag:s16] =	ssyncadd.s32 $0xFFFFC000  }
0x8a: {  	s24 =	sadd.s32 $0x1, s24  }
0x8b: {  	s0 =	sshll.u32 s2, $0x6;
	[bflag:$0x0] =	sbarrier.arrive $0xFFFF;
	p0 =	sne.s32 s24, s14  }
.Ltmp4:
0x8c: {  	s4 =	sshrl.u32 s7, $0x3;
	s0 =	sor.u32 $0x1C03, s0;
	(pc) =	sbr.rel @p0 .LBB2_1-.Ltmp4, $4  }
0x8d: {  	[hbm:s13], [sflag:s0] =	dma.local [spmem:s4], $0x2800  }
0x8e: {  	_ =	swait.ge [sflag:s16], $0x2800  }
0x8f: {  	[sflag:s16] =	ssyncset.done $0x0  }
0x90: {  	[sflag:s16] =	ssyncadd.s32 $0xFFFFD800  }
0x91: {  	_ =	sfence.sel $0x180000  }
0x92: {  	[bflag:$0x0] =	sbarrier.arrive $0xFFFF  }
0x93: {  	_ =	strace $0x9000004A  }
0x94: {  	[bflag:$0x2] =	sbarrier.arrive $0xFFFF  }
0x95: {  	p0 =	sne.s32 s2, $0x0;
	s0 =	rddreg [dreg:$0x3]  }
0x96: {  	s0 =	sadd.s32 @!p0 $0x100000, s0  }
0x97: {  	[sflag:s0] =	ssyncadd.tile.s32 @!p0 $0x1;
	_ =	shalt  }
.Lfunc_end2:
_tile_overlayer_lowered:
.L_overlay_start_2:
0x98: {  	(tag) =	ssettag $0x2  }
0x99: {  	s0 =	rddreg [dreg:$0x0];
	s2 =	stileid.u32  }
0x9a: {  	s1 =	rddreg [dreg:$0x1];
	p0 =	sne.s32 s2, $0x0  }
0x9b: {  	s3 =	rddreg [dreg:$0x2];
	[bflag:$0x3] =	sbarrier.arrive $0xFFFF;
	s2 =	simm.s32 @!p0 $0x1C03  }
0x9c: {  	[timem:s3], [sflag:s2] =	dma.local @!p0 [hbm:s0], s1  }
0x9d: {  	s0 =	simm.s32 @!p0 $0x3  }
0x9e: {  	_ =	swait.ge @!p0 [sflag:s0], s1  }
0x9f: {  	s1 =	ssub.s32 @!p0 $0x0, s1;
	[sflag:s0] =	ssyncset.done @!p0 $0x0  }
0xa0: {  	[sflag:s0] =	ssyncadd.s32 @!p0 s1  }
0xa1: {  	[bflag:$0x3] =	sbarrier.arrive $0xFFFF  }
0xa2: {  	_ =	shalt  }

// kernel: kernel.24.cloned.1.call-start
scs
__scs_entry_jumppad:
0x0: {  	(pc) =	sbr.rel $0x88, $3  }
0x1: {  	(tag) =	ssettag $0x0;
	lr =	simm.s32 $0x1  }
0x2: {  	[smem:$0x3F8F] =	sst lr;
	_ =	strace $0xD0000000  }
0x3: {  	_ = 	snop  }
0x4: {  	_ = 	snop  }
0x5: {  	_ = 	snop  }
0x6: {  	_ = 	snop  }
0x7: {  	_ = 	snop  }
__scs_overlays_trampoline_lowered:
0x8: {  	[smem:$0x3F9E] =	sst s0  }
0x9: {  	[smem:$0x3F9F] =	sst s1  }
0xa: {  	[smem:$0x3FA0] =	sst s2  }
0xb: {  	[smem:$0x3FA1] =	sst s3  }
0xc: {  	[smem:$0x3FA2] =	sst s4  }
0xd: {  	[smem:$0x3FA3] =	sst s5  }
0xe: {  	[smem:$0x3FA4] =	sst s6  }
0xf: {  	[smem:$0x3FA5] =	sst s7  }
0x10: {  	[smem:$0x3FA6] =	sst s8  }
0x11: {  	[smem:$0x3FA7] =	sst s9;
	s0 =	simm.s32 @!p0 $0x0  }
0x12: {  	s1 =	sld [smem:$0x3F8D];
	s0 =	simm.s32 @p0 $0x1  }
0x13: {  	[smem:$0x3FA8] =	sst s0;
	s0 =	simm.s32 @!p1 $0x0  }
0x14: {  	s2 =	sld [smem:$0x3F8C];
	s0 =	simm.s32 @p1 $0x1  }
0x15: {  	[smem:$0x3FA9] =	sst s0;
	s0 =	simm.s32 @!p2 $0x0  }
0x16: {  	s3 =	sld [smem:$0x3FDB];
	s0 =	simm.s32 @p2 $0x1  }
0x17: {  	s4 =	simm.s32 $0x1BF5;
	[smem:$0x3FAB] =	sst s0  }
0x18: {  	s0 =	sld [smem:$0x3F8E];
	_ =	swait.ge [sflag:s4], $0x0  }
0x19: {  	s7 =	sld [smem:$0x3F8F]  }
0x1a: {  	s8 =	sadd.s32 $0xFFFFE003, lr  }
0x1b: {  	s9 =	sadd.s32 $0xFFFFFEF7, lr;
	s5 =	simm.s32 $0xFFFFFFFF;
	p2 =	slt.u32 s8, $0xFFFFF086  }
0x1c: {  	p1 =	slt.u32 s9, $0xF7A;
	s5 =	simm.s32 @!p2 $0x0  }
0x1d: {  	s5 =	simm.s32 @p1 $0x1;
	p0 =	seq.s32 s7, s2  }
0x1e: {  	s7 =	smul.u32 @!p0 $0xF7A, s2;
	p2 =	seq.s32 @!p0 s5, $0x0  }
0x1f: {  	s9 =	smul.u32 $0xF7A, s1;
	s8 =	simm.s32 @!p0 $0x1BF5;
	p2 =	por !p2, p0  }
0x20: {  	[sflag:s8] =	ssyncset.s32 @!p0 $0xFFFFF086;
	s6 =	sadd.s32 @!p0 s3, s7;
	s7 =	simm.s32 @!p0 $0x108  }
0x21: {  	s3 =	sadd.s32 s3, s9;
	s6 =	sadd.s32 @!p0 $0x88, s6;
	s7 =	simm.s32 @p2 $0x1082  }
0x22: {  	[simem:s7], [sflag:s8] =	dma.local @!p0 [hbm:s6], $0xF7A  }
0x23: {  	s9 =	sor.u32 $0xD0000000, s2;
	s6 =	simm.s32 $0x108;
	_ =	swait.ge @!p0 [sflag:s8], $0x0  }
0x24: {  	s3 =	sadd.s32 $0x88, s3;
	s6 =	simm.s32 @!p1 $0x1082;
	[sflag:s4] =	ssyncset.s32 $0xFFFFF086  }
0x25: {  	[simem:s6], [sflag:s4] =	dma.local [hbm:s3], $0xF7A  }
0x26: {  	[smem:$0x3F8F] =	sst s1;
	(tag) =	ssettag s2;
	_ =	strace s9  }
0x27: {  	s1 =	sld [smem:$0x3F9F]  }
0x28: {  	s2 =	sld [smem:$0x3FA0]  }
0x29: {  	s4 =	sld [smem:$0x3FA2]  }
0x2a: {  	p0 =	seq.s32 s5, $0x0;
	s5 =	sld [smem:$0x3FA3]  }
0x2b: {  	s6 =	sld [smem:$0x3FA4]  }
0x2c: {  	s7 =	sld [smem:$0x3FA5]  }
0x2d: {  	s3 =	simm.s32 $0x108;
	s8 =	sld [smem:$0x3FA6]  }
0x2e: {  	s3 =	simm.s32 @!p0 $0x1082;
	s9 =	sld [smem:$0x3FA7]  }
0x2f: {  	lr =	sadd.s32 s0, s3;
	s0 =	sld [smem:$0x3F9E]  }
0x30: {  	s3 =	sld [smem:$0x3FA1]  }
0x31: {  	[smem:$0x3FAA] =	sst s10  }
0x32: {  	s10 =	sld [smem:$0x3FA8];
	_ =	sdelay $0x3  }
0x33: {  	p0 =	seq.s32 s10, $0x1;
	s10 =	sld [smem:$0x3FAA];
	_ =	sdelay $0x3  }
0x34: {  	[smem:$0x3FAA] =	sst s10  }
0x35: {  	s10 =	sld [smem:$0x3FA9];
	_ =	sdelay $0x3  }
0x36: {  	p1 =	seq.s32 s10, $0x1;
	s10 =	sld [smem:$0x3FAA];
	_ =	sdelay $0x3  }
0x37: {  	[smem:$0x3FAA] =	sst s10  }
0x38: {  	s10 =	sld [smem:$0x3FAB]  }
0x39: {  	_ = 	snop;
	(pc) =	sbr.ind lr, $3  }
0x3a: {  	_ = 	snop  }
0x3b: {  	_ = 	snop  }
0x3c: {  	p2 =	seq.s32 s10, $0x1;
	s10 =	sld [smem:$0x3FAA]  }
0x3d: {  	_ =	shalt  }
0x3e: {  	_ =	shalt  }
0x3f: {  	_ =	shalt  }
0x40: {  	_ =	shalt  }
0x41: {  	_ =	shalt  }
0x42: {  	_ =	shalt  }
0x43: {  	_ =	shalt  }
0x44: {  	_ =	shalt  }
0x45: {  	_ =	shalt  }
0x46: {  	_ =	shalt  }
0x47: {  	_ =	shalt  }
0x48: {  	_ =	shalt  }
0x49: {  	_ =	shalt  }
0x4a: {  	_ =	shalt  }
0x4b: {  	_ =	shalt  }
0x4c: {  	_ =	shalt  }
0x4d: {  	_ =	shalt  }
0x4e: {  	_ =	shalt  }
0x4f: {  	_ =	shalt  }
0x50: {  	_ =	shalt  }
0x51: {  	_ =	shalt  }
0x52: {  	_ =	shalt  }
0x53: {  	_ =	shalt  }
0x54: {  	_ =	shalt  }
0x55: {  	_ =	shalt  }
0x56: {  	_ =	shalt  }
0x57: {  	_ =	shalt  }
0x58: {  	_ =	shalt  }
0x59: {  	_ =	shalt  }
0x5a: {  	_ =	shalt  }
0x5b: {  	_ =	shalt  }
0x5c: {  	_ =	shalt  }
0x5d: {  	_ =	shalt  }
0x5e: {  	_ =	shalt  }
0x5f: {  	_ =	shalt  }
0x60: {  	_ =	shalt  }
0x61: {  	_ =	shalt  }
0x62: {  	_ =	shalt  }
0x63: {  	_ =	shalt  }
0x64: {  	_ =	shalt  }
0x65: {  	_ =	shalt  }
0x66: {  	_ =	shalt  }
0x67: {  	_ =	shalt  }
0x68: {  	_ =	shalt  }
0x69: {  	_ =	shalt  }
0x6a: {  	_ =	shalt  }
0x6b: {  	_ =	shalt  }
0x6c: {  	_ =	shalt  }
0x6d: {  	_ =	shalt  }
0x6e: {  	_ =	shalt  }
0x6f: {  	_ =	shalt  }
0x70: {  	_ =	shalt  }
0x71: {  	_ =	shalt  }
0x72: {  	_ =	shalt  }
0x73: {  	_ =	shalt  }
0x74: {  	_ =	shalt  }
0x75: {  	_ =	shalt  }
0x76: {  	_ =	shalt  }
0x77: {  	_ =	shalt  }
0x78: {  	_ =	shalt  }
0x79: {  	_ =	shalt  }
0x7a: {  	_ =	shalt  }
0x7b: {  	_ =	shalt  }
0x7c: {  	_ =	shalt  }
0x7d: {  	_ =	shalt  }
0x7e: {  	_ =	shalt  }
0x7f: {  	_ =	shalt  }
0x80: {  	_ =	shalt  }
0x81: {  	_ =	shalt  }
0x82: {  	_ =	shalt  }
0x83: {  	_ =	shalt  }
0x84: {  	_ =	shalt  }
0x85: {  	_ =	shalt  }
0x86: {  	_ =	shalt  }
0x87: {  	_ =	shalt  }
.Lfunc_end0:
.L_simem_size_0:
called_computation.2_lowered:
.L_overlay_start_0:
0x88: {  	s2 =	sld [smem:$0x3FD9]  }
0x89: {  	s3 =	sld [smem:$0x3FFE];
	_ =	sdelay $0x1  }
0x8a: {  	s1 =	srdreg.scid  }
0x8b: {  	s0 =	sand.u32 $0x1, s1  }
0x8c: {  	s14 =	sshll.u32 s0, $0xA;
	s2 =	sadd.s32 s3, s2  }
0x8d: {  	s2 =	sadd.s32 s2, s14  }
0x8e: {  	[smem:$0x3FB6] =	sst s2  }
0x8f: {  	_ = 	snop  }
0x90: {  	s2 =	sld [smem:$0x3FD0];
	_ =	sdelay $0x2  }
0x91: {  	s15 =	simm.s32 $0xD;
	s4 =	simm.s32 $0x10  }
0x92: {  	[smem:s4], [sflag:s15] =	dma.local [hbm:s2], $0x1  }
0x93: {  	_ =	swait.eq [sflag:s15], $0x1  }
0x94: {  	[sflag:s15] =	ssyncset.done $0x0  }
0x95: {  	[sflag:s15] =	ssyncadd.s32 $0xFFFFFFFF  }
0x96: {  	s16 =	sld [smem:$0x10];
	(tm) =	ssettm $0x1  }
0x97: {  	s17 =	sld [smem:$0x3FFB];
	_ =	sdelay $0x3  }
0x98: {  	_ =	strace s17  }
0x99: {  	s3 =	sld [smem:$0x3FFC];
	_ =	sdelay $0x3  }
0x9a: {  	_ =	strace s3  }
0x9b: {  	s3 =	sld [smem:$0x3FFD];
	_ =	sdelay $0x3  }
0x9c: {  	_ =	strace s3  }
0x9d: {  	_ =	strace $0x8FFFFFFF  }
0x9e: {  	s18 =	sld [smem:$0x3FDB];
	_ =	sdelay $0x1  }
0x9f: {  	s19 =	simm.s32 $_scs_section_size  }
0xa0: {  	s5 =	simm.s32 $_size__tile_overlayer_lowered;
	s6 =	simm.s32 $_tile_overlayer_lowered  }
0xa1: {  	s22 =	simm.s32 $0x1BFF;
	s21 =	sshll.u32 s6, $0x1;
	s3 =	sadd.s32 s19, s18  }
0xa2: {  	s7 =	simm.s32 $0x0;
	s20 =	sshll.u32 s5, $0x1;
	s5 =	sadd.s32 s21, s3  }
0xa3: {  	[timem:s7], [sflag:s22] =	dma.local [hbm:s5], s20  }
0xa4: {  	_ =	swait.ge [sflag:s22], s20  }
0xa5: {  	s4 =	ssub.s32 $0x0, s20;
	[sflag:s22] =	ssyncset.done $0x0  }
0xa6: {  	[sflag:s22] =	ssyncadd.s32 s4;
	_ =	sdelay $0x1  }
0xa7: {  	s23 =	simm.s32 $0x1B8B  }
0xa8: {  	_ =	swait.ge [sflag:s23], $0x1  }
0xa9: {  	[sflag:s23] =	ssyncset.done $0x0  }
0xaa: {  	s25 =	simm.s32 $0x1B8E;
	s24 =	sld [smem:$0x3FFE];
	[sflag:s23] =	ssyncadd.s32 $0xFFFFFFFF  }
0xab: {  	s26 =	simm.s32 $execute0_lowered;
	[smem:$0x3FD2] =	sst s25  }
0xac: {  	s5 =	sshll.u32 s26, $0x1;
	_ =	strace $0x8000004C;
	[dreg:$0x1] =	wrdreg $0xFFFFFFFF  }
0xad: {  	s28 =	simm.s32 $_size_execute0_lowered;
	s3 =	sadd.s32 s3, s5;
	[dreg:$0x0] =	wrdreg $0x0  }
0xae: {  	s5 =	sshll.u32 s28, $0x1;
	[dreg:$0x2] =	wrdreg s3  }
0xaf: {  	[dreg:$0x3] =	wrdreg s5  }
0xb0: {  	[dreg:$0x4] =	wrdreg $0xC0  }
0xb1: {  	_ =	task [dreg:s7], $0x5FFFF  }
0xb2: {  	[dreg:$0x1] =	wrdreg $0xFFFFFFFF  }
0xb3: {  	[dreg:$0x0] =	wrdreg $0x60  }
0xb4: {  	[dreg:$0x2] =	wrdreg s16  }
0xb5: {  	[dreg:$0x3] =	wrdreg s24  }
0xb6: {  	[dreg:$0x4] =	wrdreg $0xA0000  }
0xb7: {  	[dreg:$0x5] =	wrdreg $0x9  }
0xb8: {  	_ =	task.clear_ibuf [dreg:s7], $0x6FFFF;
	_ =	strace $0x9000004C  }
0xb9: {  	s29 =	simm.s32 $0x9;
	_ =	strace $0x8000004E  }
0xba: {  	_ =	swait.ge [sflag:s29], $0x1  }
0xbb: {  	[sflag:s29] =	ssyncadd.s32 $0xFFFFFFFF  }
0xbc: {  	_ =	strace $0x9000004E  }
0xbd: {  	_ =	sfence  }
0xbe: {  	s30 =	sld [smem:$0x0];
	_ =	sdelay $0x2  }
0xbf: {  	s31 =	sshll.u32 s1, $0xD;
	s1 =	sshrl.u32 s1, $0x2  }
0xc0: {  	s3 =	sand.u32 $0x4000, s31;
	s1 =	sadd.s32 s1, s30  }
0xc1: {  	s0 =	sor.u32 s3, s0;
	s1 =	sshll.u32 s1, $0x11  }
0xc2: {  	s0 =	sor.u32 s1, s0  }
0xc3: {  	s0 =	sadd.s32 $0x8F2B, s0  }
0xc4: {  	[sflag:s0] =	ssyncadd.remote.s32 $0x1  }
0xc5: {  	_ =	sfence.sel $0xFFFF  }
0xc6: {  	[dreg:$0x0] =	wrdreg $0xFFFFFFFF;
	(pc) =	sbr.abs _section_cstart, $3  }
0xc7: {  	[dreg:$0x1] =	wrdreg $0xFFFFFFFF  }
0xc8: {  	_ =	task.clear_ibuf [dreg:s7], $0x2FFFF;
	_ =	strace $0x9FFFFFFF  }
0xc9: {  	(tm) =	ssettm $0x7FFFFFFF  }
tec
execute0_lowered:
.L_overlay_start_1:
0x0: {  	(tag) =	ssettag $0x1  }
0x1: {  	s1 =	rddreg [dreg:$0x0]  }
0x2: {  	s7 =	rddreg [dreg:$0x1]  }
0x3: {  	s3 =	rddreg [dreg:$0x2]  }
0x4: {  	s5 =	srdreg.scid;
	s2 =	stileid.u32;
	s0 =	simm.s32 $0x0  }
0x5: {  	s15 =	simm.s32 $0x2000;
	s16 =	simm.s32 $0x3;
	s17 =	simm.s32 $0x1000  }
0x6: {  	s18 =	simm.s32 $0x80;
	s19 =	simm.s32 $0x6000;
	s20 =	simm.s32 $0x1  }
0x7: {  	s21 =	simm.s32 $0x2;
	s23 =	simm.s32 $0x1F80;
	s24 =	simm.s32 $0x0  }
0x8: {  	s10 =	sand.u32 $0x1, s5;
	s8 =	smul.u32 $0x2800, s2;
	[smem:$0x7FF] =	sst s0  }
0x9: {  	s11 =	smul.u32 $0x50000, s2;
	s5 =	sadd.s32 $0x6800, s7;
	s6 =	sadd.s32 $0x10800, s7  }
0xa: {  	s9 =	smul.u32 $0x28000, s10;
	_ =	strace $0x8000004D;
	s12 =	ssub.s32 $0x2, s10  }
0xb: {  	s22 =	smul.u32 $0x2710, s10;
	s31 =	sshrl.u32 s12, $0x1;
	s11 =	sshrl.u32 s11, $0x2  }
0xc: {  	s8 =	sadd.s32 s8, s9;
	s14 =	ssub.s32 s12, s31;
	s12 =	smul.u32 $0x5000, s2  }
0xd: {  	v0 =	vmov s22;
	s22 =	simm.s32 $0x1F00;
	s13 =	sadd.s32 s8, s7;
	s7 =	sadd.s32 s11, s3  }
0xe: {  	s14 =	smax.u32 s14, $0x1;
	s8 =	sadd.s32 $0x4000, s7;
	s9 =	sadd.s32 $0x8000, s7  }
0xf: {  	v1 =	vimm.f32 $0.0e+00;
	s10 =	sadd.s32 $0xC000, s7;
	s11 =	sadd.s32 $0x10000, s7;
	s13 =	sadd.s32 $0x1A800, s13  }
.LBB2_1:
0x10: {  	s25 =	simm.s32 $0x0  }
0x11: {  	s26 =	sand.u32 $0xFFFFFF80, s25  }
0x12: {  	s26 =	ssub.s32 $0x0, s26  }
0x13: {  	s0 =	simm.s32 $0x0;
	s25 =	sand.u32 $0x3FFFFF80, s25;
	s26 =	sand.u32 $0xFFFFFF80, s26  }
0x14: {  	s28 =	sand.u32 $0x70, s0;
	s26 =	sadd.s32 s26, s25  }
0x15: {  	s25 =	simm.s32 $0x1;
	s28 =	sor.u32 s28, s26;
	s26 =	simm.s32 $0x0  }
.LBB2_2:
0x16: {  	s29 =	sshll.u32 s25, $0x4;
	p0 =	sne.s32 s25, $0x3FF;
	s25 =	sadd.s32 $0x1, s25;
	[tilespmem:s28+$0x2000] =	vst v1  }
.Ltmp0:
0x17: {  	s26 =	sadd.s32 $0x10, s26;
	s28 =	sand.u32 $0xFFFFFF80, s29;
	(pc) =	sbr.rel @p0 .LBB2_2-.Ltmp0, $4  }
0x18: {  	s28 =	ssub.s32 s26, s28  }
0x19: {  	s29 =	sand.u32 $0x3FFFFF80, s29;
	s28 =	sand.u32 $0xFFFFFF80, s28  }
0x1a: {  	s30 =	sand.u32 $0x70, s26;
	s28 =	sadd.s32 s28, s29  }
0x1b: {  	s28 =	sor.u32 s30, s28  }
0x1c: {  	[tilespmem:s28+$0x2000] =	vst v1  }
0x1d: {  	[spmem:s7] =	stream.linear.scatter [tilespmem:s15], [sflag:$0x3], $0x4000, $0x38;
	[tilespmem:$0x1E000] =	vst v63  }
0x1e: {  	_ =	swait.ge [sflag:s16], $0x4000  }
0x1f: {  	[sflag:s16] =	ssyncset.done $0x0  }
0x20: {  	[sflag:s16] =	ssyncadd.s32 $0xFFFFC000  }
0x21: {  	[spmem:s8] =	stream.linear.scatter [tilespmem:s15], [sflag:$0x3], $0x4000, $0x38;
	[tilespmem:$0x1E000] =	vst v63  }
0x22: {  	_ =	swait.ge [sflag:s16], $0x4000  }
0x23: {  	[sflag:s16] =	ssyncset.done $0x0  }
0x24: {  	[sflag:s16] =	ssyncadd.s32 $0xFFFFC000  }
0x25: {  	[spmem:s9] =	stream.linear.scatter [tilespmem:s15], [sflag:$0x3], $0x4000, $0x38;
	[tilespmem:$0x1E000] =	vst v63  }
0x26: {  	_ =	swait.ge [sflag:s16], $0x4000  }
0x27: {  	[sflag:s16] =	ssyncset.done $0x0  }
0x28: {  	[sflag:s16] =	ssyncadd.s32 $0xFFFFC000  }
0x29: {  	[spmem:s10] =	stream.linear.scatter [tilespmem:s15], [sflag:$0x3], $0x4000, $0x38;
	[tilespmem:$0x1E000] =	vst v63  }
0x2a: {  	_ =	swait.ge [sflag:s16], $0x4000  }
0x2b: {  	[sflag:s16] =	ssyncset.done $0x0  }
0x2c: {  	[sflag:s16] =	ssyncadd.s32 $0xFFFFC000  }
0x2d: {  	[spmem:s11] =	stream.linear.scatter [tilespmem:s15], [sflag:$0x3], $0x4000, $0x38;
	[tilespmem:$0x1E000] =	vst v63  }
0x2e: {  	_ =	swait.ge [sflag:s16], $0x4000  }
0x2f: {  	[sflag:s16] =	ssyncset.done $0x0  }
0x30: {  	[sflag:s16] =	ssyncadd.s32 $0xFFFFC000  }
0x31: {  	s25 =	simm.s32 $0x0;
	s26 =	simm.s32 $0x0;
	[bflag:$0x0] =	sbarrier.arrive $0xFFFF  }
.LBB2_4:
0x32: {  	s28 =	sshll.u32 s26, $0xC  }
0x33: {  	s28 =	sadd.s32 s12, s28  }
0x34: {  	s28 =	sshrl.u32 s28, $0x3  }
0x35: {  	s29 =	sadd.s32 s5, s28  }
0x36: {  	[tilespmem:s25], [sflag:$0x3] =	stream.linear.gather [hbm4b:s29+s25], $0x1000, $0x38;
	[tilespmem:$0x1E000] =	vst v63  }
0x37: {  	_ =	swait.ge [sflag:s16], $0x1000  }
0x38: {  	[sflag:s16] =	ssyncset.done $0x0  }
0x39: {  	s28 =	sadd.s32 s6, s28;
	[sflag:s16] =	ssyncadd.s32 $0xFFFFF000  }
0x3a: {  	[tilespmem:s17], [sflag:$0x3] =	stream.linear.gather [hbm4b:s28+s25], $0x1000, $0x38;
	[tilespmem:$0x1E000] =	vst v63  }
0x3b: {  	s28 =	simm.s32 $0x0  }
0x3c: {  	s29 =	sand.u32 $0xFFFFFF80, s28  }
0x3d: {  	s29 =	ssub.s32 $0x0, s29  }
0x3e: {  	_ =	swait.ge [sflag:s16], $0x1000;
	s28 =	sand.u32 $0x3FFFFF80, s28;
	s29 =	sand.u32 $0xFFFFFF80, s29  }
0x3f: {  	s30 =	sand.u32 $0x70, s25;
	[sflag:s16] =	ssyncset.done $0x0;
	s28 =	sadd.s32 s29, s28  }
0x40: {  	[sflag:s16] =	ssyncadd.s32 $0xFFFFF000;
	s28 =	sor.u32 s30, s28  }
0x41: {  	v2 =	vld [tilespmem:s28+$0x0]  }
0x42: {  	s31 =	simm.s32 $0x10;
	s29 =	simm.s32 $0x0;
	s30 =	simm.s32 $0x2  }
.LBB2_5:
0x43: {  	p0 =	sne.s32 s30, $0xFF;
	s0 =	sand.u32 $0xFFFFFF80, s31;
	s29 =	sadd.s32 $0x10, s29  }
0x44: {  	s0 =	ssub.s32 s29, s0  }
.Ltmp1:
0x45: {  	s31 =	sand.u32 $0x3FFFFF80, s31;
	s0 =	sand.u32 $0xFFFFFF80, s0;
	(pc) =	sbr.rel @p0 .LBB2_5-.Ltmp1, $4  }
0x46: {  	s4 =	sand.u32 $0x70, s29;
	s0 =	sadd.s32 s0, s31;
	v2 =	vadd.s32 v0, v2  }
0x47: {  	[tilespmem:s28+$0x0] =	vst v2;
	s28 =	sor.u32 s4, s0  }
0x48: {  	v2 =	vld [tilespmem:s28+$0x0]  }
0x49: {  	s31 =	sshll.u32 s30, $0x4;
	s30 =	sadd.s32 $0x1, s30  }
0x4a: {  	s0 =	sand.u32 $0xFFFFFF80, s31;
	s4 =	sadd.s32 $0x10, s29  }
0x4b: {  	s0 =	ssub.s32 s4, s0  }
0x4c: {  	s30 =	sand.u32 $0x3FFFFF80, s31;
	s0 =	sand.u32 $0xFFFFFF80, s0  }
0x4d: {  	s4 =	sand.u32 $0x70, s4;
	s0 =	sadd.s32 s0, s30;
	v2 =	vadd.s32 v0, v2  }
0x4e: {  	s0 =	sor.u32 s4, s0;
	[tilespmem:s28+$0x0] =	vst v2  }
0x4f: {  	v2 =	vld [tilespmem:s0+$0x0];
	_ =	sdelay $0x4  }
0x50: {  	v2 =	vadd.s32 v0, v2  }
0x51: {  	s31 =	simm.s32 $0x0;
	[tilespmem:s0+$0x0] =	vst v2  }
0x52: {  	[tilespmem:s15], [sflag:$0x1] =	stream.indirect.gather [hbm4b:s1+s18], $0x80, s31, s18, $0xb8;
	[tilespmem:$0x1E000] =	vst v63  }
0x53: {  	_ = 	snop  }
0x54: {  	[tilespmem:s19], [sflag:$0x2] =	stream.indirect.gather [hbm4b:s1+s18], $0x80, s18, s18, $0xb8;
	[tilespmem:$0x1E000] =	vst v63  }
0x55: {  	_ =	swait.ge [sflag:s20], $0x4000  }
0x56: {  	[sflag:s20] =	ssyncset.done $0x0  }
0x57: {  	s4 =	simm.s32 $0x100;
	[sflag:s20] =	ssyncadd.s32 $0xFFFFC000  }
0x58: {  	[tilespmem:s15], [sflag:$0x1] =	stream.indirect.gather [hbm4b:s1+s18], $0x80, s4, s18, $0xb8;
	[tilespmem:$0x1E000] =	vst v63  }
0x59: {  	s29 =	simm.s32 $0x1000  }
0x5a: {  	[spmem:s3] =	stream.indirect.scatter.add.f32 [tilespmem:s15], [sflag:$0x3], $0x80, s29, s18, $0xb8;
	[tilespmem:$0x1E000] =	vst v63  }
0x5b: {  	_ =	swait.ge [sflag:s16], $0x4000  }
0x5c: {  	[sflag:s16] =	ssyncset.done $0x0  }
0x5d: {  	[sflag:s16] =	ssyncadd.s32 $0xFFFFC000  }
0x5e: {  	_ =	swait.ge [sflag:s21], $0x4000  }
0x5f: {  	[sflag:s21] =	ssyncset.done $0x0  }
0x60: {  	s30 =	simm.s32 $0x180;
	[sflag:s21] =	ssyncadd.s32 $0xFFFFC000  }
0x61: {  	[tilespmem:s19], [sflag:$0x2] =	stream.indirect.gather [hbm4b:s1+s18], $0x80, s30, s18, $0xb8;
	[tilespmem:$0x1E000] =	vst v63  }
0x62: {  	s31 =	simm.s32 $0x1080  }
0x63: {  	[spmem:s3] =	stream.indirect.scatter.add.f32 [tilespmem:s19], [sflag:$0x3], $0x80, s31, s18, $0xb8;
	[tilespmem:$0x1E000] =	vst v63  }
0x64: {  	_ =	swait.ge [sflag:s16], $0x4000  }
0x65: {  	s28 =	simm.s32 $0x400;
	[sflag:s16] =	ssyncset.done $0x0  }
.LBB2_7:
0x66: {  	p0 =	sne.s32 s28, $0x3800  }
0x67: {  	[sflag:s16] =	ssyncadd.s32 $0xFFFFC000;
	s0 =	smov.u32 s28;
	s28 =	sadd.s32 $0x400, s28  }
0x68: {  	_ = 	snop  }
0x69: {  	_ =	swait.ge [sflag:s20], $0x4000  }
0x6a: {  	s0 =	sshra.s32 s0, $0x2;
	[sflag:s20] =	ssyncset.done $0x0  }
0x6b: {  	s4 =	sadd.s32 $0x100, s0;
	[sflag:s20] =	ssyncadd.s32 $0xFFFFC000  }
0x6c: {  	[tilespmem:s15], [sflag:$0x1] =	stream.indirect.gather [hbm4b:s1+s18], $0x80, s4, s18, $0xb8;
	[tilespmem:$0x1E000] =	vst v63  }
0x6d: {  	s4 =	sadd.s32 $0x1000, s0  }
0x6e: {  	[spmem:s3] =	stream.indirect.scatter.add.f32 [tilespmem:s15], [sflag:$0x3], $0x80, s4, s18, $0xb8;
	[tilespmem:$0x1E000] =	vst v63  }
0x6f: {  	_ =	swait.ge [sflag:s16], $0x4000  }
0x70: {  	[sflag:s16] =	ssyncset.done $0x0  }
0x71: {  	[sflag:s16] =	ssyncadd.s32 $0xFFFFC000  }
0x72: {  	_ =	swait.ge [sflag:s21], $0x4000  }
0x73: {  	[sflag:s21] =	ssyncset.done $0x0  }
0x74: {  	s4 =	sadd.s32 $0x180, s0;
	[sflag:s21] =	ssyncadd.s32 $0xFFFFC000  }
0x75: {  	[tilespmem:s19], [sflag:$0x2] =	stream.indirect.gather [hbm4b:s1+s18], $0x80, s4, s18, $0xb8;
	[tilespmem:$0x1E000] =	vst v63  }
.Ltmp2:
0x76: {  	_ = 	snop;
	(pc) =	sbr.rel @p0 .LBB2_7-.Ltmp2, $4  }
0x77: {  	s0 =	sadd.s32 $0x1080, s0  }
0x78: {  	[spmem:s3] =	stream.indirect.scatter.add.f32 [tilespmem:s19], [sflag:$0x3], $0x80, s0, s18, $0xb8;
	[tilespmem:$0x1E000] =	vst v63  }
0x79: {  	_ =	swait.ge [sflag:s16], $0x4000  }
0x7a: {  	[sflag:s16] =	ssyncset.done $0x0  }
0x7b: {  	[sflag:s16] =	ssyncadd.s32 $0xFFFFC000  }
0x7c: {  	_ =	swait.ge [sflag:s20], $0x4000  }
0x7d: {  	[sflag:s20] =	ssyncset.done $0x0  }
0x7e: {  	[sflag:s20] =	ssyncadd.s32 $0xFFFFC000  }
0x7f: {  	[spmem:s3] =	stream.indirect.scatter.add.f32 [tilespmem:s15], [sflag:$0x3], $0x80, s22, s18, $0xb8;
	[tilespmem:$0x1E000] =	vst v63  }
0x80: {  	_ =	swait.ge [sflag:s16], $0x4000  }
0x81: {  	[sflag:s16] =	ssyncset.done $0x0  }
0x82: {  	[sflag:s16] =	ssyncadd.s32 $0xFFFFC000  }
0x83: {  	s26 =	sadd.s32 $0x1, s26;
	_ =	swait.ge [sflag:s21], $0x4000  }
0x84: {  	p0 =	sne.s32 s26, $0x5;
	[sflag:s21] =	ssyncset.done $0x0  }
.Ltmp3:
0x85: {  	[sflag:s21] =	ssyncadd.s32 $0xFFFFC000;
	(pc) =	sbr.rel @p0 .LBB2_4-.Ltmp3, $4  }
0x86: {  	[spmem:s3] =	stream.indirect.scatter.add.f32 [tilespmem:s19], [sflag:$0x3], $0x80, s23, s18, $0xb8;
	[tilespmem:$0x1E000] =	vst v63  }
0x87: {  	_ =	swait.ge [sflag:s16], $0x4000  }
0x88: {  	[sflag:s16] =	ssyncset.done $0x0  }
0x89: {  	[sflag:s16] =	ssyncadd.s32 $0xFFFFC000  }
0x8a: {  	s24 =	sadd.s32 $0x1, s24  }
0x8b: {  	s0 =	sshll.u32 s2, $0x6;
	[bflag:$0x0] =	sbarrier.arrive $0xFFFF;
	p0 =	sne.s32 s24, s14  }
.Ltmp4:
0x8c: {  	s4 =	sshrl.u32 s7, $0x3;
	s0 =	sor.u32 $0x1C03, s0;
	(pc) =	sbr.rel @p0 .LBB2_1-.Ltmp4, $4  }
0x8d: {  	[hbm:s13], [sflag:s0] =	dma.local [spmem:s4], $0x2800  }
0x8e: {  	_ =	swait.ge [sflag:s16], $0x2800  }
0x8f: {  	[sflag:s16] =	ssyncset.done $0x0  }
0x90: {  	[sflag:s16] =	ssyncadd.s32 $0xFFFFD800  }
0x91: {  	_ =	sfence.sel $0x180000  }
0x92: {  	[bflag:$0x0] =	sbarrier.arrive $0xFFFF  }
0x93: {  	_ =	strace $0x9000004D  }
0x94: {  	[bflag:$0x2] =	sbarrier.arrive $0xFFFF  }
0x95: {  	p0 =	sne.s32 s2, $0x0;
	s0 =	rddreg [dreg:$0x3]  }
0x96: {  	s0 =	sadd.s32 @!p0 $0x100000, s0  }
0x97: {  	[sflag:s0] =	ssyncadd.tile.s32 @!p0 $0x1;
	_ =	shalt  }
.Lfunc_end2:
_tile_overlayer_lowered:
.L_overlay_start_2:
0x98: {  	(tag) =	ssettag $0x2  }
0x99: {  	s0 =	rddreg [dreg:$0x0];
	s2 =	stileid.u32  }
0x9a: {  	s1 =	rddreg [dreg:$0x1];
	p0 =	sne.s32 s2, $0x0  }
0x9b: {  	s3 =	rddreg [dreg:$0x2];
	[bflag:$0x3] =	sbarrier.arrive $0xFFFF;
	s2 =	simm.s32 @!p0 $0x1C03  }
0x9c: {  	[timem:s3], [sflag:s2] =	dma.local @!p0 [hbm:s0], s1  }
0x9d: {  	s0 =	simm.s32 @!p0 $0x3  }
0x9e: {  	_ =	swait.ge @!p0 [sflag:s0], s1  }
0x9f: {  	s1 =	ssub.s32 @!p0 $0x0, s1;
	[sflag:s0] =	ssyncset.done @!p0 $0x0  }
0xa0: {  	[sflag:s0] =	ssyncadd.s32 @!p0 s1  }
0xa1: {  	[bflag:$0x3] =	sbarrier.arrive $0xFFFF  }
0xa2: {  	_ =	shalt  }

// kernel: kernel.27.cloned.1.call-start
scs
__scs_entry_jumppad:
0x0: {  	(pc) =	sbr.rel $0x88, $3  }
0x1: {  	(tag) =	ssettag $0x0;
	lr =	simm.s32 $0x1  }
0x2: {  	[smem:$0x3F8F] =	sst lr;
	_ =	strace $0xD0000000  }
0x3: {  	_ = 	snop  }
0x4: {  	_ = 	snop  }
0x5: {  	_ = 	snop  }
0x6: {  	_ = 	snop  }
0x7: {  	_ = 	snop  }
__scs_overlays_trampoline_lowered:
0x8: {  	[smem:$0x3F9E] =	sst s0  }
0x9: {  	[smem:$0x3F9F] =	sst s1  }
0xa: {  	[smem:$0x3FA0] =	sst s2  }
0xb: {  	[smem:$0x3FA1] =	sst s3  }
0xc: {  	[smem:$0x3FA2] =	sst s4  }
0xd: {  	[smem:$0x3FA3] =	sst s5  }
0xe: {  	[smem:$0x3FA4] =	sst s6  }
0xf: {  	[smem:$0x3FA5] =	sst s7  }
0x10: {  	[smem:$0x3FA6] =	sst s8  }
0x11: {  	[smem:$0x3FA7] =	sst s9;
	s0 =	simm.s32 @!p0 $0x0  }
0x12: {  	s1 =	sld [smem:$0x3F8D];
	s0 =	simm.s32 @p0 $0x1  }
0x13: {  	[smem:$0x3FA8] =	sst s0;
	s0 =	simm.s32 @!p1 $0x0  }
0x14: {  	s2 =	sld [smem:$0x3F8C];
	s0 =	simm.s32 @p1 $0x1  }
0x15: {  	[smem:$0x3FA9] =	sst s0;
	s0 =	simm.s32 @!p2 $0x0  }
0x16: {  	s3 =	sld [smem:$0x3FDB];
	s0 =	simm.s32 @p2 $0x1  }
0x17: {  	s4 =	simm.s32 $0x1BF5;
	[smem:$0x3FAB] =	sst s0  }
0x18: {  	s0 =	sld [smem:$0x3F8E];
	_ =	swait.ge [sflag:s4], $0x0  }
0x19: {  	s7 =	sld [smem:$0x3F8F]  }
0x1a: {  	s8 =	sadd.s32 $0xFFFFE003, lr  }
0x1b: {  	s9 =	sadd.s32 $0xFFFFFEF7, lr;
	s5 =	simm.s32 $0xFFFFFFFF;
	p2 =	slt.u32 s8, $0xFFFFF086  }
0x1c: {  	p1 =	slt.u32 s9, $0xF7A;
	s5 =	simm.s32 @!p2 $0x0  }
0x1d: {  	s5 =	simm.s32 @p1 $0x1;
	p0 =	seq.s32 s7, s2  }
0x1e: {  	s7 =	smul.u32 @!p0 $0xF7A, s2;
	p2 =	seq.s32 @!p0 s5, $0x0  }
0x1f: {  	s9 =	smul.u32 $0xF7A, s1;
	s8 =	simm.s32 @!p0 $0x1BF5;
	p2 =	por !p2, p0  }
0x20: {  	[sflag:s8] =	ssyncset.s32 @!p0 $0xFFFFF086;
	s6 =	sadd.s32 @!p0 s3, s7;
	s7 =	simm.s32 @!p0 $0x108  }
0x21: {  	s3 =	sadd.s32 s3, s9;
	s6 =	sadd.s32 @!p0 $0x88, s6;
	s7 =	simm.s32 @p2 $0x1082  }
0x22: {  	[simem:s7], [sflag:s8] =	dma.local @!p0 [hbm:s6], $0xF7A  }
0x23: {  	s9 =	sor.u32 $0xD0000000, s2;
	s6 =	simm.s32 $0x108;
	_ =	swait.ge @!p0 [sflag:s8], $0x0  }
0x24: {  	s3 =	sadd.s32 $0x88, s3;
	s6 =	simm.s32 @!p1 $0x1082;
	[sflag:s4] =	ssyncset.s32 $0xFFFFF086  }
0x25: {  	[simem:s6], [sflag:s4] =	dma.local [hbm:s3], $0xF7A  }
0x26: {  	[smem:$0x3F8F] =	sst s1;
	(tag) =	ssettag s2;
	_ =	strace s9  }
0x27: {  	s1 =	sld [smem:$0x3F9F]  }
0x28: {  	s2 =	sld [smem:$0x3FA0]  }
0x29: {  	s4 =	sld [smem:$0x3FA2]  }
0x2a: {  	p0 =	seq.s32 s5, $0x0;
	s5 =	sld [smem:$0x3FA3]  }
0x2b: {  	s6 =	sld [smem:$0x3FA4]  }
0x2c: {  	s7 =	sld [smem:$0x3FA5]  }
0x2d: {  	s3 =	simm.s32 $0x108;
	s8 =	sld [smem:$0x3FA6]  }
0x2e: {  	s3 =	simm.s32 @!p0 $0x1082;
	s9 =	sld [smem:$0x3FA7]  }
0x2f: {  	lr =	sadd.s32 s0, s3;
	s0 =	sld [smem:$0x3F9E]  }
0x30: {  	s3 =	sld [smem:$0x3FA1]  }
0x31: {  	[smem:$0x3FAA] =	sst s10  }
0x32: {  	s10 =	sld [smem:$0x3FA8];
	_ =	sdelay $0x3  }
0x33: {  	p0 =	seq.s32 s10, $0x1;
	s10 =	sld [smem:$0x3FAA];
	_ =	sdelay $0x3  }
0x34: {  	[smem:$0x3FAA] =	sst s10  }
0x35: {  	s10 =	sld [smem:$0x3FA9];
	_ =	sdelay $0x3  }
0x36: {  	p1 =	seq.s32 s10, $0x1;
	s10 =	sld [smem:$0x3FAA];
	_ =	sdelay $0x3  }
0x37: {  	[smem:$0x3FAA] =	sst s10  }
0x38: {  	s10 =	sld [smem:$0x3FAB]  }
0x39: {  	_ = 	snop;
	(pc) =	sbr.ind lr, $3  }
0x3a: {  	_ = 	snop  }
0x3b: {  	_ = 	snop  }
0x3c: {  	p2 =	seq.s32 s10, $0x1;
	s10 =	sld [smem:$0x3FAA]  }
0x3d: {  	_ =	shalt  }
0x3e: {  	_ =	shalt  }
0x3f: {  	_ =	shalt  }
0x40: {  	_ =	shalt  }
0x41: {  	_ =	shalt  }
0x42: {  	_ =	shalt  }
0x43: {  	_ =	shalt  }
0x44: {  	_ =	shalt  }
0x45: {  	_ =	shalt  }
0x46: {  	_ =	shalt  }
0x47: {  	_ =	shalt  }
0x48: {  	_ =	shalt  }
0x49: {  	_ =	shalt  }
0x4a: {  	_ =	shalt  }
0x4b: {  	_ =	shalt  }
0x4c: {  	_ =	shalt  }
0x4d: {  	_ =	shalt  }
0x4e: {  	_ =	shalt  }
0x4f: {  	_ =	shalt  }
0x50: {  	_ =	shalt  }
0x51: {  	_ =	shalt  }
0x52: {  	_ =	shalt  }
0x53: {  	_ =	shalt  }
0x54: {  	_ =	shalt  }
0x55: {  	_ =	shalt  }
0x56: {  	_ =	shalt  }
0x57: {  	_ =	shalt  }
0x58: {  	_ =	shalt  }
0x59: {  	_ =	shalt  }
0x5a: {  	_ =	shalt  }
0x5b: {  	_ =	shalt  }
0x5c: {  	_ =	shalt  }
0x5d: {  	_ =	shalt  }
0x5e: {  	_ =	shalt  }
0x5f: {  	_ =	shalt  }
0x60: {  	_ =	shalt  }
0x61: {  	_ =	shalt  }
0x62: {  	_ =	shalt  }
0x63: {  	_ =	shalt  }
0x64: {  	_ =	shalt  }
0x65: {  	_ =	shalt  }
0x66: {  	_ =	shalt  }
0x67: {  	_ =	shalt  }
0x68: {  	_ =	shalt  }
0x69: {  	_ =	shalt  }
0x6a: {  	_ =	shalt  }
0x6b: {  	_ =	shalt  }
0x6c: {  	_ =	shalt  }
0x6d: {  	_ =	shalt  }
0x6e: {  	_ =	shalt  }
0x6f: {  	_ =	shalt  }
0x70: {  	_ =	shalt  }
0x71: {  	_ =	shalt  }
0x72: {  	_ =	shalt  }
0x73: {  	_ =	shalt  }
0x74: {  	_ =	shalt  }
0x75: {  	_ =	shalt  }
0x76: {  	_ =	shalt  }
0x77: {  	_ =	shalt  }
0x78: {  	_ =	shalt  }
0x79: {  	_ =	shalt  }
0x7a: {  	_ =	shalt  }
0x7b: {  	_ =	shalt  }
0x7c: {  	_ =	shalt  }
0x7d: {  	_ =	shalt  }
0x7e: {  	_ =	shalt  }
0x7f: {  	_ =	shalt  }
0x80: {  	_ =	shalt  }
0x81: {  	_ =	shalt  }
0x82: {  	_ =	shalt  }
0x83: {  	_ =	shalt  }
0x84: {  	_ =	shalt  }
0x85: {  	_ =	shalt  }
0x86: {  	_ =	shalt  }
0x87: {  	_ =	shalt  }
.Lfunc_end0:
.L_simem_size_0:
called_computation.3_lowered:
.L_overlay_start_0:
0x88: {  	s2 =	sld [smem:$0x3FD9]  }
0x89: {  	s3 =	sld [smem:$0x3FFE];
	_ =	sdelay $0x1  }
0x8a: {  	s1 =	srdreg.scid  }
0x8b: {  	s0 =	sand.u32 $0x1, s1  }
0x8c: {  	s14 =	sshll.u32 s0, $0xA;
	s2 =	sadd.s32 s3, s2  }
0x8d: {  	s2 =	sadd.s32 s2, s14  }
0x8e: {  	[smem:$0x3FB6] =	sst s2  }
0x8f: {  	_ = 	snop  }
0x90: {  	s2 =	sld [smem:$0x3FD0];
	_ =	sdelay $0x2  }
0x91: {  	s15 =	simm.s32 $0xD;
	s4 =	simm.s32 $0x10  }
0x92: {  	[smem:s4], [sflag:s15] =	dma.local [hbm:s2], $0x1  }
0x93: {  	_ =	swait.eq [sflag:s15], $0x1  }
0x94: {  	[sflag:s15] =	ssyncset.done $0x0  }
0x95: {  	[sflag:s15] =	ssyncadd.s32 $0xFFFFFFFF  }
0x96: {  	s16 =	sld [smem:$0x10];
	(tm) =	ssettm $0x1  }
0x97: {  	s17 =	sld [smem:$0x3FFB];
	_ =	sdelay $0x3  }
0x98: {  	_ =	strace s17  }
0x99: {  	s3 =	sld [smem:$0x3FFC];
	_ =	sdelay $0x3  }
0x9a: {  	_ =	strace s3  }
0x9b: {  	s3 =	sld [smem:$0x3FFD];
	_ =	sdelay $0x3  }
0x9c: {  	_ =	strace s3  }
0x9d: {  	_ =	strace $0x8FFFFFFF  }
0x9e: {  	s18 =	sld [smem:$0x3FDB];
	_ =	sdelay $0x1  }
0x9f: {  	s19 =	simm.s32 $_scs_section_size  }
0xa0: {  	s5 =	simm.s32 $_size__tile_overlayer_lowered;
	s6 =	simm.s32 $_tile_overlayer_lowered  }
0xa1: {  	s22 =	simm.s32 $0x1BFF;
	s21 =	sshll.u32 s6, $0x1;
	s3 =	sadd.s32 s19, s18  }
0xa2: {  	s7 =	simm.s32 $0x0;
	s20 =	sshll.u32 s5, $0x1;
	s5 =	sadd.s32 s21, s3  }
0xa3: {  	[timem:s7], [sflag:s22] =	dma.local [hbm:s5], s20  }
0xa4: {  	_ =	swait.ge [sflag:s22], s20  }
0xa5: {  	s4 =	ssub.s32 $0x0, s20;
	[sflag:s22] =	ssyncset.done $0x0  }
0xa6: {  	[sflag:s22] =	ssyncadd.s32 s4;
	_ =	sdelay $0x1  }
0xa7: {  	s23 =	simm.s32 $0x1B8B  }
0xa8: {  	_ =	swait.ge [sflag:s23], $0x1  }
0xa9: {  	[sflag:s23] =	ssyncset.done $0x0  }
0xaa: {  	s25 =	simm.s32 $0x1B8E;
	s24 =	sld [smem:$0x3FFE];
	[sflag:s23] =	ssyncadd.s32 $0xFFFFFFFF  }
0xab: {  	s26 =	simm.s32 $execute0_lowered;
	[smem:$0x3FD2] =	sst s25  }
0xac: {  	s5 =	sshll.u32 s26, $0x1;
	_ =	strace $0x8000004F;
	[dreg:$0x1] =	wrdreg $0xFFFFFFFF  }
0xad: {  	s28 =	simm.s32 $_size_execute0_lowered;
	s3 =	sadd.s32 s3, s5;
	[dreg:$0x0] =	wrdreg $0x0  }
0xae: {  	s5 =	sshll.u32 s28, $0x1;
	[dreg:$0x2] =	wrdreg s3  }
0xaf: {  	[dreg:$0x3] =	wrdreg s5  }
0xb0: {  	[dreg:$0x4] =	wrdreg $0xC0  }
0xb1: {  	_ =	task [dreg:s7], $0x5FFFF  }
0xb2: {  	[dreg:$0x1] =	wrdreg $0xFFFFFFFF  }
0xb3: {  	[dreg:$0x0] =	wrdreg $0x60  }
0xb4: {  	[dreg:$0x2] =	wrdreg s16  }
0xb5: {  	[dreg:$0x3] =	wrdreg s24  }
0xb6: {  	[dreg:$0x4] =	wrdreg $0xA0000  }
0xb7: {  	[dreg:$0x5] =	wrdreg $0x9  }
0xb8: {  	_ =	task.clear_ibuf [dreg:s7], $0x6FFFF;
	_ =	strace $0x9000004F  }
0xb9: {  	s29 =	simm.s32 $0x9;
	_ =	strace $0x80000051  }
0xba: {  	_ =	swait.ge [sflag:s29], $0x1  }
0xbb: {  	[sflag:s29] =	ssyncadd.s32 $0xFFFFFFFF  }
0xbc: {  	_ =	strace $0x90000051  }
0xbd: {  	_ =	sfence  }
0xbe: {  	s30 =	sld [smem:$0x0];
	_ =	sdelay $0x2  }
0xbf: {  	s31 =	sshll.u32 s1, $0xD;
	s1 =	sshrl.u32 s1, $0x2  }
0xc0: {  	s3 =	sand.u32 $0x4000, s31;
	s1 =	sadd.s32 s1, s30  }
0xc1: {  	s0 =	sor.u32 s3, s0;
	s1 =	sshll.u32 s1, $0x11  }
0xc2: {  	s0 =	sor.u32 s1, s0  }
0xc3: {  	s0 =	sadd.s32 $0x8F2B, s0  }
0xc4: {  	[sflag:s0] =	ssyncadd.remote.s32 $0x1  }
0xc5: {  	_ =	sfence.sel $0xFFFF  }
0xc6: {  	[dreg:$0x0] =	wrdreg $0xFFFFFFFF;
	(pc) =	sbr.abs _section_cstart, $3  }
0xc7: {  	[dreg:$0x1] =	wrdreg $0xFFFFFFFF  }
0xc8: {  	_ =	task.clear_ibuf [dreg:s7], $0x2FFFF;
	_ =	strace $0x9FFFFFFF  }
0xc9: {  	(tm) =	ssettm $0x7FFFFFFF  }
tec
execute0_lowered:
.L_overlay_start_1:
0x0: {  	(tag) =	ssettag $0x1  }
0x1: {  	s1 =	rddreg [dreg:$0x0]  }
0x2: {  	s7 =	rddreg [dreg:$0x1]  }
0x3: {  	s3 =	rddreg [dreg:$0x2]  }
0x4: {  	s5 =	srdreg.scid;
	s2 =	stileid.u32;
	s0 =	simm.s32 $0x0  }
0x5: {  	s15 =	simm.s32 $0x2000;
	s16 =	simm.s32 $0x3;
	s17 =	simm.s32 $0x1000  }
0x6: {  	s18 =	simm.s32 $0x80;
	s19 =	simm.s32 $0x6000;
	s20 =	simm.s32 $0x1  }
0x7: {  	s21 =	simm.s32 $0x2;
	s23 =	simm.s32 $0x1F80;
	s24 =	simm.s32 $0x0  }
0x8: {  	s10 =	sand.u32 $0x1, s5;
	s8 =	smul.u32 $0x2800, s2;
	[smem:$0x7FF] =	sst s0  }
0x9: {  	s11 =	smul.u32 $0x50000, s2;
	s5 =	sadd.s32 $0x6800, s7;
	s6 =	sadd.s32 $0x10800, s7  }
0xa: {  	s9 =	smul.u32 $0x28000, s10;
	_ =	strace $0x80000050;
	s12 =	ssub.s32 $0x2, s10  }
0xb: {  	s22 =	smul.u32 $0x2710, s10;
	s31 =	sshrl.u32 s12, $0x1;
	s11 =	sshrl.u32 s11, $0x2  }
0xc: {  	s8 =	sadd.s32 s8, s9;
	s14 =	ssub.s32 s12, s31;
	s12 =	smul.u32 $0x5000, s2  }
0xd: {  	v0 =	vmov s22;
	s22 =	simm.s32 $0x1F00;
	s13 =	sadd.s32 s8, s7;
	s7 =	sadd.s32 s11, s3  }
0xe: {  	s14 =	smax.u32 s14, $0x1;
	s8 =	sadd.s32 $0x4000, s7;
	s9 =	sadd.s32 $0x8000, s7  }
0xf: {  	v1 =	vimm.f32 $0.0e+00;
	s10 =	sadd.s32 $0xC000, s7;
	s11 =	sadd.s32 $0x10000, s7;
	s13 =	sadd.s32 $0x1A800, s13  }
.LBB2_1:
0x10: {  	s25 =	simm.s32 $0x0  }
0x11: {  	s26 =	sand.u32 $0xFFFFFF80, s25  }
0x12: {  	s26 =	ssub.s32 $0x0, s26  }
0x13: {  	s0 =	simm.s32 $0x0;
	s25 =	sand.u32 $0x3FFFFF80, s25;
	s26 =	sand.u32 $0xFFFFFF80, s26  }
0x14: {  	s28 =	sand.u32 $0x70, s0;
	s26 =	sadd.s32 s26, s25  }
0x15: {  	s25 =	simm.s32 $0x1;
	s28 =	sor.u32 s28, s26;
	s26 =	simm.s32 $0x0  }
.LBB2_2:
0x16: {  	s29 =	sshll.u32 s25, $0x4;
	p0 =	sne.s32 s25, $0x3FF;
	s25 =	sadd.s32 $0x1, s25;
	[tilespmem:s28+$0x2000] =	vst v1  }
.Ltmp0:
0x17: {  	s26 =	sadd.s32 $0x10, s26;
	s28 =	sand.u32 $0xFFFFFF80, s29;
	(pc) =	sbr.rel @p0 .LBB2_2-.Ltmp0, $4  }
0x18: {  	s28 =	ssub.s32 s26, s28  }
0x19: {  	s29 =	sand.u32 $0x3FFFFF80, s29;
	s28 =	sand.u32 $0xFFFFFF80, s28  }
0x1a: {  	s30 =	sand.u32 $0x70, s26;
	s28 =	sadd.s32 s28, s29  }
0x1b: {  	s28 =	sor.u32 s30, s28  }
0x1c: {  	[tilespmem:s28+$0x2000] =	vst v1  }
0x1d: {  	[spmem:s7] =	stream.linear.scatter [tilespmem:s15], [sflag:$0x3], $0x4000, $0x38;
	[tilespmem:$0x1E000] =	vst v63  }
0x1e: {  	_ =	swait.ge [sflag:s16], $0x4000  }
0x1f: {  	[sflag:s16] =	ssyncset.done $0x0  }
0x20: {  	[sflag:s16] =	ssyncadd.s32 $0xFFFFC000  }
0x21: {  	[spmem:s8] =	stream.linear.scatter [tilespmem:s15], [sflag:$0x3], $0x4000, $0x38;
	[tilespmem:$0x1E000] =	vst v63  }
0x22: {  	_ =	swait.ge [sflag:s16], $0x4000  }
0x23: {  	[sflag:s16] =	ssyncset.done $0x0  }
0x24: {  	[sflag:s16] =	ssyncadd.s32 $0xFFFFC000  }
0x25: {  	[spmem:s9] =	stream.linear.scatter [tilespmem:s15], [sflag:$0x3], $0x4000, $0x38;
	[tilespmem:$0x1E000] =	vst v63  }
0x26: {  	_ =	swait.ge [sflag:s16], $0x4000  }
0x27: {  	[sflag:s16] =	ssyncset.done $0x0  }
0x28: {  	[sflag:s16] =	ssyncadd.s32 $0xFFFFC000  }
0x29: {  	[spmem:s10] =	stream.linear.scatter [tilespmem:s15], [sflag:$0x3], $0x4000, $0x38;
	[tilespmem:$0x1E000] =	vst v63  }
0x2a: {  	_ =	swait.ge [sflag:s16], $0x4000  }
0x2b: {  	[sflag:s16] =	ssyncset.done $0x0  }
0x2c: {  	[sflag:s16] =	ssyncadd.s32 $0xFFFFC000  }
0x2d: {  	[spmem:s11] =	stream.linear.scatter [tilespmem:s15], [sflag:$0x3], $0x4000, $0x38;
	[tilespmem:$0x1E000] =	vst v63  }
0x2e: {  	_ =	swait.ge [sflag:s16], $0x4000  }
0x2f: {  	[sflag:s16] =	ssyncset.done $0x0  }
0x30: {  	[sflag:s16] =	ssyncadd.s32 $0xFFFFC000  }
0x31: {  	s25 =	simm.s32 $0x0;
	s26 =	simm.s32 $0x0;
	[bflag:$0x0] =	sbarrier.arrive $0xFFFF  }
.LBB2_4:
0x32: {  	s28 =	sshll.u32 s26, $0xC  }
0x33: {  	s28 =	sadd.s32 s12, s28  }
0x34: {  	s28 =	sshrl.u32 s28, $0x3  }
0x35: {  	s29 =	sadd.s32 s5, s28  }
0x36: {  	[tilespmem:s25], [sflag:$0x3] =	stream.linear.gather [hbm4b:s29+s25], $0x1000, $0x38;
	[tilespmem:$0x1E000] =	vst v63  }
0x37: {  	_ =	swait.ge [sflag:s16], $0x1000  }
0x38: {  	[sflag:s16] =	ssyncset.done $0x0  }
0x39: {  	s28 =	sadd.s32 s6, s28;
	[sflag:s16] =	ssyncadd.s32 $0xFFFFF000  }
0x3a: {  	[tilespmem:s17], [sflag:$0x3] =	stream.linear.gather [hbm4b:s28+s25], $0x1000, $0x38;
	[tilespmem:$0x1E000] =	vst v63  }
0x3b: {  	s28 =	simm.s32 $0x0  }
0x3c: {  	s29 =	sand.u32 $0xFFFFFF80, s28  }
0x3d: {  	s29 =	ssub.s32 $0x0, s29  }
0x3e: {  	_ =	swait.ge [sflag:s16], $0x1000;
	s28 =	sand.u32 $0x3FFFFF80, s28;
	s29 =	sand.u32 $0xFFFFFF80, s29  }
0x3f: {  	s30 =	sand.u32 $0x70, s25;
	[sflag:s16] =	ssyncset.done $0x0;
	s28 =	sadd.s32 s29, s28  }
0x40: {  	[sflag:s16] =	ssyncadd.s32 $0xFFFFF000;
	s28 =	sor.u32 s30, s28  }
0x41: {  	v2 =	vld [tilespmem:s28+$0x0]  }
0x42: {  	s31 =	simm.s32 $0x10;
	s29 =	simm.s32 $0x0;
	s30 =	simm.s32 $0x2  }
.LBB2_5:
0x43: {  	p0 =	sne.s32 s30, $0xFF;
	s0 =	sand.u32 $0xFFFFFF80, s31;
	s29 =	sadd.s32 $0x10, s29  }
0x44: {  	s0 =	ssub.s32 s29, s0  }
.Ltmp1:
0x45: {  	s31 =	sand.u32 $0x3FFFFF80, s31;
	s0 =	sand.u32 $0xFFFFFF80, s0;
	(pc) =	sbr.rel @p0 .LBB2_5-.Ltmp1, $4  }
0x46: {  	s4 =	sand.u32 $0x70, s29;
	s0 =	sadd.s32 s0, s31;
	v2 =	vadd.s32 v0, v2  }
0x47: {  	[tilespmem:s28+$0x0] =	vst v2;
	s28 =	sor.u32 s4, s0  }
0x48: {  	v2 =	vld [tilespmem:s28+$0x0]  }
0x49: {  	s31 =	sshll.u32 s30, $0x4;
	s30 =	sadd.s32 $0x1, s30  }
0x4a: {  	s0 =	sand.u32 $0xFFFFFF80, s31;
	s4 =	sadd.s32 $0x10, s29  }
0x4b: {  	s0 =	ssub.s32 s4, s0  }
0x4c: {  	s30 =	sand.u32 $0x3FFFFF80, s31;
	s0 =	sand.u32 $0xFFFFFF80, s0  }
0x4d: {  	s4 =	sand.u32 $0x70, s4;
	s0 =	sadd.s32 s0, s30;
	v2 =	vadd.s32 v0, v2  }
0x4e: {  	s0 =	sor.u32 s4, s0;
	[tilespmem:s28+$0x0] =	vst v2  }
0x4f: {  	v2 =	vld [tilespmem:s0+$0x0];
	_ =	sdelay $0x4  }
0x50: {  	v2 =	vadd.s32 v0, v2  }
0x51: {  	s31 =	simm.s32 $0x0;
	[tilespmem:s0+$0x0] =	vst v2  }
0x52: {  	[tilespmem:s15], [sflag:$0x1] =	stream.indirect.gather [hbm4b:s1+s18], $0x80, s31, s18, $0xb8;
	[tilespmem:$0x1E000] =	vst v63  }
0x53: {  	_ = 	snop  }
0x54: {  	[tilespmem:s19], [sflag:$0x2] =	stream.indirect.gather [hbm4b:s1+s18], $0x80, s18, s18, $0xb8;
	[tilespmem:$0x1E000] =	vst v63  }
0x55: {  	_ =	swait.ge [sflag:s20], $0x4000  }
0x56: {  	[sflag:s20] =	ssyncset.done $0x0  }
0x57: {  	s4 =	simm.s32 $0x100;
	[sflag:s20] =	ssyncadd.s32 $0xFFFFC000  }
0x58: {  	[tilespmem:s15], [sflag:$0x1] =	stream.indirect.gather [hbm4b:s1+s18], $0x80, s4, s18, $0xb8;
	[tilespmem:$0x1E000] =	vst v63  }
0x59: {  	s29 =	simm.s32 $0x1000  }
0x5a: {  	[spmem:s3] =	stream.indirect.scatter.add.f32 [tilespmem:s15], [sflag:$0x3], $0x80, s29, s18, $0xb8;
	[tilespmem:$0x1E000] =	vst v63  }
0x5b: {  	_ =	swait.ge [sflag:s16], $0x4000  }
0x5c: {  	[sflag:s16] =	ssyncset.done $0x0  }
0x5d: {  	[sflag:s16] =	ssyncadd.s32 $0xFFFFC000  }
0x5e: {  	_ =	swait.ge [sflag:s21], $0x4000  }
0x5f: {  	[sflag:s21] =	ssyncset.done $0x0  }
0x60: {  	s30 =	simm.s32 $0x180;
	[sflag:s21] =	ssyncadd.s32 $0xFFFFC000  }
0x61: {  	[tilespmem:s19], [sflag:$0x2] =	stream.indirect.gather [hbm4b:s1+s18], $0x80, s30, s18, $0xb8;
	[tilespmem:$0x1E000] =	vst v63  }
0x62: {  	s31 =	simm.s32 $0x1080  }
0x63: {  	[spmem:s3] =	stream.indirect.scatter.add.f32 [tilespmem:s19], [sflag:$0x3], $0x80, s31, s18, $0xb8;
	[tilespmem:$0x1E000] =	vst v63  }
0x64: {  	_ =	swait.ge [sflag:s16], $0x4000  }
0x65: {  	s28 =	simm.s32 $0x400;
	[sflag:s16] =	ssyncset.done $0x0  }
.LBB2_7:
0x66: {  	p0 =	sne.s32 s28, $0x3800  }
0x67: {  	[sflag:s16] =	ssyncadd.s32 $0xFFFFC000;
	s0 =	smov.u32 s28;
	s28 =	sadd.s32 $0x400, s28  }
0x68: {  	_ = 	snop  }
0x69: {  	_ =	swait.ge [sflag:s20], $0x4000  }
0x6a: {  	s0 =	sshra.s32 s0, $0x2;
	[sflag:s20] =	ssyncset.done $0x0  }
0x6b: {  	s4 =	sadd.s32 $0x100, s0;
	[sflag:s20] =	ssyncadd.s32 $0xFFFFC000  }
0x6c: {  	[tilespmem:s15], [sflag:$0x1] =	stream.indirect.gather [hbm4b:s1+s18], $0x80, s4, s18, $0xb8;
	[tilespmem:$0x1E000] =	vst v63  }
0x6d: {  	s4 =	sadd.s32 $0x1000, s0  }
0x6e: {  	[spmem:s3] =	stream.indirect.scatter.add.f32 [tilespmem:s15], [sflag:$0x3], $0x80, s4, s18, $0xb8;
	[tilespmem:$0x1E000] =	vst v63  }
0x6f: {  	_ =	swait.ge [sflag:s16], $0x4000  }
0x70: {  	[sflag:s16] =	ssyncset.done $0x0  }
0x71: {  	[sflag:s16] =	ssyncadd.s32 $0xFFFFC000  }
0x72: {  	_ =	swait.ge [sflag:s21], $0x4000  }
0x73: {  	[sflag:s21] =	ssyncset.done $0x0  }
0x74: {  	s4 =	sadd.s32 $0x180, s0;
	[sflag:s21] =	ssyncadd.s32 $0xFFFFC000  }
0x75: {  	[tilespmem:s19], [sflag:$0x2] =	stream.indirect.gather [hbm4b:s1+s18], $0x80, s4, s18, $0xb8;
	[tilespmem:$0x1E000] =	vst v63  }
.Ltmp2:
0x76: {  	_ = 	snop;
	(pc) =	sbr.rel @p0 .LBB2_7-.Ltmp2, $4  }
0x77: {  	s0 =	sadd.s32 $0x1080, s0  }
0x78: {  	[spmem:s3] =	stream.indirect.scatter.add.f32 [tilespmem:s19], [sflag:$0x3], $0x80, s0, s18, $0xb8;
	[tilespmem:$0x1E000] =	vst v63  }
0x79: {  	_ =	swait.ge [sflag:s16], $0x4000  }
0x7a: {  	[sflag:s16] =	ssyncset.done $0x0  }
0x7b: {  	[sflag:s16] =	ssyncadd.s32 $0xFFFFC000  }
0x7c: {  	_ =	swait.ge [sflag:s20], $0x4000  }
0x7d: {  	[sflag:s20] =	ssyncset.done $0x0  }
0x7e: {  	[sflag:s20] =	ssyncadd.s32 $0xFFFFC000  }
0x7f: {  	[spmem:s3] =	stream.indirect.scatter.add.f32 [tilespmem:s15], [sflag:$0x3], $0x80, s22, s18, $0xb8;
	[tilespmem:$0x1E000] =	vst v63  }
0x80: {  	_ =	swait.ge [sflag:s16], $0x4000  }
0x81: {  	[sflag:s16] =	ssyncset.done $0x0  }
0x82: {  	[sflag:s16] =	ssyncadd.s32 $0xFFFFC000  }
0x83: {  	s26 =	sadd.s32 $0x1, s26;
	_ =	swait.ge [sflag:s21], $0x4000  }
0x84: {  	p0 =	sne.s32 s26, $0x5;
	[sflag:s21] =	ssyncset.done $0x0  }
.Ltmp3:
0x85: {  	[sflag:s21] =	ssyncadd.s32 $0xFFFFC000;
	(pc) =	sbr.rel @p0 .LBB2_4-.Ltmp3, $4  }
0x86: {  	[spmem:s3] =	stream.indirect.scatter.add.f32 [tilespmem:s19], [sflag:$0x3], $0x80, s23, s18, $0xb8;
	[tilespmem:$0x1E000] =	vst v63  }
0x87: {  	_ =	swait.ge [sflag:s16], $0x4000  }
0x88: {  	[sflag:s16] =	ssyncset.done $0x0  }
0x89: {  	[sflag:s16] =	ssyncadd.s32 $0xFFFFC000  }
0x8a: {  	s24 =	sadd.s32 $0x1, s24  }
0x8b: {  	s0 =	sshll.u32 s2, $0x6;
	[bflag:$0x0] =	sbarrier.arrive $0xFFFF;
	p0 =	sne.s32 s24, s14  }
.Ltmp4:
0x8c: {  	s4 =	sshrl.u32 s7, $0x3;
	s0 =	sor.u32 $0x1C03, s0;
	(pc) =	sbr.rel @p0 .LBB2_1-.Ltmp4, $4  }
0x8d: {  	[hbm:s13], [sflag:s0] =	dma.local [spmem:s4], $0x2800  }
0x8e: {  	_ =	swait.ge [sflag:s16], $0x2800  }
0x8f: {  	[sflag:s16] =	ssyncset.done $0x0  }
0x90: {  	[sflag:s16] =	ssyncadd.s32 $0xFFFFD800  }
0x91: {  	_ =	sfence.sel $0x180000  }
0x92: {  	[bflag:$0x0] =	sbarrier.arrive $0xFFFF  }
0x93: {  	_ =	strace $0x90000050  }
0x94: {  	[bflag:$0x2] =	sbarrier.arrive $0xFFFF  }
0x95: {  	p0 =	sne.s32 s2, $0x0;
	s0 =	rddreg [dreg:$0x3]  }
0x96: {  	s0 =	sadd.s32 @!p0 $0x100000, s0  }
0x97: {  	[sflag:s0] =	ssyncadd.tile.s32 @!p0 $0x1;
	_ =	shalt  }
.Lfunc_end2:
_tile_overlayer_lowered:
.L_overlay_start_2:
0x98: {  	(tag) =	ssettag $0x2  }
0x99: {  	s0 =	rddreg [dreg:$0x0];
	s2 =	stileid.u32  }
0x9a: {  	s1 =	rddreg [dreg:$0x1];
	p0 =	sne.s32 s2, $0x0  }
0x9b: {  	s3 =	rddreg [dreg:$0x2];
	[bflag:$0x3] =	sbarrier.arrive $0xFFFF;
	s2 =	simm.s32 @!p0 $0x1C03  }
0x9c: {  	[timem:s3], [sflag:s2] =	dma.local @!p0 [hbm:s0], s1  }
0x9d: {  	s0 =	simm.s32 @!p0 $0x3  }
0x9e: {  	_ =	swait.ge @!p0 [sflag:s0], s1  }
0x9f: {  	s1 =	ssub.s32 @!p0 $0x0, s1;
	[sflag:s0] =	ssyncset.done @!p0 $0x0  }
0xa0: {  	[sflag:s0] =	ssyncadd.s32 @!p0 s1  }
0xa1: {  	[bflag:$0x3] =	sbarrier.arrive $0xFFFF  }
0xa2: {  	_ =	shalt  }

// kernel: kernel.30.cloned.1.call-start
scs
__scs_entry_jumppad:
0x0: {  	(pc) =	sbr.rel $0x88, $3  }
0x1: {  	(tag) =	ssettag $0x0;
	lr =	simm.s32 $0x1  }
0x2: {  	[smem:$0x3F8F] =	sst lr;
	_ =	strace $0xD0000000  }
0x3: {  	_ = 	snop  }
0x4: {  	_ = 	snop  }
0x5: {  	_ = 	snop  }
0x6: {  	_ = 	snop  }
0x7: {  	_ = 	snop  }
__scs_overlays_trampoline_lowered:
0x8: {  	[smem:$0x3F9E] =	sst s0  }
0x9: {  	[smem:$0x3F9F] =	sst s1  }
0xa: {  	[smem:$0x3FA0] =	sst s2  }
0xb: {  	[smem:$0x3FA1] =	sst s3  }
0xc: {  	[smem:$0x3FA2] =	sst s4  }
0xd: {  	[smem:$0x3FA3] =	sst s5  }
0xe: {  	[smem:$0x3FA4] =	sst s6  }
0xf: {  	[smem:$0x3FA5] =	sst s7  }
0x10: {  	[smem:$0x3FA6] =	sst s8  }
0x11: {  	[smem:$0x3FA7] =	sst s9;
	s0 =	simm.s32 @!p0 $0x0  }
0x12: {  	s1 =	sld [smem:$0x3F8D];
	s0 =	simm.s32 @p0 $0x1  }
0x13: {  	[smem:$0x3FA8] =	sst s0;
	s0 =	simm.s32 @!p1 $0x0  }
0x14: {  	s2 =	sld [smem:$0x3F8C];
	s0 =	simm.s32 @p1 $0x1  }
0x15: {  	[smem:$0x3FA9] =	sst s0;
	s0 =	simm.s32 @!p2 $0x0  }
0x16: {  	s3 =	sld [smem:$0x3FDB];
	s0 =	simm.s32 @p2 $0x1  }
0x17: {  	s4 =	simm.s32 $0x1BF5;
	[smem:$0x3FAB] =	sst s0  }
0x18: {  	s0 =	sld [smem:$0x3F8E];
	_ =	swait.ge [sflag:s4], $0x0  }
0x19: {  	s7 =	sld [smem:$0x3F8F]  }
0x1a: {  	s8 =	sadd.s32 $0xFFFFE003, lr  }
0x1b: {  	s9 =	sadd.s32 $0xFFFFFEF7, lr;
	s5 =	simm.s32 $0xFFFFFFFF;
	p2 =	slt.u32 s8, $0xFFFFF086  }
0x1c: {  	p1 =	slt.u32 s9, $0xF7A;
	s5 =	simm.s32 @!p2 $0x0  }
0x1d: {  	s5 =	simm.s32 @p1 $0x1;
	p0 =	seq.s32 s7, s2  }
0x1e: {  	s7 =	smul.u32 @!p0 $0xF7A, s2;
	p2 =	seq.s32 @!p0 s5, $0x0  }
0x1f: {  	s9 =	smul.u32 $0xF7A, s1;
	s8 =	simm.s32 @!p0 $0x1BF5;
	p2 =	por !p2, p0  }
0x20: {  	[sflag:s8] =	ssyncset.s32 @!p0 $0xFFFFF086;
	s6 =	sadd.s32 @!p0 s3, s7;
	s7 =	simm.s32 @!p0 $0x108  }
0x21: {  	s3 =	sadd.s32 s3, s9;
	s6 =	sadd.s32 @!p0 $0x88, s6;
	s7 =	simm.s32 @p2 $0x1082  }
0x22: {  	[simem:s7], [sflag:s8] =	dma.local @!p0 [hbm:s6], $0xF7A  }
0x23: {  	s9 =	sor.u32 $0xD0000000, s2;
	s6 =	simm.s32 $0x108;
	_ =	swait.ge @!p0 [sflag:s8], $0x0  }
0x24: {  	s3 =	sadd.s32 $0x88, s3;
	s6 =	simm.s32 @!p1 $0x1082;
	[sflag:s4] =	ssyncset.s32 $0xFFFFF086  }
0x25: {  	[simem:s6], [sflag:s4] =	dma.local [hbm:s3], $0xF7A  }
0x26: {  	[smem:$0x3F8F] =	sst s1;
	(tag) =	ssettag s2;
	_ =	strace s9  }
0x27: {  	s1 =	sld [smem:$0x3F9F]  }
0x28: {  	s2 =	sld [smem:$0x3FA0]  }
0x29: {  	s4 =	sld [smem:$0x3FA2]  }
0x2a: {  	p0 =	seq.s32 s5, $0x0;
	s5 =	sld [smem:$0x3FA3]  }
0x2b: {  	s6 =	sld [smem:$0x3FA4]  }
0x2c: {  	s7 =	sld [smem:$0x3FA5]  }
0x2d: {  	s3 =	simm.s32 $0x108;
	s8 =	sld [smem:$0x3FA6]  }
0x2e: {  	s3 =	simm.s32 @!p0 $0x1082;
	s9 =	sld [smem:$0x3FA7]  }
0x2f: {  	lr =	sadd.s32 s0, s3;
	s0 =	sld [smem:$0x3F9E]  }
0x30: {  	s3 =	sld [smem:$0x3FA1]  }
0x31: {  	[smem:$0x3FAA] =	sst s10  }
0x32: {  	s10 =	sld [smem:$0x3FA8];
	_ =	sdelay $0x3  }
0x33: {  	p0 =	seq.s32 s10, $0x1;
	s10 =	sld [smem:$0x3FAA];
	_ =	sdelay $0x3  }
0x34: {  	[smem:$0x3FAA] =	sst s10  }
0x35: {  	s10 =	sld [smem:$0x3FA9];
	_ =	sdelay $0x3  }
0x36: {  	p1 =	seq.s32 s10, $0x1;
	s10 =	sld [smem:$0x3FAA];
	_ =	sdelay $0x3  }
0x37: {  	[smem:$0x3FAA] =	sst s10  }
0x38: {  	s10 =	sld [smem:$0x3FAB]  }
0x39: {  	_ = 	snop;
	(pc) =	sbr.ind lr, $3  }
0x3a: {  	_ = 	snop  }
0x3b: {  	_ = 	snop  }
0x3c: {  	p2 =	seq.s32 s10, $0x1;
	s10 =	sld [smem:$0x3FAA]  }
0x3d: {  	_ =	shalt  }
0x3e: {  	_ =	shalt  }
0x3f: {  	_ =	shalt  }
0x40: {  	_ =	shalt  }
0x41: {  	_ =	shalt  }
0x42: {  	_ =	shalt  }
0x43: {  	_ =	shalt  }
0x44: {  	_ =	shalt  }
0x45: {  	_ =	shalt  }
0x46: {  	_ =	shalt  }
0x47: {  	_ =	shalt  }
0x48: {  	_ =	shalt  }
0x49: {  	_ =	shalt  }
0x4a: {  	_ =	shalt  }
0x4b: {  	_ =	shalt  }
0x4c: {  	_ =	shalt  }
0x4d: {  	_ =	shalt  }
0x4e: {  	_ =	shalt  }
0x4f: {  	_ =	shalt  }
0x50: {  	_ =	shalt  }
0x51: {  	_ =	shalt  }
0x52: {  	_ =	shalt  }
0x53: {  	_ =	shalt  }
0x54: {  	_ =	shalt  }
0x55: {  	_ =	shalt  }
0x56: {  	_ =	shalt  }
0x57: {  	_ =	shalt  }
0x58: {  	_ =	shalt  }
0x59: {  	_ =	shalt  }
0x5a: {  	_ =	shalt  }
0x5b: {  	_ =	shalt  }
0x5c: {  	_ =	shalt  }
0x5d: {  	_ =	shalt  }
0x5e: {  	_ =	shalt  }
0x5f: {  	_ =	shalt  }
0x60: {  	_ =	shalt  }
0x61: {  	_ =	shalt  }
0x62: {  	_ =	shalt  }
0x63: {  	_ =	shalt  }
0x64: {  	_ =	shalt  }
0x65: {  	_ =	shalt  }
0x66: {  	_ =	shalt  }
0x67: {  	_ =	shalt  }
0x68: {  	_ =	shalt  }
0x69: {  	_ =	shalt  }
0x6a: {  	_ =	shalt  }
0x6b: {  	_ =	shalt  }
0x6c: {  	_ =	shalt  }
0x6d: {  	_ =	shalt  }
0x6e: {  	_ =	shalt  }
0x6f: {  	_ =	shalt  }
0x70: {  	_ =	shalt  }
0x71: {  	_ =	shalt  }
0x72: {  	_ =	shalt  }
0x73: {  	_ =	shalt  }
0x74: {  	_ =	shalt  }
0x75: {  	_ =	shalt  }
0x76: {  	_ =	shalt  }
0x77: {  	_ =	shalt  }
0x78: {  	_ =	shalt  }
0x79: {  	_ =	shalt  }
0x7a: {  	_ =	shalt  }
0x7b: {  	_ =	shalt  }
0x7c: {  	_ =	shalt  }
0x7d: {  	_ =	shalt  }
0x7e: {  	_ =	shalt  }
0x7f: {  	_ =	shalt  }
0x80: {  	_ =	shalt  }
0x81: {  	_ =	shalt  }
0x82: {  	_ =	shalt  }
0x83: {  	_ =	shalt  }
0x84: {  	_ =	shalt  }
0x85: {  	_ =	shalt  }
0x86: {  	_ =	shalt  }
0x87: {  	_ =	shalt  }
.Lfunc_end0:
.L_simem_size_0:
called_computation.4_lowered:
.L_overlay_start_0:
0x88: {  	s2 =	sld [smem:$0x3FD9]  }
0x89: {  	s3 =	sld [smem:$0x3FFE];
	_ =	sdelay $0x1  }
0x8a: {  	s1 =	srdreg.scid  }
0x8b: {  	s0 =	sand.u32 $0x1, s1  }
0x8c: {  	s15 =	sshll.u32 s0, $0xA;
	s2 =	sadd.s32 s3, s2  }
0x8d: {  	s2 =	sadd.s32 s2, s15  }
0x8e: {  	[smem:$0x3FB6] =	sst s2  }
0x8f: {  	_ = 	snop  }
0x90: {  	s2 =	sld [smem:$0x3FD0];
	_ =	sdelay $0x2  }
0x91: {  	s16 =	simm.s32 $0xD;
	s4 =	simm.s32 $0x10  }
0x92: {  	[smem:s4], [sflag:s16] =	dma.local [hbm:s2], $0x1  }
0x93: {  	_ =	swait.eq [sflag:s16], $0x1  }
0x94: {  	[sflag:s16] =	ssyncset.done $0x0  }
0x95: {  	[sflag:s16] =	ssyncadd.s32 $0xFFFFFFFF  }
0x96: {  	s17 =	sld [smem:$0x10];
	(tm) =	ssettm $0x1  }
0x97: {  	s18 =	sld [smem:$0x3FFB];
	_ =	sdelay $0x3  }
0x98: {  	_ =	strace s18  }
0x99: {  	s2 =	sld [smem:$0x3FFC];
	_ =	sdelay $0x3  }
0x9a: {  	_ =	strace s2  }
0x9b: {  	s2 =	sld [smem:$0x3FFD];
	_ =	sdelay $0x3  }
0x9c: {  	_ =	strace s2  }
0x9d: {  	_ =	strace $0x8FFFFFFF  }
0x9e: {  	s19 =	sld [smem:$0x3FDB];
	_ =	sdelay $0x1  }
0x9f: {  	s20 =	simm.s32 $_scs_section_size  }
0xa0: {  	s5 =	simm.s32 $_size__tile_overlayer_lowered;
	s6 =	simm.s32 $_tile_overlayer_lowered  }
0xa1: {  	s7 =	simm.s32 $0x1BFF;
	s21 =	sshll.u32 s6, $0x1;
	s4 =	sadd.s32 s20, s19  }
0xa2: {  	s22 =	simm.s32 $0x0;
	s5 =	sshll.u32 s5, $0x1;
	s6 =	sadd.s32 s21, s4  }
0xa3: {  	[timem:s22], [sflag:s7] =	dma.local [hbm:s6], s5  }
0xa4: {  	_ =	swait.ge [sflag:s7], s5  }
0xa5: {  	s5 =	ssub.s32 $0x0, s5;
	[sflag:s7] =	ssyncset.done $0x0  }
0xa6: {  	[sflag:s7] =	ssyncadd.s32 s5;
	_ =	sdelay $0x1  }
0xa7: {  	s23 =	simm.s32 $0x1B8B  }
0xa8: {  	_ =	swait.ge [sflag:s23], $0x1  }
0xa9: {  	[sflag:s23] =	ssyncset.done $0x0  }
0xaa: {  	[sflag:s23] =	ssyncadd.s32 $0xFFFFFFFF  }
0xab: {  	s5 =	sld [smem:$0x0]  }
0xac: {  	s6 =	sand.u32 $0xFFFFFFFE, s1  }
0xad: {  	p0 =	sne.s32 s1, s6  }
0xae: {  	s6 =	sshll.u32 @p0 s6, $0xE  }
0xaf: {  	s6 =	sadd.s32 @p0 $0x11B8D, s6;
	s7 =	sshll.u32 @p0 s5, $0x11  }
0xb0: {  	s6 =	sor.u32 @p0 s7, s6  }
0xb1: {  	[sflag:s6] =	ssyncadd.remote.s32 @p0 $0x1;
	_ =	sdelay $0x1  }
0xb2: {  	s6 =	simm.s32 @p0 $0x1B8D  }
0xb3: {  	_ =	swait.eq @p0 [sflag:s6], $0x1  }
0xb4: {  	[sflag:s6] =	ssyncadd.s32 @p0 $0xFFFFFFFF  }
0xb5: {  	s7 =	sshll.u32 @!p0 s1, $0xE  }
0xb6: {  	s7 =	sor.u32 @!p0 $0x4000, s7;
	s6 =	simm.s32 @!p0 $0x1B8D  }
0xb7: {  	s5 =	sshll.u32 @!p0 s5, $0x11;
	s7 =	sadd.s32 @!p0 $0x11B8D, s7;
	_ =	swait.eq @!p0 [sflag:s6], $0x1  }
0xb8: {  	s5 =	sor.u32 @!p0 s5, s7;
	[sflag:s6] =	ssyncadd.s32 @!p0 $0xFFFFFFFF  }
0xb9: {  	s25 =	simm.s32 $0x1B8E;
	s24 =	sld [smem:$0x3FFE];
	[sflag:s5] =	ssyncadd.remote.s32 @!p0 $0x1  }
0xba: {  	s26 =	simm.s32 $execute0_lowered;
	[smem:$0x3FD2] =	sst s25  }
0xbb: {  	s6 =	sshll.u32 s26, $0x1;
	_ =	strace $0x8000005B;
	[dreg:$0x1] =	wrdreg $0xFFFFFFFF  }
0xbc: {  	s28 =	simm.s32 $_size_execute0_lowered;
	s4 =	sadd.s32 s4, s6;
	[dreg:$0x0] =	wrdreg $0x0  }
0xbd: {  	s6 =	sshll.u32 s28, $0x1;
	[dreg:$0x2] =	wrdreg s4  }
0xbe: {  	[dreg:$0x3] =	wrdreg s6  }
0xbf: {  	[dreg:$0x4] =	wrdreg $0xC0  }
0xc0: {  	_ =	task [dreg:s22], $0x5FFFF  }
0xc1: {  	[dreg:$0x1] =	wrdreg $0xFFFFFFFF  }
0xc2: {  	[dreg:$0x0] =	wrdreg $0x60  }
0xc3: {  	[dreg:$0x2] =	wrdreg s17  }
0xc4: {  	[dreg:$0x3] =	wrdreg s24  }
0xc5: {  	[dreg:$0x4] =	wrdreg $0x9  }
0xc6: {  	_ =	task.clear_ibuf [dreg:s22], $0x5FFFF;
	_ =	strace $0x9000005B  }
0xc7: {  	s29 =	simm.s32 $0x9;
	_ =	strace $0x8000005D  }
0xc8: {  	_ =	swait.ge [sflag:s29], $0x1  }
0xc9: {  	[sflag:s29] =	ssyncadd.s32 $0xFFFFFFFF  }
0xca: {  	_ =	strace $0x9000005D  }
0xcb: {  	_ =	sfence  }
0xcc: {  	s30 =	sld [smem:$0x0];
	_ =	sdelay $0x2  }
0xcd: {  	s31 =	sshll.u32 s1, $0xD;
	s1 =	sshrl.u32 s1, $0x2  }
0xce: {  	s4 =	sand.u32 $0x4000, s31;
	s1 =	sadd.s32 s1, s30  }
0xcf: {  	s0 =	sor.u32 s4, s0;
	s1 =	sshll.u32 s1, $0x11  }
0xd0: {  	s0 =	sor.u32 s1, s0  }
0xd1: {  	s0 =	sadd.s32 $0x8F2B, s0  }
0xd2: {  	[sflag:s0] =	ssyncadd.remote.s32 $0x1  }
0xd3: {  	_ =	sfence.sel $0xFFFF  }
0xd4: {  	[dreg:$0x0] =	wrdreg $0xFFFFFFFF;
	(pc) =	sbr.abs _section_cstart, $3  }
0xd5: {  	[dreg:$0x1] =	wrdreg $0xFFFFFFFF  }
0xd6: {  	_ =	task.clear_ibuf [dreg:s22], $0x2FFFF;
	_ =	strace $0x9FFFFFFF  }
0xd7: {  	(tm) =	ssettm $0x7FFFFFFF  }
tec
execute0_lowered:
.L_overlay_start_1:
0x0: {  	(tag) =	ssettag $0x1  }
0x1: {  	s1 =	rddreg [dreg:$0x0]  }
0x2: {  	s0 =	rddreg [dreg:$0x1];
	s3 =	simm.s32 $0x0;
	s2 =	srdreg.scid  }
0x3: {  	s6 =	stileid.u32;
	s9 =	simm.s32 $0x3;
	s11 =	simm.s32 $0x800  }
0x4: {  	s12 =	simm.s32 $0x1000;
	s13 =	simm.s32 $0x1800;
	s14 =	simm.s32 $0x2000  }
0x5: {  	s15 =	simm.s32 $0x2800;
	s16 =	simm.s32 $0x3000;
	s17 =	simm.s32 $0x3800  }
0x6: {  	s18 =	simm.s32 $0x4000;
	s19 =	simm.s32 $0x4800;
	s20 =	simm.s32 $0x5000  }
0x7: {  	s21 =	simm.s32 $0x5800;
	s22 =	simm.s32 $0x6000;
	s23 =	simm.s32 $0x6800  }
0x8: {  	s28 =	simm.s32 $0x8800;
	s10 =	simm.s32 $0x0;
	[smem:$0x7FF] =	sst s3  }
0x9: {  	s2 =	sand.u32 $0x1, s2;
	s4 =	sshll.u32 s6, $0x7;
	s31 =	sshll.u32 s6, $0xF  }
0xa: {  	s5 =	sshll.u32 s2, $0xB;
	s24 =	sshll.u32 s2, $0x13;
	s2 =	ssub.s32 $0x2, s2  }
0xb: {  	_ =	strace $0x8000005C;
	s4 =	sor.u32 s4, s5;
	s25 =	sshrl.u32 s2, $0x1  }
0xc: {  	s4 =	sadd.s32 s4, s0;
	s0 =	sadd.s32 s24, s0;
	s2 =	ssub.s32 s2, s25  }
.Ltmp0:
0xd: {  	s24 =	simm.s32 $0x7000;
	s26 =	sadd.s32 $0x7800, s4;
	(pc) =	sbr.rel .LBB2_1-.Ltmp0, $4  }
0xe: {  	s25 =	simm.s32 $0x7800;
	s4 =	sadd.s32 $0x6800, s4;
	[dreg:$0x3] =	wrdreg s26  }
0xf: {  	v2 =	vlaneseq.u32;
	s2 =	smax.u32 s2, $0x1;
	s0 =	sadd.s32 s31, s0;
	[dreg:$0x4] =	wrdreg s4  }
0x10: {  	vm0 =	vmmov $0xffff;
	v1 =	vshrl.u32 v2, $0x3;
	[dreg:$0x5] =	wrdreg s2;
	s30 =	sadd.s32 $0x66F800, s0;
	s29 =	sadd.s32 $0x76F800, s0  }
0x11: {  	v0 =	vand.u32 $0x7, v2;
	v2 =	vor.u32 $0x8, v2;
	v1 =	vmul.u32 $0x8, v1;
	s26 =	simm.s32 $0x8000;
	s0 =	simm.s32 $0x1;
	s2 =	simm.s32 $0x2  }
.LBB2_5:
0x12: {  	s10 =	sadd.s32 $0x1, s10;
	s4 =	rddreg [dreg:$0x5]  }
0x13: {  	p0 =	sne.s32 s10, s4  }
.Ltmp1:
0x14: {  	_ = 	snop;
	(pc) =	sbr.rel @!p0 .LBB2_6-.Ltmp1, $1  }
0x15: {  	_ =	sdelay $0x3  }
.LBB2_1:
0x16: {  	s4 =	rddreg [dreg:$0x3]  }
0x17: {  	[tilespmem:s3], [sflag:$0x3] =	stream.linear.gather [hbm4b:s4+s3], $0x400, $0x38;
	[tilespmem:$0x10800] =	vst v63  }
0x18: {  	_ =	swait.ge [sflag:s9], $0x400  }
0x19: {  	[sflag:s9] =	ssyncset.done $0x0  }
0x1a: {  	s5 =	simm.s32 $0x400;
	s8 =	rddreg [dreg:$0x4];
	[sflag:s9] =	ssyncadd.s32 $0xFFFFFC00  }
0x1b: {  	[tilespmem:s5], [sflag:$0x3] =	stream.linear.gather [hbm4b:s8+s3], $0x400, $0x38;
	[tilespmem:$0x10800] =	vst v63  }
0x1c: {  	_ =	swait.ge [sflag:s9], $0x400  }
0x1d: {  	[sflag:s9] =	ssyncset.done $0x0  }
0x1e: {  	[sflag:s9] =	ssyncadd.s32 $0xFFFFFC00  }
0x1f: {  	v3 =	vld [tilespmem:$0x0];
	_ =	sdelay $0x4  }
0x20: {  	v4 =	vshll.u32 v3, $0x1  }
0x21: {  	v3 =	vand.u32 $0x7, v3;
	v4 =	vand.u32 $0xFFFFFFF0, v4  }
0x22: {  	v3 =	vor.u32 v3, v4  }
0x23: {  	v4 =	vperm.xlane v3, v0;
	_ =	sdelay $0x1  }
0x24: {  	v3 =	vperm.xlane v3, v2;
	v4 =	vadd.s32 v1, v4;
	_ =	sdelay $0x1  }
0x25: {  	v3 =	vadd.s32 v1, v3;
	_ =	sdelay $0x2  }
0x26: {  	[tilespmem:s11], [sflag:$0x1] =	stream.indirect_vreg.gather [hbm4b:s1+s3], $0x80, v4, vm0, $0xb8;
	[tilespmem:$0x10800] =	vst v63  }
0x27: {  	_ = 	snop  }
0x28: {  	[tilespmem:s12], [sflag:$0x1] =	stream.indirect_vreg.gather [hbm4b:s1+s3], $0x80, v3, vm0, $0xb8;
	[tilespmem:$0x10800] =	vst v63  }
0x29: {  	v3 =	vld [tilespmem:$0x10];
	_ =	sdelay $0x4  }
0x2a: {  	v49 =	vshll.u32 v3, $0x1  }
0x2b: {  	v3 =	vand.u32 $0x7, v3;
	v4 =	vand.u32 $0xFFFFFFF0, v49  }
0x2c: {  	v3 =	vor.u32 v3, v4  }
0x2d: {  	v4 =	vperm.xlane v3, v0;
	_ =	sdelay $0x1  }
0x2e: {  	v3 =	vperm.xlane v3, v2;
	v4 =	vadd.s32 v1, v4;
	_ =	sdelay $0x1  }
0x2f: {  	v3 =	vadd.s32 v1, v3;
	_ =	sdelay $0x2  }
0x30: {  	[tilespmem:s13], [sflag:$0x1] =	stream.indirect_vreg.gather [hbm4b:s1+s3], $0x80, v4, vm0, $0xb8;
	[tilespmem:$0x10800] =	vst v63  }
0x31: {  	_ = 	snop  }
0x32: {  	[tilespmem:s14], [sflag:$0x1] =	stream.indirect_vreg.gather [hbm4b:s1+s3], $0x80, v3, vm0, $0xb8;
	[tilespmem:$0x10800] =	vst v63  }
0x33: {  	v3 =	vld [tilespmem:$0x20];
	_ =	sdelay $0x4  }
0x34: {  	v50 =	vshll.u32 v3, $0x1  }
0x35: {  	v3 =	vand.u32 $0x7, v3;
	v4 =	vand.u32 $0xFFFFFFF0, v50  }
0x36: {  	v3 =	vor.u32 v3, v4  }
0x37: {  	v4 =	vperm.xlane v3, v0;
	_ =	sdelay $0x1  }
0x38: {  	v3 =	vperm.xlane v3, v2;
	v4 =	vadd.s32 v1, v4;
	_ =	sdelay $0x1  }
0x39: {  	v3 =	vadd.s32 v1, v3;
	_ =	sdelay $0x2  }
0x3a: {  	[tilespmem:s15], [sflag:$0x1] =	stream.indirect_vreg.gather [hbm4b:s1+s3], $0x80, v4, vm0, $0xb8;
	[tilespmem:$0x10800] =	vst v63  }
0x3b: {  	_ = 	snop  }
0x3c: {  	[tilespmem:s16], [sflag:$0x1] =	stream.indirect_vreg.gather [hbm4b:s1+s3], $0x80, v3, vm0, $0xb8;
	[tilespmem:$0x10800] =	vst v63  }
0x3d: {  	v3 =	vld [tilespmem:$0x30];
	_ =	sdelay $0x4  }
0x3e: {  	v51 =	vshll.u32 v3, $0x1  }
0x3f: {  	v3 =	vand.u32 $0x7, v3;
	v4 =	vand.u32 $0xFFFFFFF0, v51  }
0x40: {  	v3 =	vor.u32 v3, v4  }
0x41: {  	v4 =	vperm.xlane v3, v0;
	_ =	sdelay $0x1  }
0x42: {  	v3 =	vperm.xlane v3, v2;
	v4 =	vadd.s32 v1, v4;
	_ =	sdelay $0x1  }
0x43: {  	v3 =	vadd.s32 v1, v3;
	_ =	sdelay $0x2  }
0x44: {  	[tilespmem:s17], [sflag:$0x1] =	stream.indirect_vreg.gather [hbm4b:s1+s3], $0x80, v4, vm0, $0xb8;
	[tilespmem:$0x10800] =	vst v63  }
0x45: {  	_ = 	snop  }
0x46: {  	[tilespmem:s18], [sflag:$0x1] =	stream.indirect_vreg.gather [hbm4b:s1+s3], $0x80, v3, vm0, $0xb8;
	[tilespmem:$0x10800] =	vst v63  }
0x47: {  	v3 =	vld [tilespmem:$0x40];
	_ =	sdelay $0x4  }
0x48: {  	v52 =	vshll.u32 v3, $0x1  }
0x49: {  	v3 =	vand.u32 $0x7, v3;
	v4 =	vand.u32 $0xFFFFFFF0, v52  }
0x4a: {  	v3 =	vor.u32 v3, v4  }
0x4b: {  	v4 =	vperm.xlane v3, v0;
	_ =	sdelay $0x1  }
0x4c: {  	v3 =	vperm.xlane v3, v2;
	v4 =	vadd.s32 v1, v4;
	_ =	sdelay $0x1  }
0x4d: {  	v3 =	vadd.s32 v1, v3;
	_ =	sdelay $0x2  }
0x4e: {  	[tilespmem:s19], [sflag:$0x1] =	stream.indirect_vreg.gather [hbm4b:s1+s3], $0x80, v4, vm0, $0xb8;
	[tilespmem:$0x10800] =	vst v63  }
0x4f: {  	_ = 	snop  }
0x50: {  	[tilespmem:s20], [sflag:$0x1] =	stream.indirect_vreg.gather [hbm4b:s1+s3], $0x80, v3, vm0, $0xb8;
	[tilespmem:$0x10800] =	vst v63  }
0x51: {  	v3 =	vld [tilespmem:$0x50];
	_ =	sdelay $0x4  }
0x52: {  	v53 =	vshll.u32 v3, $0x1  }
0x53: {  	v3 =	vand.u32 $0x7, v3;
	v4 =	vand.u32 $0xFFFFFFF0, v53  }
0x54: {  	v3 =	vor.u32 v3, v4  }
0x55: {  	v4 =	vperm.xlane v3, v0;
	_ =	sdelay $0x1  }
0x56: {  	v3 =	vperm.xlane v3, v2;
	v4 =	vadd.s32 v1, v4;
	_ =	sdelay $0x1  }
0x57: {  	v3 =	vadd.s32 v1, v3;
	_ =	sdelay $0x2  }
0x58: {  	[tilespmem:s21], [sflag:$0x1] =	stream.indirect_vreg.gather [hbm4b:s1+s3], $0x80, v4, vm0, $0xb8;
	[tilespmem:$0x10800] =	vst v63  }
0x59: {  	_ = 	snop  }
0x5a: {  	[tilespmem:s22], [sflag:$0x1] =	stream.indirect_vreg.gather [hbm4b:s1+s3], $0x80, v3, vm0, $0xb8;
	[tilespmem:$0x10800] =	vst v63  }
0x5b: {  	v3 =	vld [tilespmem:$0x60];
	_ =	sdelay $0x4  }
0x5c: {  	v54 =	vshll.u32 v3, $0x1  }
0x5d: {  	v3 =	vand.u32 $0x7, v3;
	v4 =	vand.u32 $0xFFFFFFF0, v54  }
0x5e: {  	v3 =	vor.u32 v3, v4  }
0x5f: {  	v4 =	vperm.xlane v3, v0;
	_ =	sdelay $0x1  }
0x60: {  	v3 =	vperm.xlane v3, v2;
	v4 =	vadd.s32 v1, v4;
	_ =	sdelay $0x1  }
0x61: {  	v3 =	vadd.s32 v1, v3;
	_ =	sdelay $0x2  }
0x62: {  	[tilespmem:s23], [sflag:$0x1] =	stream.indirect_vreg.gather [hbm4b:s1+s3], $0x80, v4, vm0, $0xb8;
	[tilespmem:$0x10800] =	vst v63  }
0x63: {  	_ = 	snop  }
0x64: {  	[tilespmem:s24], [sflag:$0x1] =	stream.indirect_vreg.gather [hbm4b:s1+s3], $0x80, v3, vm0, $0xb8;
	[tilespmem:$0x10800] =	vst v63  }
0x65: {  	v3 =	vld [tilespmem:$0x70];
	_ =	sdelay $0x4  }
0x66: {  	v55 =	vshll.u32 v3, $0x1  }
0x67: {  	v3 =	vand.u32 $0x7, v3;
	v4 =	vand.u32 $0xFFFFFFF0, v55  }
0x68: {  	v3 =	vor.u32 v3, v4  }
0x69: {  	v4 =	vperm.xlane v3, v0;
	_ =	sdelay $0x1  }
0x6a: {  	v3 =	vperm.xlane v3, v2;
	v4 =	vadd.s32 v1, v4;
	_ =	sdelay $0x1  }
0x6b: {  	v3 =	vadd.s32 v1, v3;
	_ =	sdelay $0x2  }
0x6c: {  	[tilespmem:s25], [sflag:$0x1] =	stream.indirect_vreg.gather [hbm4b:s1+s3], $0x80, v4, vm0, $0xb8;
	[tilespmem:$0x10800] =	vst v63  }
0x6d: {  	_ = 	snop  }
0x6e: {  	[tilespmem:s26], [sflag:$0x1] =	stream.indirect_vreg.gather [hbm4b:s1+s3], $0x80, v3, vm0, $0xb8;
	[tilespmem:$0x10800] =	vst v63  }
0x6f: {  	v3 =	vld [tilespmem:$0x400];
	_ =	sdelay $0x4  }
0x70: {  	v56 =	vshll.u32 v3, $0x1  }
0x71: {  	v3 =	vand.u32 $0x7, v3;
	v4 =	vand.u32 $0xFFFFFFF0, v56  }
0x72: {  	v3 =	vor.u32 v3, v4  }
0x73: {  	v4 =	vperm.xlane v3, v0;
	_ =	sdelay $0x1  }
0x74: {  	v3 =	vperm.xlane v3, v2;
	v4 =	vadd.s32 v1, v4;
	_ =	sdelay $0x1  }
0x75: {  	v3 =	vadd.s32 v1, v3;
	_ =	sdelay $0x2  }
0x76: {  	[tilespmem:s28], [sflag:$0x2] =	stream.indirect_vreg.gather [hbm4b:s1+s3], $0x80, v4, vm0, $0xb8;
	[tilespmem:$0x10800] =	vst v63  }
0x77: {  	s6 =	simm.s32 $0x9000  }
0x78: {  	[tilespmem:s6], [sflag:$0x2] =	stream.indirect_vreg.gather [hbm4b:s1+s3], $0x80, v3, vm0, $0xb8;
	[tilespmem:$0x10800] =	vst v63  }
0x79: {  	v3 =	vld [tilespmem:$0x410];
	_ =	sdelay $0x4  }
0x7a: {  	v57 =	vshll.u32 v3, $0x1  }
0x7b: {  	v3 =	vand.u32 $0x7, v3;
	v4 =	vand.u32 $0xFFFFFFF0, v57  }
0x7c: {  	v3 =	vor.u32 v3, v4  }
0x7d: {  	v4 =	vperm.xlane v3, v0;
	_ =	sdelay $0x1  }
0x7e: {  	v3 =	vperm.xlane v3, v2;
	v4 =	vadd.s32 v1, v4;
	_ =	sdelay $0x1  }
0x7f: {  	v3 =	vadd.s32 v1, v3;
	_ =	sdelay $0x1  }
0x80: {  	s7 =	simm.s32 $0x9800  }
0x81: {  	[tilespmem:s7], [sflag:$0x2] =	stream.indirect_vreg.gather [hbm4b:s1+s3], $0x80, v4, vm0, $0xb8;
	[tilespmem:$0x10800] =	vst v63  }
0x82: {  	s8 =	simm.s32 $0xA000  }
0x83: {  	[tilespmem:s8], [sflag:$0x2] =	stream.indirect_vreg.gather [hbm4b:s1+s3], $0x80, v3, vm0, $0xb8;
	[tilespmem:$0x10800] =	vst v63  }
0x84: {  	v3 =	vld [tilespmem:$0x420];
	_ =	sdelay $0x4  }
0x85: {  	v58 =	vshll.u32 v3, $0x1  }
0x86: {  	v3 =	vand.u32 $0x7, v3;
	v4 =	vand.u32 $0xFFFFFFF0, v58  }
0x87: {  	v3 =	vor.u32 v3, v4  }
0x88: {  	v4 =	vperm.xlane v3, v0;
	_ =	sdelay $0x1  }
0x89: {  	v3 =	vperm.xlane v3, v2;
	v4 =	vadd.s32 v1, v4;
	_ =	sdelay $0x1  }
0x8a: {  	v3 =	vadd.s32 v1, v3;
	_ =	sdelay $0x1  }
0x8b: {  	s5 =	simm.s32 $0xA800  }
0x8c: {  	[tilespmem:s5], [sflag:$0x2] =	stream.indirect_vreg.gather [hbm4b:s1+s3], $0x80, v4, vm0, $0xb8;
	[tilespmem:$0x10800] =	vst v63  }
0x8d: {  	s6 =	simm.s32 $0xB000  }
0x8e: {  	[tilespmem:s6], [sflag:$0x2] =	stream.indirect_vreg.gather [hbm4b:s1+s3], $0x80, v3, vm0, $0xb8;
	[tilespmem:$0x10800] =	vst v63  }
0x8f: {  	v3 =	vld [tilespmem:$0x430];
	_ =	sdelay $0x4  }
0x90: {  	v59 =	vshll.u32 v3, $0x1  }
0x91: {  	v3 =	vand.u32 $0x7, v3;
	v4 =	vand.u32 $0xFFFFFFF0, v59  }
0x92: {  	v3 =	vor.u32 v3, v4  }
0x93: {  	v4 =	vperm.xlane v3, v0;
	_ =	sdelay $0x1  }
0x94: {  	v3 =	vperm.xlane v3, v2;
	v4 =	vadd.s32 v1, v4;
	_ =	sdelay $0x1  }
0x95: {  	v3 =	vadd.s32 v1, v3;
	_ =	sdelay $0x1  }
0x96: {  	s7 =	simm.s32 $0xB800  }
0x97: {  	[tilespmem:s7], [sflag:$0x2] =	stream.indirect_vreg.gather [hbm4b:s1+s3], $0x80, v4, vm0, $0xb8;
	[tilespmem:$0x10800] =	vst v63  }
0x98: {  	s8 =	simm.s32 $0xC000  }
0x99: {  	[tilespmem:s8], [sflag:$0x2] =	stream.indirect_vreg.gather [hbm4b:s1+s3], $0x80, v3, vm0, $0xb8;
	[tilespmem:$0x10800] =	vst v63  }
0x9a: {  	v3 =	vld [tilespmem:$0x440];
	_ =	sdelay $0x4  }
0x9b: {  	v60 =	vshll.u32 v3, $0x1  }
0x9c: {  	v3 =	vand.u32 $0x7, v3;
	v4 =	vand.u32 $0xFFFFFFF0, v60  }
0x9d: {  	v3 =	vor.u32 v3, v4  }
0x9e: {  	v4 =	vperm.xlane v3, v0;
	_ =	sdelay $0x1  }
0x9f: {  	v3 =	vperm.xlane v3, v2;
	v4 =	vadd.s32 v1, v4;
	_ =	sdelay $0x1  }
0xa0: {  	v3 =	vadd.s32 v1, v3;
	_ =	sdelay $0x1  }
0xa1: {  	s5 =	simm.s32 $0xC800  }
0xa2: {  	[tilespmem:s5], [sflag:$0x2] =	stream.indirect_vreg.gather [hbm4b:s1+s3], $0x80, v4, vm0, $0xb8;
	[tilespmem:$0x10800] =	vst v63  }
0xa3: {  	s6 =	simm.s32 $0xD000  }
0xa4: {  	[tilespmem:s6], [sflag:$0x2] =	stream.indirect_vreg.gather [hbm4b:s1+s3], $0x80, v3, vm0, $0xb8;
	[tilespmem:$0x10800] =	vst v63  }
0xa5: {  	v3 =	vld [tilespmem:$0x450];
	_ =	sdelay $0x4  }
0xa6: {  	v61 =	vshll.u32 v3, $0x1  }
0xa7: {  	v3 =	vand.u32 $0x7, v3;
	v4 =	vand.u32 $0xFFFFFFF0, v61  }
0xa8: {  	v3 =	vor.u32 v3, v4  }
0xa9: {  	v4 =	vperm.xlane v3, v0;
	_ =	sdelay $0x1  }
0xaa: {  	v3 =	vperm.xlane v3, v2;
	v4 =	vadd.s32 v1, v4;
	_ =	sdelay $0x1  }
0xab: {  	v3 =	vadd.s32 v1, v3;
	_ =	sdelay $0x1  }
0xac: {  	s7 =	simm.s32 $0xD800  }
0xad: {  	[tilespmem:s7], [sflag:$0x2] =	stream.indirect_vreg.gather [hbm4b:s1+s3], $0x80, v4, vm0, $0xb8;
	[tilespmem:$0x10800] =	vst v63  }
0xae: {  	s8 =	simm.s32 $0xE000  }
0xaf: {  	[tilespmem:s8], [sflag:$0x2] =	stream.indirect_vreg.gather [hbm4b:s1+s3], $0x80, v3, vm0, $0xb8;
	[tilespmem:$0x10800] =	vst v63  }
0xb0: {  	v3 =	vld [tilespmem:$0x460];
	_ =	sdelay $0x4  }
0xb1: {  	v62 =	vshll.u32 v3, $0x1  }
0xb2: {  	v3 =	vand.u32 $0x7, v3;
	v4 =	vand.u32 $0xFFFFFFF0, v62  }
0xb3: {  	v3 =	vor.u32 v3, v4  }
0xb4: {  	v4 =	vperm.xlane v3, v0;
	_ =	sdelay $0x1  }
0xb5: {  	v3 =	vperm.xlane v3, v2;
	v4 =	vadd.s32 v1, v4;
	_ =	sdelay $0x1  }
0xb6: {  	v3 =	vadd.s32 v1, v3;
	_ =	sdelay $0x1  }
0xb7: {  	s5 =	simm.s32 $0xE800  }
0xb8: {  	[tilespmem:s5], [sflag:$0x2] =	stream.indirect_vreg.gather [hbm4b:s1+s3], $0x80, v4, vm0, $0xb8;
	[tilespmem:$0x10800] =	vst v63  }
0xb9: {  	s6 =	simm.s32 $0xF000  }
0xba: {  	[tilespmem:s6], [sflag:$0x2] =	stream.indirect_vreg.gather [hbm4b:s1+s3], $0x80, v3, vm0, $0xb8;
	[tilespmem:$0x10800] =	vst v63  }
0xbb: {  	v3 =	vld [tilespmem:$0x470];
	_ =	sdelay $0x4  }
0xbc: {  	v63 =	vshll.u32 v3, $0x1  }
0xbd: {  	v3 =	vand.u32 $0x7, v3;
	v4 =	vand.u32 $0xFFFFFFF0, v63  }
0xbe: {  	v3 =	vor.u32 v3, v4  }
0xbf: {  	v4 =	vperm.xlane v3, v0;
	_ =	sdelay $0x1  }
0xc0: {  	v3 =	vperm.xlane v3, v2;
	v4 =	vadd.s32 v1, v4;
	_ =	sdelay $0x1  }
0xc1: {  	v3 =	vadd.s32 v1, v3;
	_ =	sdelay $0x1  }
.Ltmp2:
0xc2: {  	s7 =	simm.s32 $0xF800;
	(pc) =	sbr.rel .LBB2_2-.Ltmp2, $4  }
0xc3: {  	[tilespmem:s7], [sflag:$0x2] =	stream.indirect_vreg.gather [hbm4b:s1+s3], $0x80, v4, vm0, $0xb8;
	[tilespmem:$0x10800] =	vst v63  }
0xc4: {  	s8 =	simm.s32 $0x10000  }
0xc5: {  	[tilespmem:s8], [sflag:$0x2] =	stream.indirect_vreg.gather [hbm4b:s1+s3], $0x80, v3, vm0, $0xb8;
	[tilespmem:$0x10800] =	vst v63  }
0xc6: {  	s31 =	simm.s32 $0x0;
	s7 =	smov.u32 s30;
	s8 =	smov.u32 s29  }
.LBB2_4:
0xc7: {  	_ =	swait.ge [sflag:s2], $0x8000  }
0xc8: {  	[sflag:s2] =	ssyncset.done $0x0  }
0xc9: {  	[sflag:s2] =	ssyncadd.s32 $0xFFFF8000  }
0xca: {  	[hbm4b:s8+s3] =	stream.linear.scatter [tilespmem:s28], [sflag:$0x3], $0x8000, $0x38;
	[tilespmem:$0x10800] =	vst v63  }
0xcb: {  	_ =	swait.ge [sflag:s9], $0x8000  }
0xcc: {  	[sflag:s9] =	ssyncset.done $0x0  }
0xcd: {  	s4 =	sshra.s32 @!p0 s31, $0x2;
	[sflag:s9] =	ssyncadd.s32 $0xFFFF8000  }
0xce: {  	v3 =	vld @!p0 [tilespmem:s4+$0x480];
	_ =	sdelay $0x4  }
0xcf: {  	v4 =	vshll.u32 @!p0 v3, $0x1  }
0xd0: {  	v5 =	vlaneseq.u32 @!p0;
	v3 =	vand.u32 @!p0 $0x7, v3;
	v4 =	vand.u32 @!p0 $0xFFFFFFF0, v4  }
0xd1: {  	v6 =	vshrl.u32 @!p0 v5, $0x3;
	v3 =	vor.u32 @!p0 v3, v4;
	v4 =	vand.u32 @!p0 $0x7, v5  }
0xd2: {  	v6 =	vmul.u32 @!p0 $0x8, v6;
	v7 =	vperm.xlane @!p0 v3, v4  }
0xd3: {  	v5 =	vor.u32 @!p0 $0x8, v5  }
0xd4: {  	v3 =	vperm.xlane @!p0 v3, v5;
	v7 =	vadd.s32 @!p0 v6, v7;
	_ =	sdelay $0x1  }
0xd5: {  	v3 =	vadd.s32 @!p0 v6, v3;
	_ =	sdelay $0x1  }
0xd6: {  	vm1 =	vmmov @!p0 $0xffff;
	s5 =	simm.s32 @!p0 $0x0;
	s6 =	simm.s32 @!p0 $0x8800  }
0xd7: {  	[tilespmem:s6], [sflag:$0x2] =	stream.indirect_vreg.gather @!p0 [hbm4b:s1+s5], $0x80, v7, vm1, $0xb8;
	[tilespmem:$0x10800] =	vst v63  }
0xd8: {  	s6 =	simm.s32 @!p0 $0x9000  }
0xd9: {  	[tilespmem:s6], [sflag:$0x2] =	stream.indirect_vreg.gather @!p0 [hbm4b:s1+s5], $0x80, v3, vm1, $0xb8;
	[tilespmem:$0x10800] =	vst v63  }
0xda: {  	v3 =	vld @!p0 [tilespmem:s4+$0x490];
	_ =	sdelay $0x4  }
0xdb: {  	v7 =	vshll.u32 @!p0 v3, $0x1  }
0xdc: {  	v3 =	vand.u32 @!p0 $0x7, v3;
	v7 =	vand.u32 @!p0 $0xFFFFFFF0, v7  }
0xdd: {  	v3 =	vor.u32 @!p0 v3, v7  }
0xde: {  	v7 =	vperm.xlane @!p0 v3, v4;
	_ =	sdelay $0x1  }
0xdf: {  	v3 =	vperm.xlane @!p0 v3, v5;
	v7 =	vadd.s32 @!p0 v6, v7;
	_ =	sdelay $0x1  }
0xe0: {  	v3 =	vadd.s32 @!p0 v6, v3;
	_ =	sdelay $0x1  }
0xe1: {  	s6 =	simm.s32 @!p0 $0x9800  }
0xe2: {  	[tilespmem:s6], [sflag:$0x2] =	stream.indirect_vreg.gather @!p0 [hbm4b:s1+s5], $0x80, v7, vm1, $0xb8;
	[tilespmem:$0x10800] =	vst v63  }
0xe3: {  	s6 =	simm.s32 @!p0 $0xA000  }
0xe4: {  	[tilespmem:s6], [sflag:$0x2] =	stream.indirect_vreg.gather @!p0 [hbm4b:s1+s5], $0x80, v3, vm1, $0xb8;
	[tilespmem:$0x10800] =	vst v63  }
0xe5: {  	v3 =	vld @!p0 [tilespmem:s4+$0x4A0];
	_ =	sdelay $0x4  }
0xe6: {  	v7 =	vshll.u32 @!p0 v3, $0x1  }
0xe7: {  	v3 =	vand.u32 @!p0 $0x7, v3;
	v7 =	vand.u32 @!p0 $0xFFFFFFF0, v7  }
0xe8: {  	v3 =	vor.u32 @!p0 v3, v7  }
0xe9: {  	v7 =	vperm.xlane @!p0 v3, v4;
	_ =	sdelay $0x1  }
0xea: {  	v3 =	vperm.xlane @!p0 v3, v5;
	v7 =	vadd.s32 @!p0 v6, v7;
	_ =	sdelay $0x1  }
0xeb: {  	v3 =	vadd.s32 @!p0 v6, v3;
	_ =	sdelay $0x1  }
0xec: {  	s6 =	simm.s32 @!p0 $0xA800  }
0xed: {  	[tilespmem:s6], [sflag:$0x2] =	stream.indirect_vreg.gather @!p0 [hbm4b:s1+s5], $0x80, v7, vm1, $0xb8;
	[tilespmem:$0x10800] =	vst v63  }
0xee: {  	s6 =	simm.s32 @!p0 $0xB000  }
0xef: {  	[tilespmem:s6], [sflag:$0x2] =	stream.indirect_vreg.gather @!p0 [hbm4b:s1+s5], $0x80, v3, vm1, $0xb8;
	[tilespmem:$0x10800] =	vst v63  }
0xf0: {  	v3 =	vld @!p0 [tilespmem:s4+$0x4B0];
	_ =	sdelay $0x4  }
0xf1: {  	v7 =	vshll.u32 @!p0 v3, $0x1  }
0xf2: {  	v3 =	vand.u32 @!p0 $0x7, v3;
	v7 =	vand.u32 @!p0 $0xFFFFFFF0, v7  }
0xf3: {  	v3 =	vor.u32 @!p0 v3, v7  }
0xf4: {  	v7 =	vperm.xlane @!p0 v3, v4;
	_ =	sdelay $0x1  }
0xf5: {  	v3 =	vperm.xlane @!p0 v3, v5;
	v7 =	vadd.s32 @!p0 v6, v7;
	_ =	sdelay $0x1  }
0xf6: {  	v3 =	vadd.s32 @!p0 v6, v3;
	_ =	sdelay $0x1  }
0xf7: {  	s6 =	simm.s32 @!p0 $0xB800  }
0xf8: {  	[tilespmem:s6], [sflag:$0x2] =	stream.indirect_vreg.gather @!p0 [hbm4b:s1+s5], $0x80, v7, vm1, $0xb8;
	[tilespmem:$0x10800] =	vst v63  }
0xf9: {  	s6 =	simm.s32 @!p0 $0xC000  }
0xfa: {  	[tilespmem:s6], [sflag:$0x2] =	stream.indirect_vreg.gather @!p0 [hbm4b:s1+s5], $0x80, v3, vm1, $0xb8;
	[tilespmem:$0x10800] =	vst v63  }
0xfb: {  	v3 =	vld @!p0 [tilespmem:s4+$0x4C0];
	_ =	sdelay $0x4  }
0xfc: {  	v7 =	vshll.u32 @!p0 v3, $0x1  }
0xfd: {  	v3 =	vand.u32 @!p0 $0x7, v3;
	v7 =	vand.u32 @!p0 $0xFFFFFFF0, v7  }
0xfe: {  	v3 =	vor.u32 @!p0 v3, v7  }
0xff: {  	v7 =	vperm.xlane @!p0 v3, v4;
	_ =	sdelay $0x1  }
0x100: {  	v3 =	vperm.xlane @!p0 v3, v5;
	v7 =	vadd.s32 @!p0 v6, v7;
	_ =	sdelay $0x1  }
0x101: {  	v3 =	vadd.s32 @!p0 v6, v3;
	_ =	sdelay $0x1  }
0x102: {  	s6 =	simm.s32 @!p0 $0xC800  }
0x103: {  	[tilespmem:s6], [sflag:$0x2] =	stream.indirect_vreg.gather @!p0 [hbm4b:s1+s5], $0x80, v7, vm1, $0xb8;
	[tilespmem:$0x10800] =	vst v63  }
0x104: {  	s6 =	simm.s32 @!p0 $0xD000  }
0x105: {  	[tilespmem:s6], [sflag:$0x2] =	stream.indirect_vreg.gather @!p0 [hbm4b:s1+s5], $0x80, v3, vm1, $0xb8;
	[tilespmem:$0x10800] =	vst v63  }
0x106: {  	v3 =	vld @!p0 [tilespmem:s4+$0x4D0];
	_ =	sdelay $0x4  }
0x107: {  	v7 =	vshll.u32 @!p0 v3, $0x1  }
0x108: {  	v3 =	vand.u32 @!p0 $0x7, v3;
	v7 =	vand.u32 @!p0 $0xFFFFFFF0, v7  }
0x109: {  	v3 =	vor.u32 @!p0 v3, v7  }
0x10a: {  	v7 =	vperm.xlane @!p0 v3, v4;
	_ =	sdelay $0x1  }
0x10b: {  	v3 =	vperm.xlane @!p0 v3, v5;
	v7 =	vadd.s32 @!p0 v6, v7;
	_ =	sdelay $0x1  }
0x10c: {  	v3 =	vadd.s32 @!p0 v6, v3;
	_ =	sdelay $0x1  }
0x10d: {  	s6 =	simm.s32 @!p0 $0xD800  }
0x10e: {  	[tilespmem:s6], [sflag:$0x2] =	stream.indirect_vreg.gather @!p0 [hbm4b:s1+s5], $0x80, v7, vm1, $0xb8;
	[tilespmem:$0x10800] =	vst v63  }
0x10f: {  	s6 =	simm.s32 @!p0 $0xE000  }
0x110: {  	[tilespmem:s6], [sflag:$0x2] =	stream.indirect_vreg.gather @!p0 [hbm4b:s1+s5], $0x80, v3, vm1, $0xb8;
	[tilespmem:$0x10800] =	vst v63  }
0x111: {  	v3 =	vld @!p0 [tilespmem:s4+$0x4E0];
	_ =	sdelay $0x4  }
0x112: {  	v7 =	vshll.u32 @!p0 v3, $0x1  }
0x113: {  	v3 =	vand.u32 @!p0 $0x7, v3;
	v7 =	vand.u32 @!p0 $0xFFFFFFF0, v7  }
0x114: {  	v3 =	vor.u32 @!p0 v3, v7  }
0x115: {  	v7 =	vperm.xlane @!p0 v3, v4;
	_ =	sdelay $0x1  }
0x116: {  	v3 =	vperm.xlane @!p0 v3, v5;
	v7 =	vadd.s32 @!p0 v6, v7;
	_ =	sdelay $0x1  }
0x117: {  	v3 =	vadd.s32 @!p0 v6, v3;
	_ =	sdelay $0x1  }
0x118: {  	s6 =	simm.s32 @!p0 $0xE800  }
0x119: {  	[tilespmem:s6], [sflag:$0x2] =	stream.indirect_vreg.gather @!p0 [hbm4b:s1+s5], $0x80, v7, vm1, $0xb8;
	[tilespmem:$0x10800] =	vst v63  }
0x11a: {  	s6 =	simm.s32 @!p0 $0xF000  }
0x11b: {  	[tilespmem:s6], [sflag:$0x2] =	stream.indirect_vreg.gather @!p0 [hbm4b:s1+s5], $0x80, v3, vm1, $0xb8;
	[tilespmem:$0x10800] =	vst v63  }
0x11c: {  	v3 =	vld @!p0 [tilespmem:s4+$0x4F0];
	_ =	sdelay $0x4  }
0x11d: {  	v7 =	vshll.u32 @!p0 v3, $0x1  }
0x11e: {  	v3 =	vand.u32 @!p0 $0x7, v3;
	v7 =	vand.u32 @!p0 $0xFFFFFFF0, v7  }
0x11f: {  	v3 =	vor.u32 @!p0 v3, v7  }
0x120: {  	v4 =	vperm.xlane @!p0 v3, v4;
	_ =	sdelay $0x1  }
0x121: {  	s31 =	sadd.s32 @!p0 $0x200, s31;
	v3 =	vperm.xlane @!p0 v3, v5;
	v4 =	vadd.s32 @!p0 v6, v4  }
0x122: {  	p1 =	sne.s32 @!p0 s31, $0x1000  }
0x123: {  	p1 =	por p0, !p1;
	v3 =	vadd.s32 @!p0 v6, v3  }
.Ltmp3:
0x124: {  	_ = 	snop;
	(pc) =	sbr.rel @p1 .LBB2_5-.Ltmp3, $4  }
0x125: {  	s4 =	simm.s32 @!p0 $0xF800  }
0x126: {  	[tilespmem:s4], [sflag:$0x2] =	stream.indirect_vreg.gather @!p0 [hbm4b:s1+s5], $0x80, v4, vm1, $0xb8;
	[tilespmem:$0x10800] =	vst v63  }
0x127: {  	s7 =	sadd.s32 @!p0 $0x1000, s7;
	s8 =	sadd.s32 @!p0 $0x1000, s8;
	s4 =	simm.s32 @!p0 $0x10000  }
0x128: {  	[tilespmem:s4], [sflag:$0x2] =	stream.indirect_vreg.gather @!p0 [hbm4b:s1+s5], $0x80, v3, vm1, $0xb8;
	[tilespmem:$0x10800] =	vst v63  }
.LBB2_2:
0x129: {  	_ =	swait.ge [sflag:s0], $0x8000  }
0x12a: {  	p0 =	seq.s32 s31, $0xE00;
	[sflag:s0] =	ssyncset.done $0x0  }
.Ltmp4:
0x12b: {  	[sflag:s0] =	ssyncadd.s32 $0xFFFF8000;
	(pc) =	sbr.rel @p0 .LBB2_4-.Ltmp4, $4  }
0x12c: {  	[hbm4b:s7+s3] =	stream.linear.scatter [tilespmem:s11], [sflag:$0x3], $0x8000, $0x38;
	[tilespmem:$0x10800] =	vst v63  }
0x12d: {  	_ =	swait.ge [sflag:s9], $0x8000  }
0x12e: {  	[sflag:s9] =	ssyncset.done $0x0  }
0x12f: {  	[sflag:s9] =	ssyncadd.s32 $0xFFFF8000  }
0x130: {  	s4 =	sshra.s32 s31, $0x2  }
0x131: {  	v3 =	vld [tilespmem:s4+$0x80];
	_ =	sdelay $0x4  }
0x132: {  	v4 =	vshll.u32 v3, $0x1  }
0x133: {  	v3 =	vand.u32 $0x7, v3;
	v4 =	vand.u32 $0xFFFFFFF0, v4  }
0x134: {  	v3 =	vor.u32 v3, v4  }
0x135: {  	v4 =	vperm.xlane v3, v0;
	_ =	sdelay $0x1  }
0x136: {  	v3 =	vperm.xlane v3, v2;
	v4 =	vadd.s32 v1, v4;
	_ =	sdelay $0x1  }
0x137: {  	v3 =	vadd.s32 v1, v3;
	_ =	sdelay $0x2  }
0x138: {  	[tilespmem:s11], [sflag:$0x1] =	stream.indirect_vreg.gather [hbm4b:s1+s3], $0x80, v4, vm0, $0xb8;
	[tilespmem:$0x10800] =	vst v63  }
0x139: {  	_ = 	snop  }
0x13a: {  	[tilespmem:s12], [sflag:$0x1] =	stream.indirect_vreg.gather [hbm4b:s1+s3], $0x80, v3, vm0, $0xb8;
	[tilespmem:$0x10800] =	vst v63  }
0x13b: {  	v3 =	vld [tilespmem:s4+$0x90];
	_ =	sdelay $0x4  }
0x13c: {  	v57 =	vshll.u32 v3, $0x1  }
0x13d: {  	v3 =	vand.u32 $0x7, v3;
	v4 =	vand.u32 $0xFFFFFFF0, v57  }
0x13e: {  	v3 =	vor.u32 v3, v4  }
0x13f: {  	v4 =	vperm.xlane v3, v0;
	_ =	sdelay $0x1  }
0x140: {  	v3 =	vperm.xlane v3, v2;
	v4 =	vadd.s32 v1, v4;
	_ =	sdelay $0x1  }
0x141: {  	v3 =	vadd.s32 v1, v3;
	_ =	sdelay $0x2  }
0x142: {  	[tilespmem:s13], [sflag:$0x1] =	stream.indirect_vreg.gather [hbm4b:s1+s3], $0x80, v4, vm0, $0xb8;
	[tilespmem:$0x10800] =	vst v63  }
0x143: {  	_ = 	snop  }
0x144: {  	[tilespmem:s14], [sflag:$0x1] =	stream.indirect_vreg.gather [hbm4b:s1+s3], $0x80, v3, vm0, $0xb8;
	[tilespmem:$0x10800] =	vst v63  }
0x145: {  	v3 =	vld [tilespmem:s4+$0xA0];
	_ =	sdelay $0x4  }
0x146: {  	v58 =	vshll.u32 v3, $0x1  }
0x147: {  	v3 =	vand.u32 $0x7, v3;
	v4 =	vand.u32 $0xFFFFFFF0, v58  }
0x148: {  	v3 =	vor.u32 v3, v4  }
0x149: {  	v4 =	vperm.xlane v3, v0;
	_ =	sdelay $0x1  }
0x14a: {  	v3 =	vperm.xlane v3, v2;
	v4 =	vadd.s32 v1, v4;
	_ =	sdelay $0x1  }
0x14b: {  	v3 =	vadd.s32 v1, v3;
	_ =	sdelay $0x2  }
0x14c: {  	[tilespmem:s15], [sflag:$0x1] =	stream.indirect_vreg.gather [hbm4b:s1+s3], $0x80, v4, vm0, $0xb8;
	[tilespmem:$0x10800] =	vst v63  }
0x14d: {  	_ = 	snop  }
0x14e: {  	[tilespmem:s16], [sflag:$0x1] =	stream.indirect_vreg.gather [hbm4b:s1+s3], $0x80, v3, vm0, $0xb8;
	[tilespmem:$0x10800] =	vst v63  }
0x14f: {  	v3 =	vld [tilespmem:s4+$0xB0];
	_ =	sdelay $0x4  }
0x150: {  	v59 =	vshll.u32 v3, $0x1  }
0x151: {  	v3 =	vand.u32 $0x7, v3;
	v4 =	vand.u32 $0xFFFFFFF0, v59  }
0x152: {  	v3 =	vor.u32 v3, v4  }
0x153: {  	v4 =	vperm.xlane v3, v0;
	_ =	sdelay $0x1  }
0x154: {  	v3 =	vperm.xlane v3, v2;
	v4 =	vadd.s32 v1, v4;
	_ =	sdelay $0x1  }
0x155: {  	v3 =	vadd.s32 v1, v3;
	_ =	sdelay $0x2  }
0x156: {  	[tilespmem:s17], [sflag:$0x1] =	stream.indirect_vreg.gather [hbm4b:s1+s3], $0x80, v4, vm0, $0xb8;
	[tilespmem:$0x10800] =	vst v63  }
0x157: {  	_ = 	snop  }
0x158: {  	[tilespmem:s18], [sflag:$0x1] =	stream.indirect_vreg.gather [hbm4b:s1+s3], $0x80, v3, vm0, $0xb8;
	[tilespmem:$0x10800] =	vst v63  }
0x159: {  	v3 =	vld [tilespmem:s4+$0xC0];
	_ =	sdelay $0x4  }
0x15a: {  	v60 =	vshll.u32 v3, $0x1  }
0x15b: {  	v3 =	vand.u32 $0x7, v3;
	v4 =	vand.u32 $0xFFFFFFF0, v60  }
0x15c: {  	v3 =	vor.u32 v3, v4  }
0x15d: {  	v4 =	vperm.xlane v3, v0;
	_ =	sdelay $0x1  }
0x15e: {  	v3 =	vperm.xlane v3, v2;
	v4 =	vadd.s32 v1, v4;
	_ =	sdelay $0x1  }
0x15f: {  	v3 =	vadd.s32 v1, v3;
	_ =	sdelay $0x2  }
0x160: {  	[tilespmem:s19], [sflag:$0x1] =	stream.indirect_vreg.gather [hbm4b:s1+s3], $0x80, v4, vm0, $0xb8;
	[tilespmem:$0x10800] =	vst v63  }
0x161: {  	_ = 	snop  }
0x162: {  	[tilespmem:s20], [sflag:$0x1] =	stream.indirect_vreg.gather [hbm4b:s1+s3], $0x80, v3, vm0, $0xb8;
	[tilespmem:$0x10800] =	vst v63  }
0x163: {  	v3 =	vld [tilespmem:s4+$0xD0];
	_ =	sdelay $0x4  }
0x164: {  	v61 =	vshll.u32 v3, $0x1  }
0x165: {  	v3 =	vand.u32 $0x7, v3;
	v4 =	vand.u32 $0xFFFFFFF0, v61  }
0x166: {  	v3 =	vor.u32 v3, v4  }
0x167: {  	v4 =	vperm.xlane v3, v0;
	_ =	sdelay $0x1  }
0x168: {  	v3 =	vperm.xlane v3, v2;
	v4 =	vadd.s32 v1, v4;
	_ =	sdelay $0x1  }
0x169: {  	v3 =	vadd.s32 v1, v3;
	_ =	sdelay $0x2  }
0x16a: {  	[tilespmem:s21], [sflag:$0x1] =	stream.indirect_vreg.gather [hbm4b:s1+s3], $0x80, v4, vm0, $0xb8;
	[tilespmem:$0x10800] =	vst v63  }
0x16b: {  	_ = 	snop  }
0x16c: {  	[tilespmem:s22], [sflag:$0x1] =	stream.indirect_vreg.gather [hbm4b:s1+s3], $0x80, v3, vm0, $0xb8;
	[tilespmem:$0x10800] =	vst v63  }
0x16d: {  	v3 =	vld [tilespmem:s4+$0xE0];
	_ =	sdelay $0x4  }
0x16e: {  	v62 =	vshll.u32 v3, $0x1  }
0x16f: {  	v3 =	vand.u32 $0x7, v3;
	v4 =	vand.u32 $0xFFFFFFF0, v62  }
0x170: {  	v3 =	vor.u32 v3, v4  }
0x171: {  	v4 =	vperm.xlane v3, v0;
	_ =	sdelay $0x1  }
0x172: {  	v3 =	vperm.xlane v3, v2;
	v4 =	vadd.s32 v1, v4;
	_ =	sdelay $0x1  }
0x173: {  	v3 =	vadd.s32 v1, v3;
	_ =	sdelay $0x2  }
0x174: {  	[tilespmem:s23], [sflag:$0x1] =	stream.indirect_vreg.gather [hbm4b:s1+s3], $0x80, v4, vm0, $0xb8;
	[tilespmem:$0x10800] =	vst v63  }
0x175: {  	_ = 	snop  }
0x176: {  	[tilespmem:s24], [sflag:$0x1] =	stream.indirect_vreg.gather [hbm4b:s1+s3], $0x80, v3, vm0, $0xb8;
	[tilespmem:$0x10800] =	vst v63  }
0x177: {  	v3 =	vld [tilespmem:s4+$0xF0];
	_ =	sdelay $0x4  }
0x178: {  	v63 =	vshll.u32 v3, $0x1  }
0x179: {  	v3 =	vand.u32 $0x7, v3;
	v4 =	vand.u32 $0xFFFFFFF0, v63  }
0x17a: {  	v3 =	vor.u32 v3, v4  }
0x17b: {  	v4 =	vperm.xlane v3, v0;
	_ =	sdelay $0x1  }
0x17c: {  	v3 =	vperm.xlane v3, v2;
	v4 =	vadd.s32 v1, v4;
	_ =	sdelay $0x1  }
0x17d: {  	v3 =	vadd.s32 v1, v3  }
.Ltmp5:
0x17e: {  	_ = 	snop;
	(pc) =	sbr.rel .LBB2_4-.Ltmp5, $4  }
0x17f: {  	_ = 	snop  }
0x180: {  	[tilespmem:s25], [sflag:$0x1] =	stream.indirect_vreg.gather [hbm4b:s1+s3], $0x80, v4, vm0, $0xb8;
	[tilespmem:$0x10800] =	vst v63  }
0x181: {  	_ = 	snop  }
0x182: {  	[tilespmem:s26], [sflag:$0x1] =	stream.indirect_vreg.gather [hbm4b:s1+s3], $0x80, v3, vm0, $0xb8;
	[tilespmem:$0x10800] =	vst v63  }
.LBB2_6:
0x183: {  	_ =	sfence.sel $0x180000  }
0x184: {  	[bflag:$0x0] =	sbarrier.arrive $0xFFFF  }
0x185: {  	_ =	strace $0x9000005C  }
0x186: {  	s0 =	stileid.u32;
	[bflag:$0x2] =	sbarrier.arrive $0xFFFF  }
0x187: {  	p0 =	sne.s32 s0, $0x0;
	s0 =	rddreg [dreg:$0x2]  }
0x188: {  	s0 =	sadd.s32 @!p0 $0x100000, s0  }
0x189: {  	[sflag:s0] =	ssyncadd.tile.s32 @!p0 $0x1;
	_ =	shalt  }
.Lfunc_end2:
_tile_overlayer_lowered:
.L_overlay_start_2:
0x18a: {  	(tag) =	ssettag $0x2  }
0x18b: {  	s0 =	rddreg [dreg:$0x0];
	s2 =	stileid.u32  }
0x18c: {  	s1 =	rddreg [dreg:$0x1];
	p0 =	sne.s32 s2, $0x0  }
0x18d: {  	s3 =	rddreg [dreg:$0x2];
	[bflag:$0x3] =	sbarrier.arrive $0xFFFF;
	s2 =	simm.s32 @!p0 $0x1C03  }
0x18e: {  	[timem:s3], [sflag:s2] =	dma.local @!p0 [hbm:s0], s1  }
0x18f: {  	s0 =	simm.s32 @!p0 $0x3  }
0x190: {  	_ =	swait.ge @!p0 [sflag:s0], s1  }
0x191: {  	s1 =	ssub.s32 @!p0 $0x0, s1;
	[sflag:s0] =	ssyncset.done @!p0 $0x0  }
0x192: {  	[sflag:s0] =	ssyncadd.s32 @!p0 s1  }
0x193: {  	[bflag:$0x3] =	sbarrier.arrive $0xFFFF  }
0x194: {  	_ =	shalt  }

// kernel: kernel.33.cloned.1.call-start
scs
__scs_entry_jumppad:
0x0: {  	(pc) =	sbr.rel $0x88, $3  }
0x1: {  	(tag) =	ssettag $0x0;
	lr =	simm.s32 $0x1  }
0x2: {  	[smem:$0x3F8F] =	sst lr;
	_ =	strace $0xD0000000  }
0x3: {  	_ = 	snop  }
0x4: {  	_ = 	snop  }
0x5: {  	_ = 	snop  }
0x6: {  	_ = 	snop  }
0x7: {  	_ = 	snop  }
__scs_overlays_trampoline_lowered:
0x8: {  	[smem:$0x3F9E] =	sst s0  }
0x9: {  	[smem:$0x3F9F] =	sst s1  }
0xa: {  	[smem:$0x3FA0] =	sst s2  }
0xb: {  	[smem:$0x3FA1] =	sst s3  }
0xc: {  	[smem:$0x3FA2] =	sst s4  }
0xd: {  	[smem:$0x3FA3] =	sst s5  }
0xe: {  	[smem:$0x3FA4] =	sst s6  }
0xf: {  	[smem:$0x3FA5] =	sst s7  }
0x10: {  	[smem:$0x3FA6] =	sst s8  }
0x11: {  	[smem:$0x3FA7] =	sst s9;
	s0 =	simm.s32 @!p0 $0x0  }
0x12: {  	s1 =	sld [smem:$0x3F8D];
	s0 =	simm.s32 @p0 $0x1  }
0x13: {  	[smem:$0x3FA8] =	sst s0;
	s0 =	simm.s32 @!p1 $0x0  }
0x14: {  	s2 =	sld [smem:$0x3F8C];
	s0 =	simm.s32 @p1 $0x1  }
0x15: {  	[smem:$0x3FA9] =	sst s0;
	s0 =	simm.s32 @!p2 $0x0  }
0x16: {  	s3 =	sld [smem:$0x3FDB];
	s0 =	simm.s32 @p2 $0x1  }
0x17: {  	s4 =	simm.s32 $0x1BF5;
	[smem:$0x3FAB] =	sst s0  }
0x18: {  	s0 =	sld [smem:$0x3F8E];
	_ =	swait.ge [sflag:s4], $0x0  }
0x19: {  	s7 =	sld [smem:$0x3F8F]  }
0x1a: {  	s8 =	sadd.s32 $0xFFFFE003, lr  }
0x1b: {  	s9 =	sadd.s32 $0xFFFFFEF7, lr;
	s5 =	simm.s32 $0xFFFFFFFF;
	p2 =	slt.u32 s8, $0xFFFFF086  }
0x1c: {  	p1 =	slt.u32 s9, $0xF7A;
	s5 =	simm.s32 @!p2 $0x0  }
0x1d: {  	s5 =	simm.s32 @p1 $0x1;
	p0 =	seq.s32 s7, s2  }
0x1e: {  	s7 =	smul.u32 @!p0 $0xF7A, s2;
	p2 =	seq.s32 @!p0 s5, $0x0  }
0x1f: {  	s9 =	smul.u32 $0xF7A, s1;
	s8 =	simm.s32 @!p0 $0x1BF5;
	p2 =	por !p2, p0  }
0x20: {  	[sflag:s8] =	ssyncset.s32 @!p0 $0xFFFFF086;
	s6 =	sadd.s32 @!p0 s3, s7;
	s7 =	simm.s32 @!p0 $0x108  }
0x21: {  	s3 =	sadd.s32 s3, s9;
	s6 =	sadd.s32 @!p0 $0x88, s6;
	s7 =	simm.s32 @p2 $0x1082  }
0x22: {  	[simem:s7], [sflag:s8] =	dma.local @!p0 [hbm:s6], $0xF7A  }
0x23: {  	s9 =	sor.u32 $0xD0000000, s2;
	s6 =	simm.s32 $0x108;
	_ =	swait.ge @!p0 [sflag:s8], $0x0  }
0x24: {  	s3 =	sadd.s32 $0x88, s3;
	s6 =	simm.s32 @!p1 $0x1082;
	[sflag:s4] =	ssyncset.s32 $0xFFFFF086  }
0x25: {  	[simem:s6], [sflag:s4] =	dma.local [hbm:s3], $0xF7A  }
0x26: {  	[smem:$0x3F8F] =	sst s1;
	(tag) =	ssettag s2;
	_ =	strace s9  }
0x27: {  	s1 =	sld [smem:$0x3F9F]  }
0x28: {  	s2 =	sld [smem:$0x3FA0]  }
0x29: {  	s4 =	sld [smem:$0x3FA2]  }
0x2a: {  	p0 =	seq.s32 s5, $0x0;
	s5 =	sld [smem:$0x3FA3]  }
0x2b: {  	s6 =	sld [smem:$0x3FA4]  }
0x2c: {  	s7 =	sld [smem:$0x3FA5]  }
0x2d: {  	s3 =	simm.s32 $0x108;
	s8 =	sld [smem:$0x3FA6]  }
0x2e: {  	s3 =	simm.s32 @!p0 $0x1082;
	s9 =	sld [smem:$0x3FA7]  }
0x2f: {  	lr =	sadd.s32 s0, s3;
	s0 =	sld [smem:$0x3F9E]  }
0x30: {  	s3 =	sld [smem:$0x3FA1]  }
0x31: {  	[smem:$0x3FAA] =	sst s10  }
0x32: {  	s10 =	sld [smem:$0x3FA8];
	_ =	sdelay $0x3  }
0x33: {  	p0 =	seq.s32 s10, $0x1;
	s10 =	sld [smem:$0x3FAA];
	_ =	sdelay $0x3  }
0x34: {  	[smem:$0x3FAA] =	sst s10  }
0x35: {  	s10 =	sld [smem:$0x3FA9];
	_ =	sdelay $0x3  }
0x36: {  	p1 =	seq.s32 s10, $0x1;
	s10 =	sld [smem:$0x3FAA];
	_ =	sdelay $0x3  }
0x37: {  	[smem:$0x3FAA] =	sst s10  }
0x38: {  	s10 =	sld [smem:$0x3FAB]  }
0x39: {  	_ = 	snop;
	(pc) =	sbr.ind lr, $3  }
0x3a: {  	_ = 	snop  }
0x3b: {  	_ = 	snop  }
0x3c: {  	p2 =	seq.s32 s10, $0x1;
	s10 =	sld [smem:$0x3FAA]  }
0x3d: {  	_ =	shalt  }
0x3e: {  	_ =	shalt  }
0x3f: {  	_ =	shalt  }
0x40: {  	_ =	shalt  }
0x41: {  	_ =	shalt  }
0x42: {  	_ =	shalt  }
0x43: {  	_ =	shalt  }
0x44: {  	_ =	shalt  }
0x45: {  	_ =	shalt  }
0x46: {  	_ =	shalt  }
0x47: {  	_ =	shalt  }
0x48: {  	_ =	shalt  }
0x49: {  	_ =	shalt  }
0x4a: {  	_ =	shalt  }
0x4b: {  	_ =	shalt  }
0x4c: {  	_ =	shalt  }
0x4d: {  	_ =	shalt  }
0x4e: {  	_ =	shalt  }
0x4f: {  	_ =	shalt  }
0x50: {  	_ =	shalt  }
0x51: {  	_ =	shalt  }
0x52: {  	_ =	shalt  }
0x53: {  	_ =	shalt  }
0x54: {  	_ =	shalt  }
0x55: {  	_ =	shalt  }
0x56: {  	_ =	shalt  }
0x57: {  	_ =	shalt  }
0x58: {  	_ =	shalt  }
0x59: {  	_ =	shalt  }
0x5a: {  	_ =	shalt  }
0x5b: {  	_ =	shalt  }
0x5c: {  	_ =	shalt  }
0x5d: {  	_ =	shalt  }
0x5e: {  	_ =	shalt  }
0x5f: {  	_ =	shalt  }
0x60: {  	_ =	shalt  }
0x61: {  	_ =	shalt  }
0x62: {  	_ =	shalt  }
0x63: {  	_ =	shalt  }
0x64: {  	_ =	shalt  }
0x65: {  	_ =	shalt  }
0x66: {  	_ =	shalt  }
0x67: {  	_ =	shalt  }
0x68: {  	_ =	shalt  }
0x69: {  	_ =	shalt  }
0x6a: {  	_ =	shalt  }
0x6b: {  	_ =	shalt  }
0x6c: {  	_ =	shalt  }
0x6d: {  	_ =	shalt  }
0x6e: {  	_ =	shalt  }
0x6f: {  	_ =	shalt  }
0x70: {  	_ =	shalt  }
0x71: {  	_ =	shalt  }
0x72: {  	_ =	shalt  }
0x73: {  	_ =	shalt  }
0x74: {  	_ =	shalt  }
0x75: {  	_ =	shalt  }
0x76: {  	_ =	shalt  }
0x77: {  	_ =	shalt  }
0x78: {  	_ =	shalt  }
0x79: {  	_ =	shalt  }
0x7a: {  	_ =	shalt  }
0x7b: {  	_ =	shalt  }
0x7c: {  	_ =	shalt  }
0x7d: {  	_ =	shalt  }
0x7e: {  	_ =	shalt  }
0x7f: {  	_ =	shalt  }
0x80: {  	_ =	shalt  }
0x81: {  	_ =	shalt  }
0x82: {  	_ =	shalt  }
0x83: {  	_ =	shalt  }
0x84: {  	_ =	shalt  }
0x85: {  	_ =	shalt  }
0x86: {  	_ =	shalt  }
0x87: {  	_ =	shalt  }
.Lfunc_end0:
.L_simem_size_0:
called_computation.5_lowered:
.L_overlay_start_0:
0x88: {  	s2 =	sld [smem:$0x3FD9]  }
0x89: {  	s3 =	sld [smem:$0x3FFE];
	_ =	sdelay $0x1  }
0x8a: {  	s1 =	srdreg.scid  }
0x8b: {  	s0 =	sand.u32 $0x1, s1  }
0x8c: {  	s15 =	sshll.u32 s0, $0xA;
	s2 =	sadd.s32 s3, s2  }
0x8d: {  	s2 =	sadd.s32 s2, s15  }
0x8e: {  	[smem:$0x3FB6] =	sst s2  }
0x8f: {  	_ = 	snop  }
0x90: {  	s2 =	sld [smem:$0x3FD0];
	_ =	sdelay $0x2  }
0x91: {  	s4 =	simm.s32 $0xD;
	s16 =	simm.s32 $0x10  }
0x92: {  	[smem:s16], [sflag:s4] =	dma.local [hbm:s2], $0x1  }
0x93: {  	_ =	swait.eq [sflag:s4], $0x1  }
0x94: {  	[sflag:s4] =	ssyncset.done $0x0  }
0x95: {  	s17 =	sld [smem:$0x10];
	[sflag:s4] =	ssyncadd.s32 $0xFFFFFFFF  }
0x96: {  	s18 =	sld [smem:$0x11];
	(tm) =	ssettm $0x1  }
0x97: {  	s19 =	sld [smem:$0x3FFB];
	_ =	sdelay $0x3  }
0x98: {  	_ =	strace s19  }
0x99: {  	s2 =	sld [smem:$0x3FFC];
	_ =	sdelay $0x3  }
0x9a: {  	_ =	strace s2  }
0x9b: {  	s2 =	sld [smem:$0x3FFD];
	_ =	sdelay $0x3  }
0x9c: {  	_ =	strace s2  }
0x9d: {  	_ =	strace $0x8FFFFFFF  }
0x9e: {  	s20 =	sld [smem:$0x3FDB];
	_ =	sdelay $0x1  }
0x9f: {  	s5 =	simm.s32 $_scs_section_size  }
0xa0: {  	s6 =	simm.s32 $_size__tile_overlayer_lowered;
	s7 =	simm.s32 $_tile_overlayer_lowered  }
0xa1: {  	s8 =	simm.s32 $0x1BFF;
	s21 =	sshll.u32 s7, $0x1;
	s5 =	sadd.s32 s5, s20  }
0xa2: {  	s22 =	simm.s32 $0x0;
	s6 =	sshll.u32 s6, $0x1;
	s7 =	sadd.s32 s21, s5  }
0xa3: {  	[timem:s22], [sflag:s8] =	dma.local [hbm:s7], s6  }
0xa4: {  	_ =	swait.ge [sflag:s8], s6  }
0xa5: {  	s6 =	ssub.s32 $0x0, s6;
	[sflag:s8] =	ssyncset.done $0x0  }
0xa6: {  	[sflag:s8] =	ssyncadd.s32 s6;
	_ =	sdelay $0x1  }
0xa7: {  	s23 =	simm.s32 $0x1B8B  }
0xa8: {  	_ =	swait.ge [sflag:s23], $0x1  }
0xa9: {  	[sflag:s23] =	ssyncset.done $0x0  }
0xaa: {  	[sflag:s23] =	ssyncadd.s32 $0xFFFFFFFF  }
0xab: {  	s6 =	sld [smem:$0x0]  }
0xac: {  	s7 =	sand.u32 $0xFFFFFFFE, s1  }
0xad: {  	p0 =	sne.s32 s1, s7  }
0xae: {  	s7 =	sshll.u32 @p0 s7, $0xE  }
0xaf: {  	s7 =	sadd.s32 @p0 $0x11B8D, s7;
	s8 =	sshll.u32 @p0 s6, $0x11  }
0xb0: {  	s7 =	sor.u32 @p0 s8, s7  }
0xb1: {  	[sflag:s7] =	ssyncadd.remote.s32 @p0 $0x1;
	_ =	sdelay $0x1  }
0xb2: {  	s7 =	simm.s32 @p0 $0x1B8D  }
0xb3: {  	_ =	swait.eq @p0 [sflag:s7], $0x1  }
0xb4: {  	[sflag:s7] =	ssyncadd.s32 @p0 $0xFFFFFFFF  }
0xb5: {  	s8 =	sshll.u32 @!p0 s1, $0xE  }
0xb6: {  	s8 =	sor.u32 @!p0 $0x4000, s8;
	s7 =	simm.s32 @!p0 $0x1B8D  }
0xb7: {  	s6 =	sshll.u32 @!p0 s6, $0x11;
	s8 =	sadd.s32 @!p0 $0x11B8D, s8;
	_ =	swait.eq @!p0 [sflag:s7], $0x1  }
0xb8: {  	s6 =	sor.u32 @!p0 s6, s8;
	[sflag:s7] =	ssyncadd.s32 @!p0 $0xFFFFFFFF  }
0xb9: {  	s25 =	simm.s32 $0x1B8E;
	s24 =	sld [smem:$0x3FFE];
	[sflag:s6] =	ssyncadd.remote.s32 @!p0 $0x1  }
0xba: {  	s26 =	simm.s32 $execute0_lowered;
	[smem:$0x3FD2] =	sst s25  }
0xbb: {  	s7 =	sshll.u32 s26, $0x1;
	_ =	strace $0x80000058;
	[dreg:$0x1] =	wrdreg $0xFFFFFFFF  }
0xbc: {  	s28 =	simm.s32 $_size_execute0_lowered;
	s5 =	sadd.s32 s5, s7;
	[dreg:$0x0] =	wrdreg $0x0  }
0xbd: {  	s7 =	sshll.u32 s28, $0x1;
	[dreg:$0x2] =	wrdreg s5  }
0xbe: {  	[dreg:$0x3] =	wrdreg s7  }
0xbf: {  	[dreg:$0x4] =	wrdreg $0xC0  }
0xc0: {  	_ =	task [dreg:s22], $0x5FFFF  }
0xc1: {  	[dreg:$0x1] =	wrdreg $0xFFFFFFFF  }
0xc2: {  	[dreg:$0x0] =	wrdreg $0x60  }
0xc3: {  	[dreg:$0x2] =	wrdreg s17  }
0xc4: {  	[dreg:$0x3] =	wrdreg s24  }
0xc5: {  	[dreg:$0x4] =	wrdreg s18  }
0xc6: {  	[dreg:$0x5] =	wrdreg $0xA  }
0xc7: {  	_ =	task.clear_ibuf [dreg:s22], $0x6FFFF;
	_ =	strace $0x90000058  }
0xc8: {  	s29 =	simm.s32 $0xA;
	_ =	strace $0x8000005A  }
0xc9: {  	_ =	swait.ge [sflag:s29], $0x1  }
0xca: {  	[sflag:s29] =	ssyncadd.s32 $0xFFFFFFFF  }
0xcb: {  	_ =	strace $0x9000005A  }
0xcc: {  	_ =	sfence  }
0xcd: {  	s30 =	sld [smem:$0x0];
	_ =	sdelay $0x2  }
0xce: {  	s31 =	sshll.u32 s1, $0xD;
	s1 =	sshrl.u32 s1, $0x2  }
0xcf: {  	s4 =	sand.u32 $0x4000, s31;
	s1 =	sadd.s32 s1, s30  }
0xd0: {  	s0 =	sor.u32 s4, s0;
	s1 =	sshll.u32 s1, $0x11  }
0xd1: {  	s0 =	sor.u32 s1, s0  }
0xd2: {  	s0 =	sadd.s32 $0x8F2B, s0  }
0xd3: {  	[sflag:s0] =	ssyncadd.remote.s32 $0x1  }
0xd4: {  	_ =	sfence.sel $0xFFFF  }
0xd5: {  	[dreg:$0x0] =	wrdreg $0xFFFFFFFF;
	(pc) =	sbr.abs _section_cstart, $3  }
0xd6: {  	[dreg:$0x1] =	wrdreg $0xFFFFFFFF  }
0xd7: {  	_ =	task.clear_ibuf [dreg:s22], $0x2FFFF;
	_ =	strace $0x9FFFFFFF  }
0xd8: {  	(tm) =	ssettm $0x7FFFFFFF  }
0xd9: {  	_ =	shalt  }
tec
execute0_lowered:
.L_overlay_start_1:
0x0: {  	(tag) =	ssettag $0x1  }
0x1: {  	s1 =	rddreg [dreg:$0x0]  }
0x2: {  	s0 =	rddreg [dreg:$0x1]  }
0x3: {  	s2 =	rddreg [dreg:$0x2];
	s3 =	simm.s32 $0x0;
	s4 =	srdreg.scid  }
0x4: {  	s8 =	stileid.u32;
	s9 =	simm.s32 $0x3;
	s11 =	simm.s32 $0x800  }
0x5: {  	s12 =	simm.s32 $0x1000;
	s13 =	simm.s32 $0x1800;
	s14 =	simm.s32 $0x2000  }
0x6: {  	s15 =	simm.s32 $0x2800;
	s16 =	simm.s32 $0x3000;
	s17 =	simm.s32 $0x3800  }
0x7: {  	s18 =	simm.s32 $0x4000;
	s19 =	simm.s32 $0x4800;
	s20 =	simm.s32 $0x5000  }
0x8: {  	s21 =	simm.s32 $0x5800;
	s22 =	simm.s32 $0x6000;
	s28 =	simm.s32 $0x8800  }
0x9: {  	s10 =	simm.s32 $0x0;
	[smem:$0x7FF] =	sst s3;
	s4 =	sand.u32 $0x1, s4  }
0xa: {  	s5 =	sshll.u32 s8, $0x7;
	s26 =	sshll.u32 s8, $0xF;
	s6 =	sshll.u32 s4, $0xB  }
0xb: {  	s23 =	sshll.u32 s4, $0x13;
	s4 =	ssub.s32 $0x2, s4;
	s5 =	sor.u32 s5, s6  }
0xc: {  	_ =	strace $0x80000059;
	s24 =	sshrl.u32 s4, $0x1;
	s7 =	sadd.s32 s5, s0  }
0xd: {  	s0 =	sadd.s32 s23, s0;
	s4 =	ssub.s32 s4, s24;
	s2 =	sadd.s32 s2, s5  }
.Ltmp0:
0xe: {  	s23 =	simm.s32 $0x6800;
	s24 =	simm.s32 $0x7000;
	(pc) =	sbr.rel .LBB2_1-.Ltmp0, $4  }
0xf: {  	s25 =	sadd.s32 $0x6E800, s7;
	[dreg:$0x5] =	wrdreg s2;
	s31 =	smax.u32 s4, $0x1  }
0x10: {  	v2 =	vlaneseq.u32;
	s0 =	sadd.s32 s26, s0;
	s26 =	simm.s32 $0x8000;
	[dreg:$0x4] =	wrdreg s25  }
0x11: {  	vm0 =	vmmov $0xffff;
	v1 =	vshrl.u32 v2, $0x3;
	s2 =	simm.s32 $0x2;
	[dreg:$0x6] =	wrdreg s31;
	s30 =	sadd.s32 $0x46F800, s0  }
0x12: {  	v0 =	vand.u32 $0x7, v2;
	v2 =	vor.u32 $0x8, v2;
	v1 =	vmul.u32 $0x8, v1;
	s29 =	sadd.s32 $0x56F800, s0;
	s25 =	simm.s32 $0x7800;
	s0 =	simm.s32 $0x1  }
.LBB2_5:
0x13: {  	s10 =	sadd.s32 $0x1, s10;
	s4 =	rddreg [dreg:$0x6]  }
0x14: {  	p0 =	sne.s32 s10, s4  }
.Ltmp1:
0x15: {  	_ = 	snop;
	(pc) =	sbr.rel @!p0 .LBB2_6-.Ltmp1, $1  }
0x16: {  	_ =	sdelay $0x3  }
.LBB2_1:
0x17: {  	s4 =	rddreg [dreg:$0x4]  }
0x18: {  	[tilespmem:s3], [sflag:$0x3] =	stream.linear.gather [hbm4b:s4+s3], $0x400, $0x38;
	[tilespmem:$0x10800] =	vst v63  }
0x19: {  	_ =	swait.ge [sflag:s9], $0x400  }
0x1a: {  	[sflag:s9] =	ssyncset.done $0x0  }
0x1b: {  	s5 =	simm.s32 $0x400;
	s8 =	rddreg [dreg:$0x5];
	[sflag:s9] =	ssyncadd.s32 $0xFFFFFC00  }
0x1c: {  	[tilespmem:s5], [sflag:$0x3] =	stream.linear.gather [hbm4b:s8+s3], $0x400, $0x38;
	[tilespmem:$0x10800] =	vst v63  }
0x1d: {  	_ =	swait.ge [sflag:s9], $0x400  }
0x1e: {  	[sflag:s9] =	ssyncset.done $0x0  }
0x1f: {  	[sflag:s9] =	ssyncadd.s32 $0xFFFFFC00  }
0x20: {  	v3 =	vld [tilespmem:$0x0];
	_ =	sdelay $0x4  }
0x21: {  	v4 =	vshll.u32 v3, $0x1  }
0x22: {  	v3 =	vand.u32 $0x7, v3;
	v4 =	vand.u32 $0xFFFFFFF0, v4  }
0x23: {  	v3 =	vor.u32 v3, v4  }
0x24: {  	v4 =	vperm.xlane v3, v0;
	_ =	sdelay $0x1  }
0x25: {  	v3 =	vperm.xlane v3, v2;
	v4 =	vadd.s32 v1, v4;
	_ =	sdelay $0x1  }
0x26: {  	v3 =	vadd.s32 v1, v3;
	_ =	sdelay $0x2  }
0x27: {  	[tilespmem:s11], [sflag:$0x1] =	stream.indirect_vreg.gather [hbm4b:s1+s3], $0x80, v4, vm0, $0xb8;
	[tilespmem:$0x10800] =	vst v63  }
0x28: {  	_ = 	snop  }
0x29: {  	[tilespmem:s12], [sflag:$0x1] =	stream.indirect_vreg.gather [hbm4b:s1+s3], $0x80, v3, vm0, $0xb8;
	[tilespmem:$0x10800] =	vst v63  }
0x2a: {  	v3 =	vld [tilespmem:$0x10];
	_ =	sdelay $0x4  }
0x2b: {  	v49 =	vshll.u32 v3, $0x1  }
0x2c: {  	v3 =	vand.u32 $0x7, v3;
	v4 =	vand.u32 $0xFFFFFFF0, v49  }
0x2d: {  	v3 =	vor.u32 v3, v4  }
0x2e: {  	v4 =	vperm.xlane v3, v0;
	_ =	sdelay $0x1  }
0x2f: {  	v3 =	vperm.xlane v3, v2;
	v4 =	vadd.s32 v1, v4;
	_ =	sdelay $0x1  }
0x30: {  	v3 =	vadd.s32 v1, v3;
	_ =	sdelay $0x2  }
0x31: {  	[tilespmem:s13], [sflag:$0x1] =	stream.indirect_vreg.gather [hbm4b:s1+s3], $0x80, v4, vm0, $0xb8;
	[tilespmem:$0x10800] =	vst v63  }
0x32: {  	_ = 	snop  }
0x33: {  	[tilespmem:s14], [sflag:$0x1] =	stream.indirect_vreg.gather [hbm4b:s1+s3], $0x80, v3, vm0, $0xb8;
	[tilespmem:$0x10800] =	vst v63  }
0x34: {  	v3 =	vld [tilespmem:$0x20];
	_ =	sdelay $0x4  }
0x35: {  	v50 =	vshll.u32 v3, $0x1  }
0x36: {  	v3 =	vand.u32 $0x7, v3;
	v4 =	vand.u32 $0xFFFFFFF0, v50  }
0x37: {  	v3 =	vor.u32 v3, v4  }
0x38: {  	v4 =	vperm.xlane v3, v0;
	_ =	sdelay $0x1  }
0x39: {  	v3 =	vperm.xlane v3, v2;
	v4 =	vadd.s32 v1, v4;
	_ =	sdelay $0x1  }
0x3a: {  	v3 =	vadd.s32 v1, v3;
	_ =	sdelay $0x2  }
0x3b: {  	[tilespmem:s15], [sflag:$0x1] =	stream.indirect_vreg.gather [hbm4b:s1+s3], $0x80, v4, vm0, $0xb8;
	[tilespmem:$0x10800] =	vst v63  }
0x3c: {  	_ = 	snop  }
0x3d: {  	[tilespmem:s16], [sflag:$0x1] =	stream.indirect_vreg.gather [hbm4b:s1+s3], $0x80, v3, vm0, $0xb8;
	[tilespmem:$0x10800] =	vst v63  }
0x3e: {  	v3 =	vld [tilespmem:$0x30];
	_ =	sdelay $0x4  }
0x3f: {  	v51 =	vshll.u32 v3, $0x1  }
0x40: {  	v3 =	vand.u32 $0x7, v3;
	v4 =	vand.u32 $0xFFFFFFF0, v51  }
0x41: {  	v3 =	vor.u32 v3, v4  }
0x42: {  	v4 =	vperm.xlane v3, v0;
	_ =	sdelay $0x1  }
0x43: {  	v3 =	vperm.xlane v3, v2;
	v4 =	vadd.s32 v1, v4;
	_ =	sdelay $0x1  }
0x44: {  	v3 =	vadd.s32 v1, v3;
	_ =	sdelay $0x2  }
0x45: {  	[tilespmem:s17], [sflag:$0x1] =	stream.indirect_vreg.gather [hbm4b:s1+s3], $0x80, v4, vm0, $0xb8;
	[tilespmem:$0x10800] =	vst v63  }
0x46: {  	_ = 	snop  }
0x47: {  	[tilespmem:s18], [sflag:$0x1] =	stream.indirect_vreg.gather [hbm4b:s1+s3], $0x80, v3, vm0, $0xb8;
	[tilespmem:$0x10800] =	vst v63  }
0x48: {  	v3 =	vld [tilespmem:$0x40];
	_ =	sdelay $0x4  }
0x49: {  	v52 =	vshll.u32 v3, $0x1  }
0x4a: {  	v3 =	vand.u32 $0x7, v3;
	v4 =	vand.u32 $0xFFFFFFF0, v52  }
0x4b: {  	v3 =	vor.u32 v3, v4  }
0x4c: {  	v4 =	vperm.xlane v3, v0;
	_ =	sdelay $0x1  }
0x4d: {  	v3 =	vperm.xlane v3, v2;
	v4 =	vadd.s32 v1, v4;
	_ =	sdelay $0x1  }
0x4e: {  	v3 =	vadd.s32 v1, v3;
	_ =	sdelay $0x2  }
0x4f: {  	[tilespmem:s19], [sflag:$0x1] =	stream.indirect_vreg.gather [hbm4b:s1+s3], $0x80, v4, vm0, $0xb8;
	[tilespmem:$0x10800] =	vst v63  }
0x50: {  	_ = 	snop  }
0x51: {  	[tilespmem:s20], [sflag:$0x1] =	stream.indirect_vreg.gather [hbm4b:s1+s3], $0x80, v3, vm0, $0xb8;
	[tilespmem:$0x10800] =	vst v63  }
0x52: {  	v3 =	vld [tilespmem:$0x50];
	_ =	sdelay $0x4  }
0x53: {  	v53 =	vshll.u32 v3, $0x1  }
0x54: {  	v3 =	vand.u32 $0x7, v3;
	v4 =	vand.u32 $0xFFFFFFF0, v53  }
0x55: {  	v3 =	vor.u32 v3, v4  }
0x56: {  	v4 =	vperm.xlane v3, v0;
	_ =	sdelay $0x1  }
0x57: {  	v3 =	vperm.xlane v3, v2;
	v4 =	vadd.s32 v1, v4;
	_ =	sdelay $0x1  }
0x58: {  	v3 =	vadd.s32 v1, v3;
	_ =	sdelay $0x2  }
0x59: {  	[tilespmem:s21], [sflag:$0x1] =	stream.indirect_vreg.gather [hbm4b:s1+s3], $0x80, v4, vm0, $0xb8;
	[tilespmem:$0x10800] =	vst v63  }
0x5a: {  	_ = 	snop  }
0x5b: {  	[tilespmem:s22], [sflag:$0x1] =	stream.indirect_vreg.gather [hbm4b:s1+s3], $0x80, v3, vm0, $0xb8;
	[tilespmem:$0x10800] =	vst v63  }
0x5c: {  	v3 =	vld [tilespmem:$0x60];
	_ =	sdelay $0x4  }
0x5d: {  	v54 =	vshll.u32 v3, $0x1  }
0x5e: {  	v3 =	vand.u32 $0x7, v3;
	v4 =	vand.u32 $0xFFFFFFF0, v54  }
0x5f: {  	v3 =	vor.u32 v3, v4  }
0x60: {  	v4 =	vperm.xlane v3, v0;
	_ =	sdelay $0x1  }
0x61: {  	v3 =	vperm.xlane v3, v2;
	v4 =	vadd.s32 v1, v4;
	_ =	sdelay $0x1  }
0x62: {  	v3 =	vadd.s32 v1, v3;
	_ =	sdelay $0x2  }
0x63: {  	[tilespmem:s23], [sflag:$0x1] =	stream.indirect_vreg.gather [hbm4b:s1+s3], $0x80, v4, vm0, $0xb8;
	[tilespmem:$0x10800] =	vst v63  }
0x64: {  	_ = 	snop  }
0x65: {  	[tilespmem:s24], [sflag:$0x1] =	stream.indirect_vreg.gather [hbm4b:s1+s3], $0x80, v3, vm0, $0xb8;
	[tilespmem:$0x10800] =	vst v63  }
0x66: {  	v3 =	vld [tilespmem:$0x70];
	_ =	sdelay $0x4  }
0x67: {  	v55 =	vshll.u32 v3, $0x1  }
0x68: {  	v3 =	vand.u32 $0x7, v3;
	v4 =	vand.u32 $0xFFFFFFF0, v55  }
0x69: {  	v3 =	vor.u32 v3, v4  }
0x6a: {  	v4 =	vperm.xlane v3, v0;
	_ =	sdelay $0x1  }
0x6b: {  	v3 =	vperm.xlane v3, v2;
	v4 =	vadd.s32 v1, v4;
	_ =	sdelay $0x1  }
0x6c: {  	v3 =	vadd.s32 v1, v3;
	_ =	sdelay $0x2  }
0x6d: {  	[tilespmem:s25], [sflag:$0x1] =	stream.indirect_vreg.gather [hbm4b:s1+s3], $0x80, v4, vm0, $0xb8;
	[tilespmem:$0x10800] =	vst v63  }
0x6e: {  	_ = 	snop  }
0x6f: {  	[tilespmem:s26], [sflag:$0x1] =	stream.indirect_vreg.gather [hbm4b:s1+s3], $0x80, v3, vm0, $0xb8;
	[tilespmem:$0x10800] =	vst v63  }
0x70: {  	v3 =	vld [tilespmem:$0x400];
	_ =	sdelay $0x4  }
0x71: {  	v56 =	vshll.u32 v3, $0x1  }
0x72: {  	v3 =	vand.u32 $0x7, v3;
	v4 =	vand.u32 $0xFFFFFFF0, v56  }
0x73: {  	v3 =	vor.u32 v3, v4  }
0x74: {  	v4 =	vperm.xlane v3, v0;
	_ =	sdelay $0x1  }
0x75: {  	v3 =	vperm.xlane v3, v2;
	v4 =	vadd.s32 v1, v4;
	_ =	sdelay $0x1  }
0x76: {  	v3 =	vadd.s32 v1, v3;
	_ =	sdelay $0x2  }
0x77: {  	[tilespmem:s28], [sflag:$0x2] =	stream.indirect_vreg.gather [hbm4b:s1+s3], $0x80, v4, vm0, $0xb8;
	[tilespmem:$0x10800] =	vst v63  }
0x78: {  	s6 =	simm.s32 $0x9000  }
0x79: {  	[tilespmem:s6], [sflag:$0x2] =	stream.indirect_vreg.gather [hbm4b:s1+s3], $0x80, v3, vm0, $0xb8;
	[tilespmem:$0x10800] =	vst v63  }
0x7a: {  	v3 =	vld [tilespmem:$0x410];
	_ =	sdelay $0x4  }
0x7b: {  	v57 =	vshll.u32 v3, $0x1  }
0x7c: {  	v3 =	vand.u32 $0x7, v3;
	v4 =	vand.u32 $0xFFFFFFF0, v57  }
0x7d: {  	v3 =	vor.u32 v3, v4  }
0x7e: {  	v4 =	vperm.xlane v3, v0;
	_ =	sdelay $0x1  }
0x7f: {  	v3 =	vperm.xlane v3, v2;
	v4 =	vadd.s32 v1, v4;
	_ =	sdelay $0x1  }
0x80: {  	v3 =	vadd.s32 v1, v3;
	_ =	sdelay $0x1  }
0x81: {  	s7 =	simm.s32 $0x9800  }
0x82: {  	[tilespmem:s7], [sflag:$0x2] =	stream.indirect_vreg.gather [hbm4b:s1+s3], $0x80, v4, vm0, $0xb8;
	[tilespmem:$0x10800] =	vst v63  }
0x83: {  	s8 =	simm.s32 $0xA000  }
0x84: {  	[tilespmem:s8], [sflag:$0x2] =	stream.indirect_vreg.gather [hbm4b:s1+s3], $0x80, v3, vm0, $0xb8;
	[tilespmem:$0x10800] =	vst v63  }
0x85: {  	v3 =	vld [tilespmem:$0x420];
	_ =	sdelay $0x4  }
0x86: {  	v58 =	vshll.u32 v3, $0x1  }
0x87: {  	v3 =	vand.u32 $0x7, v3;
	v4 =	vand.u32 $0xFFFFFFF0, v58  }
0x88: {  	v3 =	vor.u32 v3, v4  }
0x89: {  	v4 =	vperm.xlane v3, v0;
	_ =	sdelay $0x1  }
0x8a: {  	v3 =	vperm.xlane v3, v2;
	v4 =	vadd.s32 v1, v4;
	_ =	sdelay $0x1  }
0x8b: {  	v3 =	vadd.s32 v1, v3;
	_ =	sdelay $0x1  }
0x8c: {  	s5 =	simm.s32 $0xA800  }
0x8d: {  	[tilespmem:s5], [sflag:$0x2] =	stream.indirect_vreg.gather [hbm4b:s1+s3], $0x80, v4, vm0, $0xb8;
	[tilespmem:$0x10800] =	vst v63  }
0x8e: {  	s6 =	simm.s32 $0xB000  }
0x8f: {  	[tilespmem:s6], [sflag:$0x2] =	stream.indirect_vreg.gather [hbm4b:s1+s3], $0x80, v3, vm0, $0xb8;
	[tilespmem:$0x10800] =	vst v63  }
0x90: {  	v3 =	vld [tilespmem:$0x430];
	_ =	sdelay $0x4  }
0x91: {  	v59 =	vshll.u32 v3, $0x1  }
0x92: {  	v3 =	vand.u32 $0x7, v3;
	v4 =	vand.u32 $0xFFFFFFF0, v59  }
0x93: {  	v3 =	vor.u32 v3, v4  }
0x94: {  	v4 =	vperm.xlane v3, v0;
	_ =	sdelay $0x1  }
0x95: {  	v3 =	vperm.xlane v3, v2;
	v4 =	vadd.s32 v1, v4;
	_ =	sdelay $0x1  }
0x96: {  	v3 =	vadd.s32 v1, v3;
	_ =	sdelay $0x1  }
0x97: {  	s7 =	simm.s32 $0xB800  }
0x98: {  	[tilespmem:s7], [sflag:$0x2] =	stream.indirect_vreg.gather [hbm4b:s1+s3], $0x80, v4, vm0, $0xb8;
	[tilespmem:$0x10800] =	vst v63  }
0x99: {  	s8 =	simm.s32 $0xC000  }
0x9a: {  	[tilespmem:s8], [sflag:$0x2] =	stream.indirect_vreg.gather [hbm4b:s1+s3], $0x80, v3, vm0, $0xb8;
	[tilespmem:$0x10800] =	vst v63  }
0x9b: {  	v3 =	vld [tilespmem:$0x440];
	_ =	sdelay $0x4  }
0x9c: {  	v60 =	vshll.u32 v3, $0x1  }
0x9d: {  	v3 =	vand.u32 $0x7, v3;
	v4 =	vand.u32 $0xFFFFFFF0, v60  }
0x9e: {  	v3 =	vor.u32 v3, v4  }
0x9f: {  	v4 =	vperm.xlane v3, v0;
	_ =	sdelay $0x1  }
0xa0: {  	v3 =	vperm.xlane v3, v2;
	v4 =	vadd.s32 v1, v4;
	_ =	sdelay $0x1  }
0xa1: {  	v3 =	vadd.s32 v1, v3;
	_ =	sdelay $0x1  }
0xa2: {  	s5 =	simm.s32 $0xC800  }
0xa3: {  	[tilespmem:s5], [sflag:$0x2] =	stream.indirect_vreg.gather [hbm4b:s1+s3], $0x80, v4, vm0, $0xb8;
	[tilespmem:$0x10800] =	vst v63  }
0xa4: {  	s6 =	simm.s32 $0xD000  }
0xa5: {  	[tilespmem:s6], [sflag:$0x2] =	stream.indirect_vreg.gather [hbm4b:s1+s3], $0x80, v3, vm0, $0xb8;
	[tilespmem:$0x10800] =	vst v63  }
0xa6: {  	v3 =	vld [tilespmem:$0x450];
	_ =	sdelay $0x4  }
0xa7: {  	v61 =	vshll.u32 v3, $0x1  }
0xa8: {  	v3 =	vand.u32 $0x7, v3;
	v4 =	vand.u32 $0xFFFFFFF0, v61  }
0xa9: {  	v3 =	vor.u32 v3, v4  }
0xaa: {  	v4 =	vperm.xlane v3, v0;
	_ =	sdelay $0x1  }
0xab: {  	v3 =	vperm.xlane v3, v2;
	v4 =	vadd.s32 v1, v4;
	_ =	sdelay $0x1  }
0xac: {  	v3 =	vadd.s32 v1, v3;
	_ =	sdelay $0x1  }
0xad: {  	s7 =	simm.s32 $0xD800  }
0xae: {  	[tilespmem:s7], [sflag:$0x2] =	stream.indirect_vreg.gather [hbm4b:s1+s3], $0x80, v4, vm0, $0xb8;
	[tilespmem:$0x10800] =	vst v63  }
0xaf: {  	s8 =	simm.s32 $0xE000  }
0xb0: {  	[tilespmem:s8], [sflag:$0x2] =	stream.indirect_vreg.gather [hbm4b:s1+s3], $0x80, v3, vm0, $0xb8;
	[tilespmem:$0x10800] =	vst v63  }
0xb1: {  	v3 =	vld [tilespmem:$0x460];
	_ =	sdelay $0x4  }
0xb2: {  	v62 =	vshll.u32 v3, $0x1  }
0xb3: {  	v3 =	vand.u32 $0x7, v3;
	v4 =	vand.u32 $0xFFFFFFF0, v62  }
0xb4: {  	v3 =	vor.u32 v3, v4  }
0xb5: {  	v4 =	vperm.xlane v3, v0;
	_ =	sdelay $0x1  }
0xb6: {  	v3 =	vperm.xlane v3, v2;
	v4 =	vadd.s32 v1, v4;
	_ =	sdelay $0x1  }
0xb7: {  	v3 =	vadd.s32 v1, v3;
	_ =	sdelay $0x1  }
0xb8: {  	s5 =	simm.s32 $0xE800  }
0xb9: {  	[tilespmem:s5], [sflag:$0x2] =	stream.indirect_vreg.gather [hbm4b:s1+s3], $0x80, v4, vm0, $0xb8;
	[tilespmem:$0x10800] =	vst v63  }
0xba: {  	s6 =	simm.s32 $0xF000  }
0xbb: {  	[tilespmem:s6], [sflag:$0x2] =	stream.indirect_vreg.gather [hbm4b:s1+s3], $0x80, v3, vm0, $0xb8;
	[tilespmem:$0x10800] =	vst v63  }
0xbc: {  	v3 =	vld [tilespmem:$0x470];
	_ =	sdelay $0x4  }
0xbd: {  	v63 =	vshll.u32 v3, $0x1  }
0xbe: {  	v3 =	vand.u32 $0x7, v3;
	v4 =	vand.u32 $0xFFFFFFF0, v63  }
0xbf: {  	v3 =	vor.u32 v3, v4  }
0xc0: {  	v4 =	vperm.xlane v3, v0;
	_ =	sdelay $0x1  }
0xc1: {  	v3 =	vperm.xlane v3, v2;
	v4 =	vadd.s32 v1, v4;
	_ =	sdelay $0x1  }
0xc2: {  	v3 =	vadd.s32 v1, v3;
	_ =	sdelay $0x1  }
.Ltmp2:
0xc3: {  	s7 =	simm.s32 $0xF800;
	(pc) =	sbr.rel .LBB2_2-.Ltmp2, $4  }
0xc4: {  	[tilespmem:s7], [sflag:$0x2] =	stream.indirect_vreg.gather [hbm4b:s1+s3], $0x80, v4, vm0, $0xb8;
	[tilespmem:$0x10800] =	vst v63  }
0xc5: {  	s8 =	simm.s32 $0x10000  }
0xc6: {  	[tilespmem:s8], [sflag:$0x2] =	stream.indirect_vreg.gather [hbm4b:s1+s3], $0x80, v3, vm0, $0xb8;
	[tilespmem:$0x10800] =	vst v63  }
0xc7: {  	s31 =	simm.s32 $0x0;
	s7 =	smov.u32 s30;
	s8 =	smov.u32 s29  }
.LBB2_4:
0xc8: {  	_ =	swait.ge [sflag:s2], $0x8000  }
0xc9: {  	[sflag:s2] =	ssyncset.done $0x0  }
0xca: {  	[sflag:s2] =	ssyncadd.s32 $0xFFFF8000  }
0xcb: {  	[hbm4b:s8+s3] =	stream.linear.scatter [tilespmem:s28], [sflag:$0x3], $0x8000, $0x38;
	[tilespmem:$0x10800] =	vst v63  }
0xcc: {  	_ =	swait.ge [sflag:s9], $0x8000  }
0xcd: {  	[sflag:s9] =	ssyncset.done $0x0  }
0xce: {  	s4 =	sshra.s32 @!p0 s31, $0x2;
	[sflag:s9] =	ssyncadd.s32 $0xFFFF8000  }
0xcf: {  	v3 =	vld @!p0 [tilespmem:s4+$0x480];
	_ =	sdelay $0x4  }
0xd0: {  	v4 =	vshll.u32 @!p0 v3, $0x1  }
0xd1: {  	v5 =	vlaneseq.u32 @!p0;
	v3 =	vand.u32 @!p0 $0x7, v3;
	v4 =	vand.u32 @!p0 $0xFFFFFFF0, v4  }
0xd2: {  	v6 =	vshrl.u32 @!p0 v5, $0x3;
	v3 =	vor.u32 @!p0 v3, v4;
	v4 =	vand.u32 @!p0 $0x7, v5  }
0xd3: {  	v6 =	vmul.u32 @!p0 $0x8, v6;
	v7 =	vperm.xlane @!p0 v3, v4  }
0xd4: {  	v5 =	vor.u32 @!p0 $0x8, v5  }
0xd5: {  	v3 =	vperm.xlane @!p0 v3, v5;
	v7 =	vadd.s32 @!p0 v6, v7;
	_ =	sdelay $0x1  }
0xd6: {  	v3 =	vadd.s32 @!p0 v6, v3;
	_ =	sdelay $0x1  }
0xd7: {  	vm1 =	vmmov @!p0 $0xffff;
	s5 =	simm.s32 @!p0 $0x0;
	s6 =	simm.s32 @!p0 $0x8800  }
0xd8: {  	[tilespmem:s6], [sflag:$0x2] =	stream.indirect_vreg.gather @!p0 [hbm4b:s1+s5], $0x80, v7, vm1, $0xb8;
	[tilespmem:$0x10800] =	vst v63  }
0xd9: {  	s6 =	simm.s32 @!p0 $0x9000  }
0xda: {  	[tilespmem:s6], [sflag:$0x2] =	stream.indirect_vreg.gather @!p0 [hbm4b:s1+s5], $0x80, v3, vm1, $0xb8;
	[tilespmem:$0x10800] =	vst v63  }
0xdb: {  	v3 =	vld @!p0 [tilespmem:s4+$0x490];
	_ =	sdelay $0x4  }
0xdc: {  	v7 =	vshll.u32 @!p0 v3, $0x1  }
0xdd: {  	v3 =	vand.u32 @!p0 $0x7, v3;
	v7 =	vand.u32 @!p0 $0xFFFFFFF0, v7  }
0xde: {  	v3 =	vor.u32 @!p0 v3, v7  }
0xdf: {  	v7 =	vperm.xlane @!p0 v3, v4;
	_ =	sdelay $0x1  }
0xe0: {  	v3 =	vperm.xlane @!p0 v3, v5;
	v7 =	vadd.s32 @!p0 v6, v7;
	_ =	sdelay $0x1  }
0xe1: {  	v3 =	vadd.s32 @!p0 v6, v3;
	_ =	sdelay $0x1  }
0xe2: {  	s6 =	simm.s32 @!p0 $0x9800  }
0xe3: {  	[tilespmem:s6], [sflag:$0x2] =	stream.indirect_vreg.gather @!p0 [hbm4b:s1+s5], $0x80, v7, vm1, $0xb8;
	[tilespmem:$0x10800] =	vst v63  }
0xe4: {  	s6 =	simm.s32 @!p0 $0xA000  }
0xe5: {  	[tilespmem:s6], [sflag:$0x2] =	stream.indirect_vreg.gather @!p0 [hbm4b:s1+s5], $0x80, v3, vm1, $0xb8;
	[tilespmem:$0x10800] =	vst v63  }
0xe6: {  	v3 =	vld @!p0 [tilespmem:s4+$0x4A0];
	_ =	sdelay $0x4  }
0xe7: {  	v7 =	vshll.u32 @!p0 v3, $0x1  }
0xe8: {  	v3 =	vand.u32 @!p0 $0x7, v3;
	v7 =	vand.u32 @!p0 $0xFFFFFFF0, v7  }
0xe9: {  	v3 =	vor.u32 @!p0 v3, v7  }
0xea: {  	v7 =	vperm.xlane @!p0 v3, v4;
	_ =	sdelay $0x1  }
0xeb: {  	v3 =	vperm.xlane @!p0 v3, v5;
	v7 =	vadd.s32 @!p0 v6, v7;
	_ =	sdelay $0x1  }
0xec: {  	v3 =	vadd.s32 @!p0 v6, v3;
	_ =	sdelay $0x1  }
0xed: {  	s6 =	simm.s32 @!p0 $0xA800  }
0xee: {  	[tilespmem:s6], [sflag:$0x2] =	stream.indirect_vreg.gather @!p0 [hbm4b:s1+s5], $0x80, v7, vm1, $0xb8;
	[tilespmem:$0x10800] =	vst v63  }
0xef: {  	s6 =	simm.s32 @!p0 $0xB000  }
0xf0: {  	[tilespmem:s6], [sflag:$0x2] =	stream.indirect_vreg.gather @!p0 [hbm4b:s1+s5], $0x80, v3, vm1, $0xb8;
	[tilespmem:$0x10800] =	vst v63  }
0xf1: {  	v3 =	vld @!p0 [tilespmem:s4+$0x4B0];
	_ =	sdelay $0x4  }
0xf2: {  	v7 =	vshll.u32 @!p0 v3, $0x1  }
0xf3: {  	v3 =	vand.u32 @!p0 $0x7, v3;
	v7 =	vand.u32 @!p0 $0xFFFFFFF0, v7  }
0xf4: {  	v3 =	vor.u32 @!p0 v3, v7  }
0xf5: {  	v7 =	vperm.xlane @!p0 v3, v4;
	_ =	sdelay $0x1  }
0xf6: {  	v3 =	vperm.xlane @!p0 v3, v5;
	v7 =	vadd.s32 @!p0 v6, v7;
	_ =	sdelay $0x1  }
0xf7: {  	v3 =	vadd.s32 @!p0 v6, v3;
	_ =	sdelay $0x1  }
0xf8: {  	s6 =	simm.s32 @!p0 $0xB800  }
0xf9: {  	[tilespmem:s6], [sflag:$0x2] =	stream.indirect_vreg.gather @!p0 [hbm4b:s1+s5], $0x80, v7, vm1, $0xb8;
	[tilespmem:$0x10800] =	vst v63  }
0xfa: {  	s6 =	simm.s32 @!p0 $0xC000  }
0xfb: {  	[tilespmem:s6], [sflag:$0x2] =	stream.indirect_vreg.gather @!p0 [hbm4b:s1+s5], $0x80, v3, vm1, $0xb8;
	[tilespmem:$0x10800] =	vst v63  }
0xfc: {  	v3 =	vld @!p0 [tilespmem:s4+$0x4C0];
	_ =	sdelay $0x4  }
0xfd: {  	v7 =	vshll.u32 @!p0 v3, $0x1  }
0xfe: {  	v3 =	vand.u32 @!p0 $0x7, v3;
	v7 =	vand.u32 @!p0 $0xFFFFFFF0, v7  }
0xff: {  	v3 =	vor.u32 @!p0 v3, v7  }
0x100: {  	v7 =	vperm.xlane @!p0 v3, v4;
	_ =	sdelay $0x1  }
0x101: {  	v3 =	vperm.xlane @!p0 v3, v5;
	v7 =	vadd.s32 @!p0 v6, v7;
	_ =	sdelay $0x1  }
0x102: {  	v3 =	vadd.s32 @!p0 v6, v3;
	_ =	sdelay $0x1  }
0x103: {  	s6 =	simm.s32 @!p0 $0xC800  }
0x104: {  	[tilespmem:s6], [sflag:$0x2] =	stream.indirect_vreg.gather @!p0 [hbm4b:s1+s5], $0x80, v7, vm1, $0xb8;
	[tilespmem:$0x10800] =	vst v63  }
0x105: {  	s6 =	simm.s32 @!p0 $0xD000  }
0x106: {  	[tilespmem:s6], [sflag:$0x2] =	stream.indirect_vreg.gather @!p0 [hbm4b:s1+s5], $0x80, v3, vm1, $0xb8;
	[tilespmem:$0x10800] =	vst v63  }
0x107: {  	v3 =	vld @!p0 [tilespmem:s4+$0x4D0];
	_ =	sdelay $0x4  }
0x108: {  	v7 =	vshll.u32 @!p0 v3, $0x1  }
0x109: {  	v3 =	vand.u32 @!p0 $0x7, v3;
	v7 =	vand.u32 @!p0 $0xFFFFFFF0, v7  }
0x10a: {  	v3 =	vor.u32 @!p0 v3, v7  }
0x10b: {  	v7 =	vperm.xlane @!p0 v3, v4;
	_ =	sdelay $0x1  }
0x10c: {  	v3 =	vperm.xlane @!p0 v3, v5;
	v7 =	vadd.s32 @!p0 v6, v7;
	_ =	sdelay $0x1  }
0x10d: {  	v3 =	vadd.s32 @!p0 v6, v3;
	_ =	sdelay $0x1  }
0x10e: {  	s6 =	simm.s32 @!p0 $0xD800  }
0x10f: {  	[tilespmem:s6], [sflag:$0x2] =	stream.indirect_vreg.gather @!p0 [hbm4b:s1+s5], $0x80, v7, vm1, $0xb8;
	[tilespmem:$0x10800] =	vst v63  }
0x110: {  	s6 =	simm.s32 @!p0 $0xE000  }
0x111: {  	[tilespmem:s6], [sflag:$0x2] =	stream.indirect_vreg.gather @!p0 [hbm4b:s1+s5], $0x80, v3, vm1, $0xb8;
	[tilespmem:$0x10800] =	vst v63  }
0x112: {  	v3 =	vld @!p0 [tilespmem:s4+$0x4E0];
	_ =	sdelay $0x4  }
0x113: {  	v7 =	vshll.u32 @!p0 v3, $0x1  }
0x114: {  	v3 =	vand.u32 @!p0 $0x7, v3;
	v7 =	vand.u32 @!p0 $0xFFFFFFF0, v7  }
0x115: {  	v3 =	vor.u32 @!p0 v3, v7  }
0x116: {  	v7 =	vperm.xlane @!p0 v3, v4;
	_ =	sdelay $0x1  }
0x117: {  	v3 =	vperm.xlane @!p0 v3, v5;
	v7 =	vadd.s32 @!p0 v6, v7;
	_ =	sdelay $0x1  }
0x118: {  	v3 =	vadd.s32 @!p0 v6, v3;
	_ =	sdelay $0x1  }
0x119: {  	s6 =	simm.s32 @!p0 $0xE800  }
0x11a: {  	[tilespmem:s6], [sflag:$0x2] =	stream.indirect_vreg.gather @!p0 [hbm4b:s1+s5], $0x80, v7, vm1, $0xb8;
	[tilespmem:$0x10800] =	vst v63  }
0x11b: {  	s6 =	simm.s32 @!p0 $0xF000  }
0x11c: {  	[tilespmem:s6], [sflag:$0x2] =	stream.indirect_vreg.gather @!p0 [hbm4b:s1+s5], $0x80, v3, vm1, $0xb8;
	[tilespmem:$0x10800] =	vst v63  }
0x11d: {  	v3 =	vld @!p0 [tilespmem:s4+$0x4F0];
	_ =	sdelay $0x4  }
0x11e: {  	v7 =	vshll.u32 @!p0 v3, $0x1  }
0x11f: {  	v3 =	vand.u32 @!p0 $0x7, v3;
	v7 =	vand.u32 @!p0 $0xFFFFFFF0, v7  }
0x120: {  	v3 =	vor.u32 @!p0 v3, v7  }
0x121: {  	v4 =	vperm.xlane @!p0 v3, v4;
	_ =	sdelay $0x1  }
0x122: {  	s31 =	sadd.s32 @!p0 $0x200, s31;
	v3 =	vperm.xlane @!p0 v3, v5;
	v4 =	vadd.s32 @!p0 v6, v4  }
0x123: {  	p1 =	sne.s32 @!p0 s31, $0x1000  }
0x124: {  	p1 =	por p0, !p1;
	v3 =	vadd.s32 @!p0 v6, v3  }
.Ltmp3:
0x125: {  	_ = 	snop;
	(pc) =	sbr.rel @p1 .LBB2_5-.Ltmp3, $4  }
0x126: {  	s4 =	simm.s32 @!p0 $0xF800  }
0x127: {  	[tilespmem:s4], [sflag:$0x2] =	stream.indirect_vreg.gather @!p0 [hbm4b:s1+s5], $0x80, v4, vm1, $0xb8;
	[tilespmem:$0x10800] =	vst v63  }
0x128: {  	s7 =	sadd.s32 @!p0 $0x1000, s7;
	s8 =	sadd.s32 @!p0 $0x1000, s8;
	s4 =	simm.s32 @!p0 $0x10000  }
0x129: {  	[tilespmem:s4], [sflag:$0x2] =	stream.indirect_vreg.gather @!p0 [hbm4b:s1+s5], $0x80, v3, vm1, $0xb8;
	[tilespmem:$0x10800] =	vst v63  }
.LBB2_2:
0x12a: {  	_ =	swait.ge [sflag:s0], $0x8000  }
0x12b: {  	p0 =	seq.s32 s31, $0xE00;
	[sflag:s0] =	ssyncset.done $0x0  }
.Ltmp4:
0x12c: {  	[sflag:s0] =	ssyncadd.s32 $0xFFFF8000;
	(pc) =	sbr.rel @p0 .LBB2_4-.Ltmp4, $4  }
0x12d: {  	[hbm4b:s7+s3] =	stream.linear.scatter [tilespmem:s11], [sflag:$0x3], $0x8000, $0x38;
	[tilespmem:$0x10800] =	vst v63  }
0x12e: {  	_ =	swait.ge [sflag:s9], $0x8000  }
0x12f: {  	[sflag:s9] =	ssyncset.done $0x0  }
0x130: {  	[sflag:s9] =	ssyncadd.s32 $0xFFFF8000  }
0x131: {  	s4 =	sshra.s32 s31, $0x2  }
0x132: {  	v3 =	vld [tilespmem:s4+$0x80];
	_ =	sdelay $0x4  }
0x133: {  	v4 =	vshll.u32 v3, $0x1  }
0x134: {  	v3 =	vand.u32 $0x7, v3;
	v4 =	vand.u32 $0xFFFFFFF0, v4  }
0x135: {  	v3 =	vor.u32 v3, v4  }
0x136: {  	v4 =	vperm.xlane v3, v0;
	_ =	sdelay $0x1  }
0x137: {  	v3 =	vperm.xlane v3, v2;
	v4 =	vadd.s32 v1, v4;
	_ =	sdelay $0x1  }
0x138: {  	v3 =	vadd.s32 v1, v3;
	_ =	sdelay $0x2  }
0x139: {  	[tilespmem:s11], [sflag:$0x1] =	stream.indirect_vreg.gather [hbm4b:s1+s3], $0x80, v4, vm0, $0xb8;
	[tilespmem:$0x10800] =	vst v63  }
0x13a: {  	_ = 	snop  }
0x13b: {  	[tilespmem:s12], [sflag:$0x1] =	stream.indirect_vreg.gather [hbm4b:s1+s3], $0x80, v3, vm0, $0xb8;
	[tilespmem:$0x10800] =	vst v63  }
0x13c: {  	v3 =	vld [tilespmem:s4+$0x90];
	_ =	sdelay $0x4  }
0x13d: {  	v57 =	vshll.u32 v3, $0x1  }
0x13e: {  	v3 =	vand.u32 $0x7, v3;
	v4 =	vand.u32 $0xFFFFFFF0, v57  }
0x13f: {  	v3 =	vor.u32 v3, v4  }
0x140: {  	v4 =	vperm.xlane v3, v0;
	_ =	sdelay $0x1  }
0x141: {  	v3 =	vperm.xlane v3, v2;
	v4 =	vadd.s32 v1, v4;
	_ =	sdelay $0x1  }
0x142: {  	v3 =	vadd.s32 v1, v3;
	_ =	sdelay $0x2  }
0x143: {  	[tilespmem:s13], [sflag:$0x1] =	stream.indirect_vreg.gather [hbm4b:s1+s3], $0x80, v4, vm0, $0xb8;
	[tilespmem:$0x10800] =	vst v63  }
0x144: {  	_ = 	snop  }
0x145: {  	[tilespmem:s14], [sflag:$0x1] =	stream.indirect_vreg.gather [hbm4b:s1+s3], $0x80, v3, vm0, $0xb8;
	[tilespmem:$0x10800] =	vst v63  }
0x146: {  	v3 =	vld [tilespmem:s4+$0xA0];
	_ =	sdelay $0x4  }
0x147: {  	v58 =	vshll.u32 v3, $0x1  }
0x148: {  	v3 =	vand.u32 $0x7, v3;
	v4 =	vand.u32 $0xFFFFFFF0, v58  }
0x149: {  	v3 =	vor.u32 v3, v4  }
0x14a: {  	v4 =	vperm.xlane v3, v0;
	_ =	sdelay $0x1  }
0x14b: {  	v3 =	vperm.xlane v3, v2;
	v4 =	vadd.s32 v1, v4;
	_ =	sdelay $0x1  }
0x14c: {  	v3 =	vadd.s32 v1, v3;
	_ =	sdelay $0x2  }
0x14d: {  	[tilespmem:s15], [sflag:$0x1] =	stream.indirect_vreg.gather [hbm4b:s1+s3], $0x80, v4, vm0, $0xb8;
	[tilespmem:$0x10800] =	vst v63  }
0x14e: {  	_ = 	snop  }
0x14f: {  	[tilespmem:s16], [sflag:$0x1] =	stream.indirect_vreg.gather [hbm4b:s1+s3], $0x80, v3, vm0, $0xb8;
	[tilespmem:$0x10800] =	vst v63  }
0x150: {  	v3 =	vld [tilespmem:s4+$0xB0];
	_ =	sdelay $0x4  }
0x151: {  	v59 =	vshll.u32 v3, $0x1  }
0x152: {  	v3 =	vand.u32 $0x7, v3;
	v4 =	vand.u32 $0xFFFFFFF0, v59  }
0x153: {  	v3 =	vor.u32 v3, v4  }
0x154: {  	v4 =	vperm.xlane v3, v0;
	_ =	sdelay $0x1  }
0x155: {  	v3 =	vperm.xlane v3, v2;
	v4 =	vadd.s32 v1, v4;
	_ =	sdelay $0x1  }
0x156: {  	v3 =	vadd.s32 v1, v3;
	_ =	sdelay $0x2  }
0x157: {  	[tilespmem:s17], [sflag:$0x1] =	stream.indirect_vreg.gather [hbm4b:s1+s3], $0x80, v4, vm0, $0xb8;
	[tilespmem:$0x10800] =	vst v63  }
0x158: {  	_ = 	snop  }
0x159: {  	[tilespmem:s18], [sflag:$0x1] =	stream.indirect_vreg.gather [hbm4b:s1+s3], $0x80, v3, vm0, $0xb8;
	[tilespmem:$0x10800] =	vst v63  }
0x15a: {  	v3 =	vld [tilespmem:s4+$0xC0];
	_ =	sdelay $0x4  }
0x15b: {  	v60 =	vshll.u32 v3, $0x1  }
0x15c: {  	v3 =	vand.u32 $0x7, v3;
	v4 =	vand.u32 $0xFFFFFFF0, v60  }
0x15d: {  	v3 =	vor.u32 v3, v4  }
0x15e: {  	v4 =	vperm.xlane v3, v0;
	_ =	sdelay $0x1  }
0x15f: {  	v3 =	vperm.xlane v3, v2;
	v4 =	vadd.s32 v1, v4;
	_ =	sdelay $0x1  }
0x160: {  	v3 =	vadd.s32 v1, v3;
	_ =	sdelay $0x2  }
0x161: {  	[tilespmem:s19], [sflag:$0x1] =	stream.indirect_vreg.gather [hbm4b:s1+s3], $0x80, v4, vm0, $0xb8;
	[tilespmem:$0x10800] =	vst v63  }
0x162: {  	_ = 	snop  }
0x163: {  	[tilespmem:s20], [sflag:$0x1] =	stream.indirect_vreg.gather [hbm4b:s1+s3], $0x80, v3, vm0, $0xb8;
	[tilespmem:$0x10800] =	vst v63  }
0x164: {  	v3 =	vld [tilespmem:s4+$0xD0];
	_ =	sdelay $0x4  }
0x165: {  	v61 =	vshll.u32 v3, $0x1  }
0x166: {  	v3 =	vand.u32 $0x7, v3;
	v4 =	vand.u32 $0xFFFFFFF0, v61  }
0x167: {  	v3 =	vor.u32 v3, v4  }
0x168: {  	v4 =	vperm.xlane v3, v0;
	_ =	sdelay $0x1  }
0x169: {  	v3 =	vperm.xlane v3, v2;
	v4 =	vadd.s32 v1, v4;
	_ =	sdelay $0x1  }
0x16a: {  	v3 =	vadd.s32 v1, v3;
	_ =	sdelay $0x2  }
0x16b: {  	[tilespmem:s21], [sflag:$0x1] =	stream.indirect_vreg.gather [hbm4b:s1+s3], $0x80, v4, vm0, $0xb8;
	[tilespmem:$0x10800] =	vst v63  }
0x16c: {  	_ = 	snop  }
0x16d: {  	[tilespmem:s22], [sflag:$0x1] =	stream.indirect_vreg.gather [hbm4b:s1+s3], $0x80, v3, vm0, $0xb8;
	[tilespmem:$0x10800] =	vst v63  }
0x16e: {  	v3 =	vld [tilespmem:s4+$0xE0];
	_ =	sdelay $0x4  }
0x16f: {  	v62 =	vshll.u32 v3, $0x1  }
0x170: {  	v3 =	vand.u32 $0x7, v3;
	v4 =	vand.u32 $0xFFFFFFF0, v62  }
0x171: {  	v3 =	vor.u32 v3, v4  }
0x172: {  	v4 =	vperm.xlane v3, v0;
	_ =	sdelay $0x1  }
0x173: {  	v3 =	vperm.xlane v3, v2;
	v4 =	vadd.s32 v1, v4;
	_ =	sdelay $0x1  }
0x174: {  	v3 =	vadd.s32 v1, v3;
	_ =	sdelay $0x2  }
0x175: {  	[tilespmem:s23], [sflag:$0x1] =	stream.indirect_vreg.gather [hbm4b:s1+s3], $0x80, v4, vm0, $0xb8;
	[tilespmem:$0x10800] =	vst v63  }
0x176: {  	_ = 	snop  }
0x177: {  	[tilespmem:s24], [sflag:$0x1] =	stream.indirect_vreg.gather [hbm4b:s1+s3], $0x80, v3, vm0, $0xb8;
	[tilespmem:$0x10800] =	vst v63  }
0x178: {  	v3 =	vld [tilespmem:s4+$0xF0];
	_ =	sdelay $0x4  }
0x179: {  	v63 =	vshll.u32 v3, $0x1  }
0x17a: {  	v3 =	vand.u32 $0x7, v3;
	v4 =	vand.u32 $0xFFFFFFF0, v63  }
0x17b: {  	v3 =	vor.u32 v3, v4  }
0x17c: {  	v4 =	vperm.xlane v3, v0;
	_ =	sdelay $0x1  }
0x17d: {  	v3 =	vperm.xlane v3, v2;
	v4 =	vadd.s32 v1, v4;
	_ =	sdelay $0x1  }
0x17e: {  	v3 =	vadd.s32 v1, v3  }
.Ltmp5:
0x17f: {  	_ = 	snop;
	(pc) =	sbr.rel .LBB2_4-.Ltmp5, $4  }
0x180: {  	_ = 	snop  }
0x181: {  	[tilespmem:s25], [sflag:$0x1] =	stream.indirect_vreg.gather [hbm4b:s1+s3], $0x80, v4, vm0, $0xb8;
	[tilespmem:$0x10800] =	vst v63  }
0x182: {  	_ = 	snop  }
0x183: {  	[tilespmem:s26], [sflag:$0x1] =	stream.indirect_vreg.gather [hbm4b:s1+s3], $0x80, v3, vm0, $0xb8;
	[tilespmem:$0x10800] =	vst v63  }
.LBB2_6:
0x184: {  	_ =	sfence.sel $0x180000  }
0x185: {  	[bflag:$0x0] =	sbarrier.arrive $0xFFFF  }
0x186: {  	_ =	strace $0x90000059  }
0x187: {  	s0 =	stileid.u32;
	[bflag:$0x2] =	sbarrier.arrive $0xFFFF  }
0x188: {  	p0 =	sne.s32 s0, $0x0;
	s0 =	rddreg [dreg:$0x3]  }
0x189: {  	s0 =	sadd.s32 @!p0 $0x100000, s0  }
0x18a: {  	[sflag:s0] =	ssyncadd.tile.s32 @!p0 $0x1;
	_ =	shalt  }
.Lfunc_end2:
_tile_overlayer_lowered:
.L_overlay_start_2:
0x18b: {  	(tag) =	ssettag $0x2  }
0x18c: {  	s0 =	rddreg [dreg:$0x0];
	s2 =	stileid.u32  }
0x18d: {  	s1 =	rddreg [dreg:$0x1];
	p0 =	sne.s32 s2, $0x0  }
0x18e: {  	s3 =	rddreg [dreg:$0x2];
	[bflag:$0x3] =	sbarrier.arrive $0xFFFF;
	s2 =	simm.s32 @!p0 $0x1C03  }
0x18f: {  	[timem:s3], [sflag:s2] =	dma.local @!p0 [hbm:s0], s1  }
0x190: {  	s0 =	simm.s32 @!p0 $0x3  }
0x191: {  	_ =	swait.ge @!p0 [sflag:s0], s1  }
0x192: {  	s1 =	ssub.s32 @!p0 $0x0, s1;
	[sflag:s0] =	ssyncset.done @!p0 $0x0  }
0x193: {  	[sflag:s0] =	ssyncadd.s32 @!p0 s1  }
0x194: {  	[bflag:$0x3] =	sbarrier.arrive $0xFFFF  }
0x195: {  	_ =	shalt  }

// kernel: kernel.36.cloned.1.call-start
scs
__scs_entry_jumppad:
0x0: {  	(pc) =	sbr.rel $0x88, $3  }
0x1: {  	(tag) =	ssettag $0x0;
	lr =	simm.s32 $0x1  }
0x2: {  	[smem:$0x3F8F] =	sst lr;
	_ =	strace $0xD0000000  }
0x3: {  	_ = 	snop  }
0x4: {  	_ = 	snop  }
0x5: {  	_ = 	snop  }
0x6: {  	_ = 	snop  }
0x7: {  	_ = 	snop  }
__scs_overlays_trampoline_lowered:
0x8: {  	[smem:$0x3F9E] =	sst s0  }
0x9: {  	[smem:$0x3F9F] =	sst s1  }
0xa: {  	[smem:$0x3FA0] =	sst s2  }
0xb: {  	[smem:$0x3FA1] =	sst s3  }
0xc: {  	[smem:$0x3FA2] =	sst s4  }
0xd: {  	[smem:$0x3FA3] =	sst s5  }
0xe: {  	[smem:$0x3FA4] =	sst s6  }
0xf: {  	[smem:$0x3FA5] =	sst s7  }
0x10: {  	[smem:$0x3FA6] =	sst s8  }
0x11: {  	[smem:$0x3FA7] =	sst s9;
	s0 =	simm.s32 @!p0 $0x0  }
0x12: {  	s1 =	sld [smem:$0x3F8D];
	s0 =	simm.s32 @p0 $0x1  }
0x13: {  	[smem:$0x3FA8] =	sst s0;
	s0 =	simm.s32 @!p1 $0x0  }
0x14: {  	s2 =	sld [smem:$0x3F8C];
	s0 =	simm.s32 @p1 $0x1  }
0x15: {  	[smem:$0x3FA9] =	sst s0;
	s0 =	simm.s32 @!p2 $0x0  }
0x16: {  	s3 =	sld [smem:$0x3FDB];
	s0 =	simm.s32 @p2 $0x1  }
0x17: {  	s4 =	simm.s32 $0x1BF5;
	[smem:$0x3FAB] =	sst s0  }
0x18: {  	s0 =	sld [smem:$0x3F8E];
	_ =	swait.ge [sflag:s4], $0x0  }
0x19: {  	s7 =	sld [smem:$0x3F8F]  }
0x1a: {  	s8 =	sadd.s32 $0xFFFFE003, lr  }
0x1b: {  	s9 =	sadd.s32 $0xFFFFFEF7, lr;
	s5 =	simm.s32 $0xFFFFFFFF;
	p2 =	slt.u32 s8, $0xFFFFF086  }
0x1c: {  	p1 =	slt.u32 s9, $0xF7A;
	s5 =	simm.s32 @!p2 $0x0  }
0x1d: {  	s5 =	simm.s32 @p1 $0x1;
	p0 =	seq.s32 s7, s2  }
0x1e: {  	s7 =	smul.u32 @!p0 $0xF7A, s2;
	p2 =	seq.s32 @!p0 s5, $0x0  }
0x1f: {  	s9 =	smul.u32 $0xF7A, s1;
	s8 =	simm.s32 @!p0 $0x1BF5;
	p2 =	por !p2, p0  }
0x20: {  	[sflag:s8] =	ssyncset.s32 @!p0 $0xFFFFF086;
	s6 =	sadd.s32 @!p0 s3, s7;
	s7 =	simm.s32 @!p0 $0x108  }
0x21: {  	s3 =	sadd.s32 s3, s9;
	s6 =	sadd.s32 @!p0 $0x88, s6;
	s7 =	simm.s32 @p2 $0x1082  }
0x22: {  	[simem:s7], [sflag:s8] =	dma.local @!p0 [hbm:s6], $0xF7A  }
0x23: {  	s9 =	sor.u32 $0xD0000000, s2;
	s6 =	simm.s32 $0x108;
	_ =	swait.ge @!p0 [sflag:s8], $0x0  }
0x24: {  	s3 =	sadd.s32 $0x88, s3;
	s6 =	simm.s32 @!p1 $0x1082;
	[sflag:s4] =	ssyncset.s32 $0xFFFFF086  }
0x25: {  	[simem:s6], [sflag:s4] =	dma.local [hbm:s3], $0xF7A  }
0x26: {  	[smem:$0x3F8F] =	sst s1;
	(tag) =	ssettag s2;
	_ =	strace s9  }
0x27: {  	s1 =	sld [smem:$0x3F9F]  }
0x28: {  	s2 =	sld [smem:$0x3FA0]  }
0x29: {  	s4 =	sld [smem:$0x3FA2]  }
0x2a: {  	p0 =	seq.s32 s5, $0x0;
	s5 =	sld [smem:$0x3FA3]  }
0x2b: {  	s6 =	sld [smem:$0x3FA4]  }
0x2c: {  	s7 =	sld [smem:$0x3FA5]  }
0x2d: {  	s3 =	simm.s32 $0x108;
	s8 =	sld [smem:$0x3FA6]  }
0x2e: {  	s3 =	simm.s32 @!p0 $0x1082;
	s9 =	sld [smem:$0x3FA7]  }
0x2f: {  	lr =	sadd.s32 s0, s3;
	s0 =	sld [smem:$0x3F9E]  }
0x30: {  	s3 =	sld [smem:$0x3FA1]  }
0x31: {  	[smem:$0x3FAA] =	sst s10  }
0x32: {  	s10 =	sld [smem:$0x3FA8];
	_ =	sdelay $0x3  }
0x33: {  	p0 =	seq.s32 s10, $0x1;
	s10 =	sld [smem:$0x3FAA];
	_ =	sdelay $0x3  }
0x34: {  	[smem:$0x3FAA] =	sst s10  }
0x35: {  	s10 =	sld [smem:$0x3FA9];
	_ =	sdelay $0x3  }
0x36: {  	p1 =	seq.s32 s10, $0x1;
	s10 =	sld [smem:$0x3FAA];
	_ =	sdelay $0x3  }
0x37: {  	[smem:$0x3FAA] =	sst s10  }
0x38: {  	s10 =	sld [smem:$0x3FAB]  }
0x39: {  	_ = 	snop;
	(pc) =	sbr.ind lr, $3  }
0x3a: {  	_ = 	snop  }
0x3b: {  	_ = 	snop  }
0x3c: {  	p2 =	seq.s32 s10, $0x1;
	s10 =	sld [smem:$0x3FAA]  }
0x3d: {  	_ =	shalt  }
0x3e: {  	_ =	shalt  }
0x3f: {  	_ =	shalt  }
0x40: {  	_ =	shalt  }
0x41: {  	_ =	shalt  }
0x42: {  	_ =	shalt  }
0x43: {  	_ =	shalt  }
0x44: {  	_ =	shalt  }
0x45: {  	_ =	shalt  }
0x46: {  	_ =	shalt  }
0x47: {  	_ =	shalt  }
0x48: {  	_ =	shalt  }
0x49: {  	_ =	shalt  }
0x4a: {  	_ =	shalt  }
0x4b: {  	_ =	shalt  }
0x4c: {  	_ =	shalt  }
0x4d: {  	_ =	shalt  }
0x4e: {  	_ =	shalt  }
0x4f: {  	_ =	shalt  }
0x50: {  	_ =	shalt  }
0x51: {  	_ =	shalt  }
0x52: {  	_ =	shalt  }
0x53: {  	_ =	shalt  }
0x54: {  	_ =	shalt  }
0x55: {  	_ =	shalt  }
0x56: {  	_ =	shalt  }
0x57: {  	_ =	shalt  }
0x58: {  	_ =	shalt  }
0x59: {  	_ =	shalt  }
0x5a: {  	_ =	shalt  }
0x5b: {  	_ =	shalt  }
0x5c: {  	_ =	shalt  }
0x5d: {  	_ =	shalt  }
0x5e: {  	_ =	shalt  }
0x5f: {  	_ =	shalt  }
0x60: {  	_ =	shalt  }
0x61: {  	_ =	shalt  }
0x62: {  	_ =	shalt  }
0x63: {  	_ =	shalt  }
0x64: {  	_ =	shalt  }
0x65: {  	_ =	shalt  }
0x66: {  	_ =	shalt  }
0x67: {  	_ =	shalt  }
0x68: {  	_ =	shalt  }
0x69: {  	_ =	shalt  }
0x6a: {  	_ =	shalt  }
0x6b: {  	_ =	shalt  }
0x6c: {  	_ =	shalt  }
0x6d: {  	_ =	shalt  }
0x6e: {  	_ =	shalt  }
0x6f: {  	_ =	shalt  }
0x70: {  	_ =	shalt  }
0x71: {  	_ =	shalt  }
0x72: {  	_ =	shalt  }
0x73: {  	_ =	shalt  }
0x74: {  	_ =	shalt  }
0x75: {  	_ =	shalt  }
0x76: {  	_ =	shalt  }
0x77: {  	_ =	shalt  }
0x78: {  	_ =	shalt  }
0x79: {  	_ =	shalt  }
0x7a: {  	_ =	shalt  }
0x7b: {  	_ =	shalt  }
0x7c: {  	_ =	shalt  }
0x7d: {  	_ =	shalt  }
0x7e: {  	_ =	shalt  }
0x7f: {  	_ =	shalt  }
0x80: {  	_ =	shalt  }
0x81: {  	_ =	shalt  }
0x82: {  	_ =	shalt  }
0x83: {  	_ =	shalt  }
0x84: {  	_ =	shalt  }
0x85: {  	_ =	shalt  }
0x86: {  	_ =	shalt  }
0x87: {  	_ =	shalt  }
.Lfunc_end0:
.L_simem_size_0:
called_computation.6_lowered:
.L_overlay_start_0:
0x88: {  	s2 =	sld [smem:$0x3FD9]  }
0x89: {  	s3 =	sld [smem:$0x3FFE];
	_ =	sdelay $0x1  }
0x8a: {  	s1 =	srdreg.scid  }
0x8b: {  	s0 =	sand.u32 $0x1, s1  }
0x8c: {  	s15 =	sshll.u32 s0, $0xA;
	s2 =	sadd.s32 s3, s2  }
0x8d: {  	s2 =	sadd.s32 s2, s15  }
0x8e: {  	[smem:$0x3FB6] =	sst s2  }
0x8f: {  	_ = 	snop  }
0x90: {  	s2 =	sld [smem:$0x3FD0];
	_ =	sdelay $0x2  }
0x91: {  	s16 =	simm.s32 $0xD;
	s4 =	simm.s32 $0x10  }
0x92: {  	[smem:s4], [sflag:s16] =	dma.local [hbm:s2], $0x1  }
0x93: {  	_ =	swait.eq [sflag:s16], $0x1  }
0x94: {  	[sflag:s16] =	ssyncset.done $0x0  }
0x95: {  	[sflag:s16] =	ssyncadd.s32 $0xFFFFFFFF  }
0x96: {  	s17 =	sld [smem:$0x10];
	(tm) =	ssettm $0x1  }
0x97: {  	s18 =	sld [smem:$0x3FFB];
	_ =	sdelay $0x3  }
0x98: {  	_ =	strace s18  }
0x99: {  	s2 =	sld [smem:$0x3FFC];
	_ =	sdelay $0x3  }
0x9a: {  	_ =	strace s2  }
0x9b: {  	s2 =	sld [smem:$0x3FFD];
	_ =	sdelay $0x3  }
0x9c: {  	_ =	strace s2  }
0x9d: {  	_ =	strace $0x8FFFFFFF  }
0x9e: {  	s19 =	sld [smem:$0x3FDB];
	_ =	sdelay $0x1  }
0x9f: {  	s20 =	simm.s32 $_scs_section_size  }
0xa0: {  	s5 =	simm.s32 $_size__tile_overlayer_lowered;
	s6 =	simm.s32 $_tile_overlayer_lowered  }
0xa1: {  	s7 =	simm.s32 $0x1BFF;
	s21 =	sshll.u32 s6, $0x1;
	s4 =	sadd.s32 s20, s19  }
0xa2: {  	s22 =	simm.s32 $0x0;
	s5 =	sshll.u32 s5, $0x1;
	s6 =	sadd.s32 s21, s4  }
0xa3: {  	[timem:s22], [sflag:s7] =	dma.local [hbm:s6], s5  }
0xa4: {  	_ =	swait.ge [sflag:s7], s5  }
0xa5: {  	s5 =	ssub.s32 $0x0, s5;
	[sflag:s7] =	ssyncset.done $0x0  }
0xa6: {  	[sflag:s7] =	ssyncadd.s32 s5;
	_ =	sdelay $0x1  }
0xa7: {  	s23 =	simm.s32 $0x1B8B  }
0xa8: {  	_ =	swait.ge [sflag:s23], $0x1  }
0xa9: {  	[sflag:s23] =	ssyncset.done $0x0  }
0xaa: {  	[sflag:s23] =	ssyncadd.s32 $0xFFFFFFFF  }
0xab: {  	s5 =	sld [smem:$0x0]  }
0xac: {  	s6 =	sand.u32 $0xFFFFFFFE, s1  }
0xad: {  	p0 =	sne.s32 s1, s6  }
0xae: {  	s6 =	sshll.u32 @p0 s6, $0xE  }
0xaf: {  	s6 =	sadd.s32 @p0 $0x11B8D, s6;
	s7 =	sshll.u32 @p0 s5, $0x11  }
0xb0: {  	s6 =	sor.u32 @p0 s7, s6  }
0xb1: {  	[sflag:s6] =	ssyncadd.remote.s32 @p0 $0x1;
	_ =	sdelay $0x1  }
0xb2: {  	s6 =	simm.s32 @p0 $0x1B8D  }
0xb3: {  	_ =	swait.eq @p0 [sflag:s6], $0x1  }
0xb4: {  	[sflag:s6] =	ssyncadd.s32 @p0 $0xFFFFFFFF  }
0xb5: {  	s7 =	sshll.u32 @!p0 s1, $0xE  }
0xb6: {  	s7 =	sor.u32 @!p0 $0x4000, s7;
	s6 =	simm.s32 @!p0 $0x1B8D  }
0xb7: {  	s5 =	sshll.u32 @!p0 s5, $0x11;
	s7 =	sadd.s32 @!p0 $0x11B8D, s7;
	_ =	swait.eq @!p0 [sflag:s6], $0x1  }
0xb8: {  	s5 =	sor.u32 @!p0 s5, s7;
	[sflag:s6] =	ssyncadd.s32 @!p0 $0xFFFFFFFF  }
0xb9: {  	s25 =	simm.s32 $0x1B8E;
	s24 =	sld [smem:$0x3FFE];
	[sflag:s5] =	ssyncadd.remote.s32 @!p0 $0x1  }
0xba: {  	s26 =	simm.s32 $execute0_lowered;
	[smem:$0x3FD2] =	sst s25  }
0xbb: {  	s6 =	sshll.u32 s26, $0x1;
	_ =	strace $0x80000055;
	[dreg:$0x1] =	wrdreg $0xFFFFFFFF  }
0xbc: {  	s28 =	simm.s32 $_size_execute0_lowered;
	s4 =	sadd.s32 s4, s6;
	[dreg:$0x0] =	wrdreg $0x0  }
0xbd: {  	s6 =	sshll.u32 s28, $0x1;
	[dreg:$0x2] =	wrdreg s4  }
0xbe: {  	[dreg:$0x3] =	wrdreg s6  }
0xbf: {  	[dreg:$0x4] =	wrdreg $0xC0  }
0xc0: {  	_ =	task [dreg:s22], $0x5FFFF  }
0xc1: {  	[dreg:$0x1] =	wrdreg $0xFFFFFFFF  }
0xc2: {  	[dreg:$0x0] =	wrdreg $0x60  }
0xc3: {  	[dreg:$0x2] =	wrdreg s17  }
0xc4: {  	[dreg:$0x3] =	wrdreg s24  }
0xc5: {  	[dreg:$0x4] =	wrdreg $0xB  }
0xc6: {  	_ =	task.clear_ibuf [dreg:s22], $0x5FFFF;
	_ =	strace $0x90000055  }
0xc7: {  	s29 =	simm.s32 $0xB;
	_ =	strace $0x80000057  }
0xc8: {  	_ =	swait.ge [sflag:s29], $0x1  }
0xc9: {  	[sflag:s29] =	ssyncadd.s32 $0xFFFFFFFF  }
0xca: {  	_ =	strace $0x90000057  }
0xcb: {  	_ =	sfence  }
0xcc: {  	s30 =	sld [smem:$0x0];
	_ =	sdelay $0x2  }
0xcd: {  	s31 =	sshll.u32 s1, $0xD;
	s1 =	sshrl.u32 s1, $0x2  }
0xce: {  	s4 =	sand.u32 $0x4000, s31;
	s1 =	sadd.s32 s1, s30  }
0xcf: {  	s0 =	sor.u32 s4, s0;
	s1 =	sshll.u32 s1, $0x11  }
0xd0: {  	s0 =	sor.u32 s1, s0  }
0xd1: {  	s0 =	sadd.s32 $0x8F2B, s0  }
0xd2: {  	[sflag:s0] =	ssyncadd.remote.s32 $0x1  }
0xd3: {  	_ =	sfence.sel $0xFFFF  }
0xd4: {  	[dreg:$0x0] =	wrdreg $0xFFFFFFFF;
	(pc) =	sbr.abs _section_cstart, $3  }
0xd5: {  	[dreg:$0x1] =	wrdreg $0xFFFFFFFF  }
0xd6: {  	_ =	task.clear_ibuf [dreg:s22], $0x2FFFF;
	_ =	strace $0x9FFFFFFF  }
0xd7: {  	(tm) =	ssettm $0x7FFFFFFF  }
tec
execute0_lowered:
.L_overlay_start_1:
0x0: {  	(tag) =	ssettag $0x1  }
0x1: {  	s1 =	rddreg [dreg:$0x0]  }
0x2: {  	s0 =	rddreg [dreg:$0x1];
	s3 =	simm.s32 $0x0;
	s2 =	srdreg.scid  }
0x3: {  	s6 =	stileid.u32;
	s9 =	simm.s32 $0x3;
	s11 =	simm.s32 $0x800  }
0x4: {  	s12 =	simm.s32 $0x1000;
	s13 =	simm.s32 $0x1800;
	s14 =	simm.s32 $0x2000  }
0x5: {  	s15 =	simm.s32 $0x2800;
	s16 =	simm.s32 $0x3000;
	s17 =	simm.s32 $0x3800  }
0x6: {  	s18 =	simm.s32 $0x4000;
	s19 =	simm.s32 $0x4800;
	s20 =	simm.s32 $0x5000  }
0x7: {  	s21 =	simm.s32 $0x5800;
	s22 =	simm.s32 $0x6000;
	s23 =	simm.s32 $0x6800  }
0x8: {  	s28 =	simm.s32 $0x8800;
	s10 =	simm.s32 $0x0;
	[smem:$0x7FF] =	sst s3  }
0x9: {  	s2 =	sand.u32 $0x1, s2;
	s4 =	sshll.u32 s6, $0x7;
	s31 =	sshll.u32 s6, $0xF  }
0xa: {  	s5 =	sshll.u32 s2, $0xB;
	s24 =	sshll.u32 s2, $0x13;
	s2 =	ssub.s32 $0x2, s2  }
0xb: {  	_ =	strace $0x80000056;
	s4 =	sor.u32 s4, s5;
	s25 =	sshrl.u32 s2, $0x1  }
0xc: {  	s4 =	sadd.s32 s4, s0;
	s0 =	sadd.s32 s24, s0;
	s2 =	ssub.s32 s2, s25  }
.Ltmp0:
0xd: {  	s24 =	simm.s32 $0x7000;
	s26 =	sadd.s32 $0x6D800, s4;
	(pc) =	sbr.rel .LBB2_1-.Ltmp0, $4  }
0xe: {  	s25 =	simm.s32 $0x7800;
	s4 =	sadd.s32 $0x6C800, s4;
	[dreg:$0x3] =	wrdreg s26  }
0xf: {  	v2 =	vlaneseq.u32;
	s2 =	smax.u32 s2, $0x1;
	s0 =	sadd.s32 s31, s0;
	[dreg:$0x4] =	wrdreg s4  }
0x10: {  	vm0 =	vmmov $0xffff;
	v1 =	vshrl.u32 v2, $0x3;
	[dreg:$0x5] =	wrdreg s2;
	s30 =	sadd.s32 $0x26F800, s0;
	s29 =	sadd.s32 $0x36F800, s0  }
0x11: {  	v0 =	vand.u32 $0x7, v2;
	v2 =	vor.u32 $0x8, v2;
	v1 =	vmul.u32 $0x8, v1;
	s26 =	simm.s32 $0x8000;
	s0 =	simm.s32 $0x1;
	s2 =	simm.s32 $0x2  }
.LBB2_5:
0x12: {  	s10 =	sadd.s32 $0x1, s10;
	s4 =	rddreg [dreg:$0x5]  }
0x13: {  	p0 =	sne.s32 s10, s4  }
.Ltmp1:
0x14: {  	_ = 	snop;
	(pc) =	sbr.rel @!p0 .LBB2_6-.Ltmp1, $1  }
0x15: {  	_ =	sdelay $0x3  }
.LBB2_1:
0x16: {  	s4 =	rddreg [dreg:$0x3]  }
0x17: {  	[tilespmem:s3], [sflag:$0x3] =	stream.linear.gather [hbm4b:s4+s3], $0x400, $0x38;
	[tilespmem:$0x10800] =	vst v63  }
0x18: {  	_ =	swait.ge [sflag:s9], $0x400  }
0x19: {  	[sflag:s9] =	ssyncset.done $0x0  }
0x1a: {  	s5 =	simm.s32 $0x400;
	s8 =	rddreg [dreg:$0x4];
	[sflag:s9] =	ssyncadd.s32 $0xFFFFFC00  }
0x1b: {  	[tilespmem:s5], [sflag:$0x3] =	stream.linear.gather [hbm4b:s8+s3], $0x400, $0x38;
	[tilespmem:$0x10800] =	vst v63  }
0x1c: {  	_ =	swait.ge [sflag:s9], $0x400  }
0x1d: {  	[sflag:s9] =	ssyncset.done $0x0  }
0x1e: {  	[sflag:s9] =	ssyncadd.s32 $0xFFFFFC00  }
0x1f: {  	v3 =	vld [tilespmem:$0x0];
	_ =	sdelay $0x4  }
0x20: {  	v4 =	vshll.u32 v3, $0x1  }
0x21: {  	v3 =	vand.u32 $0x7, v3;
	v4 =	vand.u32 $0xFFFFFFF0, v4  }
0x22: {  	v3 =	vor.u32 v3, v4  }
0x23: {  	v4 =	vperm.xlane v3, v0;
	_ =	sdelay $0x1  }
0x24: {  	v3 =	vperm.xlane v3, v2;
	v4 =	vadd.s32 v1, v4;
	_ =	sdelay $0x1  }
0x25: {  	v3 =	vadd.s32 v1, v3;
	_ =	sdelay $0x2  }
0x26: {  	[tilespmem:s11], [sflag:$0x1] =	stream.indirect_vreg.gather [hbm4b:s1+s3], $0x80, v4, vm0, $0xb8;
	[tilespmem:$0x10800] =	vst v63  }
0x27: {  	_ = 	snop  }
0x28: {  	[tilespmem:s12], [sflag:$0x1] =	stream.indirect_vreg.gather [hbm4b:s1+s3], $0x80, v3, vm0, $0xb8;
	[tilespmem:$0x10800] =	vst v63  }
0x29: {  	v3 =	vld [tilespmem:$0x10];
	_ =	sdelay $0x4  }
0x2a: {  	v49 =	vshll.u32 v3, $0x1  }
0x2b: {  	v3 =	vand.u32 $0x7, v3;
	v4 =	vand.u32 $0xFFFFFFF0, v49  }
0x2c: {  	v3 =	vor.u32 v3, v4  }
0x2d: {  	v4 =	vperm.xlane v3, v0;
	_ =	sdelay $0x1  }
0x2e: {  	v3 =	vperm.xlane v3, v2;
	v4 =	vadd.s32 v1, v4;
	_ =	sdelay $0x1  }
0x2f: {  	v3 =	vadd.s32 v1, v3;
	_ =	sdelay $0x2  }
0x30: {  	[tilespmem:s13], [sflag:$0x1] =	stream.indirect_vreg.gather [hbm4b:s1+s3], $0x80, v4, vm0, $0xb8;
	[tilespmem:$0x10800] =	vst v63  }
0x31: {  	_ = 	snop  }
0x32: {  	[tilespmem:s14], [sflag:$0x1] =	stream.indirect_vreg.gather [hbm4b:s1+s3], $0x80, v3, vm0, $0xb8;
	[tilespmem:$0x10800] =	vst v63  }
0x33: {  	v3 =	vld [tilespmem:$0x20];
	_ =	sdelay $0x4  }
0x34: {  	v50 =	vshll.u32 v3, $0x1  }
0x35: {  	v3 =	vand.u32 $0x7, v3;
	v4 =	vand.u32 $0xFFFFFFF0, v50  }
0x36: {  	v3 =	vor.u32 v3, v4  }
0x37: {  	v4 =	vperm.xlane v3, v0;
	_ =	sdelay $0x1  }
0x38: {  	v3 =	vperm.xlane v3, v2;
	v4 =	vadd.s32 v1, v4;
	_ =	sdelay $0x1  }
0x39: {  	v3 =	vadd.s32 v1, v3;
	_ =	sdelay $0x2  }
0x3a: {  	[tilespmem:s15], [sflag:$0x1] =	stream.indirect_vreg.gather [hbm4b:s1+s3], $0x80, v4, vm0, $0xb8;
	[tilespmem:$0x10800] =	vst v63  }
0x3b: {  	_ = 	snop  }
0x3c: {  	[tilespmem:s16], [sflag:$0x1] =	stream.indirect_vreg.gather [hbm4b:s1+s3], $0x80, v3, vm0, $0xb8;
	[tilespmem:$0x10800] =	vst v63  }
0x3d: {  	v3 =	vld [tilespmem:$0x30];
	_ =	sdelay $0x4  }
0x3e: {  	v51 =	vshll.u32 v3, $0x1  }
0x3f: {  	v3 =	vand.u32 $0x7, v3;
	v4 =	vand.u32 $0xFFFFFFF0, v51  }
0x40: {  	v3 =	vor.u32 v3, v4  }
0x41: {  	v4 =	vperm.xlane v3, v0;
	_ =	sdelay $0x1  }
0x42: {  	v3 =	vperm.xlane v3, v2;
	v4 =	vadd.s32 v1, v4;
	_ =	sdelay $0x1  }
0x43: {  	v3 =	vadd.s32 v1, v3;
	_ =	sdelay $0x2  }
0x44: {  	[tilespmem:s17], [sflag:$0x1] =	stream.indirect_vreg.gather [hbm4b:s1+s3], $0x80, v4, vm0, $0xb8;
	[tilespmem:$0x10800] =	vst v63  }
0x45: {  	_ = 	snop  }
0x46: {  	[tilespmem:s18], [sflag:$0x1] =	stream.indirect_vreg.gather [hbm4b:s1+s3], $0x80, v3, vm0, $0xb8;
	[tilespmem:$0x10800] =	vst v63  }
0x47: {  	v3 =	vld [tilespmem:$0x40];
	_ =	sdelay $0x4  }
0x48: {  	v52 =	vshll.u32 v3, $0x1  }
0x49: {  	v3 =	vand.u32 $0x7, v3;
	v4 =	vand.u32 $0xFFFFFFF0, v52  }
0x4a: {  	v3 =	vor.u32 v3, v4  }
0x4b: {  	v4 =	vperm.xlane v3, v0;
	_ =	sdelay $0x1  }
0x4c: {  	v3 =	vperm.xlane v3, v2;
	v4 =	vadd.s32 v1, v4;
	_ =	sdelay $0x1  }
0x4d: {  	v3 =	vadd.s32 v1, v3;
	_ =	sdelay $0x2  }
0x4e: {  	[tilespmem:s19], [sflag:$0x1] =	stream.indirect_vreg.gather [hbm4b:s1+s3], $0x80, v4, vm0, $0xb8;
	[tilespmem:$0x10800] =	vst v63  }
0x4f: {  	_ = 	snop  }
0x50: {  	[tilespmem:s20], [sflag:$0x1] =	stream.indirect_vreg.gather [hbm4b:s1+s3], $0x80, v3, vm0, $0xb8;
	[tilespmem:$0x10800] =	vst v63  }
0x51: {  	v3 =	vld [tilespmem:$0x50];
	_ =	sdelay $0x4  }
0x52: {  	v53 =	vshll.u32 v3, $0x1  }
0x53: {  	v3 =	vand.u32 $0x7, v3;
	v4 =	vand.u32 $0xFFFFFFF0, v53  }
0x54: {  	v3 =	vor.u32 v3, v4  }
0x55: {  	v4 =	vperm.xlane v3, v0;
	_ =	sdelay $0x1  }
0x56: {  	v3 =	vperm.xlane v3, v2;
	v4 =	vadd.s32 v1, v4;
	_ =	sdelay $0x1  }
0x57: {  	v3 =	vadd.s32 v1, v3;
	_ =	sdelay $0x2  }
0x58: {  	[tilespmem:s21], [sflag:$0x1] =	stream.indirect_vreg.gather [hbm4b:s1+s3], $0x80, v4, vm0, $0xb8;
	[tilespmem:$0x10800] =	vst v63  }
0x59: {  	_ = 	snop  }
0x5a: {  	[tilespmem:s22], [sflag:$0x1] =	stream.indirect_vreg.gather [hbm4b:s1+s3], $0x80, v3, vm0, $0xb8;
	[tilespmem:$0x10800] =	vst v63  }
0x5b: {  	v3 =	vld [tilespmem:$0x60];
	_ =	sdelay $0x4  }
0x5c: {  	v54 =	vshll.u32 v3, $0x1  }
0x5d: {  	v3 =	vand.u32 $0x7, v3;
	v4 =	vand.u32 $0xFFFFFFF0, v54  }
0x5e: {  	v3 =	vor.u32 v3, v4  }
0x5f: {  	v4 =	vperm.xlane v3, v0;
	_ =	sdelay $0x1  }
0x60: {  	v3 =	vperm.xlane v3, v2;
	v4 =	vadd.s32 v1, v4;
	_ =	sdelay $0x1  }
0x61: {  	v3 =	vadd.s32 v1, v3;
	_ =	sdelay $0x2  }
0x62: {  	[tilespmem:s23], [sflag:$0x1] =	stream.indirect_vreg.gather [hbm4b:s1+s3], $0x80, v4, vm0, $0xb8;
	[tilespmem:$0x10800] =	vst v63  }
0x63: {  	_ = 	snop  }
0x64: {  	[tilespmem:s24], [sflag:$0x1] =	stream.indirect_vreg.gather [hbm4b:s1+s3], $0x80, v3, vm0, $0xb8;
	[tilespmem:$0x10800] =	vst v63  }
0x65: {  	v3 =	vld [tilespmem:$0x70];
	_ =	sdelay $0x4  }
0x66: {  	v55 =	vshll.u32 v3, $0x1  }
0x67: {  	v3 =	vand.u32 $0x7, v3;
	v4 =	vand.u32 $0xFFFFFFF0, v55  }
0x68: {  	v3 =	vor.u32 v3, v4  }
0x69: {  	v4 =	vperm.xlane v3, v0;
	_ =	sdelay $0x1  }
0x6a: {  	v3 =	vperm.xlane v3, v2;
	v4 =	vadd.s32 v1, v4;
	_ =	sdelay $0x1  }
0x6b: {  	v3 =	vadd.s32 v1, v3;
	_ =	sdelay $0x2  }
0x6c: {  	[tilespmem:s25], [sflag:$0x1] =	stream.indirect_vreg.gather [hbm4b:s1+s3], $0x80, v4, vm0, $0xb8;
	[tilespmem:$0x10800] =	vst v63  }
0x6d: {  	_ = 	snop  }
0x6e: {  	[tilespmem:s26], [sflag:$0x1] =	stream.indirect_vreg.gather [hbm4b:s1+s3], $0x80, v3, vm0, $0xb8;
	[tilespmem:$0x10800] =	vst v63  }
0x6f: {  	v3 =	vld [tilespmem:$0x400];
	_ =	sdelay $0x4  }
0x70: {  	v56 =	vshll.u32 v3, $0x1  }
0x71: {  	v3 =	vand.u32 $0x7, v3;
	v4 =	vand.u32 $0xFFFFFFF0, v56  }
0x72: {  	v3 =	vor.u32 v3, v4  }
0x73: {  	v4 =	vperm.xlane v3, v0;
	_ =	sdelay $0x1  }
0x74: {  	v3 =	vperm.xlane v3, v2;
	v4 =	vadd.s32 v1, v4;
	_ =	sdelay $0x1  }
0x75: {  	v3 =	vadd.s32 v1, v3;
	_ =	sdelay $0x2  }
0x76: {  	[tilespmem:s28], [sflag:$0x2] =	stream.indirect_vreg.gather [hbm4b:s1+s3], $0x80, v4, vm0, $0xb8;
	[tilespmem:$0x10800] =	vst v63  }
0x77: {  	s6 =	simm.s32 $0x9000  }
0x78: {  	[tilespmem:s6], [sflag:$0x2] =	stream.indirect_vreg.gather [hbm4b:s1+s3], $0x80, v3, vm0, $0xb8;
	[tilespmem:$0x10800] =	vst v63  }
0x79: {  	v3 =	vld [tilespmem:$0x410];
	_ =	sdelay $0x4  }
0x7a: {  	v57 =	vshll.u32 v3, $0x1  }
0x7b: {  	v3 =	vand.u32 $0x7, v3;
	v4 =	vand.u32 $0xFFFFFFF0, v57  }
0x7c: {  	v3 =	vor.u32 v3, v4  }
0x7d: {  	v4 =	vperm.xlane v3, v0;
	_ =	sdelay $0x1  }
0x7e: {  	v3 =	vperm.xlane v3, v2;
	v4 =	vadd.s32 v1, v4;
	_ =	sdelay $0x1  }
0x7f: {  	v3 =	vadd.s32 v1, v3;
	_ =	sdelay $0x1  }
0x80: {  	s7 =	simm.s32 $0x9800  }
0x81: {  	[tilespmem:s7], [sflag:$0x2] =	stream.indirect_vreg.gather [hbm4b:s1+s3], $0x80, v4, vm0, $0xb8;
	[tilespmem:$0x10800] =	vst v63  }
0x82: {  	s8 =	simm.s32 $0xA000  }
0x83: {  	[tilespmem:s8], [sflag:$0x2] =	stream.indirect_vreg.gather [hbm4b:s1+s3], $0x80, v3, vm0, $0xb8;
	[tilespmem:$0x10800] =	vst v63  }
0x84: {  	v3 =	vld [tilespmem:$0x420];
	_ =	sdelay $0x4  }
0x85: {  	v58 =	vshll.u32 v3, $0x1  }
0x86: {  	v3 =	vand.u32 $0x7, v3;
	v4 =	vand.u32 $0xFFFFFFF0, v58  }
0x87: {  	v3 =	vor.u32 v3, v4  }
0x88: {  	v4 =	vperm.xlane v3, v0;
	_ =	sdelay $0x1  }
0x89: {  	v3 =	vperm.xlane v3, v2;
	v4 =	vadd.s32 v1, v4;
	_ =	sdelay $0x1  }
0x8a: {  	v3 =	vadd.s32 v1, v3;
	_ =	sdelay $0x1  }
0x8b: {  	s5 =	simm.s32 $0xA800  }
0x8c: {  	[tilespmem:s5], [sflag:$0x2] =	stream.indirect_vreg.gather [hbm4b:s1+s3], $0x80, v4, vm0, $0xb8;
	[tilespmem:$0x10800] =	vst v63  }
0x8d: {  	s6 =	simm.s32 $0xB000  }
0x8e: {  	[tilespmem:s6], [sflag:$0x2] =	stream.indirect_vreg.gather [hbm4b:s1+s3], $0x80, v3, vm0, $0xb8;
	[tilespmem:$0x10800] =	vst v63  }
0x8f: {  	v3 =	vld [tilespmem:$0x430];
	_ =	sdelay $0x4  }
0x90: {  	v59 =	vshll.u32 v3, $0x1  }
0x91: {  	v3 =	vand.u32 $0x7, v3;
	v4 =	vand.u32 $0xFFFFFFF0, v59  }
0x92: {  	v3 =	vor.u32 v3, v4  }
0x93: {  	v4 =	vperm.xlane v3, v0;
	_ =	sdelay $0x1  }
0x94: {  	v3 =	vperm.xlane v3, v2;
	v4 =	vadd.s32 v1, v4;
	_ =	sdelay $0x1  }
0x95: {  	v3 =	vadd.s32 v1, v3;
	_ =	sdelay $0x1  }
0x96: {  	s7 =	simm.s32 $0xB800  }
0x97: {  	[tilespmem:s7], [sflag:$0x2] =	stream.indirect_vreg.gather [hbm4b:s1+s3], $0x80, v4, vm0, $0xb8;
	[tilespmem:$0x10800] =	vst v63  }
0x98: {  	s8 =	simm.s32 $0xC000  }
0x99: {  	[tilespmem:s8], [sflag:$0x2] =	stream.indirect_vreg.gather [hbm4b:s1+s3], $0x80, v3, vm0, $0xb8;
	[tilespmem:$0x10800] =	vst v63  }
0x9a: {  	v3 =	vld [tilespmem:$0x440];
	_ =	sdelay $0x4  }
0x9b: {  	v60 =	vshll.u32 v3, $0x1  }
0x9c: {  	v3 =	vand.u32 $0x7, v3;
	v4 =	vand.u32 $0xFFFFFFF0, v60  }
0x9d: {  	v3 =	vor.u32 v3, v4  }
0x9e: {  	v4 =	vperm.xlane v3, v0;
	_ =	sdelay $0x1  }
0x9f: {  	v3 =	vperm.xlane v3, v2;
	v4 =	vadd.s32 v1, v4;
	_ =	sdelay $0x1  }
0xa0: {  	v3 =	vadd.s32 v1, v3;
	_ =	sdelay $0x1  }
0xa1: {  	s5 =	simm.s32 $0xC800  }
0xa2: {  	[tilespmem:s5], [sflag:$0x2] =	stream.indirect_vreg.gather [hbm4b:s1+s3], $0x80, v4, vm0, $0xb8;
	[tilespmem:$0x10800] =	vst v63  }
0xa3: {  	s6 =	simm.s32 $0xD000  }
0xa4: {  	[tilespmem:s6], [sflag:$0x2] =	stream.indirect_vreg.gather [hbm4b:s1+s3], $0x80, v3, vm0, $0xb8;
	[tilespmem:$0x10800] =	vst v63  }
0xa5: {  	v3 =	vld [tilespmem:$0x450];
	_ =	sdelay $0x4  }
0xa6: {  	v61 =	vshll.u32 v3, $0x1  }
0xa7: {  	v3 =	vand.u32 $0x7, v3;
	v4 =	vand.u32 $0xFFFFFFF0, v61  }
0xa8: {  	v3 =	vor.u32 v3, v4  }
0xa9: {  	v4 =	vperm.xlane v3, v0;
	_ =	sdelay $0x1  }
0xaa: {  	v3 =	vperm.xlane v3, v2;
	v4 =	vadd.s32 v1, v4;
	_ =	sdelay $0x1  }
0xab: {  	v3 =	vadd.s32 v1, v3;
	_ =	sdelay $0x1  }
0xac: {  	s7 =	simm.s32 $0xD800  }
0xad: {  	[tilespmem:s7], [sflag:$0x2] =	stream.indirect_vreg.gather [hbm4b:s1+s3], $0x80, v4, vm0, $0xb8;
	[tilespmem:$0x10800] =	vst v63  }
0xae: {  	s8 =	simm.s32 $0xE000  }
0xaf: {  	[tilespmem:s8], [sflag:$0x2] =	stream.indirect_vreg.gather [hbm4b:s1+s3], $0x80, v3, vm0, $0xb8;
	[tilespmem:$0x10800] =	vst v63  }
0xb0: {  	v3 =	vld [tilespmem:$0x460];
	_ =	sdelay $0x4  }
0xb1: {  	v62 =	vshll.u32 v3, $0x1  }
0xb2: {  	v3 =	vand.u32 $0x7, v3;
	v4 =	vand.u32 $0xFFFFFFF0, v62  }
0xb3: {  	v3 =	vor.u32 v3, v4  }
0xb4: {  	v4 =	vperm.xlane v3, v0;
	_ =	sdelay $0x1  }
0xb5: {  	v3 =	vperm.xlane v3, v2;
	v4 =	vadd.s32 v1, v4;
	_ =	sdelay $0x1  }
0xb6: {  	v3 =	vadd.s32 v1, v3;
	_ =	sdelay $0x1  }
0xb7: {  	s5 =	simm.s32 $0xE800  }
0xb8: {  	[tilespmem:s5], [sflag:$0x2] =	stream.indirect_vreg.gather [hbm4b:s1+s3], $0x80, v4, vm0, $0xb8;
	[tilespmem:$0x10800] =	vst v63  }
0xb9: {  	s6 =	simm.s32 $0xF000  }
0xba: {  	[tilespmem:s6], [sflag:$0x2] =	stream.indirect_vreg.gather [hbm4b:s1+s3], $0x80, v3, vm0, $0xb8;
	[tilespmem:$0x10800] =	vst v63  }
0xbb: {  	v3 =	vld [tilespmem:$0x470];
	_ =	sdelay $0x4  }
0xbc: {  	v63 =	vshll.u32 v3, $0x1  }
0xbd: {  	v3 =	vand.u32 $0x7, v3;
	v4 =	vand.u32 $0xFFFFFFF0, v63  }
0xbe: {  	v3 =	vor.u32 v3, v4  }
0xbf: {  	v4 =	vperm.xlane v3, v0;
	_ =	sdelay $0x1  }
0xc0: {  	v3 =	vperm.xlane v3, v2;
	v4 =	vadd.s32 v1, v4;
	_ =	sdelay $0x1  }
0xc1: {  	v3 =	vadd.s32 v1, v3;
	_ =	sdelay $0x1  }
.Ltmp2:
0xc2: {  	s7 =	simm.s32 $0xF800;
	(pc) =	sbr.rel .LBB2_2-.Ltmp2, $4  }
0xc3: {  	[tilespmem:s7], [sflag:$0x2] =	stream.indirect_vreg.gather [hbm4b:s1+s3], $0x80, v4, vm0, $0xb8;
	[tilespmem:$0x10800] =	vst v63  }
0xc4: {  	s8 =	simm.s32 $0x10000  }
0xc5: {  	[tilespmem:s8], [sflag:$0x2] =	stream.indirect_vreg.gather [hbm4b:s1+s3], $0x80, v3, vm0, $0xb8;
	[tilespmem:$0x10800] =	vst v63  }
0xc6: {  	s31 =	simm.s32 $0x0;
	s7 =	smov.u32 s30;
	s8 =	smov.u32 s29  }
.LBB2_4:
0xc7: {  	_ =	swait.ge [sflag:s2], $0x8000  }
0xc8: {  	[sflag:s2] =	ssyncset.done $0x0  }
0xc9: {  	[sflag:s2] =	ssyncadd.s32 $0xFFFF8000  }
0xca: {  	[hbm4b:s8+s3] =	stream.linear.scatter [tilespmem:s28], [sflag:$0x3], $0x8000, $0x38;
	[tilespmem:$0x10800] =	vst v63  }
0xcb: {  	_ =	swait.ge [sflag:s9], $0x8000  }
0xcc: {  	[sflag:s9] =	ssyncset.done $0x0  }
0xcd: {  	s4 =	sshra.s32 @!p0 s31, $0x2;
	[sflag:s9] =	ssyncadd.s32 $0xFFFF8000  }
0xce: {  	v3 =	vld @!p0 [tilespmem:s4+$0x480];
	_ =	sdelay $0x4  }
0xcf: {  	v4 =	vshll.u32 @!p0 v3, $0x1  }
0xd0: {  	v5 =	vlaneseq.u32 @!p0;
	v3 =	vand.u32 @!p0 $0x7, v3;
	v4 =	vand.u32 @!p0 $0xFFFFFFF0, v4  }
0xd1: {  	v6 =	vshrl.u32 @!p0 v5, $0x3;
	v3 =	vor.u32 @!p0 v3, v4;
	v4 =	vand.u32 @!p0 $0x7, v5  }
0xd2: {  	v6 =	vmul.u32 @!p0 $0x8, v6;
	v7 =	vperm.xlane @!p0 v3, v4  }
0xd3: {  	v5 =	vor.u32 @!p0 $0x8, v5  }
0xd4: {  	v3 =	vperm.xlane @!p0 v3, v5;
	v7 =	vadd.s32 @!p0 v6, v7;
	_ =	sdelay $0x1  }
0xd5: {  	v3 =	vadd.s32 @!p0 v6, v3;
	_ =	sdelay $0x1  }
0xd6: {  	vm1 =	vmmov @!p0 $0xffff;
	s5 =	simm.s32 @!p0 $0x0;
	s6 =	simm.s32 @!p0 $0x8800  }
0xd7: {  	[tilespmem:s6], [sflag:$0x2] =	stream.indirect_vreg.gather @!p0 [hbm4b:s1+s5], $0x80, v7, vm1, $0xb8;
	[tilespmem:$0x10800] =	vst v63  }
0xd8: {  	s6 =	simm.s32 @!p0 $0x9000  }
0xd9: {  	[tilespmem:s6], [sflag:$0x2] =	stream.indirect_vreg.gather @!p0 [hbm4b:s1+s5], $0x80, v3, vm1, $0xb8;
	[tilespmem:$0x10800] =	vst v63  }
0xda: {  	v3 =	vld @!p0 [tilespmem:s4+$0x490];
	_ =	sdelay $0x4  }
0xdb: {  	v7 =	vshll.u32 @!p0 v3, $0x1  }
0xdc: {  	v3 =	vand.u32 @!p0 $0x7, v3;
	v7 =	vand.u32 @!p0 $0xFFFFFFF0, v7  }
0xdd: {  	v3 =	vor.u32 @!p0 v3, v7  }
0xde: {  	v7 =	vperm.xlane @!p0 v3, v4;
	_ =	sdelay $0x1  }
0xdf: {  	v3 =	vperm.xlane @!p0 v3, v5;
	v7 =	vadd.s32 @!p0 v6, v7;
	_ =	sdelay $0x1  }
0xe0: {  	v3 =	vadd.s32 @!p0 v6, v3;
	_ =	sdelay $0x1  }
0xe1: {  	s6 =	simm.s32 @!p0 $0x9800  }
0xe2: {  	[tilespmem:s6], [sflag:$0x2] =	stream.indirect_vreg.gather @!p0 [hbm4b:s1+s5], $0x80, v7, vm1, $0xb8;
	[tilespmem:$0x10800] =	vst v63  }
0xe3: {  	s6 =	simm.s32 @!p0 $0xA000  }
0xe4: {  	[tilespmem:s6], [sflag:$0x2] =	stream.indirect_vreg.gather @!p0 [hbm4b:s1+s5], $0x80, v3, vm1, $0xb8;
	[tilespmem:$0x10800] =	vst v63  }
0xe5: {  	v3 =	vld @!p0 [tilespmem:s4+$0x4A0];
	_ =	sdelay $0x4  }
0xe6: {  	v7 =	vshll.u32 @!p0 v3, $0x1  }
0xe7: {  	v3 =	vand.u32 @!p0 $0x7, v3;
	v7 =	vand.u32 @!p0 $0xFFFFFFF0, v7  }
0xe8: {  	v3 =	vor.u32 @!p0 v3, v7  }
0xe9: {  	v7 =	vperm.xlane @!p0 v3, v4;
	_ =	sdelay $0x1  }
0xea: {  	v3 =	vperm.xlane @!p0 v3, v5;
	v7 =	vadd.s32 @!p0 v6, v7;
	_ =	sdelay $0x1  }
0xeb: {  	v3 =	vadd.s32 @!p0 v6, v3;
	_ =	sdelay $0x1  }
0xec: {  	s6 =	simm.s32 @!p0 $0xA800  }
0xed: {  	[tilespmem:s6], [sflag:$0x2] =	stream.indirect_vreg.gather @!p0 [hbm4b:s1+s5], $0x80, v7, vm1, $0xb8;
	[tilespmem:$0x10800] =	vst v63  }
0xee: {  	s6 =	simm.s32 @!p0 $0xB000  }
0xef: {  	[tilespmem:s6], [sflag:$0x2] =	stream.indirect_vreg.gather @!p0 [hbm4b:s1+s5], $0x80, v3, vm1, $0xb8;
	[tilespmem:$0x10800] =	vst v63  }
0xf0: {  	v3 =	vld @!p0 [tilespmem:s4+$0x4B0];
	_ =	sdelay $0x4  }
0xf1: {  	v7 =	vshll.u32 @!p0 v3, $0x1  }
0xf2: {  	v3 =	vand.u32 @!p0 $0x7, v3;
	v7 =	vand.u32 @!p0 $0xFFFFFFF0, v7  }
0xf3: {  	v3 =	vor.u32 @!p0 v3, v7  }
0xf4: {  	v7 =	vperm.xlane @!p0 v3, v4;
	_ =	sdelay $0x1  }
0xf5: {  	v3 =	vperm.xlane @!p0 v3, v5;
	v7 =	vadd.s32 @!p0 v6, v7;
	_ =	sdelay $0x1  }
0xf6: {  	v3 =	vadd.s32 @!p0 v6, v3;
	_ =	sdelay $0x1  }
0xf7: {  	s6 =	simm.s32 @!p0 $0xB800  }
0xf8: {  	[tilespmem:s6], [sflag:$0x2] =	stream.indirect_vreg.gather @!p0 [hbm4b:s1+s5], $0x80, v7, vm1, $0xb8;
	[tilespmem:$0x10800] =	vst v63  }
0xf9: {  	s6 =	simm.s32 @!p0 $0xC000  }
0xfa: {  	[tilespmem:s6], [sflag:$0x2] =	stream.indirect_vreg.gather @!p0 [hbm4b:s1+s5], $0x80, v3, vm1, $0xb8;
	[tilespmem:$0x10800] =	vst v63  }
0xfb: {  	v3 =	vld @!p0 [tilespmem:s4+$0x4C0];
	_ =	sdelay $0x4  }
0xfc: {  	v7 =	vshll.u32 @!p0 v3, $0x1  }
0xfd: {  	v3 =	vand.u32 @!p0 $0x7, v3;
	v7 =	vand.u32 @!p0 $0xFFFFFFF0, v7  }
0xfe: {  	v3 =	vor.u32 @!p0 v3, v7  }
0xff: {  	v7 =	vperm.xlane @!p0 v3, v4;
	_ =	sdelay $0x1  }
0x100: {  	v3 =	vperm.xlane @!p0 v3, v5;
	v7 =	vadd.s32 @!p0 v6, v7;
	_ =	sdelay $0x1  }
0x101: {  	v3 =	vadd.s32 @!p0 v6, v3;
	_ =	sdelay $0x1  }
0x102: {  	s6 =	simm.s32 @!p0 $0xC800  }
0x103: {  	[tilespmem:s6], [sflag:$0x2] =	stream.indirect_vreg.gather @!p0 [hbm4b:s1+s5], $0x80, v7, vm1, $0xb8;
	[tilespmem:$0x10800] =	vst v63  }
0x104: {  	s6 =	simm.s32 @!p0 $0xD000  }
0x105: {  	[tilespmem:s6], [sflag:$0x2] =	stream.indirect_vreg.gather @!p0 [hbm4b:s1+s5], $0x80, v3, vm1, $0xb8;
	[tilespmem:$0x10800] =	vst v63  }
0x106: {  	v3 =	vld @!p0 [tilespmem:s4+$0x4D0];
	_ =	sdelay $0x4  }
0x107: {  	v7 =	vshll.u32 @!p0 v3, $0x1  }
0x108: {  	v3 =	vand.u32 @!p0 $0x7, v3;
	v7 =	vand.u32 @!p0 $0xFFFFFFF0, v7  }
0x109: {  	v3 =	vor.u32 @!p0 v3, v7  }
0x10a: {  	v7 =	vperm.xlane @!p0 v3, v4;
	_ =	sdelay $0x1  }
0x10b: {  	v3 =	vperm.xlane @!p0 v3, v5;
	v7 =	vadd.s32 @!p0 v6, v7;
	_ =	sdelay $0x1  }
0x10c: {  	v3 =	vadd.s32 @!p0 v6, v3;
	_ =	sdelay $0x1  }
0x10d: {  	s6 =	simm.s32 @!p0 $0xD800  }
0x10e: {  	[tilespmem:s6], [sflag:$0x2] =	stream.indirect_vreg.gather @!p0 [hbm4b:s1+s5], $0x80, v7, vm1, $0xb8;
	[tilespmem:$0x10800] =	vst v63  }
0x10f: {  	s6 =	simm.s32 @!p0 $0xE000  }
0x110: {  	[tilespmem:s6], [sflag:$0x2] =	stream.indirect_vreg.gather @!p0 [hbm4b:s1+s5], $0x80, v3, vm1, $0xb8;
	[tilespmem:$0x10800] =	vst v63  }
0x111: {  	v3 =	vld @!p0 [tilespmem:s4+$0x4E0];
	_ =	sdelay $0x4  }
0x112: {  	v7 =	vshll.u32 @!p0 v3, $0x1  }
0x113: {  	v3 =	vand.u32 @!p0 $0x7, v3;
	v7 =	vand.u32 @!p0 $0xFFFFFFF0, v7  }
0x114: {  	v3 =	vor.u32 @!p0 v3, v7  }
0x115: {  	v7 =	vperm.xlane @!p0 v3, v4;
	_ =	sdelay $0x1  }
0x116: {  	v3 =	vperm.xlane @!p0 v3, v5;
	v7 =	vadd.s32 @!p0 v6, v7;
	_ =	sdelay $0x1  }
0x117: {  	v3 =	vadd.s32 @!p0 v6, v3;
	_ =	sdelay $0x1  }
0x118: {  	s6 =	simm.s32 @!p0 $0xE800  }
0x119: {  	[tilespmem:s6], [sflag:$0x2] =	stream.indirect_vreg.gather @!p0 [hbm4b:s1+s5], $0x80, v7, vm1, $0xb8;
	[tilespmem:$0x10800] =	vst v63  }
0x11a: {  	s6 =	simm.s32 @!p0 $0xF000  }
0x11b: {  	[tilespmem:s6], [sflag:$0x2] =	stream.indirect_vreg.gather @!p0 [hbm4b:s1+s5], $0x80, v3, vm1, $0xb8;
	[tilespmem:$0x10800] =	vst v63  }
0x11c: {  	v3 =	vld @!p0 [tilespmem:s4+$0x4F0];
	_ =	sdelay $0x4  }
0x11d: {  	v7 =	vshll.u32 @!p0 v3, $0x1  }
0x11e: {  	v3 =	vand.u32 @!p0 $0x7, v3;
	v7 =	vand.u32 @!p0 $0xFFFFFFF0, v7  }
0x11f: {  	v3 =	vor.u32 @!p0 v3, v7  }
0x120: {  	v4 =	vperm.xlane @!p0 v3, v4;
	_ =	sdelay $0x1  }
0x121: {  	s31 =	sadd.s32 @!p0 $0x200, s31;
	v3 =	vperm.xlane @!p0 v3, v5;
	v4 =	vadd.s32 @!p0 v6, v4  }
0x122: {  	p1 =	sne.s32 @!p0 s31, $0x1000  }
0x123: {  	p1 =	por p0, !p1;
	v3 =	vadd.s32 @!p0 v6, v3  }
.Ltmp3:
0x124: {  	_ = 	snop;
	(pc) =	sbr.rel @p1 .LBB2_5-.Ltmp3, $4  }
0x125: {  	s4 =	simm.s32 @!p0 $0xF800  }
0x126: {  	[tilespmem:s4], [sflag:$0x2] =	stream.indirect_vreg.gather @!p0 [hbm4b:s1+s5], $0x80, v4, vm1, $0xb8;
	[tilespmem:$0x10800] =	vst v63  }
0x127: {  	s7 =	sadd.s32 @!p0 $0x1000, s7;
	s8 =	sadd.s32 @!p0 $0x1000, s8;
	s4 =	simm.s32 @!p0 $0x10000  }
0x128: {  	[tilespmem:s4], [sflag:$0x2] =	stream.indirect_vreg.gather @!p0 [hbm4b:s1+s5], $0x80, v3, vm1, $0xb8;
	[tilespmem:$0x10800] =	vst v63  }
.LBB2_2:
0x129: {  	_ =	swait.ge [sflag:s0], $0x8000  }
0x12a: {  	p0 =	seq.s32 s31, $0xE00;
	[sflag:s0] =	ssyncset.done $0x0  }
.Ltmp4:
0x12b: {  	[sflag:s0] =	ssyncadd.s32 $0xFFFF8000;
	(pc) =	sbr.rel @p0 .LBB2_4-.Ltmp4, $4  }
0x12c: {  	[hbm4b:s7+s3] =	stream.linear.scatter [tilespmem:s11], [sflag:$0x3], $0x8000, $0x38;
	[tilespmem:$0x10800] =	vst v63  }
0x12d: {  	_ =	swait.ge [sflag:s9], $0x8000  }
0x12e: {  	[sflag:s9] =	ssyncset.done $0x0  }
0x12f: {  	[sflag:s9] =	ssyncadd.s32 $0xFFFF8000  }
0x130: {  	s4 =	sshra.s32 s31, $0x2  }
0x131: {  	v3 =	vld [tilespmem:s4+$0x80];
	_ =	sdelay $0x4  }
0x132: {  	v4 =	vshll.u32 v3, $0x1  }
0x133: {  	v3 =	vand.u32 $0x7, v3;
	v4 =	vand.u32 $0xFFFFFFF0, v4  }
0x134: {  	v3 =	vor.u32 v3, v4  }
0x135: {  	v4 =	vperm.xlane v3, v0;
	_ =	sdelay $0x1  }
0x136: {  	v3 =	vperm.xlane v3, v2;
	v4 =	vadd.s32 v1, v4;
	_ =	sdelay $0x1  }
0x137: {  	v3 =	vadd.s32 v1, v3;
	_ =	sdelay $0x2  }
0x138: {  	[tilespmem:s11], [sflag:$0x1] =	stream.indirect_vreg.gather [hbm4b:s1+s3], $0x80, v4, vm0, $0xb8;
	[tilespmem:$0x10800] =	vst v63  }
0x139: {  	_ = 	snop  }
0x13a: {  	[tilespmem:s12], [sflag:$0x1] =	stream.indirect_vreg.gather [hbm4b:s1+s3], $0x80, v3, vm0, $0xb8;
	[tilespmem:$0x10800] =	vst v63  }
0x13b: {  	v3 =	vld [tilespmem:s4+$0x90];
	_ =	sdelay $0x4  }
0x13c: {  	v57 =	vshll.u32 v3, $0x1  }
0x13d: {  	v3 =	vand.u32 $0x7, v3;
	v4 =	vand.u32 $0xFFFFFFF0, v57  }
0x13e: {  	v3 =	vor.u32 v3, v4  }
0x13f: {  	v4 =	vperm.xlane v3, v0;
	_ =	sdelay $0x1  }
0x140: {  	v3 =	vperm.xlane v3, v2;
	v4 =	vadd.s32 v1, v4;
	_ =	sdelay $0x1  }
0x141: {  	v3 =	vadd.s32 v1, v3;
	_ =	sdelay $0x2  }
0x142: {  	[tilespmem:s13], [sflag:$0x1] =	stream.indirect_vreg.gather [hbm4b:s1+s3], $0x80, v4, vm0, $0xb8;
	[tilespmem:$0x10800] =	vst v63  }
0x143: {  	_ = 	snop  }
0x144: {  	[tilespmem:s14], [sflag:$0x1] =	stream.indirect_vreg.gather [hbm4b:s1+s3], $0x80, v3, vm0, $0xb8;
	[tilespmem:$0x10800] =	vst v63  }
0x145: {  	v3 =	vld [tilespmem:s4+$0xA0];
	_ =	sdelay $0x4  }
0x146: {  	v58 =	vshll.u32 v3, $0x1  }
0x147: {  	v3 =	vand.u32 $0x7, v3;
	v4 =	vand.u32 $0xFFFFFFF0, v58  }
0x148: {  	v3 =	vor.u32 v3, v4  }
0x149: {  	v4 =	vperm.xlane v3, v0;
	_ =	sdelay $0x1  }
0x14a: {  	v3 =	vperm.xlane v3, v2;
	v4 =	vadd.s32 v1, v4;
	_ =	sdelay $0x1  }
0x14b: {  	v3 =	vadd.s32 v1, v3;
	_ =	sdelay $0x2  }
0x14c: {  	[tilespmem:s15], [sflag:$0x1] =	stream.indirect_vreg.gather [hbm4b:s1+s3], $0x80, v4, vm0, $0xb8;
	[tilespmem:$0x10800] =	vst v63  }
0x14d: {  	_ = 	snop  }
0x14e: {  	[tilespmem:s16], [sflag:$0x1] =	stream.indirect_vreg.gather [hbm4b:s1+s3], $0x80, v3, vm0, $0xb8;
	[tilespmem:$0x10800] =	vst v63  }
0x14f: {  	v3 =	vld [tilespmem:s4+$0xB0];
	_ =	sdelay $0x4  }
0x150: {  	v59 =	vshll.u32 v3, $0x1  }
0x151: {  	v3 =	vand.u32 $0x7, v3;
	v4 =	vand.u32 $0xFFFFFFF0, v59  }
0x152: {  	v3 =	vor.u32 v3, v4  }
0x153: {  	v4 =	vperm.xlane v3, v0;
	_ =	sdelay $0x1  }
0x154: {  	v3 =	vperm.xlane v3, v2;
	v4 =	vadd.s32 v1, v4;
	_ =	sdelay $0x1  }
0x155: {  	v3 =	vadd.s32 v1, v3;
	_ =	sdelay $0x2  }
0x156: {  	[tilespmem:s17], [sflag:$0x1] =	stream.indirect_vreg.gather [hbm4b:s1+s3], $0x80, v4, vm0, $0xb8;
	[tilespmem:$0x10800] =	vst v63  }
0x157: {  	_ = 	snop  }
0x158: {  	[tilespmem:s18], [sflag:$0x1] =	stream.indirect_vreg.gather [hbm4b:s1+s3], $0x80, v3, vm0, $0xb8;
	[tilespmem:$0x10800] =	vst v63  }
0x159: {  	v3 =	vld [tilespmem:s4+$0xC0];
	_ =	sdelay $0x4  }
0x15a: {  	v60 =	vshll.u32 v3, $0x1  }
0x15b: {  	v3 =	vand.u32 $0x7, v3;
	v4 =	vand.u32 $0xFFFFFFF0, v60  }
0x15c: {  	v3 =	vor.u32 v3, v4  }
0x15d: {  	v4 =	vperm.xlane v3, v0;
	_ =	sdelay $0x1  }
0x15e: {  	v3 =	vperm.xlane v3, v2;
	v4 =	vadd.s32 v1, v4;
	_ =	sdelay $0x1  }
0x15f: {  	v3 =	vadd.s32 v1, v3;
	_ =	sdelay $0x2  }
0x160: {  	[tilespmem:s19], [sflag:$0x1] =	stream.indirect_vreg.gather [hbm4b:s1+s3], $0x80, v4, vm0, $0xb8;
	[tilespmem:$0x10800] =	vst v63  }
0x161: {  	_ = 	snop  }
0x162: {  	[tilespmem:s20], [sflag:$0x1] =	stream.indirect_vreg.gather [hbm4b:s1+s3], $0x80, v3, vm0, $0xb8;
	[tilespmem:$0x10800] =	vst v63  }
0x163: {  	v3 =	vld [tilespmem:s4+$0xD0];
	_ =	sdelay $0x4  }
0x164: {  	v61 =	vshll.u32 v3, $0x1  }
0x165: {  	v3 =	vand.u32 $0x7, v3;
	v4 =	vand.u32 $0xFFFFFFF0, v61  }
0x166: {  	v3 =	vor.u32 v3, v4  }
0x167: {  	v4 =	vperm.xlane v3, v0;
	_ =	sdelay $0x1  }
0x168: {  	v3 =	vperm.xlane v3, v2;
	v4 =	vadd.s32 v1, v4;
	_ =	sdelay $0x1  }
0x169: {  	v3 =	vadd.s32 v1, v3;
	_ =	sdelay $0x2  }
0x16a: {  	[tilespmem:s21], [sflag:$0x1] =	stream.indirect_vreg.gather [hbm4b:s1+s3], $0x80, v4, vm0, $0xb8;
	[tilespmem:$0x10800] =	vst v63  }
0x16b: {  	_ = 	snop  }
0x16c: {  	[tilespmem:s22], [sflag:$0x1] =	stream.indirect_vreg.gather [hbm4b:s1+s3], $0x80, v3, vm0, $0xb8;
	[tilespmem:$0x10800] =	vst v63  }
0x16d: {  	v3 =	vld [tilespmem:s4+$0xE0];
	_ =	sdelay $0x4  }
0x16e: {  	v62 =	vshll.u32 v3, $0x1  }
0x16f: {  	v3 =	vand.u32 $0x7, v3;
	v4 =	vand.u32 $0xFFFFFFF0, v62  }
0x170: {  	v3 =	vor.u32 v3, v4  }
0x171: {  	v4 =	vperm.xlane v3, v0;
	_ =	sdelay $0x1  }
0x172: {  	v3 =	vperm.xlane v3, v2;
	v4 =	vadd.s32 v1, v4;
	_ =	sdelay $0x1  }
0x173: {  	v3 =	vadd.s32 v1, v3;
	_ =	sdelay $0x2  }
0x174: {  	[tilespmem:s23], [sflag:$0x1] =	stream.indirect_vreg.gather [hbm4b:s1+s3], $0x80, v4, vm0, $0xb8;
	[tilespmem:$0x10800] =	vst v63  }
0x175: {  	_ = 	snop  }
0x176: {  	[tilespmem:s24], [sflag:$0x1] =	stream.indirect_vreg.gather [hbm4b:s1+s3], $0x80, v3, vm0, $0xb8;
	[tilespmem:$0x10800] =	vst v63  }
0x177: {  	v3 =	vld [tilespmem:s4+$0xF0];
	_ =	sdelay $0x4  }
0x178: {  	v63 =	vshll.u32 v3, $0x1  }
0x179: {  	v3 =	vand.u32 $0x7, v3;
	v4 =	vand.u32 $0xFFFFFFF0, v63  }
0x17a: {  	v3 =	vor.u32 v3, v4  }
0x17b: {  	v4 =	vperm.xlane v3, v0;
	_ =	sdelay $0x1  }
0x17c: {  	v3 =	vperm.xlane v3, v2;
	v4 =	vadd.s32 v1, v4;
	_ =	sdelay $0x1  }
0x17d: {  	v3 =	vadd.s32 v1, v3  }
.Ltmp5:
0x17e: {  	_ = 	snop;
	(pc) =	sbr.rel .LBB2_4-.Ltmp5, $4  }
0x17f: {  	_ = 	snop  }
0x180: {  	[tilespmem:s25], [sflag:$0x1] =	stream.indirect_vreg.gather [hbm4b:s1+s3], $0x80, v4, vm0, $0xb8;
	[tilespmem:$0x10800] =	vst v63  }
0x181: {  	_ = 	snop  }
0x182: {  	[tilespmem:s26], [sflag:$0x1] =	stream.indirect_vreg.gather [hbm4b:s1+s3], $0x80, v3, vm0, $0xb8;
	[tilespmem:$0x10800] =	vst v63  }
.LBB2_6:
0x183: {  	_ =	sfence.sel $0x180000  }
0x184: {  	[bflag:$0x0] =	sbarrier.arrive $0xFFFF  }
0x185: {  	_ =	strace $0x90000056  }
0x186: {  	s0 =	stileid.u32;
	[bflag:$0x2] =	sbarrier.arrive $0xFFFF  }
0x187: {  	p0 =	sne.s32 s0, $0x0;
	s0 =	rddreg [dreg:$0x2]  }
0x188: {  	s0 =	sadd.s32 @!p0 $0x100000, s0  }
0x189: {  	[sflag:s0] =	ssyncadd.tile.s32 @!p0 $0x1;
	_ =	shalt  }
.Lfunc_end2:
_tile_overlayer_lowered:
.L_overlay_start_2:
0x18a: {  	(tag) =	ssettag $0x2  }
0x18b: {  	s0 =	rddreg [dreg:$0x0];
	s2 =	stileid.u32  }
0x18c: {  	s1 =	rddreg [dreg:$0x1];
	p0 =	sne.s32 s2, $0x0  }
0x18d: {  	s3 =	rddreg [dreg:$0x2];
	[bflag:$0x3] =	sbarrier.arrive $0xFFFF;
	s2 =	simm.s32 @!p0 $0x1C03  }
0x18e: {  	[timem:s3], [sflag:s2] =	dma.local @!p0 [hbm:s0], s1  }
0x18f: {  	s0 =	simm.s32 @!p0 $0x3  }
0x190: {  	_ =	swait.ge @!p0 [sflag:s0], s1  }
0x191: {  	s1 =	ssub.s32 @!p0 $0x0, s1;
	[sflag:s0] =	ssyncset.done @!p0 $0x0  }
0x192: {  	[sflag:s0] =	ssyncadd.s32 @!p0 s1  }
0x193: {  	[bflag:$0x3] =	sbarrier.arrive $0xFFFF  }
0x194: {  	_ =	shalt  }

// kernel: kernel.39.cloned.1.call-start
scs
__scs_entry_jumppad:
0x0: {  	(pc) =	sbr.rel $0x88, $3  }
0x1: {  	(tag) =	ssettag $0x0;
	lr =	simm.s32 $0x1  }
0x2: {  	[smem:$0x3F8F] =	sst lr;
	_ =	strace $0xD0000000  }
0x3: {  	_ = 	snop  }
0x4: {  	_ = 	snop  }
0x5: {  	_ = 	snop  }
0x6: {  	_ = 	snop  }
0x7: {  	_ = 	snop  }
__scs_overlays_trampoline_lowered:
0x8: {  	[smem:$0x3F9E] =	sst s0  }
0x9: {  	[smem:$0x3F9F] =	sst s1  }
0xa: {  	[smem:$0x3FA0] =	sst s2  }
0xb: {  	[smem:$0x3FA1] =	sst s3  }
0xc: {  	[smem:$0x3FA2] =	sst s4  }
0xd: {  	[smem:$0x3FA3] =	sst s5  }
0xe: {  	[smem:$0x3FA4] =	sst s6  }
0xf: {  	[smem:$0x3FA5] =	sst s7  }
0x10: {  	[smem:$0x3FA6] =	sst s8  }
0x11: {  	[smem:$0x3FA7] =	sst s9;
	s0 =	simm.s32 @!p0 $0x0  }
0x12: {  	s1 =	sld [smem:$0x3F8D];
	s0 =	simm.s32 @p0 $0x1  }
0x13: {  	[smem:$0x3FA8] =	sst s0;
	s0 =	simm.s32 @!p1 $0x0  }
0x14: {  	s2 =	sld [smem:$0x3F8C];
	s0 =	simm.s32 @p1 $0x1  }
0x15: {  	[smem:$0x3FA9] =	sst s0;
	s0 =	simm.s32 @!p2 $0x0  }
0x16: {  	s3 =	sld [smem:$0x3FDB];
	s0 =	simm.s32 @p2 $0x1  }
0x17: {  	s4 =	simm.s32 $0x1BF5;
	[smem:$0x3FAB] =	sst s0  }
0x18: {  	s0 =	sld [smem:$0x3F8E];
	_ =	swait.ge [sflag:s4], $0x0  }
0x19: {  	s7 =	sld [smem:$0x3F8F]  }
0x1a: {  	s8 =	sadd.s32 $0xFFFFE003, lr  }
0x1b: {  	s9 =	sadd.s32 $0xFFFFFEF7, lr;
	s5 =	simm.s32 $0xFFFFFFFF;
	p2 =	slt.u32 s8, $0xFFFFF086  }
0x1c: {  	p1 =	slt.u32 s9, $0xF7A;
	s5 =	simm.s32 @!p2 $0x0  }
0x1d: {  	s5 =	simm.s32 @p1 $0x1;
	p0 =	seq.s32 s7, s2  }
0x1e: {  	s7 =	smul.u32 @!p0 $0xF7A, s2;
	p2 =	seq.s32 @!p0 s5, $0x0  }
0x1f: {  	s9 =	smul.u32 $0xF7A, s1;
	s8 =	simm.s32 @!p0 $0x1BF5;
	p2 =	por !p2, p0  }
0x20: {  	[sflag:s8] =	ssyncset.s32 @!p0 $0xFFFFF086;
	s6 =	sadd.s32 @!p0 s3, s7;
	s7 =	simm.s32 @!p0 $0x108  }
0x21: {  	s3 =	sadd.s32 s3, s9;
	s6 =	sadd.s32 @!p0 $0x88, s6;
	s7 =	simm.s32 @p2 $0x1082  }
0x22: {  	[simem:s7], [sflag:s8] =	dma.local @!p0 [hbm:s6], $0xF7A  }
0x23: {  	s9 =	sor.u32 $0xD0000000, s2;
	s6 =	simm.s32 $0x108;
	_ =	swait.ge @!p0 [sflag:s8], $0x0  }
0x24: {  	s3 =	sadd.s32 $0x88, s3;
	s6 =	simm.s32 @!p1 $0x1082;
	[sflag:s4] =	ssyncset.s32 $0xFFFFF086  }
0x25: {  	[simem:s6], [sflag:s4] =	dma.local [hbm:s3], $0xF7A  }
0x26: {  	[smem:$0x3F8F] =	sst s1;
	(tag) =	ssettag s2;
	_ =	strace s9  }
0x27: {  	s1 =	sld [smem:$0x3F9F]  }
0x28: {  	s2 =	sld [smem:$0x3FA0]  }
0x29: {  	s4 =	sld [smem:$0x3FA2]  }
0x2a: {  	p0 =	seq.s32 s5, $0x0;
	s5 =	sld [smem:$0x3FA3]  }
0x2b: {  	s6 =	sld [smem:$0x3FA4]  }
0x2c: {  	s7 =	sld [smem:$0x3FA5]  }
0x2d: {  	s3 =	simm.s32 $0x108;
	s8 =	sld [smem:$0x3FA6]  }
0x2e: {  	s3 =	simm.s32 @!p0 $0x1082;
	s9 =	sld [smem:$0x3FA7]  }
0x2f: {  	lr =	sadd.s32 s0, s3;
	s0 =	sld [smem:$0x3F9E]  }
0x30: {  	s3 =	sld [smem:$0x3FA1]  }
0x31: {  	[smem:$0x3FAA] =	sst s10  }
0x32: {  	s10 =	sld [smem:$0x3FA8];
	_ =	sdelay $0x3  }
0x33: {  	p0 =	seq.s32 s10, $0x1;
	s10 =	sld [smem:$0x3FAA];
	_ =	sdelay $0x3  }
0x34: {  	[smem:$0x3FAA] =	sst s10  }
0x35: {  	s10 =	sld [smem:$0x3FA9];
	_ =	sdelay $0x3  }
0x36: {  	p1 =	seq.s32 s10, $0x1;
	s10 =	sld [smem:$0x3FAA];
	_ =	sdelay $0x3  }
0x37: {  	[smem:$0x3FAA] =	sst s10  }
0x38: {  	s10 =	sld [smem:$0x3FAB]  }
0x39: {  	_ = 	snop;
	(pc) =	sbr.ind lr, $3  }
0x3a: {  	_ = 	snop  }
0x3b: {  	_ = 	snop  }
0x3c: {  	p2 =	seq.s32 s10, $0x1;
	s10 =	sld [smem:$0x3FAA]  }
0x3d: {  	_ =	shalt  }
0x3e: {  	_ =	shalt  }
0x3f: {  	_ =	shalt  }
0x40: {  	_ =	shalt  }
0x41: {  	_ =	shalt  }
0x42: {  	_ =	shalt  }
0x43: {  	_ =	shalt  }
0x44: {  	_ =	shalt  }
0x45: {  	_ =	shalt  }
0x46: {  	_ =	shalt  }
0x47: {  	_ =	shalt  }
0x48: {  	_ =	shalt  }
0x49: {  	_ =	shalt  }
0x4a: {  	_ =	shalt  }
0x4b: {  	_ =	shalt  }
0x4c: {  	_ =	shalt  }
0x4d: {  	_ =	shalt  }
0x4e: {  	_ =	shalt  }
0x4f: {  	_ =	shalt  }
0x50: {  	_ =	shalt  }
0x51: {  	_ =	shalt  }
0x52: {  	_ =	shalt  }
0x53: {  	_ =	shalt  }
0x54: {  	_ =	shalt  }
0x55: {  	_ =	shalt  }
0x56: {  	_ =	shalt  }
0x57: {  	_ =	shalt  }
0x58: {  	_ =	shalt  }
0x59: {  	_ =	shalt  }
0x5a: {  	_ =	shalt  }
0x5b: {  	_ =	shalt  }
0x5c: {  	_ =	shalt  }
0x5d: {  	_ =	shalt  }
0x5e: {  	_ =	shalt  }
0x5f: {  	_ =	shalt  }
0x60: {  	_ =	shalt  }
0x61: {  	_ =	shalt  }
0x62: {  	_ =	shalt  }
0x63: {  	_ =	shalt  }
0x64: {  	_ =	shalt  }
0x65: {  	_ =	shalt  }
0x66: {  	_ =	shalt  }
0x67: {  	_ =	shalt  }
0x68: {  	_ =	shalt  }
0x69: {  	_ =	shalt  }
0x6a: {  	_ =	shalt  }
0x6b: {  	_ =	shalt  }
0x6c: {  	_ =	shalt  }
0x6d: {  	_ =	shalt  }
0x6e: {  	_ =	shalt  }
0x6f: {  	_ =	shalt  }
0x70: {  	_ =	shalt  }
0x71: {  	_ =	shalt  }
0x72: {  	_ =	shalt  }
0x73: {  	_ =	shalt  }
0x74: {  	_ =	shalt  }
0x75: {  	_ =	shalt  }
0x76: {  	_ =	shalt  }
0x77: {  	_ =	shalt  }
0x78: {  	_ =	shalt  }
0x79: {  	_ =	shalt  }
0x7a: {  	_ =	shalt  }
0x7b: {  	_ =	shalt  }
0x7c: {  	_ =	shalt  }
0x7d: {  	_ =	shalt  }
0x7e: {  	_ =	shalt  }
0x7f: {  	_ =	shalt  }
0x80: {  	_ =	shalt  }
0x81: {  	_ =	shalt  }
0x82: {  	_ =	shalt  }
0x83: {  	_ =	shalt  }
0x84: {  	_ =	shalt  }
0x85: {  	_ =	shalt  }
0x86: {  	_ =	shalt  }
0x87: {  	_ =	shalt  }
.Lfunc_end0:
.L_simem_size_0:
called_computation.7_lowered:
.L_overlay_start_0:
0x88: {  	s2 =	sld [smem:$0x3FD9]  }
0x89: {  	s3 =	sld [smem:$0x3FFE];
	_ =	sdelay $0x1  }
0x8a: {  	s1 =	srdreg.scid  }
0x8b: {  	s0 =	sand.u32 $0x1, s1  }
0x8c: {  	s14 =	sshll.u32 s0, $0xA;
	s2 =	sadd.s32 s3, s2  }
0x8d: {  	s2 =	sadd.s32 s2, s14  }
0x8e: {  	[smem:$0x3FB6] =	sst s2  }
0x8f: {  	_ = 	snop  }
0x90: {  	s2 =	sld [smem:$0x3FD0];
	_ =	sdelay $0x2  }
0x91: {  	s15 =	simm.s32 $0xD;
	s4 =	simm.s32 $0x10  }
0x92: {  	[smem:s4], [sflag:s15] =	dma.local [hbm:s2], $0x1  }
0x93: {  	_ =	swait.eq [sflag:s15], $0x1  }
0x94: {  	[sflag:s15] =	ssyncset.done $0x0  }
0x95: {  	[sflag:s15] =	ssyncadd.s32 $0xFFFFFFFF  }
0x96: {  	s16 =	sld [smem:$0x10];
	(tm) =	ssettm $0x1  }
0x97: {  	s17 =	sld [smem:$0x3FFB];
	_ =	sdelay $0x3  }
0x98: {  	_ =	strace s17  }
0x99: {  	s3 =	sld [smem:$0x3FFC];
	_ =	sdelay $0x3  }
0x9a: {  	_ =	strace s3  }
0x9b: {  	s3 =	sld [smem:$0x3FFD];
	_ =	sdelay $0x3  }
0x9c: {  	_ =	strace s3  }
0x9d: {  	_ =	strace $0x8FFFFFFF  }
0x9e: {  	s18 =	sld [smem:$0x3FDB];
	_ =	sdelay $0x1  }
0x9f: {  	s19 =	simm.s32 $_scs_section_size  }
0xa0: {  	s5 =	simm.s32 $_size__tile_overlayer_lowered;
	s6 =	simm.s32 $_tile_overlayer_lowered  }
0xa1: {  	s22 =	simm.s32 $0x1BFF;
	s21 =	sshll.u32 s6, $0x1;
	s3 =	sadd.s32 s19, s18  }
0xa2: {  	s7 =	simm.s32 $0x0;
	s20 =	sshll.u32 s5, $0x1;
	s5 =	sadd.s32 s21, s3  }
0xa3: {  	[timem:s7], [sflag:s22] =	dma.local [hbm:s5], s20  }
0xa4: {  	_ =	swait.ge [sflag:s22], s20  }
0xa5: {  	s4 =	ssub.s32 $0x0, s20;
	[sflag:s22] =	ssyncset.done $0x0  }
0xa6: {  	[sflag:s22] =	ssyncadd.s32 s4;
	_ =	sdelay $0x1  }
0xa7: {  	s23 =	simm.s32 $0x1B8B  }
0xa8: {  	_ =	swait.ge [sflag:s23], $0x1  }
0xa9: {  	[sflag:s23] =	ssyncset.done $0x0  }
0xaa: {  	s25 =	simm.s32 $0x1B8E;
	s24 =	sld [smem:$0x3FFE];
	[sflag:s23] =	ssyncadd.s32 $0xFFFFFFFF  }
0xab: {  	s26 =	simm.s32 $execute0_lowered;
	[smem:$0x3FD2] =	sst s25  }
0xac: {  	s5 =	sshll.u32 s26, $0x1;
	_ =	strace $0x80000052;
	[dreg:$0x1] =	wrdreg $0xFFFFFFFF  }
0xad: {  	s28 =	simm.s32 $_size_execute0_lowered;
	s3 =	sadd.s32 s3, s5;
	[dreg:$0x0] =	wrdreg $0x0  }
0xae: {  	s5 =	sshll.u32 s28, $0x1;
	[dreg:$0x2] =	wrdreg s3  }
0xaf: {  	[dreg:$0x3] =	wrdreg s5  }
0xb0: {  	[dreg:$0x4] =	wrdreg $0xC0  }
0xb1: {  	_ =	task [dreg:s7], $0x5FFFF  }
0xb2: {  	[dreg:$0x1] =	wrdreg $0xFFFFFFFF  }
0xb3: {  	[dreg:$0x0] =	wrdreg $0x60  }
0xb4: {  	[dreg:$0x2] =	wrdreg s16  }
0xb5: {  	[dreg:$0x3] =	wrdreg s24  }
0xb6: {  	[dreg:$0x4] =	wrdreg $0xC  }
0xb7: {  	_ =	task.clear_ibuf [dreg:s7], $0x5FFFF;
	_ =	strace $0x90000052  }
0xb8: {  	s29 =	simm.s32 $0xC;
	_ =	strace $0x80000054  }
0xb9: {  	_ =	swait.ge [sflag:s29], $0x1  }
0xba: {  	[sflag:s29] =	ssyncadd.s32 $0xFFFFFFFF  }
0xbb: {  	_ =	strace $0x90000054  }
0xbc: {  	_ =	sfence  }
0xbd: {  	s30 =	sld [smem:$0x0];
	_ =	sdelay $0x2  }
0xbe: {  	s31 =	sshll.u32 s1, $0xD;
	s1 =	sshrl.u32 s1, $0x2  }
0xbf: {  	s3 =	sand.u32 $0x4000, s31;
	s1 =	sadd.s32 s1, s30  }
0xc0: {  	s0 =	sor.u32 s3, s0;
	s1 =	sshll.u32 s1, $0x11  }
0xc1: {  	s0 =	sor.u32 s1, s0  }
0xc2: {  	s0 =	sadd.s32 $0x8F2B, s0  }
0xc3: {  	[sflag:s0] =	ssyncadd.remote.s32 $0x1  }
0xc4: {  	_ =	sfence.sel $0xFFFF  }
0xc5: {  	[dreg:$0x0] =	wrdreg $0xFFFFFFFF;
	(pc) =	sbr.abs _section_cstart, $3  }
0xc6: {  	[dreg:$0x1] =	wrdreg $0xFFFFFFFF  }
0xc7: {  	_ =	task.clear_ibuf [dreg:s7], $0x2FFFF;
	_ =	strace $0x9FFFFFFF  }
0xc8: {  	(tm) =	ssettm $0x7FFFFFFF  }
0xc9: {  	_ =	shalt  }
tec
execute0_lowered:
.L_overlay_start_1:
0x0: {  	(tag) =	ssettag $0x1  }
0x1: {  	s1 =	rddreg [dreg:$0x0]  }
0x2: {  	s0 =	rddreg [dreg:$0x1];
	s3 =	simm.s32 $0x0;
	s2 =	srdreg.scid  }
0x3: {  	s6 =	stileid.u32;
	s9 =	simm.s32 $0x3;
	s11 =	simm.s32 $0x800  }
0x4: {  	s12 =	simm.s32 $0x1000;
	s13 =	simm.s32 $0x1800;
	s14 =	simm.s32 $0x2000  }
0x5: {  	s15 =	simm.s32 $0x2800;
	s16 =	simm.s32 $0x3000;
	s17 =	simm.s32 $0x3800  }
0x6: {  	s18 =	simm.s32 $0x4000;
	s19 =	simm.s32 $0x4800;
	s20 =	simm.s32 $0x5000  }
0x7: {  	s21 =	simm.s32 $0x5800;
	s22 =	simm.s32 $0x6000;
	s23 =	simm.s32 $0x6800  }
0x8: {  	s28 =	simm.s32 $0x8800;
	s10 =	simm.s32 $0x0;
	[smem:$0x7FF] =	sst s3  }
0x9: {  	s2 =	sand.u32 $0x1, s2;
	s4 =	sshll.u32 s6, $0x7;
	s31 =	sshll.u32 s6, $0xF  }
0xa: {  	s5 =	sshll.u32 s2, $0xB;
	s24 =	sshll.u32 s2, $0x13;
	s2 =	ssub.s32 $0x2, s2  }
0xb: {  	_ =	strace $0x80000053;
	s4 =	sor.u32 s4, s5;
	s25 =	sshrl.u32 s2, $0x1  }
0xc: {  	s4 =	sadd.s32 s4, s0;
	s0 =	sadd.s32 s24, s0;
	s2 =	ssub.s32 s2, s25  }
.Ltmp0:
0xd: {  	s24 =	simm.s32 $0x7000;
	s26 =	sadd.s32 $0x6B800, s4;
	(pc) =	sbr.rel .LBB2_1-.Ltmp0, $4  }
0xe: {  	s25 =	simm.s32 $0x7800;
	s4 =	sadd.s32 $0x6A800, s4;
	[dreg:$0x3] =	wrdreg s26  }
0xf: {  	v2 =	vlaneseq.u32;
	s2 =	smax.u32 s2, $0x1;
	s0 =	sadd.s32 s31, s0;
	[dreg:$0x4] =	wrdreg s4  }
0x10: {  	vm0 =	vmmov $0xffff;
	v1 =	vshrl.u32 v2, $0x3;
	[dreg:$0x5] =	wrdreg s2;
	s30 =	sadd.s32 $0x6F800, s0;
	s29 =	sadd.s32 $0x16F800, s0  }
0x11: {  	v0 =	vand.u32 $0x7, v2;
	v2 =	vor.u32 $0x8, v2;
	v1 =	vmul.u32 $0x8, v1;
	s26 =	simm.s32 $0x8000;
	s0 =	simm.s32 $0x1;
	s2 =	simm.s32 $0x2  }
.LBB2_5:
0x12: {  	s10 =	sadd.s32 $0x1, s10;
	s4 =	rddreg [dreg:$0x5]  }
0x13: {  	p0 =	sne.s32 s10, s4  }
.Ltmp1:
0x14: {  	_ = 	snop;
	(pc) =	sbr.rel @!p0 .LBB2_6-.Ltmp1, $1  }
0x15: {  	_ =	sdelay $0x3  }
.LBB2_1:
0x16: {  	s4 =	rddreg [dreg:$0x3]  }
0x17: {  	[tilespmem:s3], [sflag:$0x3] =	stream.linear.gather [hbm4b:s4+s3], $0x400, $0x38;
	[tilespmem:$0x10800] =	vst v63  }
0x18: {  	_ =	swait.ge [sflag:s9], $0x400  }
0x19: {  	[sflag:s9] =	ssyncset.done $0x0  }
0x1a: {  	s5 =	simm.s32 $0x400;
	s8 =	rddreg [dreg:$0x4];
	[sflag:s9] =	ssyncadd.s32 $0xFFFFFC00  }
0x1b: {  	[tilespmem:s5], [sflag:$0x3] =	stream.linear.gather [hbm4b:s8+s3], $0x400, $0x38;
	[tilespmem:$0x10800] =	vst v63  }
0x1c: {  	_ =	swait.ge [sflag:s9], $0x400  }
0x1d: {  	[sflag:s9] =	ssyncset.done $0x0  }
0x1e: {  	[sflag:s9] =	ssyncadd.s32 $0xFFFFFC00  }
0x1f: {  	v3 =	vld [tilespmem:$0x0];
	_ =	sdelay $0x4  }
0x20: {  	v4 =	vshll.u32 v3, $0x1  }
0x21: {  	v3 =	vand.u32 $0x7, v3;
	v4 =	vand.u32 $0xFFFFFFF0, v4  }
0x22: {  	v3 =	vor.u32 v3, v4  }
0x23: {  	v4 =	vperm.xlane v3, v0;
	_ =	sdelay $0x1  }
0x24: {  	v3 =	vperm.xlane v3, v2;
	v4 =	vadd.s32 v1, v4;
	_ =	sdelay $0x1  }
0x25: {  	v3 =	vadd.s32 v1, v3;
	_ =	sdelay $0x2  }
0x26: {  	[tilespmem:s11], [sflag:$0x1] =	stream.indirect_vreg.gather [hbm4b:s1+s3], $0x80, v4, vm0, $0xb8;
	[tilespmem:$0x10800] =	vst v63  }
0x27: {  	_ = 	snop  }
0x28: {  	[tilespmem:s12], [sflag:$0x1] =	stream.indirect_vreg.gather [hbm4b:s1+s3], $0x80, v3, vm0, $0xb8;
	[tilespmem:$0x10800] =	vst v63  }
0x29: {  	v3 =	vld [tilespmem:$0x10];
	_ =	sdelay $0x4  }
0x2a: {  	v49 =	vshll.u32 v3, $0x1  }
0x2b: {  	v3 =	vand.u32 $0x7, v3;
	v4 =	vand.u32 $0xFFFFFFF0, v49  }
0x2c: {  	v3 =	vor.u32 v3, v4  }
0x2d: {  	v4 =	vperm.xlane v3, v0;
	_ =	sdelay $0x1  }
0x2e: {  	v3 =	vperm.xlane v3, v2;
	v4 =	vadd.s32 v1, v4;
	_ =	sdelay $0x1  }
0x2f: {  	v3 =	vadd.s32 v1, v3;
	_ =	sdelay $0x2  }
0x30: {  	[tilespmem:s13], [sflag:$0x1] =	stream.indirect_vreg.gather [hbm4b:s1+s3], $0x80, v4, vm0, $0xb8;
	[tilespmem:$0x10800] =	vst v63  }
0x31: {  	_ = 	snop  }
0x32: {  	[tilespmem:s14], [sflag:$0x1] =	stream.indirect_vreg.gather [hbm4b:s1+s3], $0x80, v3, vm0, $0xb8;
	[tilespmem:$0x10800] =	vst v63  }
0x33: {  	v3 =	vld [tilespmem:$0x20];
	_ =	sdelay $0x4  }
0x34: {  	v50 =	vshll.u32 v3, $0x1  }
0x35: {  	v3 =	vand.u32 $0x7, v3;
	v4 =	vand.u32 $0xFFFFFFF0, v50  }
0x36: {  	v3 =	vor.u32 v3, v4  }
0x37: {  	v4 =	vperm.xlane v3, v0;
	_ =	sdelay $0x1  }
0x38: {  	v3 =	vperm.xlane v3, v2;
	v4 =	vadd.s32 v1, v4;
	_ =	sdelay $0x1  }
0x39: {  	v3 =	vadd.s32 v1, v3;
	_ =	sdelay $0x2  }
0x3a: {  	[tilespmem:s15], [sflag:$0x1] =	stream.indirect_vreg.gather [hbm4b:s1+s3], $0x80, v4, vm0, $0xb8;
	[tilespmem:$0x10800] =	vst v63  }
0x3b: {  	_ = 	snop  }
0x3c: {  	[tilespmem:s16], [sflag:$0x1] =	stream.indirect_vreg.gather [hbm4b:s1+s3], $0x80, v3, vm0, $0xb8;
	[tilespmem:$0x10800] =	vst v63  }
0x3d: {  	v3 =	vld [tilespmem:$0x30];
	_ =	sdelay $0x4  }
0x3e: {  	v51 =	vshll.u32 v3, $0x1  }
0x3f: {  	v3 =	vand.u32 $0x7, v3;
	v4 =	vand.u32 $0xFFFFFFF0, v51  }
0x40: {  	v3 =	vor.u32 v3, v4  }
0x41: {  	v4 =	vperm.xlane v3, v0;
	_ =	sdelay $0x1  }
0x42: {  	v3 =	vperm.xlane v3, v2;
	v4 =	vadd.s32 v1, v4;
	_ =	sdelay $0x1  }
0x43: {  	v3 =	vadd.s32 v1, v3;
	_ =	sdelay $0x2  }
0x44: {  	[tilespmem:s17], [sflag:$0x1] =	stream.indirect_vreg.gather [hbm4b:s1+s3], $0x80, v4, vm0, $0xb8;
	[tilespmem:$0x10800] =	vst v63  }
0x45: {  	_ = 	snop  }
0x46: {  	[tilespmem:s18], [sflag:$0x1] =	stream.indirect_vreg.gather [hbm4b:s1+s3], $0x80, v3, vm0, $0xb8;
	[tilespmem:$0x10800] =	vst v63  }
0x47: {  	v3 =	vld [tilespmem:$0x40];
	_ =	sdelay $0x4  }
0x48: {  	v52 =	vshll.u32 v3, $0x1  }
0x49: {  	v3 =	vand.u32 $0x7, v3;
	v4 =	vand.u32 $0xFFFFFFF0, v52  }
0x4a: {  	v3 =	vor.u32 v3, v4  }
0x4b: {  	v4 =	vperm.xlane v3, v0;
	_ =	sdelay $0x1  }
0x4c: {  	v3 =	vperm.xlane v3, v2;
	v4 =	vadd.s32 v1, v4;
	_ =	sdelay $0x1  }
0x4d: {  	v3 =	vadd.s32 v1, v3;
	_ =	sdelay $0x2  }
0x4e: {  	[tilespmem:s19], [sflag:$0x1] =	stream.indirect_vreg.gather [hbm4b:s1+s3], $0x80, v4, vm0, $0xb8;
	[tilespmem:$0x10800] =	vst v63  }
0x4f: {  	_ = 	snop  }
0x50: {  	[tilespmem:s20], [sflag:$0x1] =	stream.indirect_vreg.gather [hbm4b:s1+s3], $0x80, v3, vm0, $0xb8;
	[tilespmem:$0x10800] =	vst v63  }
0x51: {  	v3 =	vld [tilespmem:$0x50];
	_ =	sdelay $0x4  }
0x52: {  	v53 =	vshll.u32 v3, $0x1  }
0x53: {  	v3 =	vand.u32 $0x7, v3;
	v4 =	vand.u32 $0xFFFFFFF0, v53  }
0x54: {  	v3 =	vor.u32 v3, v4  }
0x55: {  	v4 =	vperm.xlane v3, v0;
	_ =	sdelay $0x1  }
0x56: {  	v3 =	vperm.xlane v3, v2;
	v4 =	vadd.s32 v1, v4;
	_ =	sdelay $0x1  }
0x57: {  	v3 =	vadd.s32 v1, v3;
	_ =	sdelay $0x2  }
0x58: {  	[tilespmem:s21], [sflag:$0x1] =	stream.indirect_vreg.gather [hbm4b:s1+s3], $0x80, v4, vm0, $0xb8;
	[tilespmem:$0x10800] =	vst v63  }
0x59: {  	_ = 	snop  }
0x5a: {  	[tilespmem:s22], [sflag:$0x1] =	stream.indirect_vreg.gather [hbm4b:s1+s3], $0x80, v3, vm0, $0xb8;
	[tilespmem:$0x10800] =	vst v63  }
0x5b: {  	v3 =	vld [tilespmem:$0x60];
	_ =	sdelay $0x4  }
0x5c: {  	v54 =	vshll.u32 v3, $0x1  }
0x5d: {  	v3 =	vand.u32 $0x7, v3;
	v4 =	vand.u32 $0xFFFFFFF0, v54  }
0x5e: {  	v3 =	vor.u32 v3, v4  }
0x5f: {  	v4 =	vperm.xlane v3, v0;
	_ =	sdelay $0x1  }
0x60: {  	v3 =	vperm.xlane v3, v2;
	v4 =	vadd.s32 v1, v4;
	_ =	sdelay $0x1  }
0x61: {  	v3 =	vadd.s32 v1, v3;
	_ =	sdelay $0x2  }
0x62: {  	[tilespmem:s23], [sflag:$0x1] =	stream.indirect_vreg.gather [hbm4b:s1+s3], $0x80, v4, vm0, $0xb8;
	[tilespmem:$0x10800] =	vst v63  }
0x63: {  	_ = 	snop  }
0x64: {  	[tilespmem:s24], [sflag:$0x1] =	stream.indirect_vreg.gather [hbm4b:s1+s3], $0x80, v3, vm0, $0xb8;
	[tilespmem:$0x10800] =	vst v63  }
0x65: {  	v3 =	vld [tilespmem:$0x70];
	_ =	sdelay $0x4  }
0x66: {  	v55 =	vshll.u32 v3, $0x1  }
0x67: {  	v3 =	vand.u32 $0x7, v3;
	v4 =	vand.u32 $0xFFFFFFF0, v55  }
0x68: {  	v3 =	vor.u32 v3, v4  }
0x69: {  	v4 =	vperm.xlane v3, v0;
	_ =	sdelay $0x1  }
0x6a: {  	v3 =	vperm.xlane v3, v2;
	v4 =	vadd.s32 v1, v4;
	_ =	sdelay $0x1  }
0x6b: {  	v3 =	vadd.s32 v1, v3;
	_ =	sdelay $0x2  }
0x6c: {  	[tilespmem:s25], [sflag:$0x1] =	stream.indirect_vreg.gather [hbm4b:s1+s3], $0x80, v4, vm0, $0xb8;
	[tilespmem:$0x10800] =	vst v63  }
0x6d: {  	_ = 	snop  }
0x6e: {  	[tilespmem:s26], [sflag:$0x1] =	stream.indirect_vreg.gather [hbm4b:s1+s3], $0x80, v3, vm0, $0xb8;
	[tilespmem:$0x10800] =	vst v63  }
0x6f: {  	v3 =	vld [tilespmem:$0x400];
	_ =	sdelay $0x4  }
0x70: {  	v56 =	vshll.u32 v3, $0x1  }
0x71: {  	v3 =	vand.u32 $0x7, v3;
	v4 =	vand.u32 $0xFFFFFFF0, v56  }
0x72: {  	v3 =	vor.u32 v3, v4  }
0x73: {  	v4 =	vperm.xlane v3, v0;
	_ =	sdelay $0x1  }
0x74: {  	v3 =	vperm.xlane v3, v2;
	v4 =	vadd.s32 v1, v4;
	_ =	sdelay $0x1  }
0x75: {  	v3 =	vadd.s32 v1, v3;
	_ =	sdelay $0x2  }
0x76: {  	[tilespmem:s28], [sflag:$0x2] =	stream.indirect_vreg.gather [hbm4b:s1+s3], $0x80, v4, vm0, $0xb8;
	[tilespmem:$0x10800] =	vst v63  }
0x77: {  	s6 =	simm.s32 $0x9000  }
0x78: {  	[tilespmem:s6], [sflag:$0x2] =	stream.indirect_vreg.gather [hbm4b:s1+s3], $0x80, v3, vm0, $0xb8;
	[tilespmem:$0x10800] =	vst v63  }
0x79: {  	v3 =	vld [tilespmem:$0x410];
	_ =	sdelay $0x4  }
0x7a: {  	v57 =	vshll.u32 v3, $0x1  }
0x7b: {  	v3 =	vand.u32 $0x7, v3;
	v4 =	vand.u32 $0xFFFFFFF0, v57  }
0x7c: {  	v3 =	vor.u32 v3, v4  }
0x7d: {  	v4 =	vperm.xlane v3, v0;
	_ =	sdelay $0x1  }
0x7e: {  	v3 =	vperm.xlane v3, v2;
	v4 =	vadd.s32 v1, v4;
	_ =	sdelay $0x1  }
0x7f: {  	v3 =	vadd.s32 v1, v3;
	_ =	sdelay $0x1  }
0x80: {  	s7 =	simm.s32 $0x9800  }
0x81: {  	[tilespmem:s7], [sflag:$0x2] =	stream.indirect_vreg.gather [hbm4b:s1+s3], $0x80, v4, vm0, $0xb8;
	[tilespmem:$0x10800] =	vst v63  }
0x82: {  	s8 =	simm.s32 $0xA000  }
0x83: {  	[tilespmem:s8], [sflag:$0x2] =	stream.indirect_vreg.gather [hbm4b:s1+s3], $0x80, v3, vm0, $0xb8;
	[tilespmem:$0x10800] =	vst v63  }
0x84: {  	v3 =	vld [tilespmem:$0x420];
	_ =	sdelay $0x4  }
0x85: {  	v58 =	vshll.u32 v3, $0x1  }
0x86: {  	v3 =	vand.u32 $0x7, v3;
	v4 =	vand.u32 $0xFFFFFFF0, v58  }
0x87: {  	v3 =	vor.u32 v3, v4  }
0x88: {  	v4 =	vperm.xlane v3, v0;
	_ =	sdelay $0x1  }
0x89: {  	v3 =	vperm.xlane v3, v2;
	v4 =	vadd.s32 v1, v4;
	_ =	sdelay $0x1  }
0x8a: {  	v3 =	vadd.s32 v1, v3;
	_ =	sdelay $0x1  }
0x8b: {  	s5 =	simm.s32 $0xA800  }
0x8c: {  	[tilespmem:s5], [sflag:$0x2] =	stream.indirect_vreg.gather [hbm4b:s1+s3], $0x80, v4, vm0, $0xb8;
	[tilespmem:$0x10800] =	vst v63  }
0x8d: {  	s6 =	simm.s32 $0xB000  }
0x8e: {  	[tilespmem:s6], [sflag:$0x2] =	stream.indirect_vreg.gather [hbm4b:s1+s3], $0x80, v3, vm0, $0xb8;
	[tilespmem:$0x10800] =	vst v63  }
0x8f: {  	v3 =	vld [tilespmem:$0x430];
	_ =	sdelay $0x4  }
0x90: {  	v59 =	vshll.u32 v3, $0x1  }
0x91: {  	v3 =	vand.u32 $0x7, v3;
	v4 =	vand.u32 $0xFFFFFFF0, v59  }
0x92: {  	v3 =	vor.u32 v3, v4  }
0x93: {  	v4 =	vperm.xlane v3, v0;
	_ =	sdelay $0x1  }
0x94: {  	v3 =	vperm.xlane v3, v2;
	v4 =	vadd.s32 v1, v4;
	_ =	sdelay $0x1  }
0x95: {  	v3 =	vadd.s32 v1, v3;
	_ =	sdelay $0x1  }
0x96: {  	s7 =	simm.s32 $0xB800  }
0x97: {  	[tilespmem:s7], [sflag:$0x2] =	stream.indirect_vreg.gather [hbm4b:s1+s3], $0x80, v4, vm0, $0xb8;
	[tilespmem:$0x10800] =	vst v63  }
0x98: {  	s8 =	simm.s32 $0xC000  }
0x99: {  	[tilespmem:s8], [sflag:$0x2] =	stream.indirect_vreg.gather [hbm4b:s1+s3], $0x80, v3, vm0, $0xb8;
	[tilespmem:$0x10800] =	vst v63  }
0x9a: {  	v3 =	vld [tilespmem:$0x440];
	_ =	sdelay $0x4  }
0x9b: {  	v60 =	vshll.u32 v3, $0x1  }
0x9c: {  	v3 =	vand.u32 $0x7, v3;
	v4 =	vand.u32 $0xFFFFFFF0, v60  }
0x9d: {  	v3 =	vor.u32 v3, v4  }
0x9e: {  	v4 =	vperm.xlane v3, v0;
	_ =	sdelay $0x1  }
0x9f: {  	v3 =	vperm.xlane v3, v2;
	v4 =	vadd.s32 v1, v4;
	_ =	sdelay $0x1  }
0xa0: {  	v3 =	vadd.s32 v1, v3;
	_ =	sdelay $0x1  }
0xa1: {  	s5 =	simm.s32 $0xC800  }
0xa2: {  	[tilespmem:s5], [sflag:$0x2] =	stream.indirect_vreg.gather [hbm4b:s1+s3], $0x80, v4, vm0, $0xb8;
	[tilespmem:$0x10800] =	vst v63  }
0xa3: {  	s6 =	simm.s32 $0xD000  }
0xa4: {  	[tilespmem:s6], [sflag:$0x2] =	stream.indirect_vreg.gather [hbm4b:s1+s3], $0x80, v3, vm0, $0xb8;
	[tilespmem:$0x10800] =	vst v63  }
0xa5: {  	v3 =	vld [tilespmem:$0x450];
	_ =	sdelay $0x4  }
0xa6: {  	v61 =	vshll.u32 v3, $0x1  }
0xa7: {  	v3 =	vand.u32 $0x7, v3;
	v4 =	vand.u32 $0xFFFFFFF0, v61  }
0xa8: {  	v3 =	vor.u32 v3, v4  }
0xa9: {  	v4 =	vperm.xlane v3, v0;
	_ =	sdelay $0x1  }
0xaa: {  	v3 =	vperm.xlane v3, v2;
	v4 =	vadd.s32 v1, v4;
	_ =	sdelay $0x1  }
0xab: {  	v3 =	vadd.s32 v1, v3;
	_ =	sdelay $0x1  }
0xac: {  	s7 =	simm.s32 $0xD800  }
0xad: {  	[tilespmem:s7], [sflag:$0x2] =	stream.indirect_vreg.gather [hbm4b:s1+s3], $0x80, v4, vm0, $0xb8;
	[tilespmem:$0x10800] =	vst v63  }
0xae: {  	s8 =	simm.s32 $0xE000  }
0xaf: {  	[tilespmem:s8], [sflag:$0x2] =	stream.indirect_vreg.gather [hbm4b:s1+s3], $0x80, v3, vm0, $0xb8;
	[tilespmem:$0x10800] =	vst v63  }
0xb0: {  	v3 =	vld [tilespmem:$0x460];
	_ =	sdelay $0x4  }
0xb1: {  	v62 =	vshll.u32 v3, $0x1  }
0xb2: {  	v3 =	vand.u32 $0x7, v3;
	v4 =	vand.u32 $0xFFFFFFF0, v62  }
0xb3: {  	v3 =	vor.u32 v3, v4  }
0xb4: {  	v4 =	vperm.xlane v3, v0;
	_ =	sdelay $0x1  }
0xb5: {  	v3 =	vperm.xlane v3, v2;
	v4 =	vadd.s32 v1, v4;
	_ =	sdelay $0x1  }
0xb6: {  	v3 =	vadd.s32 v1, v3;
	_ =	sdelay $0x1  }
0xb7: {  	s5 =	simm.s32 $0xE800  }
0xb8: {  	[tilespmem:s5], [sflag:$0x2] =	stream.indirect_vreg.gather [hbm4b:s1+s3], $0x80, v4, vm0, $0xb8;
	[tilespmem:$0x10800] =	vst v63  }
0xb9: {  	s6 =	simm.s32 $0xF000  }
0xba: {  	[tilespmem:s6], [sflag:$0x2] =	stream.indirect_vreg.gather [hbm4b:s1+s3], $0x80, v3, vm0, $0xb8;
	[tilespmem:$0x10800] =	vst v63  }
0xbb: {  	v3 =	vld [tilespmem:$0x470];
	_ =	sdelay $0x4  }
0xbc: {  	v63 =	vshll.u32 v3, $0x1  }
0xbd: {  	v3 =	vand.u32 $0x7, v3;
	v4 =	vand.u32 $0xFFFFFFF0, v63  }
0xbe: {  	v3 =	vor.u32 v3, v4  }
0xbf: {  	v4 =	vperm.xlane v3, v0;
	_ =	sdelay $0x1  }
0xc0: {  	v3 =	vperm.xlane v3, v2;
	v4 =	vadd.s32 v1, v4;
	_ =	sdelay $0x1  }
0xc1: {  	v3 =	vadd.s32 v1, v3;
	_ =	sdelay $0x1  }
.Ltmp2:
0xc2: {  	s7 =	simm.s32 $0xF800;
	(pc) =	sbr.rel .LBB2_2-.Ltmp2, $4  }
0xc3: {  	[tilespmem:s7], [sflag:$0x2] =	stream.indirect_vreg.gather [hbm4b:s1+s3], $0x80, v4, vm0, $0xb8;
	[tilespmem:$0x10800] =	vst v63  }
0xc4: {  	s8 =	simm.s32 $0x10000  }
0xc5: {  	[tilespmem:s8], [sflag:$0x2] =	stream.indirect_vreg.gather [hbm4b:s1+s3], $0x80, v3, vm0, $0xb8;
	[tilespmem:$0x10800] =	vst v63  }
0xc6: {  	s31 =	simm.s32 $0x0;
	s7 =	smov.u32 s30;
	s8 =	smov.u32 s29  }
.LBB2_4:
0xc7: {  	_ =	swait.ge [sflag:s2], $0x8000  }
0xc8: {  	[sflag:s2] =	ssyncset.done $0x0  }
0xc9: {  	[sflag:s2] =	ssyncadd.s32 $0xFFFF8000  }
0xca: {  	[hbm4b:s8+s3] =	stream.linear.scatter [tilespmem:s28], [sflag:$0x3], $0x8000, $0x38;
	[tilespmem:$0x10800] =	vst v63  }
0xcb: {  	_ =	swait.ge [sflag:s9], $0x8000  }
0xcc: {  	[sflag:s9] =	ssyncset.done $0x0  }
0xcd: {  	s4 =	sshra.s32 @!p0 s31, $0x2;
	[sflag:s9] =	ssyncadd.s32 $0xFFFF8000  }
0xce: {  	v3 =	vld @!p0 [tilespmem:s4+$0x480];
	_ =	sdelay $0x4  }
0xcf: {  	v4 =	vshll.u32 @!p0 v3, $0x1  }
0xd0: {  	v5 =	vlaneseq.u32 @!p0;
	v3 =	vand.u32 @!p0 $0x7, v3;
	v4 =	vand.u32 @!p0 $0xFFFFFFF0, v4  }
0xd1: {  	v6 =	vshrl.u32 @!p0 v5, $0x3;
	v3 =	vor.u32 @!p0 v3, v4;
	v4 =	vand.u32 @!p0 $0x7, v5  }
0xd2: {  	v6 =	vmul.u32 @!p0 $0x8, v6;
	v7 =	vperm.xlane @!p0 v3, v4  }
0xd3: {  	v5 =	vor.u32 @!p0 $0x8, v5  }
0xd4: {  	v3 =	vperm.xlane @!p0 v3, v5;
	v7 =	vadd.s32 @!p0 v6, v7;
	_ =	sdelay $0x1  }
0xd5: {  	v3 =	vadd.s32 @!p0 v6, v3;
	_ =	sdelay $0x1  }
0xd6: {  	vm1 =	vmmov @!p0 $0xffff;
	s5 =	simm.s32 @!p0 $0x0;
	s6 =	simm.s32 @!p0 $0x8800  }
0xd7: {  	[tilespmem:s6], [sflag:$0x2] =	stream.indirect_vreg.gather @!p0 [hbm4b:s1+s5], $0x80, v7, vm1, $0xb8;
	[tilespmem:$0x10800] =	vst v63  }
0xd8: {  	s6 =	simm.s32 @!p0 $0x9000  }
0xd9: {  	[tilespmem:s6], [sflag:$0x2] =	stream.indirect_vreg.gather @!p0 [hbm4b:s1+s5], $0x80, v3, vm1, $0xb8;
	[tilespmem:$0x10800] =	vst v63  }
0xda: {  	v3 =	vld @!p0 [tilespmem:s4+$0x490];
	_ =	sdelay $0x4  }
0xdb: {  	v7 =	vshll.u32 @!p0 v3, $0x1  }
0xdc: {  	v3 =	vand.u32 @!p0 $0x7, v3;
	v7 =	vand.u32 @!p0 $0xFFFFFFF0, v7  }
0xdd: {  	v3 =	vor.u32 @!p0 v3, v7  }
0xde: {  	v7 =	vperm.xlane @!p0 v3, v4;
	_ =	sdelay $0x1  }
0xdf: {  	v3 =	vperm.xlane @!p0 v3, v5;
	v7 =	vadd.s32 @!p0 v6, v7;
	_ =	sdelay $0x1  }
0xe0: {  	v3 =	vadd.s32 @!p0 v6, v3;
	_ =	sdelay $0x1  }
0xe1: {  	s6 =	simm.s32 @!p0 $0x9800  }
0xe2: {  	[tilespmem:s6], [sflag:$0x2] =	stream.indirect_vreg.gather @!p0 [hbm4b:s1+s5], $0x80, v7, vm1, $0xb8;
	[tilespmem:$0x10800] =	vst v63  }
0xe3: {  	s6 =	simm.s32 @!p0 $0xA000  }
0xe4: {  	[tilespmem:s6], [sflag:$0x2] =	stream.indirect_vreg.gather @!p0 [hbm4b:s1+s5], $0x80, v3, vm1, $0xb8;
	[tilespmem:$0x10800] =	vst v63  }
0xe5: {  	v3 =	vld @!p0 [tilespmem:s4+$0x4A0];
	_ =	sdelay $0x4  }
0xe6: {  	v7 =	vshll.u32 @!p0 v3, $0x1  }
0xe7: {  	v3 =	vand.u32 @!p0 $0x7, v3;
	v7 =	vand.u32 @!p0 $0xFFFFFFF0, v7  }
0xe8: {  	v3 =	vor.u32 @!p0 v3, v7  }
0xe9: {  	v7 =	vperm.xlane @!p0 v3, v4;
	_ =	sdelay $0x1  }
0xea: {  	v3 =	vperm.xlane @!p0 v3, v5;
	v7 =	vadd.s32 @!p0 v6, v7;
	_ =	sdelay $0x1  }
0xeb: {  	v3 =	vadd.s32 @!p0 v6, v3;
	_ =	sdelay $0x1  }
0xec: {  	s6 =	simm.s32 @!p0 $0xA800  }
0xed: {  	[tilespmem:s6], [sflag:$0x2] =	stream.indirect_vreg.gather @!p0 [hbm4b:s1+s5], $0x80, v7, vm1, $0xb8;
	[tilespmem:$0x10800] =	vst v63  }
0xee: {  	s6 =	simm.s32 @!p0 $0xB000  }
0xef: {  	[tilespmem:s6], [sflag:$0x2] =	stream.indirect_vreg.gather @!p0 [hbm4b:s1+s5], $0x80, v3, vm1, $0xb8;
	[tilespmem:$0x10800] =	vst v63  }
0xf0: {  	v3 =	vld @!p0 [tilespmem:s4+$0x4B0];
	_ =	sdelay $0x4  }
0xf1: {  	v7 =	vshll.u32 @!p0 v3, $0x1  }
0xf2: {  	v3 =	vand.u32 @!p0 $0x7, v3;
	v7 =	vand.u32 @!p0 $0xFFFFFFF0, v7  }
0xf3: {  	v3 =	vor.u32 @!p0 v3, v7  }
0xf4: {  	v7 =	vperm.xlane @!p0 v3, v4;
	_ =	sdelay $0x1  }
0xf5: {  	v3 =	vperm.xlane @!p0 v3, v5;
	v7 =	vadd.s32 @!p0 v6, v7;
	_ =	sdelay $0x1  }
0xf6: {  	v3 =	vadd.s32 @!p0 v6, v3;
	_ =	sdelay $0x1  }
0xf7: {  	s6 =	simm.s32 @!p0 $0xB800  }
0xf8: {  	[tilespmem:s6], [sflag:$0x2] =	stream.indirect_vreg.gather @!p0 [hbm4b:s1+s5], $0x80, v7, vm1, $0xb8;
	[tilespmem:$0x10800] =	vst v63  }
0xf9: {  	s6 =	simm.s32 @!p0 $0xC000  }
0xfa: {  	[tilespmem:s6], [sflag:$0x2] =	stream.indirect_vreg.gather @!p0 [hbm4b:s1+s5], $0x80, v3, vm1, $0xb8;
	[tilespmem:$0x10800] =	vst v63  }
0xfb: {  	v3 =	vld @!p0 [tilespmem:s4+$0x4C0];
	_ =	sdelay $0x4  }
0xfc: {  	v7 =	vshll.u32 @!p0 v3, $0x1  }
0xfd: {  	v3 =	vand.u32 @!p0 $0x7, v3;
	v7 =	vand.u32 @!p0 $0xFFFFFFF0, v7  }
0xfe: {  	v3 =	vor.u32 @!p0 v3, v7  }
0xff: {  	v7 =	vperm.xlane @!p0 v3, v4;
	_ =	sdelay $0x1  }
0x100: {  	v3 =	vperm.xlane @!p0 v3, v5;
	v7 =	vadd.s32 @!p0 v6, v7;
	_ =	sdelay $0x1  }
0x101: {  	v3 =	vadd.s32 @!p0 v6, v3;
	_ =	sdelay $0x1  }
0x102: {  	s6 =	simm.s32 @!p0 $0xC800  }
0x103: {  	[tilespmem:s6], [sflag:$0x2] =	stream.indirect_vreg.gather @!p0 [hbm4b:s1+s5], $0x80, v7, vm1, $0xb8;
	[tilespmem:$0x10800] =	vst v63  }
0x104: {  	s6 =	simm.s32 @!p0 $0xD000  }
0x105: {  	[tilespmem:s6], [sflag:$0x2] =	stream.indirect_vreg.gather @!p0 [hbm4b:s1+s5], $0x80, v3, vm1, $0xb8;
	[tilespmem:$0x10800] =	vst v63  }
0x106: {  	v3 =	vld @!p0 [tilespmem:s4+$0x4D0];
	_ =	sdelay $0x4  }
0x107: {  	v7 =	vshll.u32 @!p0 v3, $0x1  }
0x108: {  	v3 =	vand.u32 @!p0 $0x7, v3;
	v7 =	vand.u32 @!p0 $0xFFFFFFF0, v7  }
0x109: {  	v3 =	vor.u32 @!p0 v3, v7  }
0x10a: {  	v7 =	vperm.xlane @!p0 v3, v4;
	_ =	sdelay $0x1  }
0x10b: {  	v3 =	vperm.xlane @!p0 v3, v5;
	v7 =	vadd.s32 @!p0 v6, v7;
	_ =	sdelay $0x1  }
0x10c: {  	v3 =	vadd.s32 @!p0 v6, v3;
	_ =	sdelay $0x1  }
0x10d: {  	s6 =	simm.s32 @!p0 $0xD800  }
0x10e: {  	[tilespmem:s6], [sflag:$0x2] =	stream.indirect_vreg.gather @!p0 [hbm4b:s1+s5], $0x80, v7, vm1, $0xb8;
	[tilespmem:$0x10800] =	vst v63  }
0x10f: {  	s6 =	simm.s32 @!p0 $0xE000  }
0x110: {  	[tilespmem:s6], [sflag:$0x2] =	stream.indirect_vreg.gather @!p0 [hbm4b:s1+s5], $0x80, v3, vm1, $0xb8;
	[tilespmem:$0x10800] =	vst v63  }
0x111: {  	v3 =	vld @!p0 [tilespmem:s4+$0x4E0];
	_ =	sdelay $0x4  }
0x112: {  	v7 =	vshll.u32 @!p0 v3, $0x1  }
0x113: {  	v3 =	vand.u32 @!p0 $0x7, v3;
	v7 =	vand.u32 @!p0 $0xFFFFFFF0, v7  }
0x114: {  	v3 =	vor.u32 @!p0 v3, v7  }
0x115: {  	v7 =	vperm.xlane @!p0 v3, v4;
	_ =	sdelay $0x1  }
0x116: {  	v3 =	vperm.xlane @!p0 v3, v5;
	v7 =	vadd.s32 @!p0 v6, v7;
	_ =	sdelay $0x1  }
0x117: {  	v3 =	vadd.s32 @!p0 v6, v3;
	_ =	sdelay $0x1  }
0x118: {  	s6 =	simm.s32 @!p0 $0xE800  }
0x119: {  	[tilespmem:s6], [sflag:$0x2] =	stream.indirect_vreg.gather @!p0 [hbm4b:s1+s5], $0x80, v7, vm1, $0xb8;
	[tilespmem:$0x10800] =	vst v63  }
0x11a: {  	s6 =	simm.s32 @!p0 $0xF000  }
0x11b: {  	[tilespmem:s6], [sflag:$0x2] =	stream.indirect_vreg.gather @!p0 [hbm4b:s1+s5], $0x80, v3, vm1, $0xb8;
	[tilespmem:$0x10800] =	vst v63  }
0x11c: {  	v3 =	vld @!p0 [tilespmem:s4+$0x4F0];
	_ =	sdelay $0x4  }
0x11d: {  	v7 =	vshll.u32 @!p0 v3, $0x1  }
0x11e: {  	v3 =	vand.u32 @!p0 $0x7, v3;
	v7 =	vand.u32 @!p0 $0xFFFFFFF0, v7  }
0x11f: {  	v3 =	vor.u32 @!p0 v3, v7  }
0x120: {  	v4 =	vperm.xlane @!p0 v3, v4;
	_ =	sdelay $0x1  }
0x121: {  	s31 =	sadd.s32 @!p0 $0x200, s31;
	v3 =	vperm.xlane @!p0 v3, v5;
	v4 =	vadd.s32 @!p0 v6, v4  }
0x122: {  	p1 =	sne.s32 @!p0 s31, $0x1000  }
0x123: {  	p1 =	por p0, !p1;
	v3 =	vadd.s32 @!p0 v6, v3  }
.Ltmp3:
0x124: {  	_ = 	snop;
	(pc) =	sbr.rel @p1 .LBB2_5-.Ltmp3, $4  }
0x125: {  	s4 =	simm.s32 @!p0 $0xF800  }
0x126: {  	[tilespmem:s4], [sflag:$0x2] =	stream.indirect_vreg.gather @!p0 [hbm4b:s1+s5], $0x80, v4, vm1, $0xb8;
	[tilespmem:$0x10800] =	vst v63  }
0x127: {  	s7 =	sadd.s32 @!p0 $0x1000, s7;
	s8 =	sadd.s32 @!p0 $0x1000, s8;
	s4 =	simm.s32 @!p0 $0x10000  }
0x128: {  	[tilespmem:s4], [sflag:$0x2] =	stream.indirect_vreg.gather @!p0 [hbm4b:s1+s5], $0x80, v3, vm1, $0xb8;
	[tilespmem:$0x10800] =	vst v63  }
.LBB2_2:
0x129: {  	_ =	swait.ge [sflag:s0], $0x8000  }
0x12a: {  	p0 =	seq.s32 s31, $0xE00;
	[sflag:s0] =	ssyncset.done $0x0  }
.Ltmp4:
0x12b: {  	[sflag:s0] =	ssyncadd.s32 $0xFFFF8000;
	(pc) =	sbr.rel @p0 .LBB2_4-.Ltmp4, $4  }
0x12c: {  	[hbm4b:s7+s3] =	stream.linear.scatter [tilespmem:s11], [sflag:$0x3], $0x8000, $0x38;
	[tilespmem:$0x10800] =	vst v63  }
0x12d: {  	_ =	swait.ge [sflag:s9], $0x8000  }
0x12e: {  	[sflag:s9] =	ssyncset.done $0x0  }
0x12f: {  	[sflag:s9] =	ssyncadd.s32 $0xFFFF8000  }
0x130: {  	s4 =	sshra.s32 s31, $0x2  }
0x131: {  	v3 =	vld [tilespmem:s4+$0x80];
	_ =	sdelay $0x4  }
0x132: {  	v4 =	vshll.u32 v3, $0x1  }
0x133: {  	v3 =	vand.u32 $0x7, v3;
	v4 =	vand.u32 $0xFFFFFFF0, v4  }
0x134: {  	v3 =	vor.u32 v3, v4  }
0x135: {  	v4 =	vperm.xlane v3, v0;
	_ =	sdelay $0x1  }
0x136: {  	v3 =	vperm.xlane v3, v2;
	v4 =	vadd.s32 v1, v4;
	_ =	sdelay $0x1  }
0x137: {  	v3 =	vadd.s32 v1, v3;
	_ =	sdelay $0x2  }
0x138: {  	[tilespmem:s11], [sflag:$0x1] =	stream.indirect_vreg.gather [hbm4b:s1+s3], $0x80, v4, vm0, $0xb8;
	[tilespmem:$0x10800] =	vst v63  }
0x139: {  	_ = 	snop  }
0x13a: {  	[tilespmem:s12], [sflag:$0x1] =	stream.indirect_vreg.gather [hbm4b:s1+s3], $0x80, v3, vm0, $0xb8;
	[tilespmem:$0x10800] =	vst v63  }
0x13b: {  	v3 =	vld [tilespmem:s4+$0x90];
	_ =	sdelay $0x4  }
0x13c: {  	v57 =	vshll.u32 v3, $0x1  }
0x13d: {  	v3 =	vand.u32 $0x7, v3;
	v4 =	vand.u32 $0xFFFFFFF0, v57  }
0x13e: {  	v3 =	vor.u32 v3, v4  }
0x13f: {  	v4 =	vperm.xlane v3, v0;
	_ =	sdelay $0x1  }
0x140: {  	v3 =	vperm.xlane v3, v2;
	v4 =	vadd.s32 v1, v4;
	_ =	sdelay $0x1  }
0x141: {  	v3 =	vadd.s32 v1, v3;
	_ =	sdelay $0x2  }
0x142: {  	[tilespmem:s13], [sflag:$0x1] =	stream.indirect_vreg.gather [hbm4b:s1+s3], $0x80, v4, vm0, $0xb8;
	[tilespmem:$0x10800] =	vst v63  }
0x143: {  	_ = 	snop  }
0x144: {  	[tilespmem:s14], [sflag:$0x1] =	stream.indirect_vreg.gather [hbm4b:s1+s3], $0x80, v3, vm0, $0xb8;
	[tilespmem:$0x10800] =	vst v63  }
0x145: {  	v3 =	vld [tilespmem:s4+$0xA0];
	_ =	sdelay $0x4  }
0x146: {  	v58 =	vshll.u32 v3, $0x1  }
0x147: {  	v3 =	vand.u32 $0x7, v3;
	v4 =	vand.u32 $0xFFFFFFF0, v58  }
0x148: {  	v3 =	vor.u32 v3, v4  }
0x149: {  	v4 =	vperm.xlane v3, v0;
	_ =	sdelay $0x1  }
0x14a: {  	v3 =	vperm.xlane v3, v2;
	v4 =	vadd.s32 v1, v4;
	_ =	sdelay $0x1  }
0x14b: {  	v3 =	vadd.s32 v1, v3;
	_ =	sdelay $0x2  }
0x14c: {  	[tilespmem:s15], [sflag:$0x1] =	stream.indirect_vreg.gather [hbm4b:s1+s3], $0x80, v4, vm0, $0xb8;
	[tilespmem:$0x10800] =	vst v63  }
0x14d: {  	_ = 	snop  }
0x14e: {  	[tilespmem:s16], [sflag:$0x1] =	stream.indirect_vreg.gather [hbm4b:s1+s3], $0x80, v3, vm0, $0xb8;
	[tilespmem:$0x10800] =	vst v63  }
0x14f: {  	v3 =	vld [tilespmem:s4+$0xB0];
	_ =	sdelay $0x4  }
0x150: {  	v59 =	vshll.u32 v3, $0x1  }
0x151: {  	v3 =	vand.u32 $0x7, v3;
	v4 =	vand.u32 $0xFFFFFFF0, v59  }
0x152: {  	v3 =	vor.u32 v3, v4  }
0x153: {  	v4 =	vperm.xlane v3, v0;
	_ =	sdelay $0x1  }
0x154: {  	v3 =	vperm.xlane v3, v2;
	v4 =	vadd.s32 v1, v4;
	_ =	sdelay $0x1  }
0x155: {  	v3 =	vadd.s32 v1, v3;
	_ =	sdelay $0x2  }
0x156: {  	[tilespmem:s17], [sflag:$0x1] =	stream.indirect_vreg.gather [hbm4b:s1+s3], $0x80, v4, vm0, $0xb8;
	[tilespmem:$0x10800] =	vst v63  }
0x157: {  	_ = 	snop  }
0x158: {  	[tilespmem:s18], [sflag:$0x1] =	stream.indirect_vreg.gather [hbm4b:s1+s3], $0x80, v3, vm0, $0xb8;
	[tilespmem:$0x10800] =	vst v63  }
0x159: {  	v3 =	vld [tilespmem:s4+$0xC0];
	_ =	sdelay $0x4  }
0x15a: {  	v60 =	vshll.u32 v3, $0x1  }
0x15b: {  	v3 =	vand.u32 $0x7, v3;
	v4 =	vand.u32 $0xFFFFFFF0, v60  }
0x15c: {  	v3 =	vor.u32 v3, v4  }
0x15d: {  	v4 =	vperm.xlane v3, v0;
	_ =	sdelay $0x1  }
0x15e: {  	v3 =	vperm.xlane v3, v2;
	v4 =	vadd.s32 v1, v4;
	_ =	sdelay $0x1  }
0x15f: {  	v3 =	vadd.s32 v1, v3;
	_ =	sdelay $0x2  }
0x160: {  	[tilespmem:s19], [sflag:$0x1] =	stream.indirect_vreg.gather [hbm4b:s1+s3], $0x80, v4, vm0, $0xb8;
	[tilespmem:$0x10800] =	vst v63  }
0x161: {  	_ = 	snop  }
0x162: {  	[tilespmem:s20], [sflag:$0x1] =	stream.indirect_vreg.gather [hbm4b:s1+s3], $0x80, v3, vm0, $0xb8;
	[tilespmem:$0x10800] =	vst v63  }
0x163: {  	v3 =	vld [tilespmem:s4+$0xD0];
	_ =	sdelay $0x4  }
0x164: {  	v61 =	vshll.u32 v3, $0x1  }
0x165: {  	v3 =	vand.u32 $0x7, v3;
	v4 =	vand.u32 $0xFFFFFFF0, v61  }
0x166: {  	v3 =	vor.u32 v3, v4  }
0x167: {  	v4 =	vperm.xlane v3, v0;
	_ =	sdelay $0x1  }
0x168: {  	v3 =	vperm.xlane v3, v2;
	v4 =	vadd.s32 v1, v4;
	_ =	sdelay $0x1  }
0x169: {  	v3 =	vadd.s32 v1, v3;
	_ =	sdelay $0x2  }
0x16a: {  	[tilespmem:s21], [sflag:$0x1] =	stream.indirect_vreg.gather [hbm4b:s1+s3], $0x80, v4, vm0, $0xb8;
	[tilespmem:$0x10800] =	vst v63  }
0x16b: {  	_ = 	snop  }
0x16c: {  	[tilespmem:s22], [sflag:$0x1] =	stream.indirect_vreg.gather [hbm4b:s1+s3], $0x80, v3, vm0, $0xb8;
	[tilespmem:$0x10800] =	vst v63  }
0x16d: {  	v3 =	vld [tilespmem:s4+$0xE0];
	_ =	sdelay $0x4  }
0x16e: {  	v62 =	vshll.u32 v3, $0x1  }
0x16f: {  	v3 =	vand.u32 $0x7, v3;
	v4 =	vand.u32 $0xFFFFFFF0, v62  }
0x170: {  	v3 =	vor.u32 v3, v4  }
0x171: {  	v4 =	vperm.xlane v3, v0;
	_ =	sdelay $0x1  }
0x172: {  	v3 =	vperm.xlane v3, v2;
	v4 =	vadd.s32 v1, v4;
	_ =	sdelay $0x1  }
0x173: {  	v3 =	vadd.s32 v1, v3;
	_ =	sdelay $0x2  }
0x174: {  	[tilespmem:s23], [sflag:$0x1] =	stream.indirect_vreg.gather [hbm4b:s1+s3], $0x80, v4, vm0, $0xb8;
	[tilespmem:$0x10800] =	vst v63  }
0x175: {  	_ = 	snop  }
0x176: {  	[tilespmem:s24], [sflag:$0x1] =	stream.indirect_vreg.gather [hbm4b:s1+s3], $0x80, v3, vm0, $0xb8;
	[tilespmem:$0x10800] =	vst v63  }
0x177: {  	v3 =	vld [tilespmem:s4+$0xF0];
	_ =	sdelay $0x4  }
0x178: {  	v63 =	vshll.u32 v3, $0x1  }
0x179: {  	v3 =	vand.u32 $0x7, v3;
	v4 =	vand.u32 $0xFFFFFFF0, v63  }
0x17a: {  	v3 =	vor.u32 v3, v4  }
0x17b: {  	v4 =	vperm.xlane v3, v0;
	_ =	sdelay $0x1  }
0x17c: {  	v3 =	vperm.xlane v3, v2;
	v4 =	vadd.s32 v1, v4;
	_ =	sdelay $0x1  }
0x17d: {  	v3 =	vadd.s32 v1, v3  }
.Ltmp5:
0x17e: {  	_ = 	snop;
	(pc) =	sbr.rel .LBB2_4-.Ltmp5, $4  }
0x17f: {  	_ = 	snop  }
0x180: {  	[tilespmem:s25], [sflag:$0x1] =	stream.indirect_vreg.gather [hbm4b:s1+s3], $0x80, v4, vm0, $0xb8;
	[tilespmem:$0x10800] =	vst v63  }
0x181: {  	_ = 	snop  }
0x182: {  	[tilespmem:s26], [sflag:$0x1] =	stream.indirect_vreg.gather [hbm4b:s1+s3], $0x80, v3, vm0, $0xb8;
	[tilespmem:$0x10800] =	vst v63  }
.LBB2_6:
0x183: {  	_ =	sfence.sel $0x180000  }
0x184: {  	[bflag:$0x0] =	sbarrier.arrive $0xFFFF  }
0x185: {  	_ =	strace $0x90000053  }
0x186: {  	s0 =	stileid.u32;
	[bflag:$0x2] =	sbarrier.arrive $0xFFFF  }
0x187: {  	p0 =	sne.s32 s0, $0x0;
	s0 =	rddreg [dreg:$0x2]  }
0x188: {  	s0 =	sadd.s32 @!p0 $0x100000, s0  }
0x189: {  	[sflag:s0] =	ssyncadd.tile.s32 @!p0 $0x1;
	_ =	shalt  }
.Lfunc_end2:
_tile_overlayer_lowered:
.L_overlay_start_2:
0x18a: {  	(tag) =	ssettag $0x2  }
0x18b: {  	s0 =	rddreg [dreg:$0x0];
	s2 =	stileid.u32  }
0x18c: {  	s1 =	rddreg [dreg:$0x1];
	p0 =	sne.s32 s2, $0x0  }
0x18d: {  	s3 =	rddreg [dreg:$0x2];
	[bflag:$0x3] =	sbarrier.arrive $0xFFFF;
	s2 =	simm.s32 @!p0 $0x1C03  }
0x18e: {  	[timem:s3], [sflag:s2] =	dma.local @!p0 [hbm:s0], s1  }
0x18f: {  	s0 =	simm.s32 @!p0 $0x3  }
0x190: {  	_ =	swait.ge @!p0 [sflag:s0], s1  }
0x191: {  	s1 =	ssub.s32 @!p0 $0x0, s1;
	[sflag:s0] =	ssyncset.done @!p0 $0x0  }
0x192: {  	[sflag:s0] =	ssyncadd.s32 @!p0 s1  }
0x193: {  	[bflag:$0x3] =	sbarrier.arrive $0xFFFF  }
0x194: {  	_ =	shalt  }

</sc_bundles>
